<compile_context>
chip_gen: v7x
topology: tpu7x:2x2x1
jax: 0.10.2.dev20260603
libtpu: 0.0.44.dev20260713+nightly
codegen_flags: <defaults>
</compile_context>

<pallas_src>
import functools

import jax
import jax.numpy as jnp
from jax import lax
from jax.experimental import pallas as pl
from jax.experimental.pallas import tpu as pltpu
from jax.experimental.pallas import tpu_sc as plsc

_NW = 32
_NS = 16


def _make_spmm(npad, f, k, b):
    rps = npad // _NS
    mesh = plsc.VectorSubcoreMesh(core_axis_name="c", subcore_axis_name="s")

    @functools.partial(
        pl.kernel,
        mesh=mesh,
        out_type=jax.ShapeDtypeStruct((2, npad, f), jnp.float32),
        compiler_params=pltpu.CompilerParams(use_tc_tiling_on_sc=False),
        scratch_types=[
            pltpu.VMEM((k, b), jnp.int32),
            pltpu.VMEM((k, b), jnp.int32),
            pltpu.VMEM((b, f), jnp.float32),
            pltpu.VMEM((b, f), jnp.float32),
            pltpu.VMEM_SHARED((npad, f), jnp.float32),
            pltpu.SemaphoreType.DMA,
            pltpu.SemaphoreType.DMA,
        ],
    )
    def spmm(table, srcr, dstr, zrows, out, srcv, dstv, rb0, rb1, accum,
             gs0, gs1):
        cid = lax.axis_index("c")
        sid = lax.axis_index("s")
        wid = sid * 2 + cid

        pltpu.sync_copy(srcr.at[wid], srcv)
        pltpu.sync_copy(dstr.at[wid], dstv)
        pltpu.async_copy(table.at[srcv.at[0]], rb0, gs0)
        pltpu.async_copy(table.at[srcv.at[1]], rb1, gs1)
        pltpu.sync_copy(zrows, accum.at[pl.ds(sid * rps, rps)])
        plsc.subcore_barrier()

        def step(jj, c):
            j0 = jj * 2
            j1 = j0 + 1
            n0 = (j0 + 2) % k
            n1 = (j1 + 2) % k
            pltpu.make_async_copy(table.at[srcv.at[j0]], rb0, gs0).wait()
            pltpu.sync_copy(rb0, accum.at[dstv.at[j0]], add=True)
            pltpu.async_copy(table.at[srcv.at[n0]], rb0, gs0)
            pltpu.make_async_copy(table.at[srcv.at[j1]], rb1, gs1).wait()
            pltpu.sync_copy(rb1, accum.at[dstv.at[j1]], add=True)
            pltpu.async_copy(table.at[srcv.at[n1]], rb1, gs1)
            return c

        lax.fori_loop(0, k // 2, step, 0)
        pltpu.make_async_copy(table.at[srcv.at[0]], rb0, gs0).wait()
        pltpu.make_async_copy(table.at[srcv.at[1]], rb1, gs1).wait()
        plsc.subcore_barrier()
        pltpu.sync_copy(accum.at[pl.ds(sid * rps, rps)],
                        out.at[cid, pl.ds(sid * rps, rps)])

    return spmm


def _make_spmm_wide(npad, f, nwin, wch):
    b = 128
    rps = npad // _NS
    mesh = plsc.VectorSubcoreMesh(core_axis_name="c", subcore_axis_name="s")

    @functools.partial(
        pl.kernel,
        mesh=mesh,
        out_type=jax.ShapeDtypeStruct((2, npad, f), jnp.float32),
        compiler_params=pltpu.CompilerParams(use_tc_tiling_on_sc=False),
        scratch_types=[
            pltpu.VMEM((wch, b), jnp.int32),
            pltpu.VMEM((wch, b), jnp.int32),
            pltpu.VMEM((wch, b), jnp.int32),
            pltpu.VMEM((wch, b), jnp.int32),
            pltpu.VMEM((b, f), jnp.float32),
            pltpu.VMEM((b, f), jnp.float32),
            pltpu.VMEM_SHARED((npad, f), jnp.float32),
            pltpu.SemaphoreType.DMA,
            pltpu.SemaphoreType.DMA,
            pltpu.SemaphoreType.DMA,
            pltpu.SemaphoreType.DMA,
        ],
    )
    def spmmw(table, srcr, dstr, zrows, out, sw0, dw0, sw1, dw1, rb0, rb1,
              accum, gs0, gs1, is0, is1):
        cid = lax.axis_index("c")
        sid = lax.axis_index("s")
        wid = sid * 2 + cid

        pltpu.async_copy(srcr.at[wid, 0], sw0, is0)
        pltpu.async_copy(dstr.at[wid, 0], dw0, is0)
        pltpu.async_copy(srcr.at[wid, 1], sw1, is1)
        pltpu.async_copy(dstr.at[wid, 1], dw1, is1)
        pltpu.sync_copy(zrows, accum.at[pl.ds(sid * rps, rps)])
        pltpu.make_async_copy(srcr.at[wid, 0], sw0, is0).wait()
        pltpu.make_async_copy(dstr.at[wid, 0], dw0, is0).wait()
        pltpu.async_copy(table.at[sw0.at[0]], rb0, gs0)
        pltpu.async_copy(table.at[sw0.at[1]], rb1, gs1)
        plsc.subcore_barrier()

        def wpair(t, carry):
            nw0 = (2 * t + 2) % nwin
            nw1 = (2 * t + 3) % nwin
            for cc in range(2 * wch):
                sw, dw = (sw0, dw0) if cc < wch else (sw1, dw1)
                rbu = rb0 if cc % 2 == 0 else rb1
                gsu = gs0 if cc % 2 == 0 else gs1
                rowi = cc % wch
                pltpu.make_async_copy(table.at[sw.at[rowi]], rbu, gsu).wait()
                pltpu.sync_copy(rbu, accum.at[dw.at[rowi]], add=True)
                if cc == wch - 2:
                    pltpu.make_async_copy(srcr.at[wid, 1], sw1, is1).wait()
                    pltpu.make_async_copy(dstr.at[wid, 1], dw1, is1).wait()
                if cc == 2 * wch - 2:
                    pltpu.make_async_copy(srcr.at[wid, 0], sw0, is0).wait()
                    pltpu.make_async_copy(dstr.at[wid, 0], dw0, is0).wait()
                c2 = cc + 2
                if c2 < wch:
                    nsw, nrow = sw0, c2
                elif c2 < 2 * wch:
                    nsw, nrow = sw1, c2 - wch
                else:
                    nsw, nrow = sw0, c2 - 2 * wch
                pltpu.async_copy(table.at[nsw.at[nrow]], rbu, gsu)
                if cc == wch - 1:
                    pltpu.async_copy(srcr.at[wid, nw0], sw0, is0)
                    pltpu.async_copy(dstr.at[wid, nw0], dw0, is0)
                if cc == 2 * wch - 1:
                    pltpu.async_copy(srcr.at[wid, nw1], sw1, is1)
                    pltpu.async_copy(dstr.at[wid, nw1], dw1, is1)
            return carry

        lax.fori_loop(0, nwin // 2, wpair, 0)
        pltpu.make_async_copy(table.at[sw0.at[0]], rb0, gs0).wait()
        pltpu.make_async_copy(table.at[sw0.at[1]], rb1, gs1).wait()
        pltpu.make_async_copy(srcr.at[wid, 1], sw1, is1).wait()
        pltpu.make_async_copy(dstr.at[wid, 1], dw1, is1).wait()
        plsc.subcore_barrier()
        pltpu.sync_copy(accum.at[pl.ds(sid * rps, rps)],
                        out.at[cid, pl.ds(sid * rps, rps)])

    return spmmw


def _make_deg(npad, k, b):
    f = 16
    rps = npad // _NS
    mesh = plsc.VectorSubcoreMesh(core_axis_name="c", subcore_axis_name="s")

    @functools.partial(
        pl.kernel,
        mesh=mesh,
        out_type=jax.ShapeDtypeStruct((2, npad, f), jnp.float32),
        compiler_params=pltpu.CompilerParams(use_tc_tiling_on_sc=False),
        scratch_types=[
            pltpu.VMEM((k, b), jnp.int32),
            pltpu.VMEM((b, f), jnp.float32),
            pltpu.VMEM_SHARED((npad, f), jnp.float32),
        ],
    )
    def degk(dstr, ones_hbm, zrows, out, dstv, onesb, accum):
        cid = lax.axis_index("c")
        sid = lax.axis_index("s")
        wid = sid * 2 + cid

        pltpu.sync_copy(zrows, accum.at[pl.ds(sid * rps, rps)])
        pltpu.sync_copy(ones_hbm, onesb)
        plsc.subcore_barrier()

        pltpu.sync_copy(dstr.at[wid], dstv)

        def step(j, c):
            pltpu.sync_copy(onesb, accum.at[dstv.at[j]], add=True)
            return c

        lax.fori_loop(0, k, step, 0)
        plsc.subcore_barrier()
        pltpu.sync_copy(accum.at[pl.ds(sid * rps, rps)],
                        out.at[cid, pl.ds(sid * rps, rps)])

    return degk


def _full_spec(shape):
    return pl.BlockSpec(shape, lambda i: (0,) * len(shape))


def kernel(x, edge_index, y, Wi1, bi1, Wi2, bi2, Wr1, br1, Wr2, br2,
           Wd1, bd1, Wd2, bd2, gd, betad, Wc1, bc1, Wc2, bc2, gc, betac):
    n, d = x.shape
    e = edge_index.shape[1]
    h = Wi1.shape[1]
    c = Wc2.shape[1]
    f32 = jnp.float32

    npad = ((n + 1024) // 1024) * 1024
    wch = 8
    eq = _NW * 128 * wch * 2
    ept = ((e + eq - 1) // eq) * (128 * wch * 2)
    ep = ept * _NW
    rps = npad // _NS
    nwin = ept // (128 * wch)

    blk = npad // 4
    grid = (npad // blk,)

    src = edge_index[0].astype(jnp.int32)
    dst = edge_index[1].astype(jnp.int32)
    padidx = n + (jnp.arange(ep - e, dtype=jnp.int32) % (npad - n))
    srcf = jnp.concatenate([src, padidx])
    dstf = jnp.concatenate([dst, padidx])
    srcp128 = srcf.reshape(_NW, ept // 128, 128)
    dstp128 = dstf.reshape(_NW, ept // 128, 128)
    srcpw = srcf.reshape(_NW, nwin, wch, 128)
    dstpw = dstf.reshape(_NW, nwin, wch, 128)
    xp = jnp.pad(x, ((0, npad - n), (0, 0)))
    yp = jnp.pad(y.astype(jnp.int32), ((0, npad - n), (0, 0)))
    ones16 = jnp.ones((128, 16), f32)
    z16 = jnp.zeros((rps, 16), f32)
    z64 = jnp.zeros((rps, h), f32)
    z128 = jnp.zeros((rps, 2 * h), f32)

    bi1r = bi1.reshape(1, h)
    bi2r = bi2.reshape(1, h)
    br1r = br1.reshape(1, h)
    br2r = br2.reshape(1, h)
    wd1a = Wd1[:h]
    wd1b = Wd1[h:2 * h]
    wd1y = Wd1[2 * h:2 * h + 1]
    bd1r = bd1.reshape(1, h)
    bd2r = bd2.reshape(1, d)
    gdr = gd.reshape(1, d)
    betadr = betad.reshape(1, d)
    bc1r = bc1.reshape(1, h)
    bc2r = bc2.reshape(1, c)
    gcr = gc.reshape(1, c)
    betacr = betac.reshape(1, c)

    row = lambda w: pl.BlockSpec((blk, w), lambda i: (i, 0))
    part = lambda w: pl.BlockSpec((2, blk, w), lambda i: (0, i, 0))

    spmm128 = _make_spmm_wide(npad, 2 * h, nwin, wch)
    spmm64 = _make_spmm(npad, h, ept // 128, 128)

    degp = _make_deg(npad, ept // 128, 128)(dstp128, ones16, z16)

    def tc1a(xp_ref, wi1, bi1_, wr1, br1_, h1_ref):
        xb = xp_ref[...]
        hi = jnp.dot(xb, wi1[...], preferred_element_type=f32) + bi1_[...]
        hr = jnp.dot(xb, wr1[...], preferred_element_type=f32) + br1_[...]
        h1_ref[...] = jnp.concatenate([hi, hr], axis=1)

    h1 = pl.pallas_call(
        tc1a, grid=grid,
        in_specs=[row(d),
                  _full_spec((d, h)), _full_spec((1, h)),
                  _full_spec((d, h)), _full_spec((1, h))],
        out_specs=row(2 * h),
        out_shape=jax.ShapeDtypeStruct((npad, 2 * h), f32),
    )(xp, Wi1, bi1r, Wr1, br1r)

    def tc1b(degp_ref, h1_ref, dinv_ref, t1_ref):
        deg = degp_ref[0, :, 0:1] + degp_ref[1, :, 0:1] + 1.0
        dinv = lax.rsqrt(jnp.maximum(deg, 1.0))
        dinv_ref[...] = dinv
        t1_ref[...] = h1_ref[...] * dinv

    dinv, t1 = pl.pallas_call(
        tc1b, grid=grid,
        in_specs=[part(16), row(2 * h)],
        out_specs=[row(1), row(2 * h)],
        out_shape=[jax.ShapeDtypeStruct((npad, 1), f32),
                   jax.ShapeDtypeStruct((npad, 2 * h), f32)],
    )(degp, h1)

    u = spmm128(t1, srcpw, dstpw, z128)

    def tc2(u_ref, t1_ref, dinv_ref, wi2, bi2_, wr2, br2_, t2_ref):
        dinv = dinv_ref[...]
        m = (u_ref[0] + u_ref[1] + t1_ref[...]) * dinv
        ui = jnp.maximum(m[:, :h], 0.0)
        ur = jnp.maximum(m[:, h:], 0.0)
        gi = jnp.dot(ui, wi2[...], preferred_element_type=f32) + bi2_[...]
        gr = jnp.dot(ur, wr2[...], preferred_element_type=f32) + br2_[...]
        t2_ref[...] = jnp.concatenate([gi, gr], axis=1) * dinv

    t2 = pl.pallas_call(
        tc2, grid=grid,
        in_specs=[part(2 * h), row(2 * h), row(1),
                  _full_spec((h, h)), _full_spec((1, h)),
                  _full_spec((h, h)), _full_spec((1, h))],
        out_specs=row(2 * h),
        out_shape=jax.ShapeDtypeStruct((npad, 2 * h), f32),
    )(u, t1, dinv, Wi2, bi2r, Wr2, br2r)

    v = spmm128(t2, srcpw, dstpw, z128)

    def tc3(v_ref, t2_ref, dinv_ref, y_ref, w1a, w1b, w1y, bd1_,
            t3_ref, ir_ref):
        dinv = dinv_ref[...]
        m = (v_ref[0] + v_ref[1] + t2_ref[...]) * dinv
        ir = jnp.tanh(m[:, :h])
        re = jnp.tanh(m[:, h:])
        ir_ref[...] = ir
        yf = y_ref[...].astype(f32)
        z = (jnp.dot(ir, w1a[...], preferred_element_type=f32)
             + jnp.dot(re, w1b[...], preferred_element_type=f32)
             + yf * w1y[...] + bd1_[...])
        t3_ref[...] = z * dinv

    t3, irm = pl.pallas_call(
        tc3, grid=grid,
        in_specs=[part(2 * h), row(2 * h), row(1), row(1),
                  _full_spec((h, h)), _full_spec((h, h)),
                  _full_spec((1, h)), _full_spec((1, h))],
        out_specs=[row(h), row(h)],
        out_shape=[jax.ShapeDtypeStruct((npad, h), f32),
                   jax.ShapeDtypeStruct((npad, h), f32)],
    )(v, t2, dinv, yp, wd1a, wd1b, wd1y, bd1r)

    def tc3b(ir_ref, y_ref, wc1, bc1_, wc2, bc2_, gc_, betac_, loss_ref):
        i = pl.program_id(0)
        ir = ir_ref[...]
        hh = jnp.maximum(jnp.dot(ir, wc1[...], preferred_element_type=f32)
                         + bc1_[...], 0.0)
        g = jnp.dot(hh, wc2[...], preferred_element_type=f32) + bc2_[...]
        mu = jnp.mean(g, axis=1, keepdims=True)
        var = jnp.mean((g - mu) ** 2, axis=1, keepdims=True)
        gn = (g - mu) / jnp.sqrt(var + 1e-5) * gc_[...] + betac_[...]
        mx = jnp.max(gn, axis=1, keepdims=True)
        lse = jnp.log(jnp.sum(jnp.exp(gn - mx), axis=1, keepdims=True)) + mx
        onehot = (lax.broadcasted_iota(jnp.int32, (blk, c), 1)
                  == y_ref[...]).astype(f32)
        pick = jnp.sum(gn * onehot, axis=1, keepdims=True)
        rowid = lax.broadcasted_iota(jnp.int32, (blk, 1), 0) + i * blk
        nll = jnp.where(rowid < n, lse - pick, 0.0)
        partl = (jnp.sum(nll) / n).reshape(1, 1)

        @pl.when(i == 0)
        def _():
            loss_ref[...] = jnp.zeros((1, 1), f32)

        loss_ref[...] += partl

    loss2d = pl.pallas_call(
        tc3b, grid=grid,
        in_specs=[row(h), row(1),
                  _full_spec((h, h)), _full_spec((1, h)),
                  _full_spec((h, c)), _full_spec((1, c)),
                  _full_spec((1, c)), _full_spec((1, c))],
        out_specs=pl.BlockSpec((1, 1), lambda i: (0, 0)),
        out_shape=jax.ShapeDtypeStruct((1, 1), f32),
    )(irm, yp, Wc1, bc1r, Wc2, bc2r, gcr, betacr)

    w = spmm64(t3, srcp128, dstp128, z64)

    def tc4(w_ref, t3_ref, dinv_ref, t4_ref):
        dinv = dinv_ref[...]
        s = (w_ref[0] + w_ref[1] + t3_ref[...]) * dinv
        t4_ref[...] = jnp.maximum(s, 0.0) * dinv

    t4 = pl.pallas_call(
        tc4, grid=grid,
        in_specs=[part(h), row(h), row(1)],
        out_specs=row(h),
        out_shape=jax.ShapeDtypeStruct((npad, h), f32),
    )(w, t3, dinv)

    xq = spmm64(t4, srcp128, dstp128, z64)

    def tc5(x_ref, t4_ref, dinv_ref, wd2, bd2_, gd_, betad_, reb_ref):
        m = (x_ref[0] + x_ref[1] + t4_ref[...]) * dinv_ref[...]
        pre = (jnp.dot(m, wd2[...], preferred_element_type=f32) + bd2_[...])
        mu = jnp.mean(pre, axis=1, keepdims=True)
        var = jnp.mean((pre - mu) ** 2, axis=1, keepdims=True)
        reb_ref[...] = (pre - mu) / jnp.sqrt(var + 1e-5) * gd_[...] + betad_[...]

    reb = pl.pallas_call(
        tc5, grid=grid,
        in_specs=[part(h), row(h), row(1),
                  _full_spec((h, d)), _full_spec((1, d)),
                  _full_spec((1, d)), _full_spec((1, d))],
        out_specs=row(d),
        out_shape=jax.ShapeDtypeStruct((npad, d), f32),
    )(xq, t4, dinv, Wd2, bd2r, gdr, betadr)

    return (loss2d[0, 0], reb[:n])

# --- scband reference (transcript-rebuilt; emitter-appended) ---
"""Pipeline reference for scband-ir-learner-70437463654896 (READ-ONLY COPY).

The authoritative reference and input builder live on the scoring server;
editing this copy changes nothing except your own understanding.
"""

import jax, jax.numpy as jnp
import numpy as np

N = 10000
D = 128
H = 64
C = 10
E = 320000


def layer_norm(x, g, b):
    m = jnp.mean(x, axis=-1, keepdims=True)
    v = jnp.var(x, axis=-1, keepdims=True)
    return (x - m) / jnp.sqrt(v + 1e-5) * g + b


def gcn_conv(x, src, dst, W, b):
    n = x.shape[0]
    h = x @ W + b
    deg = jnp.zeros(n, x.dtype).at[dst].add(1.0)
    dinv = jax.lax.rsqrt(jnp.clip(deg, 1.0))
    coef = (dinv[src] * dinv[dst])[:, None]
    out = jnp.zeros_like(h).at[dst].add(h[src] * coef)
    return out


def gcn2(x, src, dst, W1, b1, W2, b2):
    h = jax.nn.relu(gcn_conv(x, src, dst, W1, b1))
    return gcn_conv(h, src, dst, W2, b2)


def setup_inputs(seed: int = 0) -> dict:
    key = jax.random.key(seed)
    ks = jax.random.split(key, 16)
    x = jax.random.normal(ks[0], (N, D), jnp.float32)
    edge_index = jax.random.randint(ks[1], (2, E), 0, N, dtype=jnp.int64) if jax.config.jax_enable_x64 else jax.random.randint(ks[1], (2, E), 0, N)
    y = jax.random.randint(ks[2], (N, 1), 0, C)
    s = lambda k, shp: jax.random.normal(k, shp, jnp.float32) * 0.05
    return {
        'x': x, 'edge_index': edge_index, 'y': y,
        'Wi1': s(ks[3], (D, H)), 'bi1': jnp.zeros(H, jnp.float32), 'Wi2': s(ks[4], (H, H)), 'bi2': jnp.zeros(H, jnp.float32),
        'Wr1': s(ks[5], (D, H)), 'br1': jnp.zeros(H, jnp.float32), 'Wr2': s(ks[6], (H, H)), 'br2': jnp.zeros(H, jnp.float32),
        'Wd1': s(ks[7], (2 * H + 1, H)), 'bd1': jnp.zeros(H, jnp.float32), 'Wd2': s(ks[8], (H, D)), 'bd2': jnp.zeros(D, jnp.float32),
        'gd': jnp.ones(D, jnp.float32), 'betad': jnp.zeros(D, jnp.float32),
        'Wc1': s(ks[9], (H, H)), 'bc1': jnp.zeros(H, jnp.float32), 'Wc2': s(ks[10], (H, C)), 'bc2': jnp.zeros(C, jnp.float32),
        'gc': jnp.ones(C, jnp.float32), 'betac': jnp.zeros(C, jnp.float32),
    }


def reference(x, edge_index, y, Wi1, bi1, Wi2, bi2, Wr1, br1, Wr2, br2, Wd1, bd1, Wd2, bd2, gd, betad, Wc1, bc1, Wc2, bc2, gc, betac):
    n = x.shape[0]
    loop = jnp.arange(n)
    src = jnp.concatenate([edge_index[0], loop])
    dst = jnp.concatenate([edge_index[1], loop])
    # irrelevant / relevant learners: 2-layer GCN + tanh
    ir = jnp.tanh(gcn2(x, src, dst, Wi1, bi1, Wi2, bi2))
    re = jnp.tanh(gcn2(x, src, dst, Wr1, br1, Wr2, br2))
    # decoder: 2-layer GCN on [ir, re, y] then LayerNorm
    dec_in = jnp.concatenate([ir, re, y.astype(x.dtype)], axis=1)
    rebuilt = layer_norm(gcn2(dec_in, src, dst, Wd1, bd1, Wd2, bd2), gd, betad)
    # Ir_Cls: MLP + LayerNorm
    g = layer_norm(jax.nn.relu(ir @ Wc1 + bc1) @ Wc2 + bc2, gc, betac)
    # sup_loss: log_softmax + NLL criterion
    logp = jax.nn.log_softmax(g, axis=1)
    tgt = y[:, 0]
    loss = -jnp.mean(jnp.take_along_axis(logp, tgt[:, None], axis=1))
    return (loss, rebuilt)

if __name__ == "__main__":
    import jax
    _d = setup_inputs()
    print(jax.jit(kernel)(*tuple(_d.values())))

</pallas_src>

<mosaic_0001>
#map = affine_map<(d0, d1) -> (0, 0, 0)>
#map1 = affine_map<(d0, d1) -> (0, 0)>
module attributes {stable_mosaic.version = 14 : i64} {
  func.func @degk(%arg0: i32, %arg1: i32, %arg2: memref<32x80x128xi32, #tpu.memory_space<hbm>>, %arg3: memref<128x16xf32, #tpu.memory_space<hbm>>, %arg4: memref<640x16xf32, #tpu.memory_space<hbm>>, %arg5: memref<2x10240x16xf32, #tpu.memory_space<hbm>>, %arg6: memref<80x128xi32, #tpu.memory_space<vmem>>, %arg7: memref<128x16xf32, #tpu.memory_space<vmem>>, %arg8: memref<10240x16xf32, #tpu.memory_space<vmem_shared>>) attributes {dimension_semantics = [#tpu.dimension_semantics<core_parallel>, #tpu.dimension_semantics<subcore_parallel>], iteration_bounds = array<i64: 2, 16>, scalar_prefetch = 0 : i64, scratch_operands = 3 : i64, tpu.core_type = #tpu.core_type<sc_vector_subcore>, window_params = [{transform_indices = #map}, {transform_indices = #map1}, {transform_indices = #map1}, {transform_indices = #map}]} {
    %mul3A = arith.constant 2 : i32
    %mul3A_0 = arith.muli %arg1, %mul3A : i32
    %add3A = arith.addi %mul3A_0, %arg0 : i32
    %mul3A_1 = arith.constant 640 : i32
    %mul3A_2 = arith.muli %arg1, %mul3A_1 : i32
    "tpu.region"() ({
      %run_scoped3A = tpu.sem_alloc : memref<!tpu.dma_semaphore, #tpu.memory_space<semaphore_mem>>
      %dma_start3A = arith.constant 0 : i32
      %dma_start3A_13 = tpu.memref_slice %arg8[%mul3A_2, %dma_start3A] : memref<10240x16xf32, #tpu.memory_space<vmem_shared>> -> memref<640x16xf32, #tpu.memory_space<vmem_shared>>
      tpu.enqueue_dma source(%arg4 : memref<640x16xf32, #tpu.memory_space<hbm>>) target(%dma_start3A_13 : memref<640x16xf32, #tpu.memory_space<vmem_shared>>) target_semaphore(%run_scoped3A : memref<!tpu.dma_semaphore, #tpu.memory_space<semaphore_mem>>)
      %dma_wait3A = arith.constant 0 : i32
      %dma_wait3A_14 = tpu.memref_slice %arg8[%mul3A_2, %dma_wait3A] : memref<10240x16xf32, #tpu.memory_space<vmem_shared>> -> memref<640x16xf32, #tpu.memory_space<vmem_shared>>
      tpu.wait_dma2 semaphore(%run_scoped3A : memref<!tpu.dma_semaphore, #tpu.memory_space<semaphore_mem>>) src(%arg4 : memref<640x16xf32, #tpu.memory_space<hbm>>) dst(%dma_wait3A_14 : memref<640x16xf32, #tpu.memory_space<vmem_shared>>)
      tpu.yield
    }) : () -> ()
    "tpu.region"() ({
      %run_scoped3A = tpu.sem_alloc : memref<!tpu.dma_semaphore, #tpu.memory_space<semaphore_mem>>
      tpu.enqueue_dma source(%arg3 : memref<128x16xf32, #tpu.memory_space<hbm>>) target(%arg7 : memref<128x16xf32, #tpu.memory_space<vmem>>) target_semaphore(%run_scoped3A : memref<!tpu.dma_semaphore, #tpu.memory_space<semaphore_mem>>)
      tpu.wait_dma2 semaphore(%run_scoped3A : memref<!tpu.dma_semaphore, #tpu.memory_space<semaphore_mem>>) src(%arg3 : memref<128x16xf32, #tpu.memory_space<hbm>>) dst(%arg7 : memref<128x16xf32, #tpu.memory_space<vmem>>)
      tpu.yield
    }) : () -> ()
    %barrier3A = arith.constant 0 : index
    tpu.barrier barrier_id(%barrier3A)
    "tpu.region"() ({
      %run_scoped3A = tpu.sem_alloc : memref<!tpu.dma_semaphore, #tpu.memory_space<semaphore_mem>>
      %dma_start3A = arith.constant 0 : i32
      %dma_start3A_13 = arith.constant 0 : i32
      %dma_start3A_14 = tpu.memref_slice %arg2[%add3A, %dma_start3A, %dma_start3A_13] : memref<32x80x128xi32, #tpu.memory_space<hbm>> -> memref<1x80x128xi32, #tpu.memory_space<hbm>>
      %dma_start3A_15 = tpu.memref_squeeze %dma_start3A_14 : memref<1x80x128xi32, #tpu.memory_space<hbm>> -> memref<80x128xi32, #tpu.memory_space<hbm>>
      %dma_start3A_16 = arith.constant 0 : i32
      %dma_start3A_17 = arith.constant 0 : i32
      %dma_start3A_18 = tpu.memref_slice %arg2[%add3A, %dma_start3A_16, %dma_start3A_17] : memref<32x80x128xi32, #tpu.memory_space<hbm>> -> memref<1x80x128xi32, #tpu.memory_space<hbm>>
      %dma_start3A_19 = tpu.memref_squeeze %dma_start3A_18 : memref<1x80x128xi32, #tpu.memory_space<hbm>> -> memref<80x128xi32, #tpu.memory_space<hbm>>
      tpu.enqueue_dma source(%dma_start3A_19 : memref<80x128xi32, #tpu.memory_space<hbm>>) target(%arg6 : memref<80x128xi32, #tpu.memory_space<vmem>>) target_semaphore(%run_scoped3A : memref<!tpu.dma_semaphore, #tpu.memory_space<semaphore_mem>>)
      %dma_wait3A = arith.constant 0 : i32
      %dma_wait3A_20 = arith.constant 0 : i32
      %dma_wait3A_21 = tpu.memref_slice %arg2[%add3A, %dma_wait3A, %dma_wait3A_20] : memref<32x80x128xi32, #tpu.memory_space<hbm>> -> memref<1x80x128xi32, #tpu.memory_space<hbm>>
      %dma_wait3A_22 = tpu.memref_squeeze %dma_wait3A_21 : memref<1x80x128xi32, #tpu.memory_space<hbm>> -> memref<80x128xi32, #tpu.memory_space<hbm>>
      %dma_wait3A_23 = arith.constant 0 : i32
      %dma_wait3A_24 = arith.constant 0 : i32
      %dma_wait3A_25 = tpu.memref_slice %arg2[%add3A, %dma_wait3A_23, %dma_wait3A_24] : memref<32x80x128xi32, #tpu.memory_space<hbm>> -> memref<1x80x128xi32, #tpu.memory_space<hbm>>
      %dma_wait3A_26 = tpu.memref_squeeze %dma_wait3A_25 : memref<1x80x128xi32, #tpu.memory_space<hbm>> -> memref<80x128xi32, #tpu.memory_space<hbm>>
      tpu.wait_dma2 semaphore(%run_scoped3A : memref<!tpu.dma_semaphore, #tpu.memory_space<semaphore_mem>>) src(%dma_wait3A_26 : memref<80x128xi32, #tpu.memory_space<hbm>>) dst(%arg6 : memref<80x128xi32, #tpu.memory_space<vmem>>)
      tpu.yield
    }) : () -> ()
    %scan3A = arith.constant 0 : i32
    %scan3A_3 = arith.constant 0 : i32
    %scan3A_4 = arith.constant 80 : i32
    %scan3A_5 = arith.addi %scan3A_3, %scan3A_4 : i32
    %scan3A_6 = arith.constant 1 : i32
    scf.for %scan3A_13 = %scan3A_3 to %scan3A_5 step %scan3A_6  : i32 {
      "tpu.region"() ({
        %run_scoped3A = tpu.sem_alloc : memref<!tpu.dma_semaphore, #tpu.memory_space<semaphore_mem>>
        %dma_start3A = arith.constant 0 : i32
        %dma_start3A_14 = tpu.memref_slice %arg6[%scan3A_13, %dma_start3A] : memref<80x128xi32, #tpu.memory_space<vmem>> -> memref<1x128xi32, #tpu.memory_space<vmem>>
        %dma_start3A_15 = tpu.memref_squeeze %dma_start3A_14 : memref<1x128xi32, #tpu.memory_space<vmem>> -> memref<128xi32, #tpu.memory_space<vmem>>
        %dma_start3A_16 = arith.constant 0 : i32
        %dma_start3A_17 = arith.constant 0 : i32
        %dma_start3A_18 = tpu.memref_slice %arg8[%dma_start3A_16, %dma_start3A_17] : memref<10240x16xf32, #tpu.memory_space<vmem_shared>> -> memref<10240x16xf32, #tpu.memory_space<vmem_shared>>
        tpu.enqueue_indirect_dma source(%arg7 : memref<128x16xf32, #tpu.memory_space<vmem>>) target(%dma_start3A_18 : memref<10240x16xf32, #tpu.memory_space<vmem_shared>>) offsets(%dma_start3A_15 : memref<128xi32, #tpu.memory_space<vmem>>) semaphore(%run_scoped3A : memref<!tpu.dma_semaphore, #tpu.memory_space<semaphore_mem>>) {add = true}
        %dma_wait3A = arith.constant 0 : i32
        %dma_wait3A_19 = tpu.memref_slice %arg6[%scan3A_13, %dma_wait3A] : memref<80x128xi32, #tpu.memory_space<vmem>> -> memref<1x128xi32, #tpu.memory_space<vmem>>
        %dma_wait3A_20 = tpu.memref_squeeze %dma_wait3A_19 : memref<1x128xi32, #tpu.memory_space<vmem>> -> memref<128xi32, #tpu.memory_space<vmem>>
        %dma_wait3A_21 = arith.constant 0 : i32
        %dma_wait3A_22 = arith.constant 0 : i32
        %dma_wait3A_23 = tpu.memref_slice %arg8[%dma_wait3A_21, %dma_wait3A_22] : memref<10240x16xf32, #tpu.memory_space<vmem_shared>> -> memref<10240x16xf32, #tpu.memory_space<vmem_shared>>
        tpu.wait_indirect_dma semaphore(%run_scoped3A : memref<!tpu.dma_semaphore, #tpu.memory_space<semaphore_mem>>) src(%arg7 : memref<128x16xf32, #tpu.memory_space<vmem>>) dst(%dma_wait3A_23 : memref<10240x16xf32, #tpu.memory_space<vmem_shared>>)
        tpu.yield
      }) : () -> ()
    }
    %scan3A_7 = arith.constant 80 : i32
    %barrier3A_8 = arith.constant 0 : index
    tpu.barrier barrier_id(%barrier3A_8)
    %mul3A_9 = arith.constant 640 : i32
    %mul3A_10 = arith.muli %arg1, %mul3A_9 : i32
    %mul3A_11 = arith.constant 640 : i32
    %mul3A_12 = arith.muli %arg1, %mul3A_11 : i32
    "tpu.region"() ({
      %run_scoped3A = tpu.sem_alloc : memref<!tpu.dma_semaphore, #tpu.memory_space<semaphore_mem>>
      %dma_start3A = arith.constant 0 : i32
      %dma_start3A_13 = tpu.memref_slice %arg5[%arg0, %mul3A_12, %dma_start3A] : memref<2x10240x16xf32, #tpu.memory_space<hbm>> -> memref<1x640x16xf32, #tpu.memory_space<hbm>>
      %dma_start3A_14 = tpu.memref_squeeze %dma_start3A_13 : memref<1x640x16xf32, #tpu.memory_space<hbm>> -> memref<640x16xf32, #tpu.memory_space<hbm>>
      %dma_start3A_15 = arith.constant 0 : i32
      %dma_start3A_16 = tpu.memref_slice %arg8[%mul3A_10, %dma_start3A_15] : memref<10240x16xf32, #tpu.memory_space<vmem_shared>> -> memref<640x16xf32, #tpu.memory_space<vmem_shared>>
      tpu.enqueue_dma source(%dma_start3A_16 : memref<640x16xf32, #tpu.memory_space<vmem_shared>>) target(%dma_start3A_14 : memref<640x16xf32, #tpu.memory_space<hbm>>) target_semaphore(%run_scoped3A : memref<!tpu.dma_semaphore, #tpu.memory_space<semaphore_mem>>)
      %dma_wait3A = arith.constant 0 : i32
      %dma_wait3A_17 = tpu.memref_slice %arg5[%arg0, %mul3A_12, %dma_wait3A] : memref<2x10240x16xf32, #tpu.memory_space<hbm>> -> memref<1x640x16xf32, #tpu.memory_space<hbm>>
      %dma_wait3A_18 = tpu.memref_squeeze %dma_wait3A_17 : memref<1x640x16xf32, #tpu.memory_space<hbm>> -> memref<640x16xf32, #tpu.memory_space<hbm>>
      %dma_wait3A_19 = arith.constant 0 : i32
      %dma_wait3A_20 = tpu.memref_slice %arg8[%mul3A_10, %dma_wait3A_19] : memref<10240x16xf32, #tpu.memory_space<vmem_shared>> -> memref<640x16xf32, #tpu.memory_space<vmem_shared>>
      tpu.wait_dma2 semaphore(%run_scoped3A : memref<!tpu.dma_semaphore, #tpu.memory_space<semaphore_mem>>) src(%dma_wait3A_20 : memref<640x16xf32, #tpu.memory_space<vmem_shared>>) dst(%dma_wait3A_18 : memref<640x16xf32, #tpu.memory_space<hbm>>)
      tpu.yield
    }) : () -> ()
    return
  }
}

#map = affine_map<(d0, d1) -> (0, 0)>
#map1 = affine_map<(d0, d1) -> (0, 0, 0, 0)>
#map2 = affine_map<(d0, d1) -> (0, 0, 0)>
module attributes {stable_mosaic.version = 14 : i64} {
  func.func @spmmw(%arg0: i32, %arg1: i32, %arg2: memref<10240x128xf32, #tpu.memory_space<hbm>>, %arg3: memref<32x10x8x128xi32, #tpu.memory_space<hbm>>, %arg4: memref<32x10x8x128xi32, #tpu.memory_space<hbm>>, %arg5: memref<640x128xf32, #tpu.memory_space<hbm>>, %arg6: memref<2x10240x128xf32, #tpu.memory_space<hbm>>, %arg7: memref<8x128xi32, #tpu.memory_space<vmem>>, %arg8: memref<8x128xi32, #tpu.memory_space<vmem>>, %arg9: memref<8x128xi32, #tpu.memory_space<vmem>>, %arg10: memref<8x128xi32, #tpu.memory_space<vmem>>, %arg11: memref<128x128xf32, #tpu.memory_space<vmem>>, %arg12: memref<128x128xf32, #tpu.memory_space<vmem>>, %arg13: memref<10240x128xf32, #tpu.memory_space<vmem_shared>>, %arg14: memref<!tpu.dma_semaphore, #tpu.memory_space<semaphore_mem>>, %arg15: memref<!tpu.dma_semaphore, #tpu.memory_space<semaphore_mem>>, %arg16: memref<!tpu.dma_semaphore, #tpu.memory_space<semaphore_mem>>, %arg17: memref<!tpu.dma_semaphore, #tpu.memory_space<semaphore_mem>>) attributes {dimension_semantics = [#tpu.dimension_semantics<core_parallel>, #tpu.dimension_semantics<subcore_parallel>], iteration_bounds = array<i64: 2, 16>, scalar_prefetch = 0 : i64, scratch_operands = 11 : i64, tpu.core_type = #tpu.core_type<sc_vector_subcore>, window_params = [{transform_indices = #map}, {transform_indices = #map1}, {transform_indices = #map1}, {transform_indices = #map}, {transform_indices = #map2}]} {
    %mul3A = arith.constant 2 : i32
    %mul3A_0 = arith.muli %arg1, %mul3A : i32
    %add3A = arith.addi %mul3A_0, %arg0 : i32
    %dma_start3A = arith.constant 0 : i32
    %dma_start3A_1 = arith.constant 0 : i32
    %dma_start3A_2 = arith.constant 0 : i32
    %dma_start3A_3 = tpu.memref_slice %arg3[%add3A, %dma_start3A, %dma_start3A_1, %dma_start3A_2] : memref<32x10x8x128xi32, #tpu.memory_space<hbm>> -> memref<1x1x8x128xi32, #tpu.memory_space<hbm>>
    %dma_start3A_4 = tpu.memref_squeeze %dma_start3A_3 : memref<1x1x8x128xi32, #tpu.memory_space<hbm>> -> memref<8x128xi32, #tpu.memory_space<hbm>>
    %dma_start3A_5 = arith.constant 0 : i32
    %dma_start3A_6 = arith.constant 0 : i32
    %dma_start3A_7 = tpu.memref_slice %arg3[%add3A, %dma_start3A, %dma_start3A_5, %dma_start3A_6] : memref<32x10x8x128xi32, #tpu.memory_space<hbm>> -> memref<1x1x8x128xi32, #tpu.memory_space<hbm>>
    %dma_start3A_8 = tpu.memref_squeeze %dma_start3A_7 : memref<1x1x8x128xi32, #tpu.memory_space<hbm>> -> memref<8x128xi32, #tpu.memory_space<hbm>>
    tpu.enqueue_dma source(%dma_start3A_8 : memref<8x128xi32, #tpu.memory_space<hbm>>) target(%arg7 : memref<8x128xi32, #tpu.memory_space<vmem>>) target_semaphore(%arg16 : memref<!tpu.dma_semaphore, #tpu.memory_space<semaphore_mem>>)
    %dma_start3A_9 = arith.constant 0 : i32
    %dma_start3A_10 = arith.constant 0 : i32
    %dma_start3A_11 = arith.constant 0 : i32
    %dma_start3A_12 = tpu.memref_slice %arg4[%add3A, %dma_start3A_9, %dma_start3A_10, %dma_start3A_11] : memref<32x10x8x128xi32, #tpu.memory_space<hbm>> -> memref<1x1x8x128xi32, #tpu.memory_space<hbm>>
    %dma_start3A_13 = tpu.memref_squeeze %dma_start3A_12 : memref<1x1x8x128xi32, #tpu.memory_space<hbm>> -> memref<8x128xi32, #tpu.memory_space<hbm>>
    %dma_start3A_14 = arith.constant 0 : i32
    %dma_start3A_15 = arith.constant 0 : i32
    %dma_start3A_16 = tpu.memref_slice %arg4[%add3A, %dma_start3A_9, %dma_start3A_14, %dma_start3A_15] : memref<32x10x8x128xi32, #tpu.memory_space<hbm>> -> memref<1x1x8x128xi32, #tpu.memory_space<hbm>>
    %dma_start3A_17 = tpu.memref_squeeze %dma_start3A_16 : memref<1x1x8x128xi32, #tpu.memory_space<hbm>> -> memref<8x128xi32, #tpu.memory_space<hbm>>
    tpu.enqueue_dma source(%dma_start3A_17 : memref<8x128xi32, #tpu.memory_space<hbm>>) target(%arg8 : memref<8x128xi32, #tpu.memory_space<vmem>>) target_semaphore(%arg16 : memref<!tpu.dma_semaphore, #tpu.memory_space<semaphore_mem>>)
    %dma_start3A_18 = arith.constant 1 : i32
    %dma_start3A_19 = arith.constant 0 : i32
    %dma_start3A_20 = arith.constant 0 : i32
    %dma_start3A_21 = tpu.memref_slice %arg3[%add3A, %dma_start3A_18, %dma_start3A_19, %dma_start3A_20] : memref<32x10x8x128xi32, #tpu.memory_space<hbm>> -> memref<1x1x8x128xi32, #tpu.memory_space<hbm>>
    %dma_start3A_22 = tpu.memref_squeeze %dma_start3A_21 : memref<1x1x8x128xi32, #tpu.memory_space<hbm>> -> memref<8x128xi32, #tpu.memory_space<hbm>>
    %dma_start3A_23 = arith.constant 0 : i32
    %dma_start3A_24 = arith.constant 0 : i32
    %dma_start3A_25 = tpu.memref_slice %arg3[%add3A, %dma_start3A_18, %dma_start3A_23, %dma_start3A_24] : memref<32x10x8x128xi32, #tpu.memory_space<hbm>> -> memref<1x1x8x128xi32, #tpu.memory_space<hbm>>
    %dma_start3A_26 = tpu.memref_squeeze %dma_start3A_25 : memref<1x1x8x128xi32, #tpu.memory_space<hbm>> -> memref<8x128xi32, #tpu.memory_space<hbm>>
    tpu.enqueue_dma source(%dma_start3A_26 : memref<8x128xi32, #tpu.memory_space<hbm>>) target(%arg9 : memref<8x128xi32, #tpu.memory_space<vmem>>) target_semaphore(%arg17 : memref<!tpu.dma_semaphore, #tpu.memory_space<semaphore_mem>>)
    %dma_start3A_27 = arith.constant 1 : i32
    %dma_start3A_28 = arith.constant 0 : i32
    %dma_start3A_29 = arith.constant 0 : i32
    %dma_start3A_30 = tpu.memref_slice %arg4[%add3A, %dma_start3A_27, %dma_start3A_28, %dma_start3A_29] : memref<32x10x8x128xi32, #tpu.memory_space<hbm>> -> memref<1x1x8x128xi32, #tpu.memory_space<hbm>>
    %dma_start3A_31 = tpu.memref_squeeze %dma_start3A_30 : memref<1x1x8x128xi32, #tpu.memory_space<hbm>> -> memref<8x128xi32, #tpu.memory_space<hbm>>
    %dma_start3A_32 = arith.constant 0 : i32
    %dma_start3A_33 = arith.constant 0 : i32
    %dma_start3A_34 = tpu.memref_slice %arg4[%add3A, %dma_start3A_27, %dma_start3A_32, %dma_start3A_33] : memref<32x10x8x128xi32, #tpu.memory_space<hbm>> -> memref<1x1x8x128xi32, #tpu.memory_space<hbm>>
    %dma_start3A_35 = tpu.memref_squeeze %dma_start3A_34 : memref<1x1x8x128xi32, #tpu.memory_space<hbm>> -> memref<8x128xi32, #tpu.memory_space<hbm>>
    tpu.enqueue_dma source(%dma_start3A_35 : memref<8x128xi32, #tpu.memory_space<hbm>>) target(%arg10 : memref<8x128xi32, #tpu.memory_space<vmem>>) target_semaphore(%arg17 : memref<!tpu.dma_semaphore, #tpu.memory_space<semaphore_mem>>)
    %mul3A_36 = arith.constant 640 : i32
    %mul3A_37 = arith.muli %arg1, %mul3A_36 : i32
    "tpu.region"() ({
      %run_scoped3A = tpu.sem_alloc : memref<!tpu.dma_semaphore, #tpu.memory_space<semaphore_mem>>
      %dma_start3A_111 = arith.constant 0 : i32
      %dma_start3A_112 = tpu.memref_slice %arg13[%mul3A_37, %dma_start3A_111] : memref<10240x128xf32, #tpu.memory_space<vmem_shared>> -> memref<640x128xf32, #tpu.memory_space<vmem_shared>>
      tpu.enqueue_dma source(%arg5 : memref<640x128xf32, #tpu.memory_space<hbm>>) target(%dma_start3A_112 : memref<640x128xf32, #tpu.memory_space<vmem_shared>>) target_semaphore(%run_scoped3A : memref<!tpu.dma_semaphore, #tpu.memory_space<semaphore_mem>>)
      %dma_wait3A_113 = arith.constant 0 : i32
      %dma_wait3A_114 = tpu.memref_slice %arg13[%mul3A_37, %dma_wait3A_113] : memref<10240x128xf32, #tpu.memory_space<vmem_shared>> -> memref<640x128xf32, #tpu.memory_space<vmem_shared>>
      tpu.wait_dma2 semaphore(%run_scoped3A : memref<!tpu.dma_semaphore, #tpu.memory_space<semaphore_mem>>) src(%arg5 : memref<640x128xf32, #tpu.memory_space<hbm>>) dst(%dma_wait3A_114 : memref<640x128xf32, #tpu.memory_space<vmem_shared>>)
      tpu.yield
    }) : () -> ()
    %dma_wait3A = arith.constant 0 : i32
    %dma_wait3A_38 = arith.constant 0 : i32
    %dma_wait3A_39 = arith.constant 0 : i32
    %dma_wait3A_40 = tpu.memref_slice %arg3[%add3A, %dma_wait3A, %dma_wait3A_38, %dma_wait3A_39] : memref<32x10x8x128xi32, #tpu.memory_space<hbm>> -> memref<1x1x8x128xi32, #tpu.memory_space<hbm>>
    %dma_wait3A_41 = tpu.memref_squeeze %dma_wait3A_40 : memref<1x1x8x128xi32, #tpu.memory_space<hbm>> -> memref<8x128xi32, #tpu.memory_space<hbm>>
    %dma_wait3A_42 = arith.constant 0 : i32
    %dma_wait3A_43 = arith.constant 0 : i32
    %dma_wait3A_44 = tpu.memref_slice %arg3[%add3A, %dma_wait3A, %dma_wait3A_42, %dma_wait3A_43] : memref<32x10x8x128xi32, #tpu.memory_space<hbm>> -> memref<1x1x8x128xi32, #tpu.memory_space<hbm>>
    %dma_wait3A_45 = tpu.memref_squeeze %dma_wait3A_44 : memref<1x1x8x128xi32, #tpu.memory_space<hbm>> -> memref<8x128xi32, #tpu.memory_space<hbm>>
    tpu.wait_dma2 semaphore(%arg16 : memref<!tpu.dma_semaphore, #tpu.memory_space<semaphore_mem>>) src(%dma_wait3A_45 : memref<8x128xi32, #tpu.memory_space<hbm>>) dst(%arg7 : memref<8x128xi32, #tpu.memory_space<vmem>>)
    %dma_wait3A_46 = arith.constant 0 : i32
    %dma_wait3A_47 = arith.constant 0 : i32
    %dma_wait3A_48 = arith.constant 0 : i32
    %dma_wait3A_49 = tpu.memref_slice %arg4[%add3A, %dma_wait3A_46, %dma_wait3A_47, %dma_wait3A_48] : memref<32x10x8x128xi32, #tpu.memory_space<hbm>> -> memref<1x1x8x128xi32, #tpu.memory_space<hbm>>
    %dma_wait3A_50 = tpu.memref_squeeze %dma_wait3A_49 : memref<1x1x8x128xi32, #tpu.memory_space<hbm>> -> memref<8x128xi32, #tpu.memory_space<hbm>>
    %dma_wait3A_51 = arith.constant 0 : i32
    %dma_wait3A_52 = arith.constant 0 : i32
    %dma_wait3A_53 = tpu.memref_slice %arg4[%add3A, %dma_wait3A_46, %dma_wait3A_51, %dma_wait3A_52] : memref<32x10x8x128xi32, #tpu.memory_space<hbm>> -> memref<1x1x8x128xi32, #tpu.memory_space<hbm>>
    %dma_wait3A_54 = tpu.memref_squeeze %dma_wait3A_53 : memref<1x1x8x128xi32, #tpu.memory_space<hbm>> -> memref<8x128xi32, #tpu.memory_space<hbm>>
    tpu.wait_dma2 semaphore(%arg16 : memref<!tpu.dma_semaphore, #tpu.memory_space<semaphore_mem>>) src(%dma_wait3A_54 : memref<8x128xi32, #tpu.memory_space<hbm>>) dst(%arg8 : memref<8x128xi32, #tpu.memory_space<vmem>>)
    %dma_start3A_55 = arith.constant 0 : i32
    %dma_start3A_56 = arith.constant 0 : i32
    %dma_start3A_57 = tpu.memref_slice %arg7[%dma_start3A_55, %dma_start3A_56] : memref<8x128xi32, #tpu.memory_space<vmem>> -> memref<1x128xi32, #tpu.memory_space<vmem>>
    %dma_start3A_58 = tpu.memref_squeeze %dma_start3A_57 : memref<1x128xi32, #tpu.memory_space<vmem>> -> memref<128xi32, #tpu.memory_space<vmem>>
    %dma_start3A_59 = arith.constant 0 : i32
    %dma_start3A_60 = arith.constant 0 : i32
    %dma_start3A_61 = tpu.memref_slice %arg2[%dma_start3A_59, %dma_start3A_60] : memref<10240x128xf32, #tpu.memory_space<hbm>> -> memref<10240x128xf32, #tpu.memory_space<hbm>>
    tpu.enqueue_indirect_dma source(%dma_start3A_61 : memref<10240x128xf32, #tpu.memory_space<hbm>>) target(%arg11 : memref<128x128xf32, #tpu.memory_space<vmem>>) offsets(%dma_start3A_58 : memref<128xi32, #tpu.memory_space<vmem>>) semaphore(%arg14 : memref<!tpu.dma_semaphore, #tpu.memory_space<semaphore_mem>>)
    %dma_start3A_62 = arith.constant 1 : i32
    %dma_start3A_63 = arith.constant 0 : i32
    %dma_start3A_64 = tpu.memref_slice %arg7[%dma_start3A_62, %dma_start3A_63] : memref<8x128xi32, #tpu.memory_space<vmem>> -> memref<1x128xi32, #tpu.memory_space<vmem>>
    %dma_start3A_65 = tpu.memref_squeeze %dma_start3A_64 : memref<1x128xi32, #tpu.memory_space<vmem>> -> memref<128xi32, #tpu.memory_space<vmem>>
    %dma_start3A_66 = arith.constant 0 : i32
    %dma_start3A_67 = arith.constant 0 : i32
    %dma_start3A_68 = tpu.memref_slice %arg2[%dma_start3A_66, %dma_start3A_67] : memref<10240x128xf32, #tpu.memory_space<hbm>> -> memref<10240x128xf32, #tpu.memory_space<hbm>>
    tpu.enqueue_indirect_dma source(%dma_start3A_68 : memref<10240x128xf32, #tpu.memory_space<hbm>>) target(%arg12 : memref<128x128xf32, #tpu.memory_space<vmem>>) offsets(%dma_start3A_65 : memref<128xi32, #tpu.memory_space<vmem>>) semaphore(%arg15 : memref<!tpu.dma_semaphore, #tpu.memory_space<semaphore_mem>>)
    %barrier3A = arith.constant 0 : index
    tpu.barrier barrier_id(%barrier3A)
    %scan3A = arith.constant 0 : i32
    %scan3A_69 = arith.constant 0 : i32
    %scan3A_70 = arith.constant 5 : i32
    %scan3A_71 = arith.addi %scan3A_69, %scan3A_70 : i32
    %scan3A_72 = arith.constant 1 : i32
    scf.for %scan3A_111 = %scan3A_69 to %scan3A_71 step %scan3A_72  : i32 {
      %mul3A_112 = arith.constant 2 : i32
      %mul3A_113 = arith.muli %mul3A_112, %scan3A_111 : i32
      %add3A_114 = arith.constant 2 : i32
      %add3A_115 = arith.addi %mul3A_113, %add3A_114 : i32
      %jit3A = arith.constant 10 : i32
      %eq3A = arith.constant 0 : i32
      %eq3A_116 = arith.cmpi eq, %jit3A, %eq3A : i32
      %jit3A_117 = arith.constant 1 : i32
      %select_n3A = arith.select %eq3A_116, %jit3A_117, %jit3A : i32
      %rem3A = arith.remsi %add3A_115, %select_n3A : i32
      %ne3A = arith.constant 0 : i32
      %ne3A_118 = arith.cmpi ne, %rem3A, %ne3A : i32
      %lt3A = arith.constant 0 : i32
      %lt3A_119 = arith.cmpi slt, %rem3A, %lt3A : i32
      %lt3A_120 = arith.constant 0 : i32
      %lt3A_121 = arith.cmpi slt, %select_n3A, %lt3A_120 : i32
      %ne3A_122 = arith.xori %lt3A_119, %lt3A_121 : i1
      %and3A = arith.andi %ne3A_122, %ne3A_118 : i1
      %add3A_123 = arith.addi %rem3A, %select_n3A : i32
      %select_n3A_124 = arith.select %and3A, %add3A_123, %rem3A : i32
      %mul3A_125 = arith.constant 2 : i32
      %mul3A_126 = arith.muli %mul3A_125, %scan3A_111 : i32
      %add3A_127 = arith.constant 3 : i32
      %add3A_128 = arith.addi %mul3A_126, %add3A_127 : i32
      %jit3A_129 = arith.constant 10 : i32
      %eq3A_130 = arith.constant 0 : i32
      %eq3A_131 = arith.cmpi eq, %jit3A_129, %eq3A_130 : i32
      %jit3A_132 = arith.constant 1 : i32
      %select_n3A_133 = arith.select %eq3A_131, %jit3A_132, %jit3A_129 : i32
      %rem3A_134 = arith.remsi %add3A_128, %select_n3A_133 : i32
      %ne3A_135 = arith.constant 0 : i32
      %ne3A_136 = arith.cmpi ne, %rem3A_134, %ne3A_135 : i32
      %lt3A_137 = arith.constant 0 : i32
      %lt3A_138 = arith.cmpi slt, %rem3A_134, %lt3A_137 : i32
      %lt3A_139 = arith.constant 0 : i32
      %lt3A_140 = arith.cmpi slt, %select_n3A_133, %lt3A_139 : i32
      %ne3A_141 = arith.xori %lt3A_138, %lt3A_140 : i1
      %and3A_142 = arith.andi %ne3A_141, %ne3A_136 : i1
      %add3A_143 = arith.addi %rem3A_134, %select_n3A_133 : i32
      %select_n3A_144 = arith.select %and3A_142, %add3A_143, %rem3A_134 : i32
      %dma_wait3A_145 = arith.constant 0 : i32
      %dma_wait3A_146 = arith.constant 0 : i32
      %dma_wait3A_147 = tpu.memref_slice %arg7[%dma_wait3A_145, %dma_wait3A_146] : memref<8x128xi32, #tpu.memory_space<vmem>> -> memref<1x128xi32, #tpu.memory_space<vmem>>
      %dma_wait3A_148 = tpu.memref_squeeze %dma_wait3A_147 : memref<1x128xi32, #tpu.memory_space<vmem>> -> memref<128xi32, #tpu.memory_space<vmem>>
      %dma_wait3A_149 = arith.constant 0 : i32
      %dma_wait3A_150 = arith.constant 0 : i32
      %dma_wait3A_151 = tpu.memref_slice %arg2[%dma_wait3A_149, %dma_wait3A_150] : memref<10240x128xf32, #tpu.memory_space<hbm>> -> memref<10240x128xf32, #tpu.memory_space<hbm>>
      tpu.wait_indirect_dma semaphore(%arg14 : memref<!tpu.dma_semaphore, #tpu.memory_space<semaphore_mem>>) src(%dma_wait3A_151 : memref<10240x128xf32, #tpu.memory_space<hbm>>) dst(%arg11 : memref<128x128xf32, #tpu.memory_space<vmem>>)
      %run_scoped3A = arith.constant 0 : i32
      "tpu.region"() ({
        %run_scoped3A_452 = tpu.sem_alloc : memref<!tpu.dma_semaphore, #tpu.memory_space<semaphore_mem>>
        %dma_start3A_453 = arith.constant 0 : i32
        %dma_start3A_454 = tpu.memref_slice %arg8[%run_scoped3A, %dma_start3A_453] : memref<8x128xi32, #tpu.memory_space<vmem>> -> memref<1x128xi32, #tpu.memory_space<vmem>>
        %dma_start3A_455 = tpu.memref_squeeze %dma_start3A_454 : memref<1x128xi32, #tpu.memory_space<vmem>> -> memref<128xi32, #tpu.memory_space<vmem>>
        %dma_start3A_456 = arith.constant 0 : i32
        %dma_start3A_457 = arith.constant 0 : i32
        %dma_start3A_458 = tpu.memref_slice %arg13[%dma_start3A_456, %dma_start3A_457] : memref<10240x128xf32, #tpu.memory_space<vmem_shared>> -> memref<10240x128xf32, #tpu.memory_space<vmem_shared>>
        tpu.enqueue_indirect_dma source(%arg11 : memref<128x128xf32, #tpu.memory_space<vmem>>) target(%dma_start3A_458 : memref<10240x128xf32, #tpu.memory_space<vmem_shared>>) offsets(%dma_start3A_455 : memref<128xi32, #tpu.memory_space<vmem>>) semaphore(%run_scoped3A_452 : memref<!tpu.dma_semaphore, #tpu.memory_space<semaphore_mem>>) {add = true}
        %dma_wait3A_459 = arith.constant 0 : i32
        %dma_wait3A_460 = tpu.memref_slice %arg8[%run_scoped3A, %dma_wait3A_459] : memref<8x128xi32, #tpu.memory_space<vmem>> -> memref<1x128xi32, #tpu.memory_space<vmem>>
        %dma_wait3A_461 = tpu.memref_squeeze %dma_wait3A_460 : memref<1x128xi32, #tpu.memory_space<vmem>> -> memref<128xi32, #tpu.memory_space<vmem>>
        %dma_wait3A_462 = arith.constant 0 : i32
        %dma_wait3A_463 = arith.constant 0 : i32
        %dma_wait3A_464 = tpu.memref_slice %arg13[%dma_wait3A_462, %dma_wait3A_463] : memref<10240x128xf32, #tpu.memory_space<vmem_shared>> -> memref<10240x128xf32, #tpu.memory_space<vmem_shared>>
        tpu.wait_indirect_dma semaphore(%run_scoped3A_452 : memref<!tpu.dma_semaphore, #tpu.memory_space<semaphore_mem>>) src(%arg11 : memref<128x128xf32, #tpu.memory_space<vmem>>) dst(%dma_wait3A_464 : memref<10240x128xf32, #tpu.memory_space<vmem_shared>>)
        tpu.yield
      }) : () -> ()
      %dma_start3A_152 = arith.constant 2 : i32
      %dma_start3A_153 = arith.constant 0 : i32
      %dma_start3A_154 = tpu.memref_slice %arg7[%dma_start3A_152, %dma_start3A_153] : memref<8x128xi32, #tpu.memory_space<vmem>> -> memref<1x128xi32, #tpu.memory_space<vmem>>
      %dma_start3A_155 = tpu.memref_squeeze %dma_start3A_154 : memref<1x128xi32, #tpu.memory_space<vmem>> -> memref<128xi32, #tpu.memory_space<vmem>>
      %dma_start3A_156 = arith.constant 0 : i32
      %dma_start3A_157 = arith.constant 0 : i32
      %dma_start3A_158 = tpu.memref_slice %arg2[%dma_start3A_156, %dma_start3A_157] : memref<10240x128xf32, #tpu.memory_space<hbm>> -> memref<10240x128xf32, #tpu.memory_space<hbm>>
      tpu.enqueue_indirect_dma source(%dma_start3A_158 : memref<10240x128xf32, #tpu.memory_space<hbm>>) target(%arg11 : memref<128x128xf32, #tpu.memory_space<vmem>>) offsets(%dma_start3A_155 : memref<128xi32, #tpu.memory_space<vmem>>) semaphore(%arg14 : memref<!tpu.dma_semaphore, #tpu.memory_space<semaphore_mem>>)
      %dma_wait3A_159 = arith.constant 1 : i32
      %dma_wait3A_160 = arith.constant 0 : i32
      %dma_wait3A_161 = tpu.memref_slice %arg7[%dma_wait3A_159, %dma_wait3A_160] : memref<8x128xi32, #tpu.memory_space<vmem>> -> memref<1x128xi32, #tpu.memory_space<vmem>>
      %dma_wait3A_162 = tpu.memref_squeeze %dma_wait3A_161 : memref<1x128xi32, #tpu.memory_space<vmem>> -> memref<128xi32, #tpu.memory_space<vmem>>
      %dma_wait3A_163 = arith.constant 0 : i32
      %dma_wait3A_164 = arith.constant 0 : i32
      %dma_wait3A_165 = tpu.memref_slice %arg2[%dma_wait3A_163, %dma_wait3A_164] : memref<10240x128xf32, #tpu.memory_space<hbm>> -> memref<10240x128xf32, #tpu.memory_space<hbm>>
      tpu.wait_indirect_dma semaphore(%arg15 : memref<!tpu.dma_semaphore, #tpu.memory_space<semaphore_mem>>) src(%dma_wait3A_165 : memref<10240x128xf32, #tpu.memory_space<hbm>>) dst(%arg12 : memref<128x128xf32, #tpu.memory_space<vmem>>)
      %run_scoped3A_166 = arith.constant 1 : i32
      "tpu.region"() ({
        %run_scoped3A_452 = tpu.sem_alloc : memref<!tpu.dma_semaphore, #tpu.memory_space<semaphore_mem>>
        %dma_start3A_453 = arith.constant 0 : i32
        %dma_start3A_454 = tpu.memref_slice %arg8[%run_scoped3A_166, %dma_start3A_453] : memref<8x128xi32, #tpu.memory_space<vmem>> -> memref<1x128xi32, #tpu.memory_space<vmem>>
        %dma_start3A_455 = tpu.memref_squeeze %dma_start3A_454 : memref<1x128xi32, #tpu.memory_space<vmem>> -> memref<128xi32, #tpu.memory_space<vmem>>
        %dma_start3A_456 = arith.constant 0 : i32
        %dma_start3A_457 = arith.constant 0 : i32
        %dma_start3A_458 = tpu.memref_slice %arg13[%dma_start3A_456, %dma_start3A_457] : memref<10240x128xf32, #tpu.memory_space<vmem_shared>> -> memref<10240x128xf32, #tpu.memory_space<vmem_shared>>
        tpu.enqueue_indirect_dma source(%arg12 : memref<128x128xf32, #tpu.memory_space<vmem>>) target(%dma_start3A_458 : memref<10240x128xf32, #tpu.memory_space<vmem_shared>>) offsets(%dma_start3A_455 : memref<128xi32, #tpu.memory_space<vmem>>) semaphore(%run_scoped3A_452 : memref<!tpu.dma_semaphore, #tpu.memory_space<semaphore_mem>>) {add = true}
        %dma_wait3A_459 = arith.constant 0 : i32
        %dma_wait3A_460 = tpu.memref_slice %arg8[%run_scoped3A_166, %dma_wait3A_459] : memref<8x128xi32, #tpu.memory_space<vmem>> -> memref<1x128xi32, #tpu.memory_space<vmem>>
        %dma_wait3A_461 = tpu.memref_squeeze %dma_wait3A_460 : memref<1x128xi32, #tpu.memory_space<vmem>> -> memref<128xi32, #tpu.memory_space<vmem>>
        %dma_wait3A_462 = arith.constant 0 : i32
        %dma_wait3A_463 = arith.constant 0 : i32
        %dma_wait3A_464 = tpu.memref_slice %arg13[%dma_wait3A_462, %dma_wait3A_463] : memref<10240x128xf32, #tpu.memory_space<vmem_shared>> -> memref<10240x128xf32, #tpu.memory_space<vmem_shared>>
        tpu.wait_indirect_dma semaphore(%run_scoped3A_452 : memref<!tpu.dma_semaphore, #tpu.memory_space<semaphore_mem>>) src(%arg12 : memref<128x128xf32, #tpu.memory_space<vmem>>) dst(%dma_wait3A_464 : memref<10240x128xf32, #tpu.memory_space<vmem_shared>>)
        tpu.yield
      }) : () -> ()
      %dma_start3A_167 = arith.constant 3 : i32
      %dma_start3A_168 = arith.constant 0 : i32
      %dma_start3A_169 = tpu.memref_slice %arg7[%dma_start3A_167, %dma_start3A_168] : memref<8x128xi32, #tpu.memory_space<vmem>> -> memref<1x128xi32, #tpu.memory_space<vmem>>
      %dma_start3A_170 = tpu.memref_squeeze %dma_start3A_169 : memref<1x128xi32, #tpu.memory_space<vmem>> -> memref<128xi32, #tpu.memory_space<vmem>>
      %dma_start3A_171 = arith.constant 0 : i32
      %dma_start3A_172 = arith.constant 0 : i32
      %dma_start3A_173 = tpu.memref_slice %arg2[%dma_start3A_171, %dma_start3A_172] : memref<10240x128xf32, #tpu.memory_space<hbm>> -> memref<10240x128xf32, #tpu.memory_space<hbm>>
      tpu.enqueue_indirect_dma source(%dma_start3A_173 : memref<10240x128xf32, #tpu.memory_space<hbm>>) target(%arg12 : memref<128x128xf32, #tpu.memory_space<vmem>>) offsets(%dma_start3A_170 : memref<128xi32, #tpu.memory_space<vmem>>) semaphore(%arg15 : memref<!tpu.dma_semaphore, #tpu.memory_space<semaphore_mem>>)
      %dma_wait3A_174 = arith.constant 2 : i32
      %dma_wait3A_175 = arith.constant 0 : i32
      %dma_wait3A_176 = tpu.memref_slice %arg7[%dma_wait3A_174, %dma_wait3A_175] : memref<8x128xi32, #tpu.memory_space<vmem>> -> memref<1x128xi32, #tpu.memory_space<vmem>>
      %dma_wait3A_177 = tpu.memref_squeeze %dma_wait3A_176 : memref<1x128xi32, #tpu.memory_space<vmem>> -> memref<128xi32, #tpu.memory_space<vmem>>
      %dma_wait3A_178 = arith.constant 0 : i32
      %dma_wait3A_179 = arith.constant 0 : i32
      %dma_wait3A_180 = tpu.memref_slice %arg2[%dma_wait3A_178, %dma_wait3A_179] : memref<10240x128xf32, #tpu.memory_space<hbm>> -> memref<10240x128xf32, #tpu.memory_space<hbm>>
      tpu.wait_indirect_dma semaphore(%arg14 : memref<!tpu.dma_semaphore, #tpu.memory_space<semaphore_mem>>) src(%dma_wait3A_180 : memref<10240x128xf32, #tpu.memory_space<hbm>>) dst(%arg11 : memref<128x128xf32, #tpu.memory_space<vmem>>)
      %run_scoped3A_181 = arith.constant 2 : i32
      "tpu.region"() ({
        %run_scoped3A_452 = tpu.sem_alloc : memref<!tpu.dma_semaphore, #tpu.memory_space<semaphore_mem>>
        %dma_start3A_453 = arith.constant 0 : i32
        %dma_start3A_454 = tpu.memref_slice %arg8[%run_scoped3A_181, %dma_start3A_453] : memref<8x128xi32, #tpu.memory_space<vmem>> -> memref<1x128xi32, #tpu.memory_space<vmem>>
        %dma_start3A_455 = tpu.memref_squeeze %dma_start3A_454 : memref<1x128xi32, #tpu.memory_space<vmem>> -> memref<128xi32, #tpu.memory_space<vmem>>
        %dma_start3A_456 = arith.constant 0 : i32
        %dma_start3A_457 = arith.constant 0 : i32
        %dma_start3A_458 = tpu.memref_slice %arg13[%dma_start3A_456, %dma_start3A_457] : memref<10240x128xf32, #tpu.memory_space<vmem_shared>> -> memref<10240x128xf32, #tpu.memory_space<vmem_shared>>
        tpu.enqueue_indirect_dma source(%arg11 : memref<128x128xf32, #tpu.memory_space<vmem>>) target(%dma_start3A_458 : memref<10240x128xf32, #tpu.memory_space<vmem_shared>>) offsets(%dma_start3A_455 : memref<128xi32, #tpu.memory_space<vmem>>) semaphore(%run_scoped3A_452 : memref<!tpu.dma_semaphore, #tpu.memory_space<semaphore_mem>>) {add = true}
        %dma_wait3A_459 = arith.constant 0 : i32
        %dma_wait3A_460 = tpu.memref_slice %arg8[%run_scoped3A_181, %dma_wait3A_459] : memref<8x128xi32, #tpu.memory_space<vmem>> -> memref<1x128xi32, #tpu.memory_space<vmem>>
        %dma_wait3A_461 = tpu.memref_squeeze %dma_wait3A_460 : memref<1x128xi32, #tpu.memory_space<vmem>> -> memref<128xi32, #tpu.memory_space<vmem>>
        %dma_wait3A_462 = arith.constant 0 : i32
        %dma_wait3A_463 = arith.constant 0 : i32
        %dma_wait3A_464 = tpu.memref_slice %arg13[%dma_wait3A_462, %dma_wait3A_463] : memref<10240x128xf32, #tpu.memory_space<vmem_shared>> -> memref<10240x128xf32, #tpu.memory_space<vmem_shared>>
        tpu.wait_indirect_dma semaphore(%run_scoped3A_452 : memref<!tpu.dma_semaphore, #tpu.memory_space<semaphore_mem>>) src(%arg11 : memref<128x128xf32, #tpu.memory_space<vmem>>) dst(%dma_wait3A_464 : memref<10240x128xf32, #tpu.memory_space<vmem_shared>>)
        tpu.yield
      }) : () -> ()
      %dma_start3A_182 = arith.constant 4 : i32
      %dma_start3A_183 = arith.constant 0 : i32
      %dma_start3A_184 = tpu.memref_slice %arg7[%dma_start3A_182, %dma_start3A_183] : memref<8x128xi32, #tpu.memory_space<vmem>> -> memref<1x128xi32, #tpu.memory_space<vmem>>
      %dma_start3A_185 = tpu.memref_squeeze %dma_start3A_184 : memref<1x128xi32, #tpu.memory_space<vmem>> -> memref<128xi32, #tpu.memory_space<vmem>>
      %dma_start3A_186 = arith.constant 0 : i32
      %dma_start3A_187 = arith.constant 0 : i32
      %dma_start3A_188 = tpu.memref_slice %arg2[%dma_start3A_186, %dma_start3A_187] : memref<10240x128xf32, #tpu.memory_space<hbm>> -> memref<10240x128xf32, #tpu.memory_space<hbm>>
      tpu.enqueue_indirect_dma source(%dma_start3A_188 : memref<10240x128xf32, #tpu.memory_space<hbm>>) target(%arg11 : memref<128x128xf32, #tpu.memory_space<vmem>>) offsets(%dma_start3A_185 : memref<128xi32, #tpu.memory_space<vmem>>) semaphore(%arg14 : memref<!tpu.dma_semaphore, #tpu.memory_space<semaphore_mem>>)
      %dma_wait3A_189 = arith.constant 3 : i32
      %dma_wait3A_190 = arith.constant 0 : i32
      %dma_wait3A_191 = tpu.memref_slice %arg7[%dma_wait3A_189, %dma_wait3A_190] : memref<8x128xi32, #tpu.memory_space<vmem>> -> memref<1x128xi32, #tpu.memory_space<vmem>>
      %dma_wait3A_192 = tpu.memref_squeeze %dma_wait3A_191 : memref<1x128xi32, #tpu.memory_space<vmem>> -> memref<128xi32, #tpu.memory_space<vmem>>
      %dma_wait3A_193 = arith.constant 0 : i32
      %dma_wait3A_194 = arith.constant 0 : i32
      %dma_wait3A_195 = tpu.memref_slice %arg2[%dma_wait3A_193, %dma_wait3A_194] : memref<10240x128xf32, #tpu.memory_space<hbm>> -> memref<10240x128xf32, #tpu.memory_space<hbm>>
      tpu.wait_indirect_dma semaphore(%arg15 : memref<!tpu.dma_semaphore, #tpu.memory_space<semaphore_mem>>) src(%dma_wait3A_195 : memref<10240x128xf32, #tpu.memory_space<hbm>>) dst(%arg12 : memref<128x128xf32, #tpu.memory_space<vmem>>)
      %run_scoped3A_196 = arith.constant 3 : i32
      "tpu.region"() ({
        %run_scoped3A_452 = tpu.sem_alloc : memref<!tpu.dma_semaphore, #tpu.memory_space<semaphore_mem>>
        %dma_start3A_453 = arith.constant 0 : i32
        %dma_start3A_454 = tpu.memref_slice %arg8[%run_scoped3A_196, %dma_start3A_453] : memref<8x128xi32, #tpu.memory_space<vmem>> -> memref<1x128xi32, #tpu.memory_space<vmem>>
        %dma_start3A_455 = tpu.memref_squeeze %dma_start3A_454 : memref<1x128xi32, #tpu.memory_space<vmem>> -> memref<128xi32, #tpu.memory_space<vmem>>
        %dma_start3A_456 = arith.constant 0 : i32
        %dma_start3A_457 = arith.constant 0 : i32
        %dma_start3A_458 = tpu.memref_slice %arg13[%dma_start3A_456, %dma_start3A_457] : memref<10240x128xf32, #tpu.memory_space<vmem_shared>> -> memref<10240x128xf32, #tpu.memory_space<vmem_shared>>
        tpu.enqueue_indirect_dma source(%arg12 : memref<128x128xf32, #tpu.memory_space<vmem>>) target(%dma_start3A_458 : memref<10240x128xf32, #tpu.memory_space<vmem_shared>>) offsets(%dma_start3A_455 : memref<128xi32, #tpu.memory_space<vmem>>) semaphore(%run_scoped3A_452 : memref<!tpu.dma_semaphore, #tpu.memory_space<semaphore_mem>>) {add = true}
        %dma_wait3A_459 = arith.constant 0 : i32
        %dma_wait3A_460 = tpu.memref_slice %arg8[%run_scoped3A_196, %dma_wait3A_459] : memref<8x128xi32, #tpu.memory_space<vmem>> -> memref<1x128xi32, #tpu.memory_space<vmem>>
        %dma_wait3A_461 = tpu.memref_squeeze %dma_wait3A_460 : memref<1x128xi32, #tpu.memory_space<vmem>> -> memref<128xi32, #tpu.memory_space<vmem>>
        %dma_wait3A_462 = arith.constant 0 : i32
        %dma_wait3A_463 = arith.constant 0 : i32
        %dma_wait3A_464 = tpu.memref_slice %arg13[%dma_wait3A_462, %dma_wait3A_463] : memref<10240x128xf32, #tpu.memory_space<vmem_shared>> -> memref<10240x128xf32, #tpu.memory_space<vmem_shared>>
        tpu.wait_indirect_dma semaphore(%run_scoped3A_452 : memref<!tpu.dma_semaphore, #tpu.memory_space<semaphore_mem>>) src(%arg12 : memref<128x128xf32, #tpu.memory_space<vmem>>) dst(%dma_wait3A_464 : memref<10240x128xf32, #tpu.memory_space<vmem_shared>>)
        tpu.yield
      }) : () -> ()
      %dma_start3A_197 = arith.constant 5 : i32
      %dma_start3A_198 = arith.constant 0 : i32
      %dma_start3A_199 = tpu.memref_slice %arg7[%dma_start3A_197, %dma_start3A_198] : memref<8x128xi32, #tpu.memory_space<vmem>> -> memref<1x128xi32, #tpu.memory_space<vmem>>
      %dma_start3A_200 = tpu.memref_squeeze %dma_start3A_199 : memref<1x128xi32, #tpu.memory_space<vmem>> -> memref<128xi32, #tpu.memory_space<vmem>>
      %dma_start3A_201 = arith.constant 0 : i32
      %dma_start3A_202 = arith.constant 0 : i32
      %dma_start3A_203 = tpu.memref_slice %arg2[%dma_start3A_201, %dma_start3A_202] : memref<10240x128xf32, #tpu.memory_space<hbm>> -> memref<10240x128xf32, #tpu.memory_space<hbm>>
      tpu.enqueue_indirect_dma source(%dma_start3A_203 : memref<10240x128xf32, #tpu.memory_space<hbm>>) target(%arg12 : memref<128x128xf32, #tpu.memory_space<vmem>>) offsets(%dma_start3A_200 : memref<128xi32, #tpu.memory_space<vmem>>) semaphore(%arg15 : memref<!tpu.dma_semaphore, #tpu.memory_space<semaphore_mem>>)
      %dma_wait3A_204 = arith.constant 4 : i32
      %dma_wait3A_205 = arith.constant 0 : i32
      %dma_wait3A_206 = tpu.memref_slice %arg7[%dma_wait3A_204, %dma_wait3A_205] : memref<8x128xi32, #tpu.memory_space<vmem>> -> memref<1x128xi32, #tpu.memory_space<vmem>>
      %dma_wait3A_207 = tpu.memref_squeeze %dma_wait3A_206 : memref<1x128xi32, #tpu.memory_space<vmem>> -> memref<128xi32, #tpu.memory_space<vmem>>
      %dma_wait3A_208 = arith.constant 0 : i32
      %dma_wait3A_209 = arith.constant 0 : i32
      %dma_wait3A_210 = tpu.memref_slice %arg2[%dma_wait3A_208, %dma_wait3A_209] : memref<10240x128xf32, #tpu.memory_space<hbm>> -> memref<10240x128xf32, #tpu.memory_space<hbm>>
      tpu.wait_indirect_dma semaphore(%arg14 : memref<!tpu.dma_semaphore, #tpu.memory_space<semaphore_mem>>) src(%dma_wait3A_210 : memref<10240x128xf32, #tpu.memory_space<hbm>>) dst(%arg11 : memref<128x128xf32, #tpu.memory_space<vmem>>)
      %run_scoped3A_211 = arith.constant 4 : i32
      "tpu.region"() ({
        %run_scoped3A_452 = tpu.sem_alloc : memref<!tpu.dma_semaphore, #tpu.memory_space<semaphore_mem>>
        %dma_start3A_453 = arith.constant 0 : i32
        %dma_start3A_454 = tpu.memref_slice %arg8[%run_scoped3A_211, %dma_start3A_453] : memref<8x128xi32, #tpu.memory_space<vmem>> -> memref<1x128xi32, #tpu.memory_space<vmem>>
        %dma_start3A_455 = tpu.memref_squeeze %dma_start3A_454 : memref<1x128xi32, #tpu.memory_space<vmem>> -> memref<128xi32, #tpu.memory_space<vmem>>
        %dma_start3A_456 = arith.constant 0 : i32
        %dma_start3A_457 = arith.constant 0 : i32
        %dma_start3A_458 = tpu.memref_slice %arg13[%dma_start3A_456, %dma_start3A_457] : memref<10240x128xf32, #tpu.memory_space<vmem_shared>> -> memref<10240x128xf32, #tpu.memory_space<vmem_shared>>
        tpu.enqueue_indirect_dma source(%arg11 : memref<128x128xf32, #tpu.memory_space<vmem>>) target(%dma_start3A_458 : memref<10240x128xf32, #tpu.memory_space<vmem_shared>>) offsets(%dma_start3A_455 : memref<128xi32, #tpu.memory_space<vmem>>) semaphore(%run_scoped3A_452 : memref<!tpu.dma_semaphore, #tpu.memory_space<semaphore_mem>>) {add = true}
        %dma_wait3A_459 = arith.constant 0 : i32
        %dma_wait3A_460 = tpu.memref_slice %arg8[%run_scoped3A_211, %dma_wait3A_459] : memref<8x128xi32, #tpu.memory_space<vmem>> -> memref<1x128xi32, #tpu.memory_space<vmem>>
        %dma_wait3A_461 = tpu.memref_squeeze %dma_wait3A_460 : memref<1x128xi32, #tpu.memory_space<vmem>> -> memref<128xi32, #tpu.memory_space<vmem>>
        %dma_wait3A_462 = arith.constant 0 : i32
        %dma_wait3A_463 = arith.constant 0 : i32
        %dma_wait3A_464 = tpu.memref_slice %arg13[%dma_wait3A_462, %dma_wait3A_463] : memref<10240x128xf32, #tpu.memory_space<vmem_shared>> -> memref<10240x128xf32, #tpu.memory_space<vmem_shared>>
        tpu.wait_indirect_dma semaphore(%run_scoped3A_452 : memref<!tpu.dma_semaphore, #tpu.memory_space<semaphore_mem>>) src(%arg11 : memref<128x128xf32, #tpu.memory_space<vmem>>) dst(%dma_wait3A_464 : memref<10240x128xf32, #tpu.memory_space<vmem_shared>>)
        tpu.yield
      }) : () -> ()
      %dma_start3A_212 = arith.constant 6 : i32
      %dma_start3A_213 = arith.constant 0 : i32
      %dma_start3A_214 = tpu.memref_slice %arg7[%dma_start3A_212, %dma_start3A_213] : memref<8x128xi32, #tpu.memory_space<vmem>> -> memref<1x128xi32, #tpu.memory_space<vmem>>
      %dma_start3A_215 = tpu.memref_squeeze %dma_start3A_214 : memref<1x128xi32, #tpu.memory_space<vmem>> -> memref<128xi32, #tpu.memory_space<vmem>>
      %dma_start3A_216 = arith.constant 0 : i32
      %dma_start3A_217 = arith.constant 0 : i32
      %dma_start3A_218 = tpu.memref_slice %arg2[%dma_start3A_216, %dma_start3A_217] : memref<10240x128xf32, #tpu.memory_space<hbm>> -> memref<10240x128xf32, #tpu.memory_space<hbm>>
      tpu.enqueue_indirect_dma source(%dma_start3A_218 : memref<10240x128xf32, #tpu.memory_space<hbm>>) target(%arg11 : memref<128x128xf32, #tpu.memory_space<vmem>>) offsets(%dma_start3A_215 : memref<128xi32, #tpu.memory_space<vmem>>) semaphore(%arg14 : memref<!tpu.dma_semaphore, #tpu.memory_space<semaphore_mem>>)
      %dma_wait3A_219 = arith.constant 5 : i32
      %dma_wait3A_220 = arith.constant 0 : i32
      %dma_wait3A_221 = tpu.memref_slice %arg7[%dma_wait3A_219, %dma_wait3A_220] : memref<8x128xi32, #tpu.memory_space<vmem>> -> memref<1x128xi32, #tpu.memory_space<vmem>>
      %dma_wait3A_222 = tpu.memref_squeeze %dma_wait3A_221 : memref<1x128xi32, #tpu.memory_space<vmem>> -> memref<128xi32, #tpu.memory_space<vmem>>
      %dma_wait3A_223 = arith.constant 0 : i32
      %dma_wait3A_224 = arith.constant 0 : i32
      %dma_wait3A_225 = tpu.memref_slice %arg2[%dma_wait3A_223, %dma_wait3A_224] : memref<10240x128xf32, #tpu.memory_space<hbm>> -> memref<10240x128xf32, #tpu.memory_space<hbm>>
      tpu.wait_indirect_dma semaphore(%arg15 : memref<!tpu.dma_semaphore, #tpu.memory_space<semaphore_mem>>) src(%dma_wait3A_225 : memref<10240x128xf32, #tpu.memory_space<hbm>>) dst(%arg12 : memref<128x128xf32, #tpu.memory_space<vmem>>)
      %run_scoped3A_226 = arith.constant 5 : i32
      "tpu.region"() ({
        %run_scoped3A_452 = tpu.sem_alloc : memref<!tpu.dma_semaphore, #tpu.memory_space<semaphore_mem>>
        %dma_start3A_453 = arith.constant 0 : i32
        %dma_start3A_454 = tpu.memref_slice %arg8[%run_scoped3A_226, %dma_start3A_453] : memref<8x128xi32, #tpu.memory_space<vmem>> -> memref<1x128xi32, #tpu.memory_space<vmem>>
        %dma_start3A_455 = tpu.memref_squeeze %dma_start3A_454 : memref<1x128xi32, #tpu.memory_space<vmem>> -> memref<128xi32, #tpu.memory_space<vmem>>
        %dma_start3A_456 = arith.constant 0 : i32
        %dma_start3A_457 = arith.constant 0 : i32
        %dma_start3A_458 = tpu.memref_slice %arg13[%dma_start3A_456, %dma_start3A_457] : memref<10240x128xf32, #tpu.memory_space<vmem_shared>> -> memref<10240x128xf32, #tpu.memory_space<vmem_shared>>
        tpu.enqueue_indirect_dma source(%arg12 : memref<128x128xf32, #tpu.memory_space<vmem>>) target(%dma_start3A_458 : memref<10240x128xf32, #tpu.memory_space<vmem_shared>>) offsets(%dma_start3A_455 : memref<128xi32, #tpu.memory_space<vmem>>) semaphore(%run_scoped3A_452 : memref<!tpu.dma_semaphore, #tpu.memory_space<semaphore_mem>>) {add = true}
        %dma_wait3A_459 = arith.constant 0 : i32
        %dma_wait3A_460 = tpu.memref_slice %arg8[%run_scoped3A_226, %dma_wait3A_459] : memref<8x128xi32, #tpu.memory_space<vmem>> -> memref<1x128xi32, #tpu.memory_space<vmem>>
        %dma_wait3A_461 = tpu.memref_squeeze %dma_wait3A_460 : memref<1x128xi32, #tpu.memory_space<vmem>> -> memref<128xi32, #tpu.memory_space<vmem>>
        %dma_wait3A_462 = arith.constant 0 : i32
        %dma_wait3A_463 = arith.constant 0 : i32
        %dma_wait3A_464 = tpu.memref_slice %arg13[%dma_wait3A_462, %dma_wait3A_463] : memref<10240x128xf32, #tpu.memory_space<vmem_shared>> -> memref<10240x128xf32, #tpu.memory_space<vmem_shared>>
        tpu.wait_indirect_dma semaphore(%run_scoped3A_452 : memref<!tpu.dma_semaphore, #tpu.memory_space<semaphore_mem>>) src(%arg12 : memref<128x128xf32, #tpu.memory_space<vmem>>) dst(%dma_wait3A_464 : memref<10240x128xf32, #tpu.memory_space<vmem_shared>>)
        tpu.yield
      }) : () -> ()
      %dma_start3A_227 = arith.constant 7 : i32
      %dma_start3A_228 = arith.constant 0 : i32
      %dma_start3A_229 = tpu.memref_slice %arg7[%dma_start3A_227, %dma_start3A_228] : memref<8x128xi32, #tpu.memory_space<vmem>> -> memref<1x128xi32, #tpu.memory_space<vmem>>
      %dma_start3A_230 = tpu.memref_squeeze %dma_start3A_229 : memref<1x128xi32, #tpu.memory_space<vmem>> -> memref<128xi32, #tpu.memory_space<vmem>>
      %dma_start3A_231 = arith.constant 0 : i32
      %dma_start3A_232 = arith.constant 0 : i32
      %dma_start3A_233 = tpu.memref_slice %arg2[%dma_start3A_231, %dma_start3A_232] : memref<10240x128xf32, #tpu.memory_space<hbm>> -> memref<10240x128xf32, #tpu.memory_space<hbm>>
      tpu.enqueue_indirect_dma source(%dma_start3A_233 : memref<10240x128xf32, #tpu.memory_space<hbm>>) target(%arg12 : memref<128x128xf32, #tpu.memory_space<vmem>>) offsets(%dma_start3A_230 : memref<128xi32, #tpu.memory_space<vmem>>) semaphore(%arg15 : memref<!tpu.dma_semaphore, #tpu.memory_space<semaphore_mem>>)
      %dma_wait3A_234 = arith.constant 6 : i32
      %dma_wait3A_235 = arith.constant 0 : i32
      %dma_wait3A_236 = tpu.memref_slice %arg7[%dma_wait3A_234, %dma_wait3A_235] : memref<8x128xi32, #tpu.memory_space<vmem>> -> memref<1x128xi32, #tpu.memory_space<vmem>>
      %dma_wait3A_237 = tpu.memref_squeeze %dma_wait3A_236 : memref<1x128xi32, #tpu.memory_space<vmem>> -> memref<128xi32, #tpu.memory_space<vmem>>
      %dma_wait3A_238 = arith.constant 0 : i32
      %dma_wait3A_239 = arith.constant 0 : i32
      %dma_wait3A_240 = tpu.memref_slice %arg2[%dma_wait3A_238, %dma_wait3A_239] : memref<10240x128xf32, #tpu.memory_space<hbm>> -> memref<10240x128xf32, #tpu.memory_space<hbm>>
      tpu.wait_indirect_dma semaphore(%arg14 : memref<!tpu.dma_semaphore, #tpu.memory_space<semaphore_mem>>) src(%dma_wait3A_240 : memref<10240x128xf32, #tpu.memory_space<hbm>>) dst(%arg11 : memref<128x128xf32, #tpu.memory_space<vmem>>)
      %run_scoped3A_241 = arith.constant 6 : i32
      "tpu.region"() ({
        %run_scoped3A_452 = tpu.sem_alloc : memref<!tpu.dma_semaphore, #tpu.memory_space<semaphore_mem>>
        %dma_start3A_453 = arith.constant 0 : i32
        %dma_start3A_454 = tpu.memref_slice %arg8[%run_scoped3A_241, %dma_start3A_453] : memref<8x128xi32, #tpu.memory_space<vmem>> -> memref<1x128xi32, #tpu.memory_space<vmem>>
        %dma_start3A_455 = tpu.memref_squeeze %dma_start3A_454 : memref<1x128xi32, #tpu.memory_space<vmem>> -> memref<128xi32, #tpu.memory_space<vmem>>
        %dma_start3A_456 = arith.constant 0 : i32
        %dma_start3A_457 = arith.constant 0 : i32
        %dma_start3A_458 = tpu.memref_slice %arg13[%dma_start3A_456, %dma_start3A_457] : memref<10240x128xf32, #tpu.memory_space<vmem_shared>> -> memref<10240x128xf32, #tpu.memory_space<vmem_shared>>
        tpu.enqueue_indirect_dma source(%arg11 : memref<128x128xf32, #tpu.memory_space<vmem>>) target(%dma_start3A_458 : memref<10240x128xf32, #tpu.memory_space<vmem_shared>>) offsets(%dma_start3A_455 : memref<128xi32, #tpu.memory_space<vmem>>) semaphore(%run_scoped3A_452 : memref<!tpu.dma_semaphore, #tpu.memory_space<semaphore_mem>>) {add = true}
        %dma_wait3A_459 = arith.constant 0 : i32
        %dma_wait3A_460 = tpu.memref_slice %arg8[%run_scoped3A_241, %dma_wait3A_459] : memref<8x128xi32, #tpu.memory_space<vmem>> -> memref<1x128xi32, #tpu.memory_space<vmem>>
        %dma_wait3A_461 = tpu.memref_squeeze %dma_wait3A_460 : memref<1x128xi32, #tpu.memory_space<vmem>> -> memref<128xi32, #tpu.memory_space<vmem>>
        %dma_wait3A_462 = arith.constant 0 : i32
        %dma_wait3A_463 = arith.constant 0 : i32
        %dma_wait3A_464 = tpu.memref_slice %arg13[%dma_wait3A_462, %dma_wait3A_463] : memref<10240x128xf32, #tpu.memory_space<vmem_shared>> -> memref<10240x128xf32, #tpu.memory_space<vmem_shared>>
        tpu.wait_indirect_dma semaphore(%run_scoped3A_452 : memref<!tpu.dma_semaphore, #tpu.memory_space<semaphore_mem>>) src(%arg11 : memref<128x128xf32, #tpu.memory_space<vmem>>) dst(%dma_wait3A_464 : memref<10240x128xf32, #tpu.memory_space<vmem_shared>>)
        tpu.yield
      }) : () -> ()
      %dma_wait3A_242 = arith.constant 1 : i32
      %dma_wait3A_243 = arith.constant 0 : i32
      %dma_wait3A_244 = arith.constant 0 : i32
      %dma_wait3A_245 = tpu.memref_slice %arg3[%add3A, %dma_wait3A_242, %dma_wait3A_243, %dma_wait3A_244] : memref<32x10x8x128xi32, #tpu.memory_space<hbm>> -> memref<1x1x8x128xi32, #tpu.memory_space<hbm>>
      %dma_wait3A_246 = tpu.memref_squeeze %dma_wait3A_245 : memref<1x1x8x128xi32, #tpu.memory_space<hbm>> -> memref<8x128xi32, #tpu.memory_space<hbm>>
      %dma_wait3A_247 = arith.constant 0 : i32
      %dma_wait3A_248 = arith.constant 0 : i32
      %dma_wait3A_249 = tpu.memref_slice %arg3[%add3A, %dma_wait3A_242, %dma_wait3A_247, %dma_wait3A_248] : memref<32x10x8x128xi32, #tpu.memory_space<hbm>> -> memref<1x1x8x128xi32, #tpu.memory_space<hbm>>
      %dma_wait3A_250 = tpu.memref_squeeze %dma_wait3A_249 : memref<1x1x8x128xi32, #tpu.memory_space<hbm>> -> memref<8x128xi32, #tpu.memory_space<hbm>>
      tpu.wait_dma2 semaphore(%arg17 : memref<!tpu.dma_semaphore, #tpu.memory_space<semaphore_mem>>) src(%dma_wait3A_250 : memref<8x128xi32, #tpu.memory_space<hbm>>) dst(%arg9 : memref<8x128xi32, #tpu.memory_space<vmem>>)
      %dma_wait3A_251 = arith.constant 1 : i32
      %dma_wait3A_252 = arith.constant 0 : i32
      %dma_wait3A_253 = arith.constant 0 : i32
      %dma_wait3A_254 = tpu.memref_slice %arg4[%add3A, %dma_wait3A_251, %dma_wait3A_252, %dma_wait3A_253] : memref<32x10x8x128xi32, #tpu.memory_space<hbm>> -> memref<1x1x8x128xi32, #tpu.memory_space<hbm>>
      %dma_wait3A_255 = tpu.memref_squeeze %dma_wait3A_254 : memref<1x1x8x128xi32, #tpu.memory_space<hbm>> -> memref<8x128xi32, #tpu.memory_space<hbm>>
      %dma_wait3A_256 = arith.constant 0 : i32
      %dma_wait3A_257 = arith.constant 0 : i32
      %dma_wait3A_258 = tpu.memref_slice %arg4[%add3A, %dma_wait3A_251, %dma_wait3A_256, %dma_wait3A_257] : memref<32x10x8x128xi32, #tpu.memory_space<hbm>> -> memref<1x1x8x128xi32, #tpu.memory_space<hbm>>
      %dma_wait3A_259 = tpu.memref_squeeze %dma_wait3A_258 : memref<1x1x8x128xi32, #tpu.memory_space<hbm>> -> memref<8x128xi32, #tpu.memory_space<hbm>>
      tpu.wait_dma2 semaphore(%arg17 : memref<!tpu.dma_semaphore, #tpu.memory_space<semaphore_mem>>) src(%dma_wait3A_259 : memref<8x128xi32, #tpu.memory_space<hbm>>) dst(%arg10 : memref<8x128xi32, #tpu.memory_space<vmem>>)
      %dma_start3A_260 = arith.constant 0 : i32
      %dma_start3A_261 = arith.constant 0 : i32
      %dma_start3A_262 = tpu.memref_slice %arg9[%dma_start3A_260, %dma_start3A_261] : memref<8x128xi32, #tpu.memory_space<vmem>> -> memref<1x128xi32, #tpu.memory_space<vmem>>
      %dma_start3A_263 = tpu.memref_squeeze %dma_start3A_262 : memref<1x128xi32, #tpu.memory_space<vmem>> -> memref<128xi32, #tpu.memory_space<vmem>>
      %dma_start3A_264 = arith.constant 0 : i32
      %dma_start3A_265 = arith.constant 0 : i32
      %dma_start3A_266 = tpu.memref_slice %arg2[%dma_start3A_264, %dma_start3A_265] : memref<10240x128xf32, #tpu.memory_space<hbm>> -> memref<10240x128xf32, #tpu.memory_space<hbm>>
      tpu.enqueue_indirect_dma source(%dma_start3A_266 : memref<10240x128xf32, #tpu.memory_space<hbm>>) target(%arg11 : memref<128x128xf32, #tpu.memory_space<vmem>>) offsets(%dma_start3A_263 : memref<128xi32, #tpu.memory_space<vmem>>) semaphore(%arg14 : memref<!tpu.dma_semaphore, #tpu.memory_space<semaphore_mem>>)
      %dma_wait3A_267 = arith.constant 7 : i32
      %dma_wait3A_268 = arith.constant 0 : i32
      %dma_wait3A_269 = tpu.memref_slice %arg7[%dma_wait3A_267, %dma_wait3A_268] : memref<8x128xi32, #tpu.memory_space<vmem>> -> memref<1x128xi32, #tpu.memory_space<vmem>>
      %dma_wait3A_270 = tpu.memref_squeeze %dma_wait3A_269 : memref<1x128xi32, #tpu.memory_space<vmem>> -> memref<128xi32, #tpu.memory_space<vmem>>
      %dma_wait3A_271 = arith.constant 0 : i32
      %dma_wait3A_272 = arith.constant 0 : i32
      %dma_wait3A_273 = tpu.memref_slice %arg2[%dma_wait3A_271, %dma_wait3A_272] : memref<10240x128xf32, #tpu.memory_space<hbm>> -> memref<10240x128xf32, #tpu.memory_space<hbm>>
      tpu.wait_indirect_dma semaphore(%arg15 : memref<!tpu.dma_semaphore, #tpu.memory_space<semaphore_mem>>) src(%dma_wait3A_273 : memref<10240x128xf32, #tpu.memory_space<hbm>>) dst(%arg12 : memref<128x128xf32, #tpu.memory_space<vmem>>)
      %run_scoped3A_274 = arith.constant 7 : i32
      "tpu.region"() ({
        %run_scoped3A_452 = tpu.sem_alloc : memref<!tpu.dma_semaphore, #tpu.memory_space<semaphore_mem>>
        %dma_start3A_453 = arith.constant 0 : i32
        %dma_start3A_454 = tpu.memref_slice %arg8[%run_scoped3A_274, %dma_start3A_453] : memref<8x128xi32, #tpu.memory_space<vmem>> -> memref<1x128xi32, #tpu.memory_space<vmem>>
        %dma_start3A_455 = tpu.memref_squeeze %dma_start3A_454 : memref<1x128xi32, #tpu.memory_space<vmem>> -> memref<128xi32, #tpu.memory_space<vmem>>
        %dma_start3A_456 = arith.constant 0 : i32
        %dma_start3A_457 = arith.constant 0 : i32
        %dma_start3A_458 = tpu.memref_slice %arg13[%dma_start3A_456, %dma_start3A_457] : memref<10240x128xf32, #tpu.memory_space<vmem_shared>> -> memref<10240x128xf32, #tpu.memory_space<vmem_shared>>
        tpu.enqueue_indirect_dma source(%arg12 : memref<128x128xf32, #tpu.memory_space<vmem>>) target(%dma_start3A_458 : memref<10240x128xf32, #tpu.memory_space<vmem_shared>>) offsets(%dma_start3A_455 : memref<128xi32, #tpu.memory_space<vmem>>) semaphore(%run_scoped3A_452 : memref<!tpu.dma_semaphore, #tpu.memory_space<semaphore_mem>>) {add = true}
        %dma_wait3A_459 = arith.constant 0 : i32
        %dma_wait3A_460 = tpu.memref_slice %arg8[%run_scoped3A_274, %dma_wait3A_459] : memref<8x128xi32, #tpu.memory_space<vmem>> -> memref<1x128xi32, #tpu.memory_space<vmem>>
        %dma_wait3A_461 = tpu.memref_squeeze %dma_wait3A_460 : memref<1x128xi32, #tpu.memory_space<vmem>> -> memref<128xi32, #tpu.memory_space<vmem>>
        %dma_wait3A_462 = arith.constant 0 : i32
        %dma_wait3A_463 = arith.constant 0 : i32
        %dma_wait3A_464 = tpu.memref_slice %arg13[%dma_wait3A_462, %dma_wait3A_463] : memref<10240x128xf32, #tpu.memory_space<vmem_shared>> -> memref<10240x128xf32, #tpu.memory_space<vmem_shared>>
        tpu.wait_indirect_dma semaphore(%run_scoped3A_452 : memref<!tpu.dma_semaphore, #tpu.memory_space<semaphore_mem>>) src(%arg12 : memref<128x128xf32, #tpu.memory_space<vmem>>) dst(%dma_wait3A_464 : memref<10240x128xf32, #tpu.memory_space<vmem_shared>>)
        tpu.yield
      }) : () -> ()
      %dma_start3A_275 = arith.constant 1 : i32
      %dma_start3A_276 = arith.constant 0 : i32
      %dma_start3A_277 = tpu.memref_slice %arg9[%dma_start3A_275, %dma_start3A_276] : memref<8x128xi32, #tpu.memory_space<vmem>> -> memref<1x128xi32, #tpu.memory_space<vmem>>
      %dma_start3A_278 = tpu.memref_squeeze %dma_start3A_277 : memref<1x128xi32, #tpu.memory_space<vmem>> -> memref<128xi32, #tpu.memory_space<vmem>>
      %dma_start3A_279 = arith.constant 0 : i32
      %dma_start3A_280 = arith.constant 0 : i32
      %dma_start3A_281 = tpu.memref_slice %arg2[%dma_start3A_279, %dma_start3A_280] : memref<10240x128xf32, #tpu.memory_space<hbm>> -> memref<10240x128xf32, #tpu.memory_space<hbm>>
      tpu.enqueue_indirect_dma source(%dma_start3A_281 : memref<10240x128xf32, #tpu.memory_space<hbm>>) target(%arg12 : memref<128x128xf32, #tpu.memory_space<vmem>>) offsets(%dma_start3A_278 : memref<128xi32, #tpu.memory_space<vmem>>) semaphore(%arg15 : memref<!tpu.dma_semaphore, #tpu.memory_space<semaphore_mem>>)
      %dma_start3A_282 = arith.constant 0 : i32
      %dma_start3A_283 = arith.constant 0 : i32
      %dma_start3A_284 = tpu.memref_slice %arg3[%add3A, %select_n3A_124, %dma_start3A_282, %dma_start3A_283] : memref<32x10x8x128xi32, #tpu.memory_space<hbm>> -> memref<1x1x8x128xi32, #tpu.memory_space<hbm>>
      %dma_start3A_285 = tpu.memref_squeeze %dma_start3A_284 : memref<1x1x8x128xi32, #tpu.memory_space<hbm>> -> memref<8x128xi32, #tpu.memory_space<hbm>>
      %dma_start3A_286 = arith.constant 0 : i32
      %dma_start3A_287 = arith.constant 0 : i32
      %dma_start3A_288 = tpu.memref_slice %arg3[%add3A, %select_n3A_124, %dma_start3A_286, %dma_start3A_287] : memref<32x10x8x128xi32, #tpu.memory_space<hbm>> -> memref<1x1x8x128xi32, #tpu.memory_space<hbm>>
      %dma_start3A_289 = tpu.memref_squeeze %dma_start3A_288 : memref<1x1x8x128xi32, #tpu.memory_space<hbm>> -> memref<8x128xi32, #tpu.memory_space<hbm>>
      tpu.enqueue_dma source(%dma_start3A_289 : memref<8x128xi32, #tpu.memory_space<hbm>>) target(%arg7 : memref<8x128xi32, #tpu.memory_space<vmem>>) target_semaphore(%arg16 : memref<!tpu.dma_semaphore, #tpu.memory_space<semaphore_mem>>)
      %dma_start3A_290 = arith.constant 0 : i32
      %dma_start3A_291 = arith.constant 0 : i32
      %dma_start3A_292 = tpu.memref_slice %arg4[%add3A, %select_n3A_124, %dma_start3A_290, %dma_start3A_291] : memref<32x10x8x128xi32, #tpu.memory_space<hbm>> -> memref<1x1x8x128xi32, #tpu.memory_space<hbm>>
      %dma_start3A_293 = tpu.memref_squeeze %dma_start3A_292 : memref<1x1x8x128xi32, #tpu.memory_space<hbm>> -> memref<8x128xi32, #tpu.memory_space<hbm>>
      %dma_start3A_294 = arith.constant 0 : i32
      %dma_start3A_295 = arith.constant 0 : i32
      %dma_start3A_296 = tpu.memref_slice %arg4[%add3A, %select_n3A_124, %dma_start3A_294, %dma_start3A_295] : memref<32x10x8x128xi32, #tpu.memory_space<hbm>> -> memref<1x1x8x128xi32, #tpu.memory_space<hbm>>
      %dma_start3A_297 = tpu.memref_squeeze %dma_start3A_296 : memref<1x1x8x128xi32, #tpu.memory_space<hbm>> -> memref<8x128xi32, #tpu.memory_space<hbm>>
      tpu.enqueue_dma source(%dma_start3A_297 : memref<8x128xi32, #tpu.memory_space<hbm>>) target(%arg8 : memref<8x128xi32, #tpu.memory_space<vmem>>) target_semaphore(%arg16 : memref<!tpu.dma_semaphore, #tpu.memory_space<semaphore_mem>>)
      %dma_wait3A_298 = arith.constant 0 : i32
      %dma_wait3A_299 = arith.constant 0 : i32
      %dma_wait3A_300 = tpu.memref_slice %arg9[%dma_wait3A_298, %dma_wait3A_299] : memref<8x128xi32, #tpu.memory_space<vmem>> -> memref<1x128xi32, #tpu.memory_space<vmem>>
      %dma_wait3A_301 = tpu.memref_squeeze %dma_wait3A_300 : memref<1x128xi32, #tpu.memory_space<vmem>> -> memref<128xi32, #tpu.memory_space<vmem>>
      %dma_wait3A_302 = arith.constant 0 : i32
      %dma_wait3A_303 = arith.constant 0 : i32
      %dma_wait3A_304 = tpu.memref_slice %arg2[%dma_wait3A_302, %dma_wait3A_303] : memref<10240x128xf32, #tpu.memory_space<hbm>> -> memref<10240x128xf32, #tpu.memory_space<hbm>>
      tpu.wait_indirect_dma semaphore(%arg14 : memref<!tpu.dma_semaphore, #tpu.memory_space<semaphore_mem>>) src(%dma_wait3A_304 : memref<10240x128xf32, #tpu.memory_space<hbm>>) dst(%arg11 : memref<128x128xf32, #tpu.memory_space<vmem>>)
      %run_scoped3A_305 = arith.constant 0 : i32
      "tpu.region"() ({
        %run_scoped3A_452 = tpu.sem_alloc : memref<!tpu.dma_semaphore, #tpu.memory_space<semaphore_mem>>
        %dma_start3A_453 = arith.constant 0 : i32
        %dma_start3A_454 = tpu.memref_slice %arg10[%run_scoped3A_305, %dma_start3A_453] : memref<8x128xi32, #tpu.memory_space<vmem>> -> memref<1x128xi32, #tpu.memory_space<vmem>>
        %dma_start3A_455 = tpu.memref_squeeze %dma_start3A_454 : memref<1x128xi32, #tpu.memory_space<vmem>> -> memref<128xi32, #tpu.memory_space<vmem>>
        %dma_start3A_456 = arith.constant 0 : i32
        %dma_start3A_457 = arith.constant 0 : i32
        %dma_start3A_458 = tpu.memref_slice %arg13[%dma_start3A_456, %dma_start3A_457] : memref<10240x128xf32, #tpu.memory_space<vmem_shared>> -> memref<10240x128xf32, #tpu.memory_space<vmem_shared>>
        tpu.enqueue_indirect_dma source(%arg11 : memref<128x128xf32, #tpu.memory_space<vmem>>) target(%dma_start3A_458 : memref<10240x128xf32, #tpu.memory_space<vmem_shared>>) offsets(%dma_start3A_455 : memref<128xi32, #tpu.memory_space<vmem>>) semaphore(%run_scoped3A_452 : memref<!tpu.dma_semaphore, #tpu.memory_space<semaphore_mem>>) {add = true}
        %dma_wait3A_459 = arith.constant 0 : i32
        %dma_wait3A_460 = tpu.memref_slice %arg10[%run_scoped3A_305, %dma_wait3A_459] : memref<8x128xi32, #tpu.memory_space<vmem>> -> memref<1x128xi32, #tpu.memory_space<vmem>>
        %dma_wait3A_461 = tpu.memref_squeeze %dma_wait3A_460 : memref<1x128xi32, #tpu.memory_space<vmem>> -> memref<128xi32, #tpu.memory_space<vmem>>
        %dma_wait3A_462 = arith.constant 0 : i32
        %dma_wait3A_463 = arith.constant 0 : i32
        %dma_wait3A_464 = tpu.memref_slice %arg13[%dma_wait3A_462, %dma_wait3A_463] : memref<10240x128xf32, #tpu.memory_space<vmem_shared>> -> memref<10240x128xf32, #tpu.memory_space<vmem_shared>>
        tpu.wait_indirect_dma semaphore(%run_scoped3A_452 : memref<!tpu.dma_semaphore, #tpu.memory_space<semaphore_mem>>) src(%arg11 : memref<128x128xf32, #tpu.memory_space<vmem>>) dst(%dma_wait3A_464 : memref<10240x128xf32, #tpu.memory_space<vmem_shared>>)
        tpu.yield
      }) : () -> ()
      %dma_start3A_306 = arith.constant 2 : i32
      %dma_start3A_307 = arith.constant 0 : i32
      %dma_start3A_308 = tpu.memref_slice %arg9[%dma_start3A_306, %dma_start3A_307] : memref<8x128xi32, #tpu.memory_space<vmem>> -> memref<1x128xi32, #tpu.memory_space<vmem>>
      %dma_start3A_309 = tpu.memref_squeeze %dma_start3A_308 : memref<1x128xi32, #tpu.memory_space<vmem>> -> memref<128xi32, #tpu.memory_space<vmem>>
      %dma_start3A_310 = arith.constant 0 : i32
      %dma_start3A_311 = arith.constant 0 : i32
      %dma_start3A_312 = tpu.memref_slice %arg2[%dma_start3A_310, %dma_start3A_311] : memref<10240x128xf32, #tpu.memory_space<hbm>> -> memref<10240x128xf32, #tpu.memory_space<hbm>>
      tpu.enqueue_indirect_dma source(%dma_start3A_312 : memref<10240x128xf32, #tpu.memory_space<hbm>>) target(%arg11 : memref<128x128xf32, #tpu.memory_space<vmem>>) offsets(%dma_start3A_309 : memref<128xi32, #tpu.memory_space<vmem>>) semaphore(%arg14 : memref<!tpu.dma_semaphore, #tpu.memory_space<semaphore_mem>>)
      %dma_wait3A_313 = arith.constant 1 : i32
      %dma_wait3A_314 = arith.constant 0 : i32
      %dma_wait3A_315 = tpu.memref_slice %arg9[%dma_wait3A_313, %dma_wait3A_314] : memref<8x128xi32, #tpu.memory_space<vmem>> -> memref<1x128xi32, #tpu.memory_space<vmem>>
      %dma_wait3A_316 = tpu.memref_squeeze %dma_wait3A_315 : memref<1x128xi32, #tpu.memory_space<vmem>> -> memref<128xi32, #tpu.memory_space<vmem>>
      %dma_wait3A_317 = arith.constant 0 : i32
      %dma_wait3A_318 = arith.constant 0 : i32
      %dma_wait3A_319 = tpu.memref_slice %arg2[%dma_wait3A_317, %dma_wait3A_318] : memref<10240x128xf32, #tpu.memory_space<hbm>> -> memref<10240x128xf32, #tpu.memory_space<hbm>>
      tpu.wait_indirect_dma semaphore(%arg15 : memref<!tpu.dma_semaphore, #tpu.memory_space<semaphore_mem>>) src(%dma_wait3A_319 : memref<10240x128xf32, #tpu.memory_space<hbm>>) dst(%arg12 : memref<128x128xf32, #tpu.memory_space<vmem>>)
      %run_scoped3A_320 = arith.constant 1 : i32
      "tpu.region"() ({
        %run_scoped3A_452 = tpu.sem_alloc : memref<!tpu.dma_semaphore, #tpu.memory_space<semaphore_mem>>
        %dma_start3A_453 = arith.constant 0 : i32
        %dma_start3A_454 = tpu.memref_slice %arg10[%run_scoped3A_320, %dma_start3A_453] : memref<8x128xi32, #tpu.memory_space<vmem>> -> memref<1x128xi32, #tpu.memory_space<vmem>>
        %dma_start3A_455 = tpu.memref_squeeze %dma_start3A_454 : memref<1x128xi32, #tpu.memory_space<vmem>> -> memref<128xi32, #tpu.memory_space<vmem>>
        %dma_start3A_456 = arith.constant 0 : i32
        %dma_start3A_457 = arith.constant 0 : i32
        %dma_start3A_458 = tpu.memref_slice %arg13[%dma_start3A_456, %dma_start3A_457] : memref<10240x128xf32, #tpu.memory_space<vmem_shared>> -> memref<10240x128xf32, #tpu.memory_space<vmem_shared>>
        tpu.enqueue_indirect_dma source(%arg12 : memref<128x128xf32, #tpu.memory_space<vmem>>) target(%dma_start3A_458 : memref<10240x128xf32, #tpu.memory_space<vmem_shared>>) offsets(%dma_start3A_455 : memref<128xi32, #tpu.memory_space<vmem>>) semaphore(%run_scoped3A_452 : memref<!tpu.dma_semaphore, #tpu.memory_space<semaphore_mem>>) {add = true}
        %dma_wait3A_459 = arith.constant 0 : i32
        %dma_wait3A_460 = tpu.memref_slice %arg10[%run_scoped3A_320, %dma_wait3A_459] : memref<8x128xi32, #tpu.memory_space<vmem>> -> memref<1x128xi32, #tpu.memory_space<vmem>>
        %dma_wait3A_461 = tpu.memref_squeeze %dma_wait3A_460 : memref<1x128xi32, #tpu.memory_space<vmem>> -> memref<128xi32, #tpu.memory_space<vmem>>
        %dma_wait3A_462 = arith.constant 0 : i32
        %dma_wait3A_463 = arith.constant 0 : i32
        %dma_wait3A_464 = tpu.memref_slice %arg13[%dma_wait3A_462, %dma_wait3A_463] : memref<10240x128xf32, #tpu.memory_space<vmem_shared>> -> memref<10240x128xf32, #tpu.memory_space<vmem_shared>>
        tpu.wait_indirect_dma semaphore(%run_scoped3A_452 : memref<!tpu.dma_semaphore, #tpu.memory_space<semaphore_mem>>) src(%arg12 : memref<128x128xf32, #tpu.memory_space<vmem>>) dst(%dma_wait3A_464 : memref<10240x128xf32, #tpu.memory_space<vmem_shared>>)
        tpu.yield
      }) : () -> ()
      %dma_start3A_321 = arith.constant 3 : i32
      %dma_start3A_322 = arith.constant 0 : i32
      %dma_start3A_323 = tpu.memref_slice %arg9[%dma_start3A_321, %dma_start3A_322] : memref<8x128xi32, #tpu.memory_space<vmem>> -> memref<1x128xi32, #tpu.memory_space<vmem>>
      %dma_start3A_324 = tpu.memref_squeeze %dma_start3A_323 : memref<1x128xi32, #tpu.memory_space<vmem>> -> memref<128xi32, #tpu.memory_space<vmem>>
      %dma_start3A_325 = arith.constant 0 : i32
      %dma_start3A_326 = arith.constant 0 : i32
      %dma_start3A_327 = tpu.memref_slice %arg2[%dma_start3A_325, %dma_start3A_326] : memref<10240x128xf32, #tpu.memory_space<hbm>> -> memref<10240x128xf32, #tpu.memory_space<hbm>>
      tpu.enqueue_indirect_dma source(%dma_start3A_327 : memref<10240x128xf32, #tpu.memory_space<hbm>>) target(%arg12 : memref<128x128xf32, #tpu.memory_space<vmem>>) offsets(%dma_start3A_324 : memref<128xi32, #tpu.memory_space<vmem>>) semaphore(%arg15 : memref<!tpu.dma_semaphore, #tpu.memory_space<semaphore_mem>>)
      %dma_wait3A_328 = arith.constant 2 : i32
      %dma_wait3A_329 = arith.constant 0 : i32
      %dma_wait3A_330 = tpu.memref_slice %arg9[%dma_wait3A_328, %dma_wait3A_329] : memref<8x128xi32, #tpu.memory_space<vmem>> -> memref<1x128xi32, #tpu.memory_space<vmem>>
      %dma_wait3A_331 = tpu.memref_squeeze %dma_wait3A_330 : memref<1x128xi32, #tpu.memory_space<vmem>> -> memref<128xi32, #tpu.memory_space<vmem>>
      %dma_wait3A_332 = arith.constant 0 : i32
      %dma_wait3A_333 = arith.constant 0 : i32
      %dma_wait3A_334 = tpu.memref_slice %arg2[%dma_wait3A_332, %dma_wait3A_333] : memref<10240x128xf32, #tpu.memory_space<hbm>> -> memref<10240x128xf32, #tpu.memory_space<hbm>>
      tpu.wait_indirect_dma semaphore(%arg14 : memref<!tpu.dma_semaphore, #tpu.memory_space<semaphore_mem>>) src(%dma_wait3A_334 : memref<10240x128xf32, #tpu.memory_space<hbm>>) dst(%arg11 : memref<128x128xf32, #tpu.memory_space<vmem>>)
      %run_scoped3A_335 = arith.constant 2 : i32
      "tpu.region"() ({
        %run_scoped3A_452 = tpu.sem_alloc : memref<!tpu.dma_semaphore, #tpu.memory_space<semaphore_mem>>
        %dma_start3A_453 = arith.constant 0 : i32
        %dma_start3A_454 = tpu.memref_slice %arg10[%run_scoped3A_335, %dma_start3A_453] : memref<8x128xi32, #tpu.memory_space<vmem>> -> memref<1x128xi32, #tpu.memory_space<vmem>>
        %dma_start3A_455 = tpu.memref_squeeze %dma_start3A_454 : memref<1x128xi32, #tpu.memory_space<vmem>> -> memref<128xi32, #tpu.memory_space<vmem>>
        %dma_start3A_456 = arith.constant 0 : i32
        %dma_start3A_457 = arith.constant 0 : i32
        %dma_start3A_458 = tpu.memref_slice %arg13[%dma_start3A_456, %dma_start3A_457] : memref<10240x128xf32, #tpu.memory_space<vmem_shared>> -> memref<10240x128xf32, #tpu.memory_space<vmem_shared>>
        tpu.enqueue_indirect_dma source(%arg11 : memref<128x128xf32, #tpu.memory_space<vmem>>) target(%dma_start3A_458 : memref<10240x128xf32, #tpu.memory_space<vmem_shared>>) offsets(%dma_start3A_455 : memref<128xi32, #tpu.memory_space<vmem>>) semaphore(%run_scoped3A_452 : memref<!tpu.dma_semaphore, #tpu.memory_space<semaphore_mem>>) {add = true}
        %dma_wait3A_459 = arith.constant 0 : i32
        %dma_wait3A_460 = tpu.memref_slice %arg10[%run_scoped3A_335, %dma_wait3A_459] : memref<8x128xi32, #tpu.memory_space<vmem>> -> memref<1x128xi32, #tpu.memory_space<vmem>>
        %dma_wait3A_461 = tpu.memref_squeeze %dma_wait3A_460 : memref<1x128xi32, #tpu.memory_space<vmem>> -> memref<128xi32, #tpu.memory_space<vmem>>
        %dma_wait3A_462 = arith.constant 0 : i32
        %dma_wait3A_463 = arith.constant 0 : i32
        %dma_wait3A_464 = tpu.memref_slice %arg13[%dma_wait3A_462, %dma_wait3A_463] : memref<10240x128xf32, #tpu.memory_space<vmem_shared>> -> memref<10240x128xf32, #tpu.memory_space<vmem_shared>>
        tpu.wait_indirect_dma semaphore(%run_scoped3A_452 : memref<!tpu.dma_semaphore, #tpu.memory_space<semaphore_mem>>) src(%arg11 : memref<128x128xf32, #tpu.memory_space<vmem>>) dst(%dma_wait3A_464 : memref<10240x128xf32, #tpu.memory_space<vmem_shared>>)
        tpu.yield
      }) : () -> ()
      %dma_start3A_336 = arith.constant 4 : i32
      %dma_start3A_337 = arith.constant 0 : i32
      %dma_start3A_338 = tpu.memref_slice %arg9[%dma_start3A_336, %dma_start3A_337] : memref<8x128xi32, #tpu.memory_space<vmem>> -> memref<1x128xi32, #tpu.memory_space<vmem>>
      %dma_start3A_339 = tpu.memref_squeeze %dma_start3A_338 : memref<1x128xi32, #tpu.memory_space<vmem>> -> memref<128xi32, #tpu.memory_space<vmem>>
      %dma_start3A_340 = arith.constant 0 : i32
      %dma_start3A_341 = arith.constant 0 : i32
      %dma_start3A_342 = tpu.memref_slice %arg2[%dma_start3A_340, %dma_start3A_341] : memref<10240x128xf32, #tpu.memory_space<hbm>> -> memref<10240x128xf32, #tpu.memory_space<hbm>>
      tpu.enqueue_indirect_dma source(%dma_start3A_342 : memref<10240x128xf32, #tpu.memory_space<hbm>>) target(%arg11 : memref<128x128xf32, #tpu.memory_space<vmem>>) offsets(%dma_start3A_339 : memref<128xi32, #tpu.memory_space<vmem>>) semaphore(%arg14 : memref<!tpu.dma_semaphore, #tpu.memory_space<semaphore_mem>>)
      %dma_wait3A_343 = arith.constant 3 : i32
      %dma_wait3A_344 = arith.constant 0 : i32
      %dma_wait3A_345 = tpu.memref_slice %arg9[%dma_wait3A_343, %dma_wait3A_344] : memref<8x128xi32, #tpu.memory_space<vmem>> -> memref<1x128xi32, #tpu.memory_space<vmem>>
      %dma_wait3A_346 = tpu.memref_squeeze %dma_wait3A_345 : memref<1x128xi32, #tpu.memory_space<vmem>> -> memref<128xi32, #tpu.memory_space<vmem>>
      %dma_wait3A_347 = arith.constant 0 : i32
      %dma_wait3A_348 = arith.constant 0 : i32
      %dma_wait3A_349 = tpu.memref_slice %arg2[%dma_wait3A_347, %dma_wait3A_348] : memref<10240x128xf32, #tpu.memory_space<hbm>> -> memref<10240x128xf32, #tpu.memory_space<hbm>>
      tpu.wait_indirect_dma semaphore(%arg15 : memref<!tpu.dma_semaphore, #tpu.memory_space<semaphore_mem>>) src(%dma_wait3A_349 : memref<10240x128xf32, #tpu.memory_space<hbm>>) dst(%arg12 : memref<128x128xf32, #tpu.memory_space<vmem>>)
      %run_scoped3A_350 = arith.constant 3 : i32
      "tpu.region"() ({
        %run_scoped3A_452 = tpu.sem_alloc : memref<!tpu.dma_semaphore, #tpu.memory_space<semaphore_mem>>
        %dma_start3A_453 = arith.constant 0 : i32
        %dma_start3A_454 = tpu.memref_slice %arg10[%run_scoped3A_350, %dma_start3A_453] : memref<8x128xi32, #tpu.memory_space<vmem>> -> memref<1x128xi32, #tpu.memory_space<vmem>>
        %dma_start3A_455 = tpu.memref_squeeze %dma_start3A_454 : memref<1x128xi32, #tpu.memory_space<vmem>> -> memref<128xi32, #tpu.memory_space<vmem>>
        %dma_start3A_456 = arith.constant 0 : i32
        %dma_start3A_457 = arith.constant 0 : i32
        %dma_start3A_458 = tpu.memref_slice %arg13[%dma_start3A_456, %dma_start3A_457] : memref<10240x128xf32, #tpu.memory_space<vmem_shared>> -> memref<10240x128xf32, #tpu.memory_space<vmem_shared>>
        tpu.enqueue_indirect_dma source(%arg12 : memref<128x128xf32, #tpu.memory_space<vmem>>) target(%dma_start3A_458 : memref<10240x128xf32, #tpu.memory_space<vmem_shared>>) offsets(%dma_start3A_455 : memref<128xi32, #tpu.memory_space<vmem>>) semaphore(%run_scoped3A_452 : memref<!tpu.dma_semaphore, #tpu.memory_space<semaphore_mem>>) {add = true}
        %dma_wait3A_459 = arith.constant 0 : i32
        %dma_wait3A_460 = tpu.memref_slice %arg10[%run_scoped3A_350, %dma_wait3A_459] : memref<8x128xi32, #tpu.memory_space<vmem>> -> memref<1x128xi32, #tpu.memory_space<vmem>>
        %dma_wait3A_461 = tpu.memref_squeeze %dma_wait3A_460 : memref<1x128xi32, #tpu.memory_space<vmem>> -> memref<128xi32, #tpu.memory_space<vmem>>
        %dma_wait3A_462 = arith.constant 0 : i32
        %dma_wait3A_463 = arith.constant 0 : i32
        %dma_wait3A_464 = tpu.memref_slice %arg13[%dma_wait3A_462, %dma_wait3A_463] : memref<10240x128xf32, #tpu.memory_space<vmem_shared>> -> memref<10240x128xf32, #tpu.memory_space<vmem_shared>>
        tpu.wait_indirect_dma semaphore(%run_scoped3A_452 : memref<!tpu.dma_semaphore, #tpu.memory_space<semaphore_mem>>) src(%arg12 : memref<128x128xf32, #tpu.memory_space<vmem>>) dst(%dma_wait3A_464 : memref<10240x128xf32, #tpu.memory_space<vmem_shared>>)
        tpu.yield
      }) : () -> ()
      %dma_start3A_351 = arith.constant 5 : i32
      %dma_start3A_352 = arith.constant 0 : i32
      %dma_start3A_353 = tpu.memref_slice %arg9[%dma_start3A_351, %dma_start3A_352] : memref<8x128xi32, #tpu.memory_space<vmem>> -> memref<1x128xi32, #tpu.memory_space<vmem>>
      %dma_start3A_354 = tpu.memref_squeeze %dma_start3A_353 : memref<1x128xi32, #tpu.memory_space<vmem>> -> memref<128xi32, #tpu.memory_space<vmem>>
      %dma_start3A_355 = arith.constant 0 : i32
      %dma_start3A_356 = arith.constant 0 : i32
      %dma_start3A_357 = tpu.memref_slice %arg2[%dma_start3A_355, %dma_start3A_356] : memref<10240x128xf32, #tpu.memory_space<hbm>> -> memref<10240x128xf32, #tpu.memory_space<hbm>>
      tpu.enqueue_indirect_dma source(%dma_start3A_357 : memref<10240x128xf32, #tpu.memory_space<hbm>>) target(%arg12 : memref<128x128xf32, #tpu.memory_space<vmem>>) offsets(%dma_start3A_354 : memref<128xi32, #tpu.memory_space<vmem>>) semaphore(%arg15 : memref<!tpu.dma_semaphore, #tpu.memory_space<semaphore_mem>>)
      %dma_wait3A_358 = arith.constant 4 : i32
      %dma_wait3A_359 = arith.constant 0 : i32
      %dma_wait3A_360 = tpu.memref_slice %arg9[%dma_wait3A_358, %dma_wait3A_359] : memref<8x128xi32, #tpu.memory_space<vmem>> -> memref<1x128xi32, #tpu.memory_space<vmem>>
      %dma_wait3A_361 = tpu.memref_squeeze %dma_wait3A_360 : memref<1x128xi32, #tpu.memory_space<vmem>> -> memref<128xi32, #tpu.memory_space<vmem>>
      %dma_wait3A_362 = arith.constant 0 : i32
      %dma_wait3A_363 = arith.constant 0 : i32
      %dma_wait3A_364 = tpu.memref_slice %arg2[%dma_wait3A_362, %dma_wait3A_363] : memref<10240x128xf32, #tpu.memory_space<hbm>> -> memref<10240x128xf32, #tpu.memory_space<hbm>>
      tpu.wait_indirect_dma semaphore(%arg14 : memref<!tpu.dma_semaphore, #tpu.memory_space<semaphore_mem>>) src(%dma_wait3A_364 : memref<10240x128xf32, #tpu.memory_space<hbm>>) dst(%arg11 : memref<128x128xf32, #tpu.memory_space<vmem>>)
      %run_scoped3A_365 = arith.constant 4 : i32
      "tpu.region"() ({
        %run_scoped3A_452 = tpu.sem_alloc : memref<!tpu.dma_semaphore, #tpu.memory_space<semaphore_mem>>
        %dma_start3A_453 = arith.constant 0 : i32
        %dma_start3A_454 = tpu.memref_slice %arg10[%run_scoped3A_365, %dma_start3A_453] : memref<8x128xi32, #tpu.memory_space<vmem>> -> memref<1x128xi32, #tpu.memory_space<vmem>>
        %dma_start3A_455 = tpu.memref_squeeze %dma_start3A_454 : memref<1x128xi32, #tpu.memory_space<vmem>> -> memref<128xi32, #tpu.memory_space<vmem>>
        %dma_start3A_456 = arith.constant 0 : i32
        %dma_start3A_457 = arith.constant 0 : i32
        %dma_start3A_458 = tpu.memref_slice %arg13[%dma_start3A_456, %dma_start3A_457] : memref<10240x128xf32, #tpu.memory_space<vmem_shared>> -> memref<10240x128xf32, #tpu.memory_space<vmem_shared>>
        tpu.enqueue_indirect_dma source(%arg11 : memref<128x128xf32, #tpu.memory_space<vmem>>) target(%dma_start3A_458 : memref<10240x128xf32, #tpu.memory_space<vmem_shared>>) offsets(%dma_start3A_455 : memref<128xi32, #tpu.memory_space<vmem>>) semaphore(%run_scoped3A_452 : memref<!tpu.dma_semaphore, #tpu.memory_space<semaphore_mem>>) {add = true}
        %dma_wait3A_459 = arith.constant 0 : i32
        %dma_wait3A_460 = tpu.memref_slice %arg10[%run_scoped3A_365, %dma_wait3A_459] : memref<8x128xi32, #tpu.memory_space<vmem>> -> memref<1x128xi32, #tpu.memory_space<vmem>>
        %dma_wait3A_461 = tpu.memref_squeeze %dma_wait3A_460 : memref<1x128xi32, #tpu.memory_space<vmem>> -> memref<128xi32, #tpu.memory_space<vmem>>
        %dma_wait3A_462 = arith.constant 0 : i32
        %dma_wait3A_463 = arith.constant 0 : i32
        %dma_wait3A_464 = tpu.memref_slice %arg13[%dma_wait3A_462, %dma_wait3A_463] : memref<10240x128xf32, #tpu.memory_space<vmem_shared>> -> memref<10240x128xf32, #tpu.memory_space<vmem_shared>>
        tpu.wait_indirect_dma semaphore(%run_scoped3A_452 : memref<!tpu.dma_semaphore, #tpu.memory_space<semaphore_mem>>) src(%arg11 : memref<128x128xf32, #tpu.memory_space<vmem>>) dst(%dma_wait3A_464 : memref<10240x128xf32, #tpu.memory_space<vmem_shared>>)
        tpu.yield
      }) : () -> ()
      %dma_start3A_366 = arith.constant 6 : i32
      %dma_start3A_367 = arith.constant 0 : i32
      %dma_start3A_368 = tpu.memref_slice %arg9[%dma_start3A_366, %dma_start3A_367] : memref<8x128xi32, #tpu.memory_space<vmem>> -> memref<1x128xi32, #tpu.memory_space<vmem>>
      %dma_start3A_369 = tpu.memref_squeeze %dma_start3A_368 : memref<1x128xi32, #tpu.memory_space<vmem>> -> memref<128xi32, #tpu.memory_space<vmem>>
      %dma_start3A_370 = arith.constant 0 : i32
      %dma_start3A_371 = arith.constant 0 : i32
      %dma_start3A_372 = tpu.memref_slice %arg2[%dma_start3A_370, %dma_start3A_371] : memref<10240x128xf32, #tpu.memory_space<hbm>> -> memref<10240x128xf32, #tpu.memory_space<hbm>>
      tpu.enqueue_indirect_dma source(%dma_start3A_372 : memref<10240x128xf32, #tpu.memory_space<hbm>>) target(%arg11 : memref<128x128xf32, #tpu.memory_space<vmem>>) offsets(%dma_start3A_369 : memref<128xi32, #tpu.memory_space<vmem>>) semaphore(%arg14 : memref<!tpu.dma_semaphore, #tpu.memory_space<semaphore_mem>>)
      %dma_wait3A_373 = arith.constant 5 : i32
      %dma_wait3A_374 = arith.constant 0 : i32
      %dma_wait3A_375 = tpu.memref_slice %arg9[%dma_wait3A_373, %dma_wait3A_374] : memref<8x128xi32, #tpu.memory_space<vmem>> -> memref<1x128xi32, #tpu.memory_space<vmem>>
      %dma_wait3A_376 = tpu.memref_squeeze %dma_wait3A_375 : memref<1x128xi32, #tpu.memory_space<vmem>> -> memref<128xi32, #tpu.memory_space<vmem>>
      %dma_wait3A_377 = arith.constant 0 : i32
      %dma_wait3A_378 = arith.constant 0 : i32
      %dma_wait3A_379 = tpu.memref_slice %arg2[%dma_wait3A_377, %dma_wait3A_378] : memref<10240x128xf32, #tpu.memory_space<hbm>> -> memref<10240x128xf32, #tpu.memory_space<hbm>>
      tpu.wait_indirect_dma semaphore(%arg15 : memref<!tpu.dma_semaphore, #tpu.memory_space<semaphore_mem>>) src(%dma_wait3A_379 : memref<10240x128xf32, #tpu.memory_space<hbm>>) dst(%arg12 : memref<128x128xf32, #tpu.memory_space<vmem>>)
      %run_scoped3A_380 = arith.constant 5 : i32
      "tpu.region"() ({
        %run_scoped3A_452 = tpu.sem_alloc : memref<!tpu.dma_semaphore, #tpu.memory_space<semaphore_mem>>
        %dma_start3A_453 = arith.constant 0 : i32
        %dma_start3A_454 = tpu.memref_slice %arg10[%run_scoped3A_380, %dma_start3A_453] : memref<8x128xi32, #tpu.memory_space<vmem>> -> memref<1x128xi32, #tpu.memory_space<vmem>>
        %dma_start3A_455 = tpu.memref_squeeze %dma_start3A_454 : memref<1x128xi32, #tpu.memory_space<vmem>> -> memref<128xi32, #tpu.memory_space<vmem>>
        %dma_start3A_456 = arith.constant 0 : i32
        %dma_start3A_457 = arith.constant 0 : i32
        %dma_start3A_458 = tpu.memref_slice %arg13[%dma_start3A_456, %dma_start3A_457] : memref<10240x128xf32, #tpu.memory_space<vmem_shared>> -> memref<10240x128xf32, #tpu.memory_space<vmem_shared>>
        tpu.enqueue_indirect_dma source(%arg12 : memref<128x128xf32, #tpu.memory_space<vmem>>) target(%dma_start3A_458 : memref<10240x128xf32, #tpu.memory_space<vmem_shared>>) offsets(%dma_start3A_455 : memref<128xi32, #tpu.memory_space<vmem>>) semaphore(%run_scoped3A_452 : memref<!tpu.dma_semaphore, #tpu.memory_space<semaphore_mem>>) {add = true}
        %dma_wait3A_459 = arith.constant 0 : i32
        %dma_wait3A_460 = tpu.memref_slice %arg10[%run_scoped3A_380, %dma_wait3A_459] : memref<8x128xi32, #tpu.memory_space<vmem>> -> memref<1x128xi32, #tpu.memory_space<vmem>>
        %dma_wait3A_461 = tpu.memref_squeeze %dma_wait3A_460 : memref<1x128xi32, #tpu.memory_space<vmem>> -> memref<128xi32, #tpu.memory_space<vmem>>
        %dma_wait3A_462 = arith.constant 0 : i32
        %dma_wait3A_463 = arith.constant 0 : i32
        %dma_wait3A_464 = tpu.memref_slice %arg13[%dma_wait3A_462, %dma_wait3A_463] : memref<10240x128xf32, #tpu.memory_space<vmem_shared>> -> memref<10240x128xf32, #tpu.memory_space<vmem_shared>>
        tpu.wait_indirect_dma semaphore(%run_scoped3A_452 : memref<!tpu.dma_semaphore, #tpu.memory_space<semaphore_mem>>) src(%arg12 : memref<128x128xf32, #tpu.memory_space<vmem>>) dst(%dma_wait3A_464 : memref<10240x128xf32, #tpu.memory_space<vmem_shared>>)
        tpu.yield
      }) : () -> ()
      %dma_start3A_381 = arith.constant 7 : i32
      %dma_start3A_382 = arith.constant 0 : i32
      %dma_start3A_383 = tpu.memref_slice %arg9[%dma_start3A_381, %dma_start3A_382] : memref<8x128xi32, #tpu.memory_space<vmem>> -> memref<1x128xi32, #tpu.memory_space<vmem>>
      %dma_start3A_384 = tpu.memref_squeeze %dma_start3A_383 : memref<1x128xi32, #tpu.memory_space<vmem>> -> memref<128xi32, #tpu.memory_space<vmem>>
      %dma_start3A_385 = arith.constant 0 : i32
      %dma_start3A_386 = arith.constant 0 : i32
      %dma_start3A_387 = tpu.memref_slice %arg2[%dma_start3A_385, %dma_start3A_386] : memref<10240x128xf32, #tpu.memory_space<hbm>> -> memref<10240x128xf32, #tpu.memory_space<hbm>>
      tpu.enqueue_indirect_dma source(%dma_start3A_387 : memref<10240x128xf32, #tpu.memory_space<hbm>>) target(%arg12 : memref<128x128xf32, #tpu.memory_space<vmem>>) offsets(%dma_start3A_384 : memref<128xi32, #tpu.memory_space<vmem>>) semaphore(%arg15 : memref<!tpu.dma_semaphore, #tpu.memory_space<semaphore_mem>>)
      %dma_wait3A_388 = arith.constant 6 : i32
      %dma_wait3A_389 = arith.constant 0 : i32
      %dma_wait3A_390 = tpu.memref_slice %arg9[%dma_wait3A_388, %dma_wait3A_389] : memref<8x128xi32, #tpu.memory_space<vmem>> -> memref<1x128xi32, #tpu.memory_space<vmem>>
      %dma_wait3A_391 = tpu.memref_squeeze %dma_wait3A_390 : memref<1x128xi32, #tpu.memory_space<vmem>> -> memref<128xi32, #tpu.memory_space<vmem>>
      %dma_wait3A_392 = arith.constant 0 : i32
      %dma_wait3A_393 = arith.constant 0 : i32
      %dma_wait3A_394 = tpu.memref_slice %arg2[%dma_wait3A_392, %dma_wait3A_393] : memref<10240x128xf32, #tpu.memory_space<hbm>> -> memref<10240x128xf32, #tpu.memory_space<hbm>>
      tpu.wait_indirect_dma semaphore(%arg14 : memref<!tpu.dma_semaphore, #tpu.memory_space<semaphore_mem>>) src(%dma_wait3A_394 : memref<10240x128xf32, #tpu.memory_space<hbm>>) dst(%arg11 : memref<128x128xf32, #tpu.memory_space<vmem>>)
      %run_scoped3A_395 = arith.constant 6 : i32
      "tpu.region"() ({
        %run_scoped3A_452 = tpu.sem_alloc : memref<!tpu.dma_semaphore, #tpu.memory_space<semaphore_mem>>
        %dma_start3A_453 = arith.constant 0 : i32
        %dma_start3A_454 = tpu.memref_slice %arg10[%run_scoped3A_395, %dma_start3A_453] : memref<8x128xi32, #tpu.memory_space<vmem>> -> memref<1x128xi32, #tpu.memory_space<vmem>>
        %dma_start3A_455 = tpu.memref_squeeze %dma_start3A_454 : memref<1x128xi32, #tpu.memory_space<vmem>> -> memref<128xi32, #tpu.memory_space<vmem>>
        %dma_start3A_456 = arith.constant 0 : i32
        %dma_start3A_457 = arith.constant 0 : i32
        %dma_start3A_458 = tpu.memref_slice %arg13[%dma_start3A_456, %dma_start3A_457] : memref<10240x128xf32, #tpu.memory_space<vmem_shared>> -> memref<10240x128xf32, #tpu.memory_space<vmem_shared>>
        tpu.enqueue_indirect_dma source(%arg11 : memref<128x128xf32, #tpu.memory_space<vmem>>) target(%dma_start3A_458 : memref<10240x128xf32, #tpu.memory_space<vmem_shared>>) offsets(%dma_start3A_455 : memref<128xi32, #tpu.memory_space<vmem>>) semaphore(%run_scoped3A_452 : memref<!tpu.dma_semaphore, #tpu.memory_space<semaphore_mem>>) {add = true}
        %dma_wait3A_459 = arith.constant 0 : i32
        %dma_wait3A_460 = tpu.memref_slice %arg10[%run_scoped3A_395, %dma_wait3A_459] : memref<8x128xi32, #tpu.memory_space<vmem>> -> memref<1x128xi32, #tpu.memory_space<vmem>>
        %dma_wait3A_461 = tpu.memref_squeeze %dma_wait3A_460 : memref<1x128xi32, #tpu.memory_space<vmem>> -> memref<128xi32, #tpu.memory_space<vmem>>
        %dma_wait3A_462 = arith.constant 0 : i32
        %dma_wait3A_463 = arith.constant 0 : i32
        %dma_wait3A_464 = tpu.memref_slice %arg13[%dma_wait3A_462, %dma_wait3A_463] : memref<10240x128xf32, #tpu.memory_space<vmem_shared>> -> memref<10240x128xf32, #tpu.memory_space<vmem_shared>>
        tpu.wait_indirect_dma semaphore(%run_scoped3A_452 : memref<!tpu.dma_semaphore, #tpu.memory_space<semaphore_mem>>) src(%arg11 : memref<128x128xf32, #tpu.memory_space<vmem>>) dst(%dma_wait3A_464 : memref<10240x128xf32, #tpu.memory_space<vmem_shared>>)
        tpu.yield
      }) : () -> ()
      %dma_wait3A_396 = arith.constant 0 : i32
      %dma_wait3A_397 = arith.constant 0 : i32
      %dma_wait3A_398 = arith.constant 0 : i32
      %dma_wait3A_399 = tpu.memref_slice %arg3[%add3A, %dma_wait3A_396, %dma_wait3A_397, %dma_wait3A_398] : memref<32x10x8x128xi32, #tpu.memory_space<hbm>> -> memref<1x1x8x128xi32, #tpu.memory_space<hbm>>
      %dma_wait3A_400 = tpu.memref_squeeze %dma_wait3A_399 : memref<1x1x8x128xi32, #tpu.memory_space<hbm>> -> memref<8x128xi32, #tpu.memory_space<hbm>>
      %dma_wait3A_401 = arith.constant 0 : i32
      %dma_wait3A_402 = arith.constant 0 : i32
      %dma_wait3A_403 = tpu.memref_slice %arg3[%add3A, %dma_wait3A_396, %dma_wait3A_401, %dma_wait3A_402] : memref<32x10x8x128xi32, #tpu.memory_space<hbm>> -> memref<1x1x8x128xi32, #tpu.memory_space<hbm>>
      %dma_wait3A_404 = tpu.memref_squeeze %dma_wait3A_403 : memref<1x1x8x128xi32, #tpu.memory_space<hbm>> -> memref<8x128xi32, #tpu.memory_space<hbm>>
      tpu.wait_dma2 semaphore(%arg16 : memref<!tpu.dma_semaphore, #tpu.memory_space<semaphore_mem>>) src(%dma_wait3A_404 : memref<8x128xi32, #tpu.memory_space<hbm>>) dst(%arg7 : memref<8x128xi32, #tpu.memory_space<vmem>>)
      %dma_wait3A_405 = arith.constant 0 : i32
      %dma_wait3A_406 = arith.constant 0 : i32
      %dma_wait3A_407 = arith.constant 0 : i32
      %dma_wait3A_408 = tpu.memref_slice %arg4[%add3A, %dma_wait3A_405, %dma_wait3A_406, %dma_wait3A_407] : memref<32x10x8x128xi32, #tpu.memory_space<hbm>> -> memref<1x1x8x128xi32, #tpu.memory_space<hbm>>
      %dma_wait3A_409 = tpu.memref_squeeze %dma_wait3A_408 : memref<1x1x8x128xi32, #tpu.memory_space<hbm>> -> memref<8x128xi32, #tpu.memory_space<hbm>>
      %dma_wait3A_410 = arith.constant 0 : i32
      %dma_wait3A_411 = arith.constant 0 : i32
      %dma_wait3A_412 = tpu.memref_slice %arg4[%add3A, %dma_wait3A_405, %dma_wait3A_410, %dma_wait3A_411] : memref<32x10x8x128xi32, #tpu.memory_space<hbm>> -> memref<1x1x8x128xi32, #tpu.memory_space<hbm>>
      %dma_wait3A_413 = tpu.memref_squeeze %dma_wait3A_412 : memref<1x1x8x128xi32, #tpu.memory_space<hbm>> -> memref<8x128xi32, #tpu.memory_space<hbm>>
      tpu.wait_dma2 semaphore(%arg16 : memref<!tpu.dma_semaphore, #tpu.memory_space<semaphore_mem>>) src(%dma_wait3A_413 : memref<8x128xi32, #tpu.memory_space<hbm>>) dst(%arg8 : memref<8x128xi32, #tpu.memory_space<vmem>>)
      %dma_start3A_414 = arith.constant 0 : i32
      %dma_start3A_415 = arith.constant 0 : i32
      %dma_start3A_416 = tpu.memref_slice %arg7[%dma_start3A_414, %dma_start3A_415] : memref<8x128xi32, #tpu.memory_space<vmem>> -> memref<1x128xi32, #tpu.memory_space<vmem>>
      %dma_start3A_417 = tpu.memref_squeeze %dma_start3A_416 : memref<1x128xi32, #tpu.memory_space<vmem>> -> memref<128xi32, #tpu.memory_space<vmem>>
      %dma_start3A_418 = arith.constant 0 : i32
      %dma_start3A_419 = arith.constant 0 : i32
      %dma_start3A_420 = tpu.memref_slice %arg2[%dma_start3A_418, %dma_start3A_419] : memref<10240x128xf32, #tpu.memory_space<hbm>> -> memref<10240x128xf32, #tpu.memory_space<hbm>>
      tpu.enqueue_indirect_dma source(%dma_start3A_420 : memref<10240x128xf32, #tpu.memory_space<hbm>>) target(%arg11 : memref<128x128xf32, #tpu.memory_space<vmem>>) offsets(%dma_start3A_417 : memref<128xi32, #tpu.memory_space<vmem>>) semaphore(%arg14 : memref<!tpu.dma_semaphore, #tpu.memory_space<semaphore_mem>>)
      %dma_wait3A_421 = arith.constant 7 : i32
      %dma_wait3A_422 = arith.constant 0 : i32
      %dma_wait3A_423 = tpu.memref_slice %arg9[%dma_wait3A_421, %dma_wait3A_422] : memref<8x128xi32, #tpu.memory_space<vmem>> -> memref<1x128xi32, #tpu.memory_space<vmem>>
      %dma_wait3A_424 = tpu.memref_squeeze %dma_wait3A_423 : memref<1x128xi32, #tpu.memory_space<vmem>> -> memref<128xi32, #tpu.memory_space<vmem>>
      %dma_wait3A_425 = arith.constant 0 : i32
      %dma_wait3A_426 = arith.constant 0 : i32
      %dma_wait3A_427 = tpu.memref_slice %arg2[%dma_wait3A_425, %dma_wait3A_426] : memref<10240x128xf32, #tpu.memory_space<hbm>> -> memref<10240x128xf32, #tpu.memory_space<hbm>>
      tpu.wait_indirect_dma semaphore(%arg15 : memref<!tpu.dma_semaphore, #tpu.memory_space<semaphore_mem>>) src(%dma_wait3A_427 : memref<10240x128xf32, #tpu.memory_space<hbm>>) dst(%arg12 : memref<128x128xf32, #tpu.memory_space<vmem>>)
      %run_scoped3A_428 = arith.constant 7 : i32
      "tpu.region"() ({
        %run_scoped3A_452 = tpu.sem_alloc : memref<!tpu.dma_semaphore, #tpu.memory_space<semaphore_mem>>
        %dma_start3A_453 = arith.constant 0 : i32
        %dma_start3A_454 = tpu.memref_slice %arg10[%run_scoped3A_428, %dma_start3A_453] : memref<8x128xi32, #tpu.memory_space<vmem>> -> memref<1x128xi32, #tpu.memory_space<vmem>>
        %dma_start3A_455 = tpu.memref_squeeze %dma_start3A_454 : memref<1x128xi32, #tpu.memory_space<vmem>> -> memref<128xi32, #tpu.memory_space<vmem>>
        %dma_start3A_456 = arith.constant 0 : i32
        %dma_start3A_457 = arith.constant 0 : i32
        %dma_start3A_458 = tpu.memref_slice %arg13[%dma_start3A_456, %dma_start3A_457] : memref<10240x128xf32, #tpu.memory_space<vmem_shared>> -> memref<10240x128xf32, #tpu.memory_space<vmem_shared>>
        tpu.enqueue_indirect_dma source(%arg12 : memref<128x128xf32, #tpu.memory_space<vmem>>) target(%dma_start3A_458 : memref<10240x128xf32, #tpu.memory_space<vmem_shared>>) offsets(%dma_start3A_455 : memref<128xi32, #tpu.memory_space<vmem>>) semaphore(%run_scoped3A_452 : memref<!tpu.dma_semaphore, #tpu.memory_space<semaphore_mem>>) {add = true}
        %dma_wait3A_459 = arith.constant 0 : i32
        %dma_wait3A_460 = tpu.memref_slice %arg10[%run_scoped3A_428, %dma_wait3A_459] : memref<8x128xi32, #tpu.memory_space<vmem>> -> memref<1x128xi32, #tpu.memory_space<vmem>>
        %dma_wait3A_461 = tpu.memref_squeeze %dma_wait3A_460 : memref<1x128xi32, #tpu.memory_space<vmem>> -> memref<128xi32, #tpu.memory_space<vmem>>
        %dma_wait3A_462 = arith.constant 0 : i32
        %dma_wait3A_463 = arith.constant 0 : i32
        %dma_wait3A_464 = tpu.memref_slice %arg13[%dma_wait3A_462, %dma_wait3A_463] : memref<10240x128xf32, #tpu.memory_space<vmem_shared>> -> memref<10240x128xf32, #tpu.memory_space<vmem_shared>>
        tpu.wait_indirect_dma semaphore(%run_scoped3A_452 : memref<!tpu.dma_semaphore, #tpu.memory_space<semaphore_mem>>) src(%arg12 : memref<128x128xf32, #tpu.memory_space<vmem>>) dst(%dma_wait3A_464 : memref<10240x128xf32, #tpu.memory_space<vmem_shared>>)
        tpu.yield
      }) : () -> ()
      %dma_start3A_429 = arith.constant 1 : i32
      %dma_start3A_430 = arith.constant 0 : i32
      %dma_start3A_431 = tpu.memref_slice %arg7[%dma_start3A_429, %dma_start3A_430] : memref<8x128xi32, #tpu.memory_space<vmem>> -> memref<1x128xi32, #tpu.memory_space<vmem>>
      %dma_start3A_432 = tpu.memref_squeeze %dma_start3A_431 : memref<1x128xi32, #tpu.memory_space<vmem>> -> memref<128xi32, #tpu.memory_space<vmem>>
      %dma_start3A_433 = arith.constant 0 : i32
      %dma_start3A_434 = arith.constant 0 : i32
      %dma_start3A_435 = tpu.memref_slice %arg2[%dma_start3A_433, %dma_start3A_434] : memref<10240x128xf32, #tpu.memory_space<hbm>> -> memref<10240x128xf32, #tpu.memory_space<hbm>>
      tpu.enqueue_indirect_dma source(%dma_start3A_435 : memref<10240x128xf32, #tpu.memory_space<hbm>>) target(%arg12 : memref<128x128xf32, #tpu.memory_space<vmem>>) offsets(%dma_start3A_432 : memref<128xi32, #tpu.memory_space<vmem>>) semaphore(%arg15 : memref<!tpu.dma_semaphore, #tpu.memory_space<semaphore_mem>>)
      %dma_start3A_436 = arith.constant 0 : i32
      %dma_start3A_437 = arith.constant 0 : i32
      %dma_start3A_438 = tpu.memref_slice %arg3[%add3A, %select_n3A_144, %dma_start3A_436, %dma_start3A_437] : memref<32x10x8x128xi32, #tpu.memory_space<hbm>> -> memref<1x1x8x128xi32, #tpu.memory_space<hbm>>
      %dma_start3A_439 = tpu.memref_squeeze %dma_start3A_438 : memref<1x1x8x128xi32, #tpu.memory_space<hbm>> -> memref<8x128xi32, #tpu.memory_space<hbm>>
      %dma_start3A_440 = arith.constant 0 : i32
      %dma_start3A_441 = arith.constant 0 : i32
      %dma_start3A_442 = tpu.memref_slice %arg3[%add3A, %select_n3A_144, %dma_start3A_440, %dma_start3A_441] : memref<32x10x8x128xi32, #tpu.memory_space<hbm>> -> memref<1x1x8x128xi32, #tpu.memory_space<hbm>>
      %dma_start3A_443 = tpu.memref_squeeze %dma_start3A_442 : memref<1x1x8x128xi32, #tpu.memory_space<hbm>> -> memref<8x128xi32, #tpu.memory_space<hbm>>
      tpu.enqueue_dma source(%dma_start3A_443 : memref<8x128xi32, #tpu.memory_space<hbm>>) target(%arg9 : memref<8x128xi32, #tpu.memory_space<vmem>>) target_semaphore(%arg17 : memref<!tpu.dma_semaphore, #tpu.memory_space<semaphore_mem>>)
      %dma_start3A_444 = arith.constant 0 : i32
      %dma_start3A_445 = arith.constant 0 : i32
      %dma_start3A_446 = tpu.memref_slice %arg4[%add3A, %select_n3A_144, %dma_start3A_444, %dma_start3A_445] : memref<32x10x8x128xi32, #tpu.memory_space<hbm>> -> memref<1x1x8x128xi32, #tpu.memory_space<hbm>>
      %dma_start3A_447 = tpu.memref_squeeze %dma_start3A_446 : memref<1x1x8x128xi32, #tpu.memory_space<hbm>> -> memref<8x128xi32, #tpu.memory_space<hbm>>
      %dma_start3A_448 = arith.constant 0 : i32
      %dma_start3A_449 = arith.constant 0 : i32
      %dma_start3A_450 = tpu.memref_slice %arg4[%add3A, %select_n3A_144, %dma_start3A_448, %dma_start3A_449] : memref<32x10x8x128xi32, #tpu.memory_space<hbm>> -> memref<1x1x8x128xi32, #tpu.memory_space<hbm>>
      %dma_start3A_451 = tpu.memref_squeeze %dma_start3A_450 : memref<1x1x8x128xi32, #tpu.memory_space<hbm>> -> memref<8x128xi32, #tpu.memory_space<hbm>>
      tpu.enqueue_dma source(%dma_start3A_451 : memref<8x128xi32, #tpu.memory_space<hbm>>) target(%arg10 : memref<8x128xi32, #tpu.memory_space<vmem>>) target_semaphore(%arg17 : memref<!tpu.dma_semaphore, #tpu.memory_space<semaphore_mem>>)
    }
    %scan3A_73 = arith.constant 5 : i32
    %dma_wait3A_74 = arith.constant 0 : i32
    %dma_wait3A_75 = arith.constant 0 : i32
    %dma_wait3A_76 = tpu.memref_slice %arg7[%dma_wait3A_74, %dma_wait3A_75] : memref<8x128xi32, #tpu.memory_space<vmem>> -> memref<1x128xi32, #tpu.memory_space<vmem>>
    %dma_wait3A_77 = tpu.memref_squeeze %dma_wait3A_76 : memref<1x128xi32, #tpu.memory_space<vmem>> -> memref<128xi32, #tpu.memory_space<vmem>>
    %dma_wait3A_78 = arith.constant 0 : i32
    %dma_wait3A_79 = arith.constant 0 : i32
    %dma_wait3A_80 = tpu.memref_slice %arg2[%dma_wait3A_78, %dma_wait3A_79] : memref<10240x128xf32, #tpu.memory_space<hbm>> -> memref<10240x128xf32, #tpu.memory_space<hbm>>
    tpu.wait_indirect_dma semaphore(%arg14 : memref<!tpu.dma_semaphore, #tpu.memory_space<semaphore_mem>>) src(%dma_wait3A_80 : memref<10240x128xf32, #tpu.memory_space<hbm>>) dst(%arg11 : memref<128x128xf32, #tpu.memory_space<vmem>>)
    %dma_wait3A_81 = arith.constant 1 : i32
    %dma_wait3A_82 = arith.constant 0 : i32
    %dma_wait3A_83 = tpu.memref_slice %arg7[%dma_wait3A_81, %dma_wait3A_82] : memref<8x128xi32, #tpu.memory_space<vmem>> -> memref<1x128xi32, #tpu.memory_space<vmem>>
    %dma_wait3A_84 = tpu.memref_squeeze %dma_wait3A_83 : memref<1x128xi32, #tpu.memory_space<vmem>> -> memref<128xi32, #tpu.memory_space<vmem>>
    %dma_wait3A_85 = arith.constant 0 : i32
    %dma_wait3A_86 = arith.constant 0 : i32
    %dma_wait3A_87 = tpu.memref_slice %arg2[%dma_wait3A_85, %dma_wait3A_86] : memref<10240x128xf32, #tpu.memory_space<hbm>> -> memref<10240x128xf32, #tpu.memory_space<hbm>>
    tpu.wait_indirect_dma semaphore(%arg15 : memref<!tpu.dma_semaphore, #tpu.memory_space<semaphore_mem>>) src(%dma_wait3A_87 : memref<10240x128xf32, #tpu.memory_space<hbm>>) dst(%arg12 : memref<128x128xf32, #tpu.memory_space<vmem>>)
    %dma_wait3A_88 = arith.constant 1 : i32
    %dma_wait3A_89 = arith.constant 0 : i32
    %dma_wait3A_90 = arith.constant 0 : i32
    %dma_wait3A_91 = tpu.memref_slice %arg3[%add3A, %dma_wait3A_88, %dma_wait3A_89, %dma_wait3A_90] : memref<32x10x8x128xi32, #tpu.memory_space<hbm>> -> memref<1x1x8x128xi32, #tpu.memory_space<hbm>>
    %dma_wait3A_92 = tpu.memref_squeeze %dma_wait3A_91 : memref<1x1x8x128xi32, #tpu.memory_space<hbm>> -> memref<8x128xi32, #tpu.memory_space<hbm>>
    %dma_wait3A_93 = arith.constant 0 : i32
    %dma_wait3A_94 = arith.constant 0 : i32
    %dma_wait3A_95 = tpu.memref_slice %arg3[%add3A, %dma_wait3A_88, %dma_wait3A_93, %dma_wait3A_94] : memref<32x10x8x128xi32, #tpu.memory_space<hbm>> -> memref<1x1x8x128xi32, #tpu.memory_space<hbm>>
    %dma_wait3A_96 = tpu.memref_squeeze %dma_wait3A_95 : memref<1x1x8x128xi32, #tpu.memory_space<hbm>> -> memref<8x128xi32, #tpu.memory_space<hbm>>
    tpu.wait_dma2 semaphore(%arg17 : memref<!tpu.dma_semaphore, #tpu.memory_space<semaphore_mem>>) src(%dma_wait3A_96 : memref<8x128xi32, #tpu.memory_space<hbm>>) dst(%arg9 : memref<8x128xi32, #tpu.memory_space<vmem>>)
    %dma_wait3A_97 = arith.constant 1 : i32
    %dma_wait3A_98 = arith.constant 0 : i32
    %dma_wait3A_99 = arith.constant 0 : i32
    %dma_wait3A_100 = tpu.memref_slice %arg4[%add3A, %dma_wait3A_97, %dma_wait3A_98, %dma_wait3A_99] : memref<32x10x8x128xi32, #tpu.memory_space<hbm>> -> memref<1x1x8x128xi32, #tpu.memory_space<hbm>>
    %dma_wait3A_101 = tpu.memref_squeeze %dma_wait3A_100 : memref<1x1x8x128xi32, #tpu.memory_space<hbm>> -> memref<8x128xi32, #tpu.memory_space<hbm>>
    %dma_wait3A_102 = arith.constant 0 : i32
    %dma_wait3A_103 = arith.constant 0 : i32
    %dma_wait3A_104 = tpu.memref_slice %arg4[%add3A, %dma_wait3A_97, %dma_wait3A_102, %dma_wait3A_103] : memref<32x10x8x128xi32, #tpu.memory_space<hbm>> -> memref<1x1x8x128xi32, #tpu.memory_space<hbm>>
    %dma_wait3A_105 = tpu.memref_squeeze %dma_wait3A_104 : memref<1x1x8x128xi32, #tpu.memory_space<hbm>> -> memref<8x128xi32, #tpu.memory_space<hbm>>
    tpu.wait_dma2 semaphore(%arg17 : memref<!tpu.dma_semaphore, #tpu.memory_space<semaphore_mem>>) src(%dma_wait3A_105 : memref<8x128xi32, #tpu.memory_space<hbm>>) dst(%arg10 : memref<8x128xi32, #tpu.memory_space<vmem>>)
    %barrier3A_106 = arith.constant 0 : index
    tpu.barrier barrier_id(%barrier3A_106)
    %mul3A_107 = arith.constant 640 : i32
    %mul3A_108 = arith.muli %arg1, %mul3A_107 : i32
    %mul3A_109 = arith.constant 640 : i32
    %mul3A_110 = arith.muli %arg1, %mul3A_109 : i32
    "tpu.region"() ({
      %run_scoped3A = tpu.sem_alloc : memref<!tpu.dma_semaphore, #tpu.memory_space<semaphore_mem>>
      %dma_start3A_111 = arith.constant 0 : i32
      %dma_start3A_112 = tpu.memref_slice %arg6[%arg0, %mul3A_110, %dma_start3A_111] : memref<2x10240x128xf32, #tpu.memory_space<hbm>> -> memref<1x640x128xf32, #tpu.memory_space<hbm>>
      %dma_start3A_113 = tpu.memref_squeeze %dma_start3A_112 : memref<1x640x128xf32, #tpu.memory_space<hbm>> -> memref<640x128xf32, #tpu.memory_space<hbm>>
      %dma_start3A_114 = arith.constant 0 : i32
      %dma_start3A_115 = tpu.memref_slice %arg13[%mul3A_108, %dma_start3A_114] : memref<10240x128xf32, #tpu.memory_space<vmem_shared>> -> memref<640x128xf32, #tpu.memory_space<vmem_shared>>
      tpu.enqueue_dma source(%dma_start3A_115 : memref<640x128xf32, #tpu.memory_space<vmem_shared>>) target(%dma_start3A_113 : memref<640x128xf32, #tpu.memory_space<hbm>>) target_semaphore(%run_scoped3A : memref<!tpu.dma_semaphore, #tpu.memory_space<semaphore_mem>>)
      %dma_wait3A_116 = arith.constant 0 : i32
      %dma_wait3A_117 = tpu.memref_slice %arg6[%arg0, %mul3A_110, %dma_wait3A_116] : memref<2x10240x128xf32, #tpu.memory_space<hbm>> -> memref<1x640x128xf32, #tpu.memory_space<hbm>>
      %dma_wait3A_118 = tpu.memref_squeeze %dma_wait3A_117 : memref<1x640x128xf32, #tpu.memory_space<hbm>> -> memref<640x128xf32, #tpu.memory_space<hbm>>
      %dma_wait3A_119 = arith.constant 0 : i32
      %dma_wait3A_120 = tpu.memref_slice %arg13[%mul3A_108, %dma_wait3A_119] : memref<10240x128xf32, #tpu.memory_space<vmem_shared>> -> memref<640x128xf32, #tpu.memory_space<vmem_shared>>
      tpu.wait_dma2 semaphore(%run_scoped3A : memref<!tpu.dma_semaphore, #tpu.memory_space<semaphore_mem>>) src(%dma_wait3A_120 : memref<640x128xf32, #tpu.memory_space<vmem_shared>>) dst(%dma_wait3A_118 : memref<640x128xf32, #tpu.memory_space<hbm>>)
      tpu.yield
    }) : () -> ()
    return
  }
}

#map = affine_map<(d0, d1) -> (0, 0)>
#map1 = affine_map<(d0, d1) -> (0, 0, 0, 0)>
#map2 = affine_map<(d0, d1) -> (0, 0, 0)>
module attributes {stable_mosaic.version = 14 : i64} {
  func.func @spmmw(%arg0: i32, %arg1: i32, %arg2: memref<10240x128xf32, #tpu.memory_space<hbm>>, %arg3: memref<32x10x8x128xi32, #tpu.memory_space<hbm>>, %arg4: memref<32x10x8x128xi32, #tpu.memory_space<hbm>>, %arg5: memref<640x128xf32, #tpu.memory_space<hbm>>, %arg6: memref<2x10240x128xf32, #tpu.memory_space<hbm>>, %arg7: memref<8x128xi32, #tpu.memory_space<vmem>>, %arg8: memref<8x128xi32, #tpu.memory_space<vmem>>, %arg9: memref<8x128xi32, #tpu.memory_space<vmem>>, %arg10: memref<8x128xi32, #tpu.memory_space<vmem>>, %arg11: memref<128x128xf32, #tpu.memory_space<vmem>>, %arg12: memref<128x128xf32, #tpu.memory_space<vmem>>, %arg13: memref<10240x128xf32, #tpu.memory_space<vmem_shared>>, %arg14: memref<!tpu.dma_semaphore, #tpu.memory_space<semaphore_mem>>, %arg15: memref<!tpu.dma_semaphore, #tpu.memory_space<semaphore_mem>>, %arg16: memref<!tpu.dma_semaphore, #tpu.memory_space<semaphore_mem>>, %arg17: memref<!tpu.dma_semaphore, #tpu.memory_space<semaphore_mem>>) attributes {dimension_semantics = [#tpu.dimension_semantics<core_parallel>, #tpu.dimension_semantics<subcore_parallel>], iteration_bounds = array<i64: 2, 16>, scalar_prefetch = 0 : i64, scratch_operands = 11 : i64, tpu.core_type = #tpu.core_type<sc_vector_subcore>, window_params = [{transform_indices = #map}, {transform_indices = #map1}, {transform_indices = #map1}, {transform_indices = #map}, {transform_indices = #map2}]} {
    %mul3A = arith.constant 2 : i32
    %mul3A_0 = arith.muli %arg1, %mul3A : i32
    %add3A = arith.addi %mul3A_0, %arg0 : i32
    %dma_start3A = arith.constant 0 : i32
    %dma_start3A_1 = arith.constant 0 : i32
    %dma_start3A_2 = arith.constant 0 : i32
    %dma_start3A_3 = tpu.memref_slice %arg3[%add3A, %dma_start3A, %dma_start3A_1, %dma_start3A_2] : memref<32x10x8x128xi32, #tpu.memory_space<hbm>> -> memref<1x1x8x128xi32, #tpu.memory_space<hbm>>
    %dma_start3A_4 = tpu.memref_squeeze %dma_start3A_3 : memref<1x1x8x128xi32, #tpu.memory_space<hbm>> -> memref<8x128xi32, #tpu.memory_space<hbm>>
    %dma_start3A_5 = arith.constant 0 : i32
    %dma_start3A_6 = arith.constant 0 : i32
    %dma_start3A_7 = tpu.memref_slice %arg3[%add3A, %dma_start3A, %dma_start3A_5, %dma_start3A_6] : memref<32x10x8x128xi32, #tpu.memory_space<hbm>> -> memref<1x1x8x128xi32, #tpu.memory_space<hbm>>
    %dma_start3A_8 = tpu.memref_squeeze %dma_start3A_7 : memref<1x1x8x128xi32, #tpu.memory_space<hbm>> -> memref<8x128xi32, #tpu.memory_space<hbm>>
    tpu.enqueue_dma source(%dma_start3A_8 : memref<8x128xi32, #tpu.memory_space<hbm>>) target(%arg7 : memref<8x128xi32, #tpu.memory_space<vmem>>) target_semaphore(%arg16 : memref<!tpu.dma_semaphore, #tpu.memory_space<semaphore_mem>>)
    %dma_start3A_9 = arith.constant 0 : i32
    %dma_start3A_10 = arith.constant 0 : i32
    %dma_start3A_11 = arith.constant 0 : i32
    %dma_start3A_12 = tpu.memref_slice %arg4[%add3A, %dma_start3A_9, %dma_start3A_10, %dma_start3A_11] : memref<32x10x8x128xi32, #tpu.memory_space<hbm>> -> memref<1x1x8x128xi32, #tpu.memory_space<hbm>>
    %dma_start3A_13 = tpu.memref_squeeze %dma_start3A_12 : memref<1x1x8x128xi32, #tpu.memory_space<hbm>> -> memref<8x128xi32, #tpu.memory_space<hbm>>
    %dma_start3A_14 = arith.constant 0 : i32
    %dma_start3A_15 = arith.constant 0 : i32
    %dma_start3A_16 = tpu.memref_slice %arg4[%add3A, %dma_start3A_9, %dma_start3A_14, %dma_start3A_15] : memref<32x10x8x128xi32, #tpu.memory_space<hbm>> -> memref<1x1x8x128xi32, #tpu.memory_space<hbm>>
    %dma_start3A_17 = tpu.memref_squeeze %dma_start3A_16 : memref<1x1x8x128xi32, #tpu.memory_space<hbm>> -> memref<8x128xi32, #tpu.memory_space<hbm>>
    tpu.enqueue_dma source(%dma_start3A_17 : memref<8x128xi32, #tpu.memory_space<hbm>>) target(%arg8 : memref<8x128xi32, #tpu.memory_space<vmem>>) target_semaphore(%arg16 : memref<!tpu.dma_semaphore, #tpu.memory_space<semaphore_mem>>)
    %dma_start3A_18 = arith.constant 1 : i32
    %dma_start3A_19 = arith.constant 0 : i32
    %dma_start3A_20 = arith.constant 0 : i32
    %dma_start3A_21 = tpu.memref_slice %arg3[%add3A, %dma_start3A_18, %dma_start3A_19, %dma_start3A_20] : memref<32x10x8x128xi32, #tpu.memory_space<hbm>> -> memref<1x1x8x128xi32, #tpu.memory_space<hbm>>
    %dma_start3A_22 = tpu.memref_squeeze %dma_start3A_21 : memref<1x1x8x128xi32, #tpu.memory_space<hbm>> -> memref<8x128xi32, #tpu.memory_space<hbm>>
    %dma_start3A_23 = arith.constant 0 : i32
    %dma_start3A_24 = arith.constant 0 : i32
    %dma_start3A_25 = tpu.memref_slice %arg3[%add3A, %dma_start3A_18, %dma_start3A_23, %dma_start3A_24] : memref<32x10x8x128xi32, #tpu.memory_space<hbm>> -> memref<1x1x8x128xi32, #tpu.memory_space<hbm>>
    %dma_start3A_26 = tpu.memref_squeeze %dma_start3A_25 : memref<1x1x8x128xi32, #tpu.memory_space<hbm>> -> memref<8x128xi32, #tpu.memory_space<hbm>>
    tpu.enqueue_dma source(%dma_start3A_26 : memref<8x128xi32, #tpu.memory_space<hbm>>) target(%arg9 : memref<8x128xi32, #tpu.memory_space<vmem>>) target_semaphore(%arg17 : memref<!tpu.dma_semaphore, #tpu.memory_space<semaphore_mem>>)
    %dma_start3A_27 = arith.constant 1 : i32
    %dma_start3A_28 = arith.constant 0 : i32
    %dma_start3A_29 = arith.constant 0 : i32
    %dma_start3A_30 = tpu.memref_slice %arg4[%add3A, %dma_start3A_27, %dma_start3A_28, %dma_start3A_29] : memref<32x10x8x128xi32, #tpu.memory_space<hbm>> -> memref<1x1x8x128xi32, #tpu.memory_space<hbm>>
    %dma_start3A_31 = tpu.memref_squeeze %dma_start3A_30 : memref<1x1x8x128xi32, #tpu.memory_space<hbm>> -> memref<8x128xi32, #tpu.memory_space<hbm>>
    %dma_start3A_32 = arith.constant 0 : i32
    %dma_start3A_33 = arith.constant 0 : i32
    %dma_start3A_34 = tpu.memref_slice %arg4[%add3A, %dma_start3A_27, %dma_start3A_32, %dma_start3A_33] : memref<32x10x8x128xi32, #tpu.memory_space<hbm>> -> memref<1x1x8x128xi32, #tpu.memory_space<hbm>>
    %dma_start3A_35 = tpu.memref_squeeze %dma_start3A_34 : memref<1x1x8x128xi32, #tpu.memory_space<hbm>> -> memref<8x128xi32, #tpu.memory_space<hbm>>
    tpu.enqueue_dma source(%dma_start3A_35 : memref<8x128xi32, #tpu.memory_space<hbm>>) target(%arg10 : memref<8x128xi32, #tpu.memory_space<vmem>>) target_semaphore(%arg17 : memref<!tpu.dma_semaphore, #tpu.memory_space<semaphore_mem>>)
    %mul3A_36 = arith.constant 640 : i32
    %mul3A_37 = arith.muli %arg1, %mul3A_36 : i32
    "tpu.region"() ({
      %run_scoped3A = tpu.sem_alloc : memref<!tpu.dma_semaphore, #tpu.memory_space<semaphore_mem>>
      %dma_start3A_111 = arith.constant 0 : i32
      %dma_start3A_112 = tpu.memref_slice %arg13[%mul3A_37, %dma_start3A_111] : memref<10240x128xf32, #tpu.memory_space<vmem_shared>> -> memref<640x128xf32, #tpu.memory_space<vmem_shared>>
      tpu.enqueue_dma source(%arg5 : memref<640x128xf32, #tpu.memory_space<hbm>>) target(%dma_start3A_112 : memref<640x128xf32, #tpu.memory_space<vmem_shared>>) target_semaphore(%run_scoped3A : memref<!tpu.dma_semaphore, #tpu.memory_space<semaphore_mem>>)
      %dma_wait3A_113 = arith.constant 0 : i32
      %dma_wait3A_114 = tpu.memref_slice %arg13[%mul3A_37, %dma_wait3A_113] : memref<10240x128xf32, #tpu.memory_space<vmem_shared>> -> memref<640x128xf32, #tpu.memory_space<vmem_shared>>
      tpu.wait_dma2 semaphore(%run_scoped3A : memref<!tpu.dma_semaphore, #tpu.memory_space<semaphore_mem>>) src(%arg5 : memref<640x128xf32, #tpu.memory_space<hbm>>) dst(%dma_wait3A_114 : memref<640x128xf32, #tpu.memory_space<vmem_shared>>)
      tpu.yield
    }) : () -> ()
    %dma_wait3A = arith.constant 0 : i32
    %dma_wait3A_38 = arith.constant 0 : i32
    %dma_wait3A_39 = arith.constant 0 : i32
    %dma_wait3A_40 = tpu.memref_slice %arg3[%add3A, %dma_wait3A, %dma_wait3A_38, %dma_wait3A_39] : memref<32x10x8x128xi32, #tpu.memory_space<hbm>> -> memref<1x1x8x128xi32, #tpu.memory_space<hbm>>
    %dma_wait3A_41 = tpu.memref_squeeze %dma_wait3A_40 : memref<1x1x8x128xi32, #tpu.memory_space<hbm>> -> memref<8x128xi32, #tpu.memory_space<hbm>>
    %dma_wait3A_42 = arith.constant 0 : i32
    %dma_wait3A_43 = arith.constant 0 : i32
    %dma_wait3A_44 = tpu.memref_slice %arg3[%add3A, %dma_wait3A, %dma_wait3A_42, %dma_wait3A_43] : memref<32x10x8x128xi32, #tpu.memory_space<hbm>> -> memref<1x1x8x128xi32, #tpu.memory_space<hbm>>
    %dma_wait3A_45 = tpu.memref_squeeze %dma_wait3A_44 : memref<1x1x8x128xi32, #tpu.memory_space<hbm>> -> memref<8x128xi32, #tpu.memory_space<hbm>>
    tpu.wait_dma2 semaphore(%arg16 : memref<!tpu.dma_semaphore, #tpu.memory_space<semaphore_mem>>) src(%dma_wait3A_45 : memref<8x128xi32, #tpu.memory_space<hbm>>) dst(%arg7 : memref<8x128xi32, #tpu.memory_space<vmem>>)
    %dma_wait3A_46 = arith.constant 0 : i32
    %dma_wait3A_47 = arith.constant 0 : i32
    %dma_wait3A_48 = arith.constant 0 : i32
    %dma_wait3A_49 = tpu.memref_slice %arg4[%add3A, %dma_wait3A_46, %dma_wait3A_47, %dma_wait3A_48] : memref<32x10x8x128xi32, #tpu.memory_space<hbm>> -> memref<1x1x8x128xi32, #tpu.memory_space<hbm>>
    %dma_wait3A_50 = tpu.memref_squeeze %dma_wait3A_49 : memref<1x1x8x128xi32, #tpu.memory_space<hbm>> -> memref<8x128xi32, #tpu.memory_space<hbm>>
    %dma_wait3A_51 = arith.constant 0 : i32
    %dma_wait3A_52 = arith.constant 0 : i32
    %dma_wait3A_53 = tpu.memref_slice %arg4[%add3A, %dma_wait3A_46, %dma_wait3A_51, %dma_wait3A_52] : memref<32x10x8x128xi32, #tpu.memory_space<hbm>> -> memref<1x1x8x128xi32, #tpu.memory_space<hbm>>
    %dma_wait3A_54 = tpu.memref_squeeze %dma_wait3A_53 : memref<1x1x8x128xi32, #tpu.memory_space<hbm>> -> memref<8x128xi32, #tpu.memory_space<hbm>>
    tpu.wait_dma2 semaphore(%arg16 : memref<!tpu.dma_semaphore, #tpu.memory_space<semaphore_mem>>) src(%dma_wait3A_54 : memref<8x128xi32, #tpu.memory_space<hbm>>) dst(%arg8 : memref<8x128xi32, #tpu.memory_space<vmem>>)
    %dma_start3A_55 = arith.constant 0 : i32
    %dma_start3A_56 = arith.constant 0 : i32
    %dma_start3A_57 = tpu.memref_slice %arg7[%dma_start3A_55, %dma_start3A_56] : memref<8x128xi32, #tpu.memory_space<vmem>> -> memref<1x128xi32, #tpu.memory_space<vmem>>
    %dma_start3A_58 = tpu.memref_squeeze %dma_start3A_57 : memref<1x128xi32, #tpu.memory_space<vmem>> -> memref<128xi32, #tpu.memory_space<vmem>>
    %dma_start3A_59 = arith.constant 0 : i32
    %dma_start3A_60 = arith.constant 0 : i32
    %dma_start3A_61 = tpu.memref_slice %arg2[%dma_start3A_59, %dma_start3A_60] : memref<10240x128xf32, #tpu.memory_space<hbm>> -> memref<10240x128xf32, #tpu.memory_space<hbm>>
    tpu.enqueue_indirect_dma source(%dma_start3A_61 : memref<10240x128xf32, #tpu.memory_space<hbm>>) target(%arg11 : memref<128x128xf32, #tpu.memory_space<vmem>>) offsets(%dma_start3A_58 : memref<128xi32, #tpu.memory_space<vmem>>) semaphore(%arg14 : memref<!tpu.dma_semaphore, #tpu.memory_space<semaphore_mem>>)
    %dma_start3A_62 = arith.constant 1 : i32
    %dma_start3A_63 = arith.constant 0 : i32
    %dma_start3A_64 = tpu.memref_slice %arg7[%dma_start3A_62, %dma_start3A_63] : memref<8x128xi32, #tpu.memory_space<vmem>> -> memref<1x128xi32, #tpu.memory_space<vmem>>
    %dma_start3A_65 = tpu.memref_squeeze %dma_start3A_64 : memref<1x128xi32, #tpu.memory_space<vmem>> -> memref<128xi32, #tpu.memory_space<vmem>>
    %dma_start3A_66 = arith.constant 0 : i32
    %dma_start3A_67 = arith.constant 0 : i32
    %dma_start3A_68 = tpu.memref_slice %arg2[%dma_start3A_66, %dma_start3A_67] : memref<10240x128xf32, #tpu.memory_space<hbm>> -> memref<10240x128xf32, #tpu.memory_space<hbm>>
    tpu.enqueue_indirect_dma source(%dma_start3A_68 : memref<10240x128xf32, #tpu.memory_space<hbm>>) target(%arg12 : memref<128x128xf32, #tpu.memory_space<vmem>>) offsets(%dma_start3A_65 : memref<128xi32, #tpu.memory_space<vmem>>) semaphore(%arg15 : memref<!tpu.dma_semaphore, #tpu.memory_space<semaphore_mem>>)
    %barrier3A = arith.constant 0 : index
    tpu.barrier barrier_id(%barrier3A)
    %scan3A = arith.constant 0 : i32
    %scan3A_69 = arith.constant 0 : i32
    %scan3A_70 = arith.constant 5 : i32
    %scan3A_71 = arith.addi %scan3A_69, %scan3A_70 : i32
    %scan3A_72 = arith.constant 1 : i32
    scf.for %scan3A_111 = %scan3A_69 to %scan3A_71 step %scan3A_72  : i32 {
      %mul3A_112 = arith.constant 2 : i32
      %mul3A_113 = arith.muli %mul3A_112, %scan3A_111 : i32
      %add3A_114 = arith.constant 2 : i32
      %add3A_115 = arith.addi %mul3A_113, %add3A_114 : i32
      %jit3A = arith.constant 10 : i32
      %eq3A = arith.constant 0 : i32
      %eq3A_116 = arith.cmpi eq, %jit3A, %eq3A : i32
      %jit3A_117 = arith.constant 1 : i32
      %select_n3A = arith.select %eq3A_116, %jit3A_117, %jit3A : i32
      %rem3A = arith.remsi %add3A_115, %select_n3A : i32
      %ne3A = arith.constant 0 : i32
      %ne3A_118 = arith.cmpi ne, %rem3A, %ne3A : i32
      %lt3A = arith.constant 0 : i32
      %lt3A_119 = arith.cmpi slt, %rem3A, %lt3A : i32
      %lt3A_120 = arith.constant 0 : i32
      %lt3A_121 = arith.cmpi slt, %select_n3A, %lt3A_120 : i32
      %ne3A_122 = arith.xori %lt3A_119, %lt3A_121 : i1
      %and3A = arith.andi %ne3A_122, %ne3A_118 : i1
      %add3A_123 = arith.addi %rem3A, %select_n3A : i32
      %select_n3A_124 = arith.select %and3A, %add3A_123, %rem3A : i32
      %mul3A_125 = arith.constant 2 : i32
      %mul3A_126 = arith.muli %mul3A_125, %scan3A_111 : i32
      %add3A_127 = arith.constant 3 : i32
      %add3A_128 = arith.addi %mul3A_126, %add3A_127 : i32
      %jit3A_129 = arith.constant 10 : i32
      %eq3A_130 = arith.constant 0 : i32
      %eq3A_131 = arith.cmpi eq, %jit3A_129, %eq3A_130 : i32
      %jit3A_132 = arith.constant 1 : i32
      %select_n3A_133 = arith.select %eq3A_131, %jit3A_132, %jit3A_129 : i32
      %rem3A_134 = arith.remsi %add3A_128, %select_n3A_133 : i32
      %ne3A_135 = arith.constant 0 : i32
      %ne3A_136 = arith.cmpi ne, %rem3A_134, %ne3A_135 : i32
      %lt3A_137 = arith.constant 0 : i32
      %lt3A_138 = arith.cmpi slt, %rem3A_134, %lt3A_137 : i32
      %lt3A_139 = arith.constant 0 : i32
      %lt3A_140 = arith.cmpi slt, %select_n3A_133, %lt3A_139 : i32
      %ne3A_141 = arith.xori %lt3A_138, %lt3A_140 : i1
      %and3A_142 = arith.andi %ne3A_141, %ne3A_136 : i1
      %add3A_143 = arith.addi %rem3A_134, %select_n3A_133 : i32
      %select_n3A_144 = arith.select %and3A_142, %add3A_143, %rem3A_134 : i32
      %dma_wait3A_145 = arith.constant 0 : i32
      %dma_wait3A_146 = arith.constant 0 : i32
      %dma_wait3A_147 = tpu.memref_slice %arg7[%dma_wait3A_145, %dma_wait3A_146] : memref<8x128xi32, #tpu.memory_space<vmem>> -> memref<1x128xi32, #tpu.memory_space<vmem>>
      %dma_wait3A_148 = tpu.memref_squeeze %dma_wait3A_147 : memref<1x128xi32, #tpu.memory_space<vmem>> -> memref<128xi32, #tpu.memory_space<vmem>>
      %dma_wait3A_149 = arith.constant 0 : i32
      %dma_wait3A_150 = arith.constant 0 : i32
      %dma_wait3A_151 = tpu.memref_slice %arg2[%dma_wait3A_149, %dma_wait3A_150] : memref<10240x128xf32, #tpu.memory_space<hbm>> -> memref<10240x128xf32, #tpu.memory_space<hbm>>
      tpu.wait_indirect_dma semaphore(%arg14 : memref<!tpu.dma_semaphore, #tpu.memory_space<semaphore_mem>>) src(%dma_wait3A_151 : memref<10240x128xf32, #tpu.memory_space<hbm>>) dst(%arg11 : memref<128x128xf32, #tpu.memory_space<vmem>>)
      %run_scoped3A = arith.constant 0 : i32
      "tpu.region"() ({
        %run_scoped3A_452 = tpu.sem_alloc : memref<!tpu.dma_semaphore, #tpu.memory_space<semaphore_mem>>
        %dma_start3A_453 = arith.constant 0 : i32
        %dma_start3A_454 = tpu.memref_slice %arg8[%run_scoped3A, %dma_start3A_453] : memref<8x128xi32, #tpu.memory_space<vmem>> -> memref<1x128xi32, #tpu.memory_space<vmem>>
        %dma_start3A_455 = tpu.memref_squeeze %dma_start3A_454 : memref<1x128xi32, #tpu.memory_space<vmem>> -> memref<128xi32, #tpu.memory_space<vmem>>
        %dma_start3A_456 = arith.constant 0 : i32
        %dma_start3A_457 = arith.constant 0 : i32
        %dma_start3A_458 = tpu.memref_slice %arg13[%dma_start3A_456, %dma_start3A_457] : memref<10240x128xf32, #tpu.memory_space<vmem_shared>> -> memref<10240x128xf32, #tpu.memory_space<vmem_shared>>
        tpu.enqueue_indirect_dma source(%arg11 : memref<128x128xf32, #tpu.memory_space<vmem>>) target(%dma_start3A_458 : memref<10240x128xf32, #tpu.memory_space<vmem_shared>>) offsets(%dma_start3A_455 : memref<128xi32, #tpu.memory_space<vmem>>) semaphore(%run_scoped3A_452 : memref<!tpu.dma_semaphore, #tpu.memory_space<semaphore_mem>>) {add = true}
        %dma_wait3A_459 = arith.constant 0 : i32
        %dma_wait3A_460 = tpu.memref_slice %arg8[%run_scoped3A, %dma_wait3A_459] : memref<8x128xi32, #tpu.memory_space<vmem>> -> memref<1x128xi32, #tpu.memory_space<vmem>>
        %dma_wait3A_461 = tpu.memref_squeeze %dma_wait3A_460 : memref<1x128xi32, #tpu.memory_space<vmem>> -> memref<128xi32, #tpu.memory_space<vmem>>
        %dma_wait3A_462 = arith.constant 0 : i32
        %dma_wait3A_463 = arith.constant 0 : i32
        %dma_wait3A_464 = tpu.memref_slice %arg13[%dma_wait3A_462, %dma_wait3A_463] : memref<10240x128xf32, #tpu.memory_space<vmem_shared>> -> memref<10240x128xf32, #tpu.memory_space<vmem_shared>>
        tpu.wait_indirect_dma semaphore(%run_scoped3A_452 : memref<!tpu.dma_semaphore, #tpu.memory_space<semaphore_mem>>) src(%arg11 : memref<128x128xf32, #tpu.memory_space<vmem>>) dst(%dma_wait3A_464 : memref<10240x128xf32, #tpu.memory_space<vmem_shared>>)
        tpu.yield
      }) : () -> ()
      %dma_start3A_152 = arith.constant 2 : i32
      %dma_start3A_153 = arith.constant 0 : i32
      %dma_start3A_154 = tpu.memref_slice %arg7[%dma_start3A_152, %dma_start3A_153] : memref<8x128xi32, #tpu.memory_space<vmem>> -> memref<1x128xi32, #tpu.memory_space<vmem>>
      %dma_start3A_155 = tpu.memref_squeeze %dma_start3A_154 : memref<1x128xi32, #tpu.memory_space<vmem>> -> memref<128xi32, #tpu.memory_space<vmem>>
      %dma_start3A_156 = arith.constant 0 : i32
      %dma_start3A_157 = arith.constant 0 : i32
      %dma_start3A_158 = tpu.memref_slice %arg2[%dma_start3A_156, %dma_start3A_157] : memref<10240x128xf32, #tpu.memory_space<hbm>> -> memref<10240x128xf32, #tpu.memory_space<hbm>>
      tpu.enqueue_indirect_dma source(%dma_start3A_158 : memref<10240x128xf32, #tpu.memory_space<hbm>>) target(%arg11 : memref<128x128xf32, #tpu.memory_space<vmem>>) offsets(%dma_start3A_155 : memref<128xi32, #tpu.memory_space<vmem>>) semaphore(%arg14 : memref<!tpu.dma_semaphore, #tpu.memory_space<semaphore_mem>>)
      %dma_wait3A_159 = arith.constant 1 : i32
      %dma_wait3A_160 = arith.constant 0 : i32
      %dma_wait3A_161 = tpu.memref_slice %arg7[%dma_wait3A_159, %dma_wait3A_160] : memref<8x128xi32, #tpu.memory_space<vmem>> -> memref<1x128xi32, #tpu.memory_space<vmem>>
      %dma_wait3A_162 = tpu.memref_squeeze %dma_wait3A_161 : memref<1x128xi32, #tpu.memory_space<vmem>> -> memref<128xi32, #tpu.memory_space<vmem>>
      %dma_wait3A_163 = arith.constant 0 : i32
      %dma_wait3A_164 = arith.constant 0 : i32
      %dma_wait3A_165 = tpu.memref_slice %arg2[%dma_wait3A_163, %dma_wait3A_164] : memref<10240x128xf32, #tpu.memory_space<hbm>> -> memref<10240x128xf32, #tpu.memory_space<hbm>>
      tpu.wait_indirect_dma semaphore(%arg15 : memref<!tpu.dma_semaphore, #tpu.memory_space<semaphore_mem>>) src(%dma_wait3A_165 : memref<10240x128xf32, #tpu.memory_space<hbm>>) dst(%arg12 : memref<128x128xf32, #tpu.memory_space<vmem>>)
      %run_scoped3A_166 = arith.constant 1 : i32
      "tpu.region"() ({
        %run_scoped3A_452 = tpu.sem_alloc : memref<!tpu.dma_semaphore, #tpu.memory_space<semaphore_mem>>
        %dma_start3A_453 = arith.constant 0 : i32
        %dma_start3A_454 = tpu.memref_slice %arg8[%run_scoped3A_166, %dma_start3A_453] : memref<8x128xi32, #tpu.memory_space<vmem>> -> memref<1x128xi32, #tpu.memory_space<vmem>>
        %dma_start3A_455 = tpu.memref_squeeze %dma_start3A_454 : memref<1x128xi32, #tpu.memory_space<vmem>> -> memref<128xi32, #tpu.memory_space<vmem>>
        %dma_start3A_456 = arith.constant 0 : i32
        %dma_start3A_457 = arith.constant 0 : i32
        %dma_start3A_458 = tpu.memref_slice %arg13[%dma_start3A_456, %dma_start3A_457] : memref<10240x128xf32, #tpu.memory_space<vmem_shared>> -> memref<10240x128xf32, #tpu.memory_space<vmem_shared>>
        tpu.enqueue_indirect_dma source(%arg12 : memref<128x128xf32, #tpu.memory_space<vmem>>) target(%dma_start3A_458 : memref<10240x128xf32, #tpu.memory_space<vmem_shared>>) offsets(%dma_start3A_455 : memref<128xi32, #tpu.memory_space<vmem>>) semaphore(%run_scoped3A_452 : memref<!tpu.dma_semaphore, #tpu.memory_space<semaphore_mem>>) {add = true}
        %dma_wait3A_459 = arith.constant 0 : i32
        %dma_wait3A_460 = tpu.memref_slice %arg8[%run_scoped3A_166, %dma_wait3A_459] : memref<8x128xi32, #tpu.memory_space<vmem>> -> memref<1x128xi32, #tpu.memory_space<vmem>>
        %dma_wait3A_461 = tpu.memref_squeeze %dma_wait3A_460 : memref<1x128xi32, #tpu.memory_space<vmem>> -> memref<128xi32, #tpu.memory_space<vmem>>
        %dma_wait3A_462 = arith.constant 0 : i32
        %dma_wait3A_463 = arith.constant 0 : i32
        %dma_wait3A_464 = tpu.memref_slice %arg13[%dma_wait3A_462, %dma_wait3A_463] : memref<10240x128xf32, #tpu.memory_space<vmem_shared>> -> memref<10240x128xf32, #tpu.memory_space<vmem_shared>>
        tpu.wait_indirect_dma semaphore(%run_scoped3A_452 : memref<!tpu.dma_semaphore, #tpu.memory_space<semaphore_mem>>) src(%arg12 : memref<128x128xf32, #tpu.memory_space<vmem>>) dst(%dma_wait3A_464 : memref<10240x128xf32, #tpu.memory_space<vmem_shared>>)
        tpu.yield
      }) : () -> ()
      %dma_start3A_167 = arith.constant 3 : i32
      %dma_start3A_168 = arith.constant 0 : i32
      %dma_start3A_169 = tpu.memref_slice %arg7[%dma_start3A_167, %dma_start3A_168] : memref<8x128xi32, #tpu.memory_space<vmem>> -> memref<1x128xi32, #tpu.memory_space<vmem>>
      %dma_start3A_170 = tpu.memref_squeeze %dma_start3A_169 : memref<1x128xi32, #tpu.memory_space<vmem>> -> memref<128xi32, #tpu.memory_space<vmem>>
      %dma_start3A_171 = arith.constant 0 : i32
      %dma_start3A_172 = arith.constant 0 : i32
      %dma_start3A_173 = tpu.memref_slice %arg2[%dma_start3A_171, %dma_start3A_172] : memref<10240x128xf32, #tpu.memory_space<hbm>> -> memref<10240x128xf32, #tpu.memory_space<hbm>>
      tpu.enqueue_indirect_dma source(%dma_start3A_173 : memref<10240x128xf32, #tpu.memory_space<hbm>>) target(%arg12 : memref<128x128xf32, #tpu.memory_space<vmem>>) offsets(%dma_start3A_170 : memref<128xi32, #tpu.memory_space<vmem>>) semaphore(%arg15 : memref<!tpu.dma_semaphore, #tpu.memory_space<semaphore_mem>>)
      %dma_wait3A_174 = arith.constant 2 : i32
      %dma_wait3A_175 = arith.constant 0 : i32
      %dma_wait3A_176 = tpu.memref_slice %arg7[%dma_wait3A_174, %dma_wait3A_175] : memref<8x128xi32, #tpu.memory_space<vmem>> -> memref<1x128xi32, #tpu.memory_space<vmem>>
      %dma_wait3A_177 = tpu.memref_squeeze %dma_wait3A_176 : memref<1x128xi32, #tpu.memory_space<vmem>> -> memref<128xi32, #tpu.memory_space<vmem>>
      %dma_wait3A_178 = arith.constant 0 : i32
      %dma_wait3A_179 = arith.constant 0 : i32
      %dma_wait3A_180 = tpu.memref_slice %arg2[%dma_wait3A_178, %dma_wait3A_179] : memref<10240x128xf32, #tpu.memory_space<hbm>> -> memref<10240x128xf32, #tpu.memory_space<hbm>>
      tpu.wait_indirect_dma semaphore(%arg14 : memref<!tpu.dma_semaphore, #tpu.memory_space<semaphore_mem>>) src(%dma_wait3A_180 : memref<10240x128xf32, #tpu.memory_space<hbm>>) dst(%arg11 : memref<128x128xf32, #tpu.memory_space<vmem>>)
      %run_scoped3A_181 = arith.constant 2 : i32
      "tpu.region"() ({
        %run_scoped3A_452 = tpu.sem_alloc : memref<!tpu.dma_semaphore, #tpu.memory_space<semaphore_mem>>
        %dma_start3A_453 = arith.constant 0 : i32
        %dma_start3A_454 = tpu.memref_slice %arg8[%run_scoped3A_181, %dma_start3A_453] : memref<8x128xi32, #tpu.memory_space<vmem>> -> memref<1x128xi32, #tpu.memory_space<vmem>>
        %dma_start3A_455 = tpu.memref_squeeze %dma_start3A_454 : memref<1x128xi32, #tpu.memory_space<vmem>> -> memref<128xi32, #tpu.memory_space<vmem>>
        %dma_start3A_456 = arith.constant 0 : i32
        %dma_start3A_457 = arith.constant 0 : i32
        %dma_start3A_458 = tpu.memref_slice %arg13[%dma_start3A_456, %dma_start3A_457] : memref<10240x128xf32, #tpu.memory_space<vmem_shared>> -> memref<10240x128xf32, #tpu.memory_space<vmem_shared>>
        tpu.enqueue_indirect_dma source(%arg11 : memref<128x128xf32, #tpu.memory_space<vmem>>) target(%dma_start3A_458 : memref<10240x128xf32, #tpu.memory_space<vmem_shared>>) offsets(%dma_start3A_455 : memref<128xi32, #tpu.memory_space<vmem>>) semaphore(%run_scoped3A_452 : memref<!tpu.dma_semaphore, #tpu.memory_space<semaphore_mem>>) {add = true}
        %dma_wait3A_459 = arith.constant 0 : i32
        %dma_wait3A_460 = tpu.memref_slice %arg8[%run_scoped3A_181, %dma_wait3A_459] : memref<8x128xi32, #tpu.memory_space<vmem>> -> memref<1x128xi32, #tpu.memory_space<vmem>>
        %dma_wait3A_461 = tpu.memref_squeeze %dma_wait3A_460 : memref<1x128xi32, #tpu.memory_space<vmem>> -> memref<128xi32, #tpu.memory_space<vmem>>
        %dma_wait3A_462 = arith.constant 0 : i32
        %dma_wait3A_463 = arith.constant 0 : i32
        %dma_wait3A_464 = tpu.memref_slice %arg13[%dma_wait3A_462, %dma_wait3A_463] : memref<10240x128xf32, #tpu.memory_space<vmem_shared>> -> memref<10240x128xf32, #tpu.memory_space<vmem_shared>>
        tpu.wait_indirect_dma semaphore(%run_scoped3A_452 : memref<!tpu.dma_semaphore, #tpu.memory_space<semaphore_mem>>) src(%arg11 : memref<128x128xf32, #tpu.memory_space<vmem>>) dst(%dma_wait3A_464 : memref<10240x128xf32, #tpu.memory_space<vmem_shared>>)
        tpu.yield
      }) : () -> ()
      %dma_start3A_182 = arith.constant 4 : i32
      %dma_start3A_183 = arith.constant 0 : i32
      %dma_start3A_184 = tpu.memref_slice %arg7[%dma_start3A_182, %dma_start3A_183] : memref<8x128xi32, #tpu.memory_space<vmem>> -> memref<1x128xi32, #tpu.memory_space<vmem>>
      %dma_start3A_185 = tpu.memref_squeeze %dma_start3A_184 : memref<1x128xi32, #tpu.memory_space<vmem>> -> memref<128xi32, #tpu.memory_space<vmem>>
      %dma_start3A_186 = arith.constant 0 : i32
      %dma_start3A_187 = arith.constant 0 : i32
      %dma_start3A_188 = tpu.memref_slice %arg2[%dma_start3A_186, %dma_start3A_187] : memref<10240x128xf32, #tpu.memory_space<hbm>> -> memref<10240x128xf32, #tpu.memory_space<hbm>>
      tpu.enqueue_indirect_dma source(%dma_start3A_188 : memref<10240x128xf32, #tpu.memory_space<hbm>>) target(%arg11 : memref<128x128xf32, #tpu.memory_space<vmem>>) offsets(%dma_start3A_185 : memref<128xi32, #tpu.memory_space<vmem>>) semaphore(%arg14 : memref<!tpu.dma_semaphore, #tpu.memory_space<semaphore_mem>>)
      %dma_wait3A_189 = arith.constant 3 : i32
      %dma_wait3A_190 = arith.constant 0 : i32
      %dma_wait3A_191 = tpu.memref_slice %arg7[%dma_wait3A_189, %dma_wait3A_190] : memref<8x128xi32, #tpu.memory_space<vmem>> -> memref<1x128xi32, #tpu.memory_space<vmem>>
      %dma_wait3A_192 = tpu.memref_squeeze %dma_wait3A_191 : memref<1x128xi32, #tpu.memory_space<vmem>> -> memref<128xi32, #tpu.memory_space<vmem>>
      %dma_wait3A_193 = arith.constant 0 : i32
      %dma_wait3A_194 = arith.constant 0 : i32
      %dma_wait3A_195 = tpu.memref_slice %arg2[%dma_wait3A_193, %dma_wait3A_194] : memref<10240x128xf32, #tpu.memory_space<hbm>> -> memref<10240x128xf32, #tpu.memory_space<hbm>>
      tpu.wait_indirect_dma semaphore(%arg15 : memref<!tpu.dma_semaphore, #tpu.memory_space<semaphore_mem>>) src(%dma_wait3A_195 : memref<10240x128xf32, #tpu.memory_space<hbm>>) dst(%arg12 : memref<128x128xf32, #tpu.memory_space<vmem>>)
      %run_scoped3A_196 = arith.constant 3 : i32
      "tpu.region"() ({
        %run_scoped3A_452 = tpu.sem_alloc : memref<!tpu.dma_semaphore, #tpu.memory_space<semaphore_mem>>
        %dma_start3A_453 = arith.constant 0 : i32
        %dma_start3A_454 = tpu.memref_slice %arg8[%run_scoped3A_196, %dma_start3A_453] : memref<8x128xi32, #tpu.memory_space<vmem>> -> memref<1x128xi32, #tpu.memory_space<vmem>>
        %dma_start3A_455 = tpu.memref_squeeze %dma_start3A_454 : memref<1x128xi32, #tpu.memory_space<vmem>> -> memref<128xi32, #tpu.memory_space<vmem>>
        %dma_start3A_456 = arith.constant 0 : i32
        %dma_start3A_457 = arith.constant 0 : i32
        %dma_start3A_458 = tpu.memref_slice %arg13[%dma_start3A_456, %dma_start3A_457] : memref<10240x128xf32, #tpu.memory_space<vmem_shared>> -> memref<10240x128xf32, #tpu.memory_space<vmem_shared>>
        tpu.enqueue_indirect_dma source(%arg12 : memref<128x128xf32, #tpu.memory_space<vmem>>) target(%dma_start3A_458 : memref<10240x128xf32, #tpu.memory_space<vmem_shared>>) offsets(%dma_start3A_455 : memref<128xi32, #tpu.memory_space<vmem>>) semaphore(%run_scoped3A_452 : memref<!tpu.dma_semaphore, #tpu.memory_space<semaphore_mem>>) {add = true}
        %dma_wait3A_459 = arith.constant 0 : i32
        %dma_wait3A_460 = tpu.memref_slice %arg8[%run_scoped3A_196, %dma_wait3A_459] : memref<8x128xi32, #tpu.memory_space<vmem>> -> memref<1x128xi32, #tpu.memory_space<vmem>>
        %dma_wait3A_461 = tpu.memref_squeeze %dma_wait3A_460 : memref<1x128xi32, #tpu.memory_space<vmem>> -> memref<128xi32, #tpu.memory_space<vmem>>
        %dma_wait3A_462 = arith.constant 0 : i32
        %dma_wait3A_463 = arith.constant 0 : i32
        %dma_wait3A_464 = tpu.memref_slice %arg13[%dma_wait3A_462, %dma_wait3A_463] : memref<10240x128xf32, #tpu.memory_space<vmem_shared>> -> memref<10240x128xf32, #tpu.memory_space<vmem_shared>>
        tpu.wait_indirect_dma semaphore(%run_scoped3A_452 : memref<!tpu.dma_semaphore, #tpu.memory_space<semaphore_mem>>) src(%arg12 : memref<128x128xf32, #tpu.memory_space<vmem>>) dst(%dma_wait3A_464 : memref<10240x128xf32, #tpu.memory_space<vmem_shared>>)
        tpu.yield
      }) : () -> ()
      %dma_start3A_197 = arith.constant 5 : i32
      %dma_start3A_198 = arith.constant 0 : i32
      %dma_start3A_199 = tpu.memref_slice %arg7[%dma_start3A_197, %dma_start3A_198] : memref<8x128xi32, #tpu.memory_space<vmem>> -> memref<1x128xi32, #tpu.memory_space<vmem>>
      %dma_start3A_200 = tpu.memref_squeeze %dma_start3A_199 : memref<1x128xi32, #tpu.memory_space<vmem>> -> memref<128xi32, #tpu.memory_space<vmem>>
      %dma_start3A_201 = arith.constant 0 : i32
      %dma_start3A_202 = arith.constant 0 : i32
      %dma_start3A_203 = tpu.memref_slice %arg2[%dma_start3A_201, %dma_start3A_202] : memref<10240x128xf32, #tpu.memory_space<hbm>> -> memref<10240x128xf32, #tpu.memory_space<hbm>>
      tpu.enqueue_indirect_dma source(%dma_start3A_203 : memref<10240x128xf32, #tpu.memory_space<hbm>>) target(%arg12 : memref<128x128xf32, #tpu.memory_space<vmem>>) offsets(%dma_start3A_200 : memref<128xi32, #tpu.memory_space<vmem>>) semaphore(%arg15 : memref<!tpu.dma_semaphore, #tpu.memory_space<semaphore_mem>>)
      %dma_wait3A_204 = arith.constant 4 : i32
      %dma_wait3A_205 = arith.constant 0 : i32
      %dma_wait3A_206 = tpu.memref_slice %arg7[%dma_wait3A_204, %dma_wait3A_205] : memref<8x128xi32, #tpu.memory_space<vmem>> -> memref<1x128xi32, #tpu.memory_space<vmem>>
      %dma_wait3A_207 = tpu.memref_squeeze %dma_wait3A_206 : memref<1x128xi32, #tpu.memory_space<vmem>> -> memref<128xi32, #tpu.memory_space<vmem>>
      %dma_wait3A_208 = arith.constant 0 : i32
      %dma_wait3A_209 = arith.constant 0 : i32
      %dma_wait3A_210 = tpu.memref_slice %arg2[%dma_wait3A_208, %dma_wait3A_209] : memref<10240x128xf32, #tpu.memory_space<hbm>> -> memref<10240x128xf32, #tpu.memory_space<hbm>>
      tpu.wait_indirect_dma semaphore(%arg14 : memref<!tpu.dma_semaphore, #tpu.memory_space<semaphore_mem>>) src(%dma_wait3A_210 : memref<10240x128xf32, #tpu.memory_space<hbm>>) dst(%arg11 : memref<128x128xf32, #tpu.memory_space<vmem>>)
      %run_scoped3A_211 = arith.constant 4 : i32
      "tpu.region"() ({
        %run_scoped3A_452 = tpu.sem_alloc : memref<!tpu.dma_semaphore, #tpu.memory_space<semaphore_mem>>
        %dma_start3A_453 = arith.constant 0 : i32
        %dma_start3A_454 = tpu.memref_slice %arg8[%run_scoped3A_211, %dma_start3A_453] : memref<8x128xi32, #tpu.memory_space<vmem>> -> memref<1x128xi32, #tpu.memory_space<vmem>>
        %dma_start3A_455 = tpu.memref_squeeze %dma_start3A_454 : memref<1x128xi32, #tpu.memory_space<vmem>> -> memref<128xi32, #tpu.memory_space<vmem>>
        %dma_start3A_456 = arith.constant 0 : i32
        %dma_start3A_457 = arith.constant 0 : i32
        %dma_start3A_458 = tpu.memref_slice %arg13[%dma_start3A_456, %dma_start3A_457] : memref<10240x128xf32, #tpu.memory_space<vmem_shared>> -> memref<10240x128xf32, #tpu.memory_space<vmem_shared>>
        tpu.enqueue_indirect_dma source(%arg11 : memref<128x128xf32, #tpu.memory_space<vmem>>) target(%dma_start3A_458 : memref<10240x128xf32, #tpu.memory_space<vmem_shared>>) offsets(%dma_start3A_455 : memref<128xi32, #tpu.memory_space<vmem>>) semaphore(%run_scoped3A_452 : memref<!tpu.dma_semaphore, #tpu.memory_space<semaphore_mem>>) {add = true}
        %dma_wait3A_459 = arith.constant 0 : i32
        %dma_wait3A_460 = tpu.memref_slice %arg8[%run_scoped3A_211, %dma_wait3A_459] : memref<8x128xi32, #tpu.memory_space<vmem>> -> memref<1x128xi32, #tpu.memory_space<vmem>>
        %dma_wait3A_461 = tpu.memref_squeeze %dma_wait3A_460 : memref<1x128xi32, #tpu.memory_space<vmem>> -> memref<128xi32, #tpu.memory_space<vmem>>
        %dma_wait3A_462 = arith.constant 0 : i32
        %dma_wait3A_463 = arith.constant 0 : i32
        %dma_wait3A_464 = tpu.memref_slice %arg13[%dma_wait3A_462, %dma_wait3A_463] : memref<10240x128xf32, #tpu.memory_space<vmem_shared>> -> memref<10240x128xf32, #tpu.memory_space<vmem_shared>>
        tpu.wait_indirect_dma semaphore(%run_scoped3A_452 : memref<!tpu.dma_semaphore, #tpu.memory_space<semaphore_mem>>) src(%arg11 : memref<128x128xf32, #tpu.memory_space<vmem>>) dst(%dma_wait3A_464 : memref<10240x128xf32, #tpu.memory_space<vmem_shared>>)
        tpu.yield
      }) : () -> ()
      %dma_start3A_212 = arith.constant 6 : i32
      %dma_start3A_213 = arith.constant 0 : i32
      %dma_start3A_214 = tpu.memref_slice %arg7[%dma_start3A_212, %dma_start3A_213] : memref<8x128xi32, #tpu.memory_space<vmem>> -> memref<1x128xi32, #tpu.memory_space<vmem>>
      %dma_start3A_215 = tpu.memref_squeeze %dma_start3A_214 : memref<1x128xi32, #tpu.memory_space<vmem>> -> memref<128xi32, #tpu.memory_space<vmem>>
      %dma_start3A_216 = arith.constant 0 : i32
      %dma_start3A_217 = arith.constant 0 : i32
      %dma_start3A_218 = tpu.memref_slice %arg2[%dma_start3A_216, %dma_start3A_217] : memref<10240x128xf32, #tpu.memory_space<hbm>> -> memref<10240x128xf32, #tpu.memory_space<hbm>>
      tpu.enqueue_indirect_dma source(%dma_start3A_218 : memref<10240x128xf32, #tpu.memory_space<hbm>>) target(%arg11 : memref<128x128xf32, #tpu.memory_space<vmem>>) offsets(%dma_start3A_215 : memref<128xi32, #tpu.memory_space<vmem>>) semaphore(%arg14 : memref<!tpu.dma_semaphore, #tpu.memory_space<semaphore_mem>>)
      %dma_wait3A_219 = arith.constant 5 : i32
      %dma_wait3A_220 = arith.constant 0 : i32
      %dma_wait3A_221 = tpu.memref_slice %arg7[%dma_wait3A_219, %dma_wait3A_220] : memref<8x128xi32, #tpu.memory_space<vmem>> -> memref<1x128xi32, #tpu.memory_space<vmem>>
      %dma_wait3A_222 = tpu.memref_squeeze %dma_wait3A_221 : memref<1x128xi32, #tpu.memory_space<vmem>> -> memref<128xi32, #tpu.memory_space<vmem>>
      %dma_wait3A_223 = arith.constant 0 : i32
      %dma_wait3A_224 = arith.constant 0 : i32
      %dma_wait3A_225 = tpu.memref_slice %arg2[%dma_wait3A_223, %dma_wait3A_224] : memref<10240x128xf32, #tpu.memory_space<hbm>> -> memref<10240x128xf32, #tpu.memory_space<hbm>>
      tpu.wait_indirect_dma semaphore(%arg15 : memref<!tpu.dma_semaphore, #tpu.memory_space<semaphore_mem>>) src(%dma_wait3A_225 : memref<10240x128xf32, #tpu.memory_space<hbm>>) dst(%arg12 : memref<128x128xf32, #tpu.memory_space<vmem>>)
      %run_scoped3A_226 = arith.constant 5 : i32
      "tpu.region"() ({
        %run_scoped3A_452 = tpu.sem_alloc : memref<!tpu.dma_semaphore, #tpu.memory_space<semaphore_mem>>
        %dma_start3A_453 = arith.constant 0 : i32
        %dma_start3A_454 = tpu.memref_slice %arg8[%run_scoped3A_226, %dma_start3A_453] : memref<8x128xi32, #tpu.memory_space<vmem>> -> memref<1x128xi32, #tpu.memory_space<vmem>>
        %dma_start3A_455 = tpu.memref_squeeze %dma_start3A_454 : memref<1x128xi32, #tpu.memory_space<vmem>> -> memref<128xi32, #tpu.memory_space<vmem>>
        %dma_start3A_456 = arith.constant 0 : i32
        %dma_start3A_457 = arith.constant 0 : i32
        %dma_start3A_458 = tpu.memref_slice %arg13[%dma_start3A_456, %dma_start3A_457] : memref<10240x128xf32, #tpu.memory_space<vmem_shared>> -> memref<10240x128xf32, #tpu.memory_space<vmem_shared>>
        tpu.enqueue_indirect_dma source(%arg12 : memref<128x128xf32, #tpu.memory_space<vmem>>) target(%dma_start3A_458 : memref<10240x128xf32, #tpu.memory_space<vmem_shared>>) offsets(%dma_start3A_455 : memref<128xi32, #tpu.memory_space<vmem>>) semaphore(%run_scoped3A_452 : memref<!tpu.dma_semaphore, #tpu.memory_space<semaphore_mem>>) {add = true}
        %dma_wait3A_459 = arith.constant 0 : i32
        %dma_wait3A_460 = tpu.memref_slice %arg8[%run_scoped3A_226, %dma_wait3A_459] : memref<8x128xi32, #tpu.memory_space<vmem>> -> memref<1x128xi32, #tpu.memory_space<vmem>>
        %dma_wait3A_461 = tpu.memref_squeeze %dma_wait3A_460 : memref<1x128xi32, #tpu.memory_space<vmem>> -> memref<128xi32, #tpu.memory_space<vmem>>
        %dma_wait3A_462 = arith.constant 0 : i32
        %dma_wait3A_463 = arith.constant 0 : i32
        %dma_wait3A_464 = tpu.memref_slice %arg13[%dma_wait3A_462, %dma_wait3A_463] : memref<10240x128xf32, #tpu.memory_space<vmem_shared>> -> memref<10240x128xf32, #tpu.memory_space<vmem_shared>>
        tpu.wait_indirect_dma semaphore(%run_scoped3A_452 : memref<!tpu.dma_semaphore, #tpu.memory_space<semaphore_mem>>) src(%arg12 : memref<128x128xf32, #tpu.memory_space<vmem>>) dst(%dma_wait3A_464 : memref<10240x128xf32, #tpu.memory_space<vmem_shared>>)
        tpu.yield
      }) : () -> ()
      %dma_start3A_227 = arith.constant 7 : i32
      %dma_start3A_228 = arith.constant 0 : i32
      %dma_start3A_229 = tpu.memref_slice %arg7[%dma_start3A_227, %dma_start3A_228] : memref<8x128xi32, #tpu.memory_space<vmem>> -> memref<1x128xi32, #tpu.memory_space<vmem>>
      %dma_start3A_230 = tpu.memref_squeeze %dma_start3A_229 : memref<1x128xi32, #tpu.memory_space<vmem>> -> memref<128xi32, #tpu.memory_space<vmem>>
      %dma_start3A_231 = arith.constant 0 : i32
      %dma_start3A_232 = arith.constant 0 : i32
      %dma_start3A_233 = tpu.memref_slice %arg2[%dma_start3A_231, %dma_start3A_232] : memref<10240x128xf32, #tpu.memory_space<hbm>> -> memref<10240x128xf32, #tpu.memory_space<hbm>>
      tpu.enqueue_indirect_dma source(%dma_start3A_233 : memref<10240x128xf32, #tpu.memory_space<hbm>>) target(%arg12 : memref<128x128xf32, #tpu.memory_space<vmem>>) offsets(%dma_start3A_230 : memref<128xi32, #tpu.memory_space<vmem>>) semaphore(%arg15 : memref<!tpu.dma_semaphore, #tpu.memory_space<semaphore_mem>>)
      %dma_wait3A_234 = arith.constant 6 : i32
      %dma_wait3A_235 = arith.constant 0 : i32
      %dma_wait3A_236 = tpu.memref_slice %arg7[%dma_wait3A_234, %dma_wait3A_235] : memref<8x128xi32, #tpu.memory_space<vmem>> -> memref<1x128xi32, #tpu.memory_space<vmem>>
      %dma_wait3A_237 = tpu.memref_squeeze %dma_wait3A_236 : memref<1x128xi32, #tpu.memory_space<vmem>> -> memref<128xi32, #tpu.memory_space<vmem>>
      %dma_wait3A_238 = arith.constant 0 : i32
      %dma_wait3A_239 = arith.constant 0 : i32
      %dma_wait3A_240 = tpu.memref_slice %arg2[%dma_wait3A_238, %dma_wait3A_239] : memref<10240x128xf32, #tpu.memory_space<hbm>> -> memref<10240x128xf32, #tpu.memory_space<hbm>>
      tpu.wait_indirect_dma semaphore(%arg14 : memref<!tpu.dma_semaphore, #tpu.memory_space<semaphore_mem>>) src(%dma_wait3A_240 : memref<10240x128xf32, #tpu.memory_space<hbm>>) dst(%arg11 : memref<128x128xf32, #tpu.memory_space<vmem>>)
      %run_scoped3A_241 = arith.constant 6 : i32
      "tpu.region"() ({
        %run_scoped3A_452 = tpu.sem_alloc : memref<!tpu.dma_semaphore, #tpu.memory_space<semaphore_mem>>
        %dma_start3A_453 = arith.constant 0 : i32
        %dma_start3A_454 = tpu.memref_slice %arg8[%run_scoped3A_241, %dma_start3A_453] : memref<8x128xi32, #tpu.memory_space<vmem>> -> memref<1x128xi32, #tpu.memory_space<vmem>>
        %dma_start3A_455 = tpu.memref_squeeze %dma_start3A_454 : memref<1x128xi32, #tpu.memory_space<vmem>> -> memref<128xi32, #tpu.memory_space<vmem>>
        %dma_start3A_456 = arith.constant 0 : i32
        %dma_start3A_457 = arith.constant 0 : i32
        %dma_start3A_458 = tpu.memref_slice %arg13[%dma_start3A_456, %dma_start3A_457] : memref<10240x128xf32, #tpu.memory_space<vmem_shared>> -> memref<10240x128xf32, #tpu.memory_space<vmem_shared>>
        tpu.enqueue_indirect_dma source(%arg11 : memref<128x128xf32, #tpu.memory_space<vmem>>) target(%dma_start3A_458 : memref<10240x128xf32, #tpu.memory_space<vmem_shared>>) offsets(%dma_start3A_455 : memref<128xi32, #tpu.memory_space<vmem>>) semaphore(%run_scoped3A_452 : memref<!tpu.dma_semaphore, #tpu.memory_space<semaphore_mem>>) {add = true}
        %dma_wait3A_459 = arith.constant 0 : i32
        %dma_wait3A_460 = tpu.memref_slice %arg8[%run_scoped3A_241, %dma_wait3A_459] : memref<8x128xi32, #tpu.memory_space<vmem>> -> memref<1x128xi32, #tpu.memory_space<vmem>>
        %dma_wait3A_461 = tpu.memref_squeeze %dma_wait3A_460 : memref<1x128xi32, #tpu.memory_space<vmem>> -> memref<128xi32, #tpu.memory_space<vmem>>
        %dma_wait3A_462 = arith.constant 0 : i32
        %dma_wait3A_463 = arith.constant 0 : i32
        %dma_wait3A_464 = tpu.memref_slice %arg13[%dma_wait3A_462, %dma_wait3A_463] : memref<10240x128xf32, #tpu.memory_space<vmem_shared>> -> memref<10240x128xf32, #tpu.memory_space<vmem_shared>>
        tpu.wait_indirect_dma semaphore(%run_scoped3A_452 : memref<!tpu.dma_semaphore, #tpu.memory_space<semaphore_mem>>) src(%arg11 : memref<128x128xf32, #tpu.memory_space<vmem>>) dst(%dma_wait3A_464 : memref<10240x128xf32, #tpu.memory_space<vmem_shared>>)
        tpu.yield
      }) : () -> ()
      %dma_wait3A_242 = arith.constant 1 : i32
      %dma_wait3A_243 = arith.constant 0 : i32
      %dma_wait3A_244 = arith.constant 0 : i32
      %dma_wait3A_245 = tpu.memref_slice %arg3[%add3A, %dma_wait3A_242, %dma_wait3A_243, %dma_wait3A_244] : memref<32x10x8x128xi32, #tpu.memory_space<hbm>> -> memref<1x1x8x128xi32, #tpu.memory_space<hbm>>
      %dma_wait3A_246 = tpu.memref_squeeze %dma_wait3A_245 : memref<1x1x8x128xi32, #tpu.memory_space<hbm>> -> memref<8x128xi32, #tpu.memory_space<hbm>>
      %dma_wait3A_247 = arith.constant 0 : i32
      %dma_wait3A_248 = arith.constant 0 : i32
      %dma_wait3A_249 = tpu.memref_slice %arg3[%add3A, %dma_wait3A_242, %dma_wait3A_247, %dma_wait3A_248] : memref<32x10x8x128xi32, #tpu.memory_space<hbm>> -> memref<1x1x8x128xi32, #tpu.memory_space<hbm>>
      %dma_wait3A_250 = tpu.memref_squeeze %dma_wait3A_249 : memref<1x1x8x128xi32, #tpu.memory_space<hbm>> -> memref<8x128xi32, #tpu.memory_space<hbm>>
      tpu.wait_dma2 semaphore(%arg17 : memref<!tpu.dma_semaphore, #tpu.memory_space<semaphore_mem>>) src(%dma_wait3A_250 : memref<8x128xi32, #tpu.memory_space<hbm>>) dst(%arg9 : memref<8x128xi32, #tpu.memory_space<vmem>>)
      %dma_wait3A_251 = arith.constant 1 : i32
      %dma_wait3A_252 = arith.constant 0 : i32
      %dma_wait3A_253 = arith.constant 0 : i32
      %dma_wait3A_254 = tpu.memref_slice %arg4[%add3A, %dma_wait3A_251, %dma_wait3A_252, %dma_wait3A_253] : memref<32x10x8x128xi32, #tpu.memory_space<hbm>> -> memref<1x1x8x128xi32, #tpu.memory_space<hbm>>
      %dma_wait3A_255 = tpu.memref_squeeze %dma_wait3A_254 : memref<1x1x8x128xi32, #tpu.memory_space<hbm>> -> memref<8x128xi32, #tpu.memory_space<hbm>>
      %dma_wait3A_256 = arith.constant 0 : i32
      %dma_wait3A_257 = arith.constant 0 : i32
      %dma_wait3A_258 = tpu.memref_slice %arg4[%add3A, %dma_wait3A_251, %dma_wait3A_256, %dma_wait3A_257] : memref<32x10x8x128xi32, #tpu.memory_space<hbm>> -> memref<1x1x8x128xi32, #tpu.memory_space<hbm>>
      %dma_wait3A_259 = tpu.memref_squeeze %dma_wait3A_258 : memref<1x1x8x128xi32, #tpu.memory_space<hbm>> -> memref<8x128xi32, #tpu.memory_space<hbm>>
      tpu.wait_dma2 semaphore(%arg17 : memref<!tpu.dma_semaphore, #tpu.memory_space<semaphore_mem>>) src(%dma_wait3A_259 : memref<8x128xi32, #tpu.memory_space<hbm>>) dst(%arg10 : memref<8x128xi32, #tpu.memory_space<vmem>>)
      %dma_start3A_260 = arith.constant 0 : i32
      %dma_start3A_261 = arith.constant 0 : i32
      %dma_start3A_262 = tpu.memref_slice %arg9[%dma_start3A_260, %dma_start3A_261] : memref<8x128xi32, #tpu.memory_space<vmem>> -> memref<1x128xi32, #tpu.memory_space<vmem>>
      %dma_start3A_263 = tpu.memref_squeeze %dma_start3A_262 : memref<1x128xi32, #tpu.memory_space<vmem>> -> memref<128xi32, #tpu.memory_space<vmem>>
      %dma_start3A_264 = arith.constant 0 : i32
      %dma_start3A_265 = arith.constant 0 : i32
      %dma_start3A_266 = tpu.memref_slice %arg2[%dma_start3A_264, %dma_start3A_265] : memref<10240x128xf32, #tpu.memory_space<hbm>> -> memref<10240x128xf32, #tpu.memory_space<hbm>>
      tpu.enqueue_indirect_dma source(%dma_start3A_266 : memref<10240x128xf32, #tpu.memory_space<hbm>>) target(%arg11 : memref<128x128xf32, #tpu.memory_space<vmem>>) offsets(%dma_start3A_263 : memref<128xi32, #tpu.memory_space<vmem>>) semaphore(%arg14 : memref<!tpu.dma_semaphore, #tpu.memory_space<semaphore_mem>>)
      %dma_wait3A_267 = arith.constant 7 : i32
      %dma_wait3A_268 = arith.constant 0 : i32
      %dma_wait3A_269 = tpu.memref_slice %arg7[%dma_wait3A_267, %dma_wait3A_268] : memref<8x128xi32, #tpu.memory_space<vmem>> -> memref<1x128xi32, #tpu.memory_space<vmem>>
      %dma_wait3A_270 = tpu.memref_squeeze %dma_wait3A_269 : memref<1x128xi32, #tpu.memory_space<vmem>> -> memref<128xi32, #tpu.memory_space<vmem>>
      %dma_wait3A_271 = arith.constant 0 : i32
      %dma_wait3A_272 = arith.constant 0 : i32
      %dma_wait3A_273 = tpu.memref_slice %arg2[%dma_wait3A_271, %dma_wait3A_272] : memref<10240x128xf32, #tpu.memory_space<hbm>> -> memref<10240x128xf32, #tpu.memory_space<hbm>>
      tpu.wait_indirect_dma semaphore(%arg15 : memref<!tpu.dma_semaphore, #tpu.memory_space<semaphore_mem>>) src(%dma_wait3A_273 : memref<10240x128xf32, #tpu.memory_space<hbm>>) dst(%arg12 : memref<128x128xf32, #tpu.memory_space<vmem>>)
      %run_scoped3A_274 = arith.constant 7 : i32
      "tpu.region"() ({
        %run_scoped3A_452 = tpu.sem_alloc : memref<!tpu.dma_semaphore, #tpu.memory_space<semaphore_mem>>
        %dma_start3A_453 = arith.constant 0 : i32
        %dma_start3A_454 = tpu.memref_slice %arg8[%run_scoped3A_274, %dma_start3A_453] : memref<8x128xi32, #tpu.memory_space<vmem>> -> memref<1x128xi32, #tpu.memory_space<vmem>>
        %dma_start3A_455 = tpu.memref_squeeze %dma_start3A_454 : memref<1x128xi32, #tpu.memory_space<vmem>> -> memref<128xi32, #tpu.memory_space<vmem>>
        %dma_start3A_456 = arith.constant 0 : i32
        %dma_start3A_457 = arith.constant 0 : i32
        %dma_start3A_458 = tpu.memref_slice %arg13[%dma_start3A_456, %dma_start3A_457] : memref<10240x128xf32, #tpu.memory_space<vmem_shared>> -> memref<10240x128xf32, #tpu.memory_space<vmem_shared>>
        tpu.enqueue_indirect_dma source(%arg12 : memref<128x128xf32, #tpu.memory_space<vmem>>) target(%dma_start3A_458 : memref<10240x128xf32, #tpu.memory_space<vmem_shared>>) offsets(%dma_start3A_455 : memref<128xi32, #tpu.memory_space<vmem>>) semaphore(%run_scoped3A_452 : memref<!tpu.dma_semaphore, #tpu.memory_space<semaphore_mem>>) {add = true}
        %dma_wait3A_459 = arith.constant 0 : i32
        %dma_wait3A_460 = tpu.memref_slice %arg8[%run_scoped3A_274, %dma_wait3A_459] : memref<8x128xi32, #tpu.memory_space<vmem>> -> memref<1x128xi32, #tpu.memory_space<vmem>>
        %dma_wait3A_461 = tpu.memref_squeeze %dma_wait3A_460 : memref<1x128xi32, #tpu.memory_space<vmem>> -> memref<128xi32, #tpu.memory_space<vmem>>
        %dma_wait3A_462 = arith.constant 0 : i32
        %dma_wait3A_463 = arith.constant 0 : i32
        %dma_wait3A_464 = tpu.memref_slice %arg13[%dma_wait3A_462, %dma_wait3A_463] : memref<10240x128xf32, #tpu.memory_space<vmem_shared>> -> memref<10240x128xf32, #tpu.memory_space<vmem_shared>>
        tpu.wait_indirect_dma semaphore(%run_scoped3A_452 : memref<!tpu.dma_semaphore, #tpu.memory_space<semaphore_mem>>) src(%arg12 : memref<128x128xf32, #tpu.memory_space<vmem>>) dst(%dma_wait3A_464 : memref<10240x128xf32, #tpu.memory_space<vmem_shared>>)
        tpu.yield
      }) : () -> ()
      %dma_start3A_275 = arith.constant 1 : i32
      %dma_start3A_276 = arith.constant 0 : i32
      %dma_start3A_277 = tpu.memref_slice %arg9[%dma_start3A_275, %dma_start3A_276] : memref<8x128xi32, #tpu.memory_space<vmem>> -> memref<1x128xi32, #tpu.memory_space<vmem>>
      %dma_start3A_278 = tpu.memref_squeeze %dma_start3A_277 : memref<1x128xi32, #tpu.memory_space<vmem>> -> memref<128xi32, #tpu.memory_space<vmem>>
      %dma_start3A_279 = arith.constant 0 : i32
      %dma_start3A_280 = arith.constant 0 : i32
      %dma_start3A_281 = tpu.memref_slice %arg2[%dma_start3A_279, %dma_start3A_280] : memref<10240x128xf32, #tpu.memory_space<hbm>> -> memref<10240x128xf32, #tpu.memory_space<hbm>>
      tpu.enqueue_indirect_dma source(%dma_start3A_281 : memref<10240x128xf32, #tpu.memory_space<hbm>>) target(%arg12 : memref<128x128xf32, #tpu.memory_space<vmem>>) offsets(%dma_start3A_278 : memref<128xi32, #tpu.memory_space<vmem>>) semaphore(%arg15 : memref<!tpu.dma_semaphore, #tpu.memory_space<semaphore_mem>>)
      %dma_start3A_282 = arith.constant 0 : i32
      %dma_start3A_283 = arith.constant 0 : i32
      %dma_start3A_284 = tpu.memref_slice %arg3[%add3A, %select_n3A_124, %dma_start3A_282, %dma_start3A_283] : memref<32x10x8x128xi32, #tpu.memory_space<hbm>> -> memref<1x1x8x128xi32, #tpu.memory_space<hbm>>
      %dma_start3A_285 = tpu.memref_squeeze %dma_start3A_284 : memref<1x1x8x128xi32, #tpu.memory_space<hbm>> -> memref<8x128xi32, #tpu.memory_space<hbm>>
      %dma_start3A_286 = arith.constant 0 : i32
      %dma_start3A_287 = arith.constant 0 : i32
      %dma_start3A_288 = tpu.memref_slice %arg3[%add3A, %select_n3A_124, %dma_start3A_286, %dma_start3A_287] : memref<32x10x8x128xi32, #tpu.memory_space<hbm>> -> memref<1x1x8x128xi32, #tpu.memory_space<hbm>>
      %dma_start3A_289 = tpu.memref_squeeze %dma_start3A_288 : memref<1x1x8x128xi32, #tpu.memory_space<hbm>> -> memref<8x128xi32, #tpu.memory_space<hbm>>
      tpu.enqueue_dma source(%dma_start3A_289 : memref<8x128xi32, #tpu.memory_space<hbm>>) target(%arg7 : memref<8x128xi32, #tpu.memory_space<vmem>>) target_semaphore(%arg16 : memref<!tpu.dma_semaphore, #tpu.memory_space<semaphore_mem>>)
      %dma_start3A_290 = arith.constant 0 : i32
      %dma_start3A_291 = arith.constant 0 : i32
      %dma_start3A_292 = tpu.memref_slice %arg4[%add3A, %select_n3A_124, %dma_start3A_290, %dma_start3A_291] : memref<32x10x8x128xi32, #tpu.memory_space<hbm>> -> memref<1x1x8x128xi32, #tpu.memory_space<hbm>>
      %dma_start3A_293 = tpu.memref_squeeze %dma_start3A_292 : memref<1x1x8x128xi32, #tpu.memory_space<hbm>> -> memref<8x128xi32, #tpu.memory_space<hbm>>
      %dma_start3A_294 = arith.constant 0 : i32
      %dma_start3A_295 = arith.constant 0 : i32
      %dma_start3A_296 = tpu.memref_slice %arg4[%add3A, %select_n3A_124, %dma_start3A_294, %dma_start3A_295] : memref<32x10x8x128xi32, #tpu.memory_space<hbm>> -> memref<1x1x8x128xi32, #tpu.memory_space<hbm>>
      %dma_start3A_297 = tpu.memref_squeeze %dma_start3A_296 : memref<1x1x8x128xi32, #tpu.memory_space<hbm>> -> memref<8x128xi32, #tpu.memory_space<hbm>>
      tpu.enqueue_dma source(%dma_start3A_297 : memref<8x128xi32, #tpu.memory_space<hbm>>) target(%arg8 : memref<8x128xi32, #tpu.memory_space<vmem>>) target_semaphore(%arg16 : memref<!tpu.dma_semaphore, #tpu.memory_space<semaphore_mem>>)
      %dma_wait3A_298 = arith.constant 0 : i32
      %dma_wait3A_299 = arith.constant 0 : i32
      %dma_wait3A_300 = tpu.memref_slice %arg9[%dma_wait3A_298, %dma_wait3A_299] : memref<8x128xi32, #tpu.memory_space<vmem>> -> memref<1x128xi32, #tpu.memory_space<vmem>>
      %dma_wait3A_301 = tpu.memref_squeeze %dma_wait3A_300 : memref<1x128xi32, #tpu.memory_space<vmem>> -> memref<128xi32, #tpu.memory_space<vmem>>
      %dma_wait3A_302 = arith.constant 0 : i32
      %dma_wait3A_303 = arith.constant 0 : i32
      %dma_wait3A_304 = tpu.memref_slice %arg2[%dma_wait3A_302, %dma_wait3A_303] : memref<10240x128xf32, #tpu.memory_space<hbm>> -> memref<10240x128xf32, #tpu.memory_space<hbm>>
      tpu.wait_indirect_dma semaphore(%arg14 : memref<!tpu.dma_semaphore, #tpu.memory_space<semaphore_mem>>) src(%dma_wait3A_304 : memref<10240x128xf32, #tpu.memory_space<hbm>>) dst(%arg11 : memref<128x128xf32, #tpu.memory_space<vmem>>)
      %run_scoped3A_305 = arith.constant 0 : i32
      "tpu.region"() ({
        %run_scoped3A_452 = tpu.sem_alloc : memref<!tpu.dma_semaphore, #tpu.memory_space<semaphore_mem>>
        %dma_start3A_453 = arith.constant 0 : i32
        %dma_start3A_454 = tpu.memref_slice %arg10[%run_scoped3A_305, %dma_start3A_453] : memref<8x128xi32, #tpu.memory_space<vmem>> -> memref<1x128xi32, #tpu.memory_space<vmem>>
        %dma_start3A_455 = tpu.memref_squeeze %dma_start3A_454 : memref<1x128xi32, #tpu.memory_space<vmem>> -> memref<128xi32, #tpu.memory_space<vmem>>
        %dma_start3A_456 = arith.constant 0 : i32
        %dma_start3A_457 = arith.constant 0 : i32
        %dma_start3A_458 = tpu.memref_slice %arg13[%dma_start3A_456, %dma_start3A_457] : memref<10240x128xf32, #tpu.memory_space<vmem_shared>> -> memref<10240x128xf32, #tpu.memory_space<vmem_shared>>
        tpu.enqueue_indirect_dma source(%arg11 : memref<128x128xf32, #tpu.memory_space<vmem>>) target(%dma_start3A_458 : memref<10240x128xf32, #tpu.memory_space<vmem_shared>>) offsets(%dma_start3A_455 : memref<128xi32, #tpu.memory_space<vmem>>) semaphore(%run_scoped3A_452 : memref<!tpu.dma_semaphore, #tpu.memory_space<semaphore_mem>>) {add = true}
        %dma_wait3A_459 = arith.constant 0 : i32
        %dma_wait3A_460 = tpu.memref_slice %arg10[%run_scoped3A_305, %dma_wait3A_459] : memref<8x128xi32, #tpu.memory_space<vmem>> -> memref<1x128xi32, #tpu.memory_space<vmem>>
        %dma_wait3A_461 = tpu.memref_squeeze %dma_wait3A_460 : memref<1x128xi32, #tpu.memory_space<vmem>> -> memref<128xi32, #tpu.memory_space<vmem>>
        %dma_wait3A_462 = arith.constant 0 : i32
        %dma_wait3A_463 = arith.constant 0 : i32
        %dma_wait3A_464 = tpu.memref_slice %arg13[%dma_wait3A_462, %dma_wait3A_463] : memref<10240x128xf32, #tpu.memory_space<vmem_shared>> -> memref<10240x128xf32, #tpu.memory_space<vmem_shared>>
        tpu.wait_indirect_dma semaphore(%run_scoped3A_452 : memref<!tpu.dma_semaphore, #tpu.memory_space<semaphore_mem>>) src(%arg11 : memref<128x128xf32, #tpu.memory_space<vmem>>) dst(%dma_wait3A_464 : memref<10240x128xf32, #tpu.memory_space<vmem_shared>>)
        tpu.yield
      }) : () -> ()
      %dma_start3A_306 = arith.constant 2 : i32
      %dma_start3A_307 = arith.constant 0 : i32
      %dma_start3A_308 = tpu.memref_slice %arg9[%dma_start3A_306, %dma_start3A_307] : memref<8x128xi32, #tpu.memory_space<vmem>> -> memref<1x128xi32, #tpu.memory_space<vmem>>
      %dma_start3A_309 = tpu.memref_squeeze %dma_start3A_308 : memref<1x128xi32, #tpu.memory_space<vmem>> -> memref<128xi32, #tpu.memory_space<vmem>>
      %dma_start3A_310 = arith.constant 0 : i32
      %dma_start3A_311 = arith.constant 0 : i32
      %dma_start3A_312 = tpu.memref_slice %arg2[%dma_start3A_310, %dma_start3A_311] : memref<10240x128xf32, #tpu.memory_space<hbm>> -> memref<10240x128xf32, #tpu.memory_space<hbm>>
      tpu.enqueue_indirect_dma source(%dma_start3A_312 : memref<10240x128xf32, #tpu.memory_space<hbm>>) target(%arg11 : memref<128x128xf32, #tpu.memory_space<vmem>>) offsets(%dma_start3A_309 : memref<128xi32, #tpu.memory_space<vmem>>) semaphore(%arg14 : memref<!tpu.dma_semaphore, #tpu.memory_space<semaphore_mem>>)
      %dma_wait3A_313 = arith.constant 1 : i32
      %dma_wait3A_314 = arith.constant 0 : i32
      %dma_wait3A_315 = tpu.memref_slice %arg9[%dma_wait3A_313, %dma_wait3A_314] : memref<8x128xi32, #tpu.memory_space<vmem>> -> memref<1x128xi32, #tpu.memory_space<vmem>>
      %dma_wait3A_316 = tpu.memref_squeeze %dma_wait3A_315 : memref<1x128xi32, #tpu.memory_space<vmem>> -> memref<128xi32, #tpu.memory_space<vmem>>
      %dma_wait3A_317 = arith.constant 0 : i32
      %dma_wait3A_318 = arith.constant 0 : i32
      %dma_wait3A_319 = tpu.memref_slice %arg2[%dma_wait3A_317, %dma_wait3A_318] : memref<10240x128xf32, #tpu.memory_space<hbm>> -> memref<10240x128xf32, #tpu.memory_space<hbm>>
      tpu.wait_indirect_dma semaphore(%arg15 : memref<!tpu.dma_semaphore, #tpu.memory_space<semaphore_mem>>) src(%dma_wait3A_319 : memref<10240x128xf32, #tpu.memory_space<hbm>>) dst(%arg12 : memref<128x128xf32, #tpu.memory_space<vmem>>)
      %run_scoped3A_320 = arith.constant 1 : i32
      "tpu.region"() ({
        %run_scoped3A_452 = tpu.sem_alloc : memref<!tpu.dma_semaphore, #tpu.memory_space<semaphore_mem>>
        %dma_start3A_453 = arith.constant 0 : i32
        %dma_start3A_454 = tpu.memref_slice %arg10[%run_scoped3A_320, %dma_start3A_453] : memref<8x128xi32, #tpu.memory_space<vmem>> -> memref<1x128xi32, #tpu.memory_space<vmem>>
        %dma_start3A_455 = tpu.memref_squeeze %dma_start3A_454 : memref<1x128xi32, #tpu.memory_space<vmem>> -> memref<128xi32, #tpu.memory_space<vmem>>
        %dma_start3A_456 = arith.constant 0 : i32
        %dma_start3A_457 = arith.constant 0 : i32
        %dma_start3A_458 = tpu.memref_slice %arg13[%dma_start3A_456, %dma_start3A_457] : memref<10240x128xf32, #tpu.memory_space<vmem_shared>> -> memref<10240x128xf32, #tpu.memory_space<vmem_shared>>
        tpu.enqueue_indirect_dma source(%arg12 : memref<128x128xf32, #tpu.memory_space<vmem>>) target(%dma_start3A_458 : memref<10240x128xf32, #tpu.memory_space<vmem_shared>>) offsets(%dma_start3A_455 : memref<128xi32, #tpu.memory_space<vmem>>) semaphore(%run_scoped3A_452 : memref<!tpu.dma_semaphore, #tpu.memory_space<semaphore_mem>>) {add = true}
        %dma_wait3A_459 = arith.constant 0 : i32
        %dma_wait3A_460 = tpu.memref_slice %arg10[%run_scoped3A_320, %dma_wait3A_459] : memref<8x128xi32, #tpu.memory_space<vmem>> -> memref<1x128xi32, #tpu.memory_space<vmem>>
        %dma_wait3A_461 = tpu.memref_squeeze %dma_wait3A_460 : memref<1x128xi32, #tpu.memory_space<vmem>> -> memref<128xi32, #tpu.memory_space<vmem>>
        %dma_wait3A_462 = arith.constant 0 : i32
        %dma_wait3A_463 = arith.constant 0 : i32
        %dma_wait3A_464 = tpu.memref_slice %arg13[%dma_wait3A_462, %dma_wait3A_463] : memref<10240x128xf32, #tpu.memory_space<vmem_shared>> -> memref<10240x128xf32, #tpu.memory_space<vmem_shared>>
        tpu.wait_indirect_dma semaphore(%run_scoped3A_452 : memref<!tpu.dma_semaphore, #tpu.memory_space<semaphore_mem>>) src(%arg12 : memref<128x128xf32, #tpu.memory_space<vmem>>) dst(%dma_wait3A_464 : memref<10240x128xf32, #tpu.memory_space<vmem_shared>>)
        tpu.yield
      }) : () -> ()
      %dma_start3A_321 = arith.constant 3 : i32
      %dma_start3A_322 = arith.constant 0 : i32
      %dma_start3A_323 = tpu.memref_slice %arg9[%dma_start3A_321, %dma_start3A_322] : memref<8x128xi32, #tpu.memory_space<vmem>> -> memref<1x128xi32, #tpu.memory_space<vmem>>
      %dma_start3A_324 = tpu.memref_squeeze %dma_start3A_323 : memref<1x128xi32, #tpu.memory_space<vmem>> -> memref<128xi32, #tpu.memory_space<vmem>>
      %dma_start3A_325 = arith.constant 0 : i32
      %dma_start3A_326 = arith.constant 0 : i32
      %dma_start3A_327 = tpu.memref_slice %arg2[%dma_start3A_325, %dma_start3A_326] : memref<10240x128xf32, #tpu.memory_space<hbm>> -> memref<10240x128xf32, #tpu.memory_space<hbm>>
      tpu.enqueue_indirect_dma source(%dma_start3A_327 : memref<10240x128xf32, #tpu.memory_space<hbm>>) target(%arg12 : memref<128x128xf32, #tpu.memory_space<vmem>>) offsets(%dma_start3A_324 : memref<128xi32, #tpu.memory_space<vmem>>) semaphore(%arg15 : memref<!tpu.dma_semaphore, #tpu.memory_space<semaphore_mem>>)
      %dma_wait3A_328 = arith.constant 2 : i32
      %dma_wait3A_329 = arith.constant 0 : i32
      %dma_wait3A_330 = tpu.memref_slice %arg9[%dma_wait3A_328, %dma_wait3A_329] : memref<8x128xi32, #tpu.memory_space<vmem>> -> memref<1x128xi32, #tpu.memory_space<vmem>>
      %dma_wait3A_331 = tpu.memref_squeeze %dma_wait3A_330 : memref<1x128xi32, #tpu.memory_space<vmem>> -> memref<128xi32, #tpu.memory_space<vmem>>
      %dma_wait3A_332 = arith.constant 0 : i32
      %dma_wait3A_333 = arith.constant 0 : i32
      %dma_wait3A_334 = tpu.memref_slice %arg2[%dma_wait3A_332, %dma_wait3A_333] : memref<10240x128xf32, #tpu.memory_space<hbm>> -> memref<10240x128xf32, #tpu.memory_space<hbm>>
      tpu.wait_indirect_dma semaphore(%arg14 : memref<!tpu.dma_semaphore, #tpu.memory_space<semaphore_mem>>) src(%dma_wait3A_334 : memref<10240x128xf32, #tpu.memory_space<hbm>>) dst(%arg11 : memref<128x128xf32, #tpu.memory_space<vmem>>)
      %run_scoped3A_335 = arith.constant 2 : i32
      "tpu.region"() ({
        %run_scoped3A_452 = tpu.sem_alloc : memref<!tpu.dma_semaphore, #tpu.memory_space<semaphore_mem>>
        %dma_start3A_453 = arith.constant 0 : i32
        %dma_start3A_454 = tpu.memref_slice %arg10[%run_scoped3A_335, %dma_start3A_453] : memref<8x128xi32, #tpu.memory_space<vmem>> -> memref<1x128xi32, #tpu.memory_space<vmem>>
        %dma_start3A_455 = tpu.memref_squeeze %dma_start3A_454 : memref<1x128xi32, #tpu.memory_space<vmem>> -> memref<128xi32, #tpu.memory_space<vmem>>
        %dma_start3A_456 = arith.constant 0 : i32
        %dma_start3A_457 = arith.constant 0 : i32
        %dma_start3A_458 = tpu.memref_slice %arg13[%dma_start3A_456, %dma_start3A_457] : memref<10240x128xf32, #tpu.memory_space<vmem_shared>> -> memref<10240x128xf32, #tpu.memory_space<vmem_shared>>
        tpu.enqueue_indirect_dma source(%arg11 : memref<128x128xf32, #tpu.memory_space<vmem>>) target(%dma_start3A_458 : memref<10240x128xf32, #tpu.memory_space<vmem_shared>>) offsets(%dma_start3A_455 : memref<128xi32, #tpu.memory_space<vmem>>) semaphore(%run_scoped3A_452 : memref<!tpu.dma_semaphore, #tpu.memory_space<semaphore_mem>>) {add = true}
        %dma_wait3A_459 = arith.constant 0 : i32
        %dma_wait3A_460 = tpu.memref_slice %arg10[%run_scoped3A_335, %dma_wait3A_459] : memref<8x128xi32, #tpu.memory_space<vmem>> -> memref<1x128xi32, #tpu.memory_space<vmem>>
        %dma_wait3A_461 = tpu.memref_squeeze %dma_wait3A_460 : memref<1x128xi32, #tpu.memory_space<vmem>> -> memref<128xi32, #tpu.memory_space<vmem>>
        %dma_wait3A_462 = arith.constant 0 : i32
        %dma_wait3A_463 = arith.constant 0 : i32
        %dma_wait3A_464 = tpu.memref_slice %arg13[%dma_wait3A_462, %dma_wait3A_463] : memref<10240x128xf32, #tpu.memory_space<vmem_shared>> -> memref<10240x128xf32, #tpu.memory_space<vmem_shared>>
        tpu.wait_indirect_dma semaphore(%run_scoped3A_452 : memref<!tpu.dma_semaphore, #tpu.memory_space<semaphore_mem>>) src(%arg11 : memref<128x128xf32, #tpu.memory_space<vmem>>) dst(%dma_wait3A_464 : memref<10240x128xf32, #tpu.memory_space<vmem_shared>>)
        tpu.yield
      }) : () -> ()
      %dma_start3A_336 = arith.constant 4 : i32
      %dma_start3A_337 = arith.constant 0 : i32
      %dma_start3A_338 = tpu.memref_slice %arg9[%dma_start3A_336, %dma_start3A_337] : memref<8x128xi32, #tpu.memory_space<vmem>> -> memref<1x128xi32, #tpu.memory_space<vmem>>
      %dma_start3A_339 = tpu.memref_squeeze %dma_start3A_338 : memref<1x128xi32, #tpu.memory_space<vmem>> -> memref<128xi32, #tpu.memory_space<vmem>>
      %dma_start3A_340 = arith.constant 0 : i32
      %dma_start3A_341 = arith.constant 0 : i32
      %dma_start3A_342 = tpu.memref_slice %arg2[%dma_start3A_340, %dma_start3A_341] : memref<10240x128xf32, #tpu.memory_space<hbm>> -> memref<10240x128xf32, #tpu.memory_space<hbm>>
      tpu.enqueue_indirect_dma source(%dma_start3A_342 : memref<10240x128xf32, #tpu.memory_space<hbm>>) target(%arg11 : memref<128x128xf32, #tpu.memory_space<vmem>>) offsets(%dma_start3A_339 : memref<128xi32, #tpu.memory_space<vmem>>) semaphore(%arg14 : memref<!tpu.dma_semaphore, #tpu.memory_space<semaphore_mem>>)
      %dma_wait3A_343 = arith.constant 3 : i32
      %dma_wait3A_344 = arith.constant 0 : i32
      %dma_wait3A_345 = tpu.memref_slice %arg9[%dma_wait3A_343, %dma_wait3A_344] : memref<8x128xi32, #tpu.memory_space<vmem>> -> memref<1x128xi32, #tpu.memory_space<vmem>>
      %dma_wait3A_346 = tpu.memref_squeeze %dma_wait3A_345 : memref<1x128xi32, #tpu.memory_space<vmem>> -> memref<128xi32, #tpu.memory_space<vmem>>
      %dma_wait3A_347 = arith.constant 0 : i32
      %dma_wait3A_348 = arith.constant 0 : i32
      %dma_wait3A_349 = tpu.memref_slice %arg2[%dma_wait3A_347, %dma_wait3A_348] : memref<10240x128xf32, #tpu.memory_space<hbm>> -> memref<10240x128xf32, #tpu.memory_space<hbm>>
      tpu.wait_indirect_dma semaphore(%arg15 : memref<!tpu.dma_semaphore, #tpu.memory_space<semaphore_mem>>) src(%dma_wait3A_349 : memref<10240x128xf32, #tpu.memory_space<hbm>>) dst(%arg12 : memref<128x128xf32, #tpu.memory_space<vmem>>)
      %run_scoped3A_350 = arith.constant 3 : i32
      "tpu.region"() ({
        %run_scoped3A_452 = tpu.sem_alloc : memref<!tpu.dma_semaphore, #tpu.memory_space<semaphore_mem>>
        %dma_start3A_453 = arith.constant 0 : i32
        %dma_start3A_454 = tpu.memref_slice %arg10[%run_scoped3A_350, %dma_start3A_453] : memref<8x128xi32, #tpu.memory_space<vmem>> -> memref<1x128xi32, #tpu.memory_space<vmem>>
        %dma_start3A_455 = tpu.memref_squeeze %dma_start3A_454 : memref<1x128xi32, #tpu.memory_space<vmem>> -> memref<128xi32, #tpu.memory_space<vmem>>
        %dma_start3A_456 = arith.constant 0 : i32
        %dma_start3A_457 = arith.constant 0 : i32
        %dma_start3A_458 = tpu.memref_slice %arg13[%dma_start3A_456, %dma_start3A_457] : memref<10240x128xf32, #tpu.memory_space<vmem_shared>> -> memref<10240x128xf32, #tpu.memory_space<vmem_shared>>
        tpu.enqueue_indirect_dma source(%arg12 : memref<128x128xf32, #tpu.memory_space<vmem>>) target(%dma_start3A_458 : memref<10240x128xf32, #tpu.memory_space<vmem_shared>>) offsets(%dma_start3A_455 : memref<128xi32, #tpu.memory_space<vmem>>) semaphore(%run_scoped3A_452 : memref<!tpu.dma_semaphore, #tpu.memory_space<semaphore_mem>>) {add = true}
        %dma_wait3A_459 = arith.constant 0 : i32
        %dma_wait3A_460 = tpu.memref_slice %arg10[%run_scoped3A_350, %dma_wait3A_459] : memref<8x128xi32, #tpu.memory_space<vmem>> -> memref<1x128xi32, #tpu.memory_space<vmem>>
        %dma_wait3A_461 = tpu.memref_squeeze %dma_wait3A_460 : memref<1x128xi32, #tpu.memory_space<vmem>> -> memref<128xi32, #tpu.memory_space<vmem>>
        %dma_wait3A_462 = arith.constant 0 : i32
        %dma_wait3A_463 = arith.constant 0 : i32
        %dma_wait3A_464 = tpu.memref_slice %arg13[%dma_wait3A_462, %dma_wait3A_463] : memref<10240x128xf32, #tpu.memory_space<vmem_shared>> -> memref<10240x128xf32, #tpu.memory_space<vmem_shared>>
        tpu.wait_indirect_dma semaphore(%run_scoped3A_452 : memref<!tpu.dma_semaphore, #tpu.memory_space<semaphore_mem>>) src(%arg12 : memref<128x128xf32, #tpu.memory_space<vmem>>) dst(%dma_wait3A_464 : memref<10240x128xf32, #tpu.memory_space<vmem_shared>>)
        tpu.yield
      }) : () -> ()
      %dma_start3A_351 = arith.constant 5 : i32
      %dma_start3A_352 = arith.constant 0 : i32
      %dma_start3A_353 = tpu.memref_slice %arg9[%dma_start3A_351, %dma_start3A_352] : memref<8x128xi32, #tpu.memory_space<vmem>> -> memref<1x128xi32, #tpu.memory_space<vmem>>
      %dma_start3A_354 = tpu.memref_squeeze %dma_start3A_353 : memref<1x128xi32, #tpu.memory_space<vmem>> -> memref<128xi32, #tpu.memory_space<vmem>>
      %dma_start3A_355 = arith.constant 0 : i32
      %dma_start3A_356 = arith.constant 0 : i32
      %dma_start3A_357 = tpu.memref_slice %arg2[%dma_start3A_355, %dma_start3A_356] : memref<10240x128xf32, #tpu.memory_space<hbm>> -> memref<10240x128xf32, #tpu.memory_space<hbm>>
      tpu.enqueue_indirect_dma source(%dma_start3A_357 : memref<10240x128xf32, #tpu.memory_space<hbm>>) target(%arg12 : memref<128x128xf32, #tpu.memory_space<vmem>>) offsets(%dma_start3A_354 : memref<128xi32, #tpu.memory_space<vmem>>) semaphore(%arg15 : memref<!tpu.dma_semaphore, #tpu.memory_space<semaphore_mem>>)
      %dma_wait3A_358 = arith.constant 4 : i32
      %dma_wait3A_359 = arith.constant 0 : i32
      %dma_wait3A_360 = tpu.memref_slice %arg9[%dma_wait3A_358, %dma_wait3A_359] : memref<8x128xi32, #tpu.memory_space<vmem>> -> memref<1x128xi32, #tpu.memory_space<vmem>>
      %dma_wait3A_361 = tpu.memref_squeeze %dma_wait3A_360 : memref<1x128xi32, #tpu.memory_space<vmem>> -> memref<128xi32, #tpu.memory_space<vmem>>
      %dma_wait3A_362 = arith.constant 0 : i32
      %dma_wait3A_363 = arith.constant 0 : i32
      %dma_wait3A_364 = tpu.memref_slice %arg2[%dma_wait3A_362, %dma_wait3A_363] : memref<10240x128xf32, #tpu.memory_space<hbm>> -> memref<10240x128xf32, #tpu.memory_space<hbm>>
      tpu.wait_indirect_dma semaphore(%arg14 : memref<!tpu.dma_semaphore, #tpu.memory_space<semaphore_mem>>) src(%dma_wait3A_364 : memref<10240x128xf32, #tpu.memory_space<hbm>>) dst(%arg11 : memref<128x128xf32, #tpu.memory_space<vmem>>)
      %run_scoped3A_365 = arith.constant 4 : i32
      "tpu.region"() ({
        %run_scoped3A_452 = tpu.sem_alloc : memref<!tpu.dma_semaphore, #tpu.memory_space<semaphore_mem>>
        %dma_start3A_453 = arith.constant 0 : i32
        %dma_start3A_454 = tpu.memref_slice %arg10[%run_scoped3A_365, %dma_start3A_453] : memref<8x128xi32, #tpu.memory_space<vmem>> -> memref<1x128xi32, #tpu.memory_space<vmem>>
        %dma_start3A_455 = tpu.memref_squeeze %dma_start3A_454 : memref<1x128xi32, #tpu.memory_space<vmem>> -> memref<128xi32, #tpu.memory_space<vmem>>
        %dma_start3A_456 = arith.constant 0 : i32
        %dma_start3A_457 = arith.constant 0 : i32
        %dma_start3A_458 = tpu.memref_slice %arg13[%dma_start3A_456, %dma_start3A_457] : memref<10240x128xf32, #tpu.memory_space<vmem_shared>> -> memref<10240x128xf32, #tpu.memory_space<vmem_shared>>
        tpu.enqueue_indirect_dma source(%arg11 : memref<128x128xf32, #tpu.memory_space<vmem>>) target(%dma_start3A_458 : memref<10240x128xf32, #tpu.memory_space<vmem_shared>>) offsets(%dma_start3A_455 : memref<128xi32, #tpu.memory_space<vmem>>) semaphore(%run_scoped3A_452 : memref<!tpu.dma_semaphore, #tpu.memory_space<semaphore_mem>>) {add = true}
        %dma_wait3A_459 = arith.constant 0 : i32
        %dma_wait3A_460 = tpu.memref_slice %arg10[%run_scoped3A_365, %dma_wait3A_459] : memref<8x128xi32, #tpu.memory_space<vmem>> -> memref<1x128xi32, #tpu.memory_space<vmem>>
        %dma_wait3A_461 = tpu.memref_squeeze %dma_wait3A_460 : memref<1x128xi32, #tpu.memory_space<vmem>> -> memref<128xi32, #tpu.memory_space<vmem>>
        %dma_wait3A_462 = arith.constant 0 : i32
        %dma_wait3A_463 = arith.constant 0 : i32
        %dma_wait3A_464 = tpu.memref_slice %arg13[%dma_wait3A_462, %dma_wait3A_463] : memref<10240x128xf32, #tpu.memory_space<vmem_shared>> -> memref<10240x128xf32, #tpu.memory_space<vmem_shared>>
        tpu.wait_indirect_dma semaphore(%run_scoped3A_452 : memref<!tpu.dma_semaphore, #tpu.memory_space<semaphore_mem>>) src(%arg11 : memref<128x128xf32, #tpu.memory_space<vmem>>) dst(%dma_wait3A_464 : memref<10240x128xf32, #tpu.memory_space<vmem_shared>>)
        tpu.yield
      }) : () -> ()
      %dma_start3A_366 = arith.constant 6 : i32
      %dma_start3A_367 = arith.constant 0 : i32
      %dma_start3A_368 = tpu.memref_slice %arg9[%dma_start3A_366, %dma_start3A_367] : memref<8x128xi32, #tpu.memory_space<vmem>> -> memref<1x128xi32, #tpu.memory_space<vmem>>
      %dma_start3A_369 = tpu.memref_squeeze %dma_start3A_368 : memref<1x128xi32, #tpu.memory_space<vmem>> -> memref<128xi32, #tpu.memory_space<vmem>>
      %dma_start3A_370 = arith.constant 0 : i32
      %dma_start3A_371 = arith.constant 0 : i32
      %dma_start3A_372 = tpu.memref_slice %arg2[%dma_start3A_370, %dma_start3A_371] : memref<10240x128xf32, #tpu.memory_space<hbm>> -> memref<10240x128xf32, #tpu.memory_space<hbm>>
      tpu.enqueue_indirect_dma source(%dma_start3A_372 : memref<10240x128xf32, #tpu.memory_space<hbm>>) target(%arg11 : memref<128x128xf32, #tpu.memory_space<vmem>>) offsets(%dma_start3A_369 : memref<128xi32, #tpu.memory_space<vmem>>) semaphore(%arg14 : memref<!tpu.dma_semaphore, #tpu.memory_space<semaphore_mem>>)
      %dma_wait3A_373 = arith.constant 5 : i32
      %dma_wait3A_374 = arith.constant 0 : i32
      %dma_wait3A_375 = tpu.memref_slice %arg9[%dma_wait3A_373, %dma_wait3A_374] : memref<8x128xi32, #tpu.memory_space<vmem>> -> memref<1x128xi32, #tpu.memory_space<vmem>>
      %dma_wait3A_376 = tpu.memref_squeeze %dma_wait3A_375 : memref<1x128xi32, #tpu.memory_space<vmem>> -> memref<128xi32, #tpu.memory_space<vmem>>
      %dma_wait3A_377 = arith.constant 0 : i32
      %dma_wait3A_378 = arith.constant 0 : i32
      %dma_wait3A_379 = tpu.memref_slice %arg2[%dma_wait3A_377, %dma_wait3A_378] : memref<10240x128xf32, #tpu.memory_space<hbm>> -> memref<10240x128xf32, #tpu.memory_space<hbm>>
      tpu.wait_indirect_dma semaphore(%arg15 : memref<!tpu.dma_semaphore, #tpu.memory_space<semaphore_mem>>) src(%dma_wait3A_379 : memref<10240x128xf32, #tpu.memory_space<hbm>>) dst(%arg12 : memref<128x128xf32, #tpu.memory_space<vmem>>)
      %run_scoped3A_380 = arith.constant 5 : i32
      "tpu.region"() ({
        %run_scoped3A_452 = tpu.sem_alloc : memref<!tpu.dma_semaphore, #tpu.memory_space<semaphore_mem>>
        %dma_start3A_453 = arith.constant 0 : i32
        %dma_start3A_454 = tpu.memref_slice %arg10[%run_scoped3A_380, %dma_start3A_453] : memref<8x128xi32, #tpu.memory_space<vmem>> -> memref<1x128xi32, #tpu.memory_space<vmem>>
        %dma_start3A_455 = tpu.memref_squeeze %dma_start3A_454 : memref<1x128xi32, #tpu.memory_space<vmem>> -> memref<128xi32, #tpu.memory_space<vmem>>
        %dma_start3A_456 = arith.constant 0 : i32
        %dma_start3A_457 = arith.constant 0 : i32
        %dma_start3A_458 = tpu.memref_slice %arg13[%dma_start3A_456, %dma_start3A_457] : memref<10240x128xf32, #tpu.memory_space<vmem_shared>> -> memref<10240x128xf32, #tpu.memory_space<vmem_shared>>
        tpu.enqueue_indirect_dma source(%arg12 : memref<128x128xf32, #tpu.memory_space<vmem>>) target(%dma_start3A_458 : memref<10240x128xf32, #tpu.memory_space<vmem_shared>>) offsets(%dma_start3A_455 : memref<128xi32, #tpu.memory_space<vmem>>) semaphore(%run_scoped3A_452 : memref<!tpu.dma_semaphore, #tpu.memory_space<semaphore_mem>>) {add = true}
        %dma_wait3A_459 = arith.constant 0 : i32
        %dma_wait3A_460 = tpu.memref_slice %arg10[%run_scoped3A_380, %dma_wait3A_459] : memref<8x128xi32, #tpu.memory_space<vmem>> -> memref<1x128xi32, #tpu.memory_space<vmem>>
        %dma_wait3A_461 = tpu.memref_squeeze %dma_wait3A_460 : memref<1x128xi32, #tpu.memory_space<vmem>> -> memref<128xi32, #tpu.memory_space<vmem>>
        %dma_wait3A_462 = arith.constant 0 : i32
        %dma_wait3A_463 = arith.constant 0 : i32
        %dma_wait3A_464 = tpu.memref_slice %arg13[%dma_wait3A_462, %dma_wait3A_463] : memref<10240x128xf32, #tpu.memory_space<vmem_shared>> -> memref<10240x128xf32, #tpu.memory_space<vmem_shared>>
        tpu.wait_indirect_dma semaphore(%run_scoped3A_452 : memref<!tpu.dma_semaphore, #tpu.memory_space<semaphore_mem>>) src(%arg12 : memref<128x128xf32, #tpu.memory_space<vmem>>) dst(%dma_wait3A_464 : memref<10240x128xf32, #tpu.memory_space<vmem_shared>>)
        tpu.yield
      }) : () -> ()
      %dma_start3A_381 = arith.constant 7 : i32
      %dma_start3A_382 = arith.constant 0 : i32
      %dma_start3A_383 = tpu.memref_slice %arg9[%dma_start3A_381, %dma_start3A_382] : memref<8x128xi32, #tpu.memory_space<vmem>> -> memref<1x128xi32, #tpu.memory_space<vmem>>
      %dma_start3A_384 = tpu.memref_squeeze %dma_start3A_383 : memref<1x128xi32, #tpu.memory_space<vmem>> -> memref<128xi32, #tpu.memory_space<vmem>>
      %dma_start3A_385 = arith.constant 0 : i32
      %dma_start3A_386 = arith.constant 0 : i32
      %dma_start3A_387 = tpu.memref_slice %arg2[%dma_start3A_385, %dma_start3A_386] : memref<10240x128xf32, #tpu.memory_space<hbm>> -> memref<10240x128xf32, #tpu.memory_space<hbm>>
      tpu.enqueue_indirect_dma source(%dma_start3A_387 : memref<10240x128xf32, #tpu.memory_space<hbm>>) target(%arg12 : memref<128x128xf32, #tpu.memory_space<vmem>>) offsets(%dma_start3A_384 : memref<128xi32, #tpu.memory_space<vmem>>) semaphore(%arg15 : memref<!tpu.dma_semaphore, #tpu.memory_space<semaphore_mem>>)
      %dma_wait3A_388 = arith.constant 6 : i32
      %dma_wait3A_389 = arith.constant 0 : i32
      %dma_wait3A_390 = tpu.memref_slice %arg9[%dma_wait3A_388, %dma_wait3A_389] : memref<8x128xi32, #tpu.memory_space<vmem>> -> memref<1x128xi32, #tpu.memory_space<vmem>>
      %dma_wait3A_391 = tpu.memref_squeeze %dma_wait3A_390 : memref<1x128xi32, #tpu.memory_space<vmem>> -> memref<128xi32, #tpu.memory_space<vmem>>
      %dma_wait3A_392 = arith.constant 0 : i32
      %dma_wait3A_393 = arith.constant 0 : i32
      %dma_wait3A_394 = tpu.memref_slice %arg2[%dma_wait3A_392, %dma_wait3A_393] : memref<10240x128xf32, #tpu.memory_space<hbm>> -> memref<10240x128xf32, #tpu.memory_space<hbm>>
      tpu.wait_indirect_dma semaphore(%arg14 : memref<!tpu.dma_semaphore, #tpu.memory_space<semaphore_mem>>) src(%dma_wait3A_394 : memref<10240x128xf32, #tpu.memory_space<hbm>>) dst(%arg11 : memref<128x128xf32, #tpu.memory_space<vmem>>)
      %run_scoped3A_395 = arith.constant 6 : i32
      "tpu.region"() ({
        %run_scoped3A_452 = tpu.sem_alloc : memref<!tpu.dma_semaphore, #tpu.memory_space<semaphore_mem>>
        %dma_start3A_453 = arith.constant 0 : i32
        %dma_start3A_454 = tpu.memref_slice %arg10[%run_scoped3A_395, %dma_start3A_453] : memref<8x128xi32, #tpu.memory_space<vmem>> -> memref<1x128xi32, #tpu.memory_space<vmem>>
        %dma_start3A_455 = tpu.memref_squeeze %dma_start3A_454 : memref<1x128xi32, #tpu.memory_space<vmem>> -> memref<128xi32, #tpu.memory_space<vmem>>
        %dma_start3A_456 = arith.constant 0 : i32
        %dma_start3A_457 = arith.constant 0 : i32
        %dma_start3A_458 = tpu.memref_slice %arg13[%dma_start3A_456, %dma_start3A_457] : memref<10240x128xf32, #tpu.memory_space<vmem_shared>> -> memref<10240x128xf32, #tpu.memory_space<vmem_shared>>
        tpu.enqueue_indirect_dma source(%arg11 : memref<128x128xf32, #tpu.memory_space<vmem>>) target(%dma_start3A_458 : memref<10240x128xf32, #tpu.memory_space<vmem_shared>>) offsets(%dma_start3A_455 : memref<128xi32, #tpu.memory_space<vmem>>) semaphore(%run_scoped3A_452 : memref<!tpu.dma_semaphore, #tpu.memory_space<semaphore_mem>>) {add = true}
        %dma_wait3A_459 = arith.constant 0 : i32
        %dma_wait3A_460 = tpu.memref_slice %arg10[%run_scoped3A_395, %dma_wait3A_459] : memref<8x128xi32, #tpu.memory_space<vmem>> -> memref<1x128xi32, #tpu.memory_space<vmem>>
        %dma_wait3A_461 = tpu.memref_squeeze %dma_wait3A_460 : memref<1x128xi32, #tpu.memory_space<vmem>> -> memref<128xi32, #tpu.memory_space<vmem>>
        %dma_wait3A_462 = arith.constant 0 : i32
        %dma_wait3A_463 = arith.constant 0 : i32
        %dma_wait3A_464 = tpu.memref_slice %arg13[%dma_wait3A_462, %dma_wait3A_463] : memref<10240x128xf32, #tpu.memory_space<vmem_shared>> -> memref<10240x128xf32, #tpu.memory_space<vmem_shared>>
        tpu.wait_indirect_dma semaphore(%run_scoped3A_452 : memref<!tpu.dma_semaphore, #tpu.memory_space<semaphore_mem>>) src(%arg11 : memref<128x128xf32, #tpu.memory_space<vmem>>) dst(%dma_wait3A_464 : memref<10240x128xf32, #tpu.memory_space<vmem_shared>>)
        tpu.yield
      }) : () -> ()
      %dma_wait3A_396 = arith.constant 0 : i32
      %dma_wait3A_397 = arith.constant 0 : i32
      %dma_wait3A_398 = arith.constant 0 : i32
      %dma_wait3A_399 = tpu.memref_slice %arg3[%add3A, %dma_wait3A_396, %dma_wait3A_397, %dma_wait3A_398] : memref<32x10x8x128xi32, #tpu.memory_space<hbm>> -> memref<1x1x8x128xi32, #tpu.memory_space<hbm>>
      %dma_wait3A_400 = tpu.memref_squeeze %dma_wait3A_399 : memref<1x1x8x128xi32, #tpu.memory_space<hbm>> -> memref<8x128xi32, #tpu.memory_space<hbm>>
      %dma_wait3A_401 = arith.constant 0 : i32
      %dma_wait3A_402 = arith.constant 0 : i32
      %dma_wait3A_403 = tpu.memref_slice %arg3[%add3A, %dma_wait3A_396, %dma_wait3A_401, %dma_wait3A_402] : memref<32x10x8x128xi32, #tpu.memory_space<hbm>> -> memref<1x1x8x128xi32, #tpu.memory_space<hbm>>
      %dma_wait3A_404 = tpu.memref_squeeze %dma_wait3A_403 : memref<1x1x8x128xi32, #tpu.memory_space<hbm>> -> memref<8x128xi32, #tpu.memory_space<hbm>>
      tpu.wait_dma2 semaphore(%arg16 : memref<!tpu.dma_semaphore, #tpu.memory_space<semaphore_mem>>) src(%dma_wait3A_404 : memref<8x128xi32, #tpu.memory_space<hbm>>) dst(%arg7 : memref<8x128xi32, #tpu.memory_space<vmem>>)
      %dma_wait3A_405 = arith.constant 0 : i32
      %dma_wait3A_406 = arith.constant 0 : i32
      %dma_wait3A_407 = arith.constant 0 : i32
      %dma_wait3A_408 = tpu.memref_slice %arg4[%add3A, %dma_wait3A_405, %dma_wait3A_406, %dma_wait3A_407] : memref<32x10x8x128xi32, #tpu.memory_space<hbm>> -> memref<1x1x8x128xi32, #tpu.memory_space<hbm>>
      %dma_wait3A_409 = tpu.memref_squeeze %dma_wait3A_408 : memref<1x1x8x128xi32, #tpu.memory_space<hbm>> -> memref<8x128xi32, #tpu.memory_space<hbm>>
      %dma_wait3A_410 = arith.constant 0 : i32
      %dma_wait3A_411 = arith.constant 0 : i32
      %dma_wait3A_412 = tpu.memref_slice %arg4[%add3A, %dma_wait3A_405, %dma_wait3A_410, %dma_wait3A_411] : memref<32x10x8x128xi32, #tpu.memory_space<hbm>> -> memref<1x1x8x128xi32, #tpu.memory_space<hbm>>
      %dma_wait3A_413 = tpu.memref_squeeze %dma_wait3A_412 : memref<1x1x8x128xi32, #tpu.memory_space<hbm>> -> memref<8x128xi32, #tpu.memory_space<hbm>>
      tpu.wait_dma2 semaphore(%arg16 : memref<!tpu.dma_semaphore, #tpu.memory_space<semaphore_mem>>) src(%dma_wait3A_413 : memref<8x128xi32, #tpu.memory_space<hbm>>) dst(%arg8 : memref<8x128xi32, #tpu.memory_space<vmem>>)
      %dma_start3A_414 = arith.constant 0 : i32
      %dma_start3A_415 = arith.constant 0 : i32
      %dma_start3A_416 = tpu.memref_slice %arg7[%dma_start3A_414, %dma_start3A_415] : memref<8x128xi32, #tpu.memory_space<vmem>> -> memref<1x128xi32, #tpu.memory_space<vmem>>
      %dma_start3A_417 = tpu.memref_squeeze %dma_start3A_416 : memref<1x128xi32, #tpu.memory_space<vmem>> -> memref<128xi32, #tpu.memory_space<vmem>>
      %dma_start3A_418 = arith.constant 0 : i32
      %dma_start3A_419 = arith.constant 0 : i32
      %dma_start3A_420 = tpu.memref_slice %arg2[%dma_start3A_418, %dma_start3A_419] : memref<10240x128xf32, #tpu.memory_space<hbm>> -> memref<10240x128xf32, #tpu.memory_space<hbm>>
      tpu.enqueue_indirect_dma source(%dma_start3A_420 : memref<10240x128xf32, #tpu.memory_space<hbm>>) target(%arg11 : memref<128x128xf32, #tpu.memory_space<vmem>>) offsets(%dma_start3A_417 : memref<128xi32, #tpu.memory_space<vmem>>) semaphore(%arg14 : memref<!tpu.dma_semaphore, #tpu.memory_space<semaphore_mem>>)
      %dma_wait3A_421 = arith.constant 7 : i32
      %dma_wait3A_422 = arith.constant 0 : i32
      %dma_wait3A_423 = tpu.memref_slice %arg9[%dma_wait3A_421, %dma_wait3A_422] : memref<8x128xi32, #tpu.memory_space<vmem>> -> memref<1x128xi32, #tpu.memory_space<vmem>>
      %dma_wait3A_424 = tpu.memref_squeeze %dma_wait3A_423 : memref<1x128xi32, #tpu.memory_space<vmem>> -> memref<128xi32, #tpu.memory_space<vmem>>
      %dma_wait3A_425 = arith.constant 0 : i32
      %dma_wait3A_426 = arith.constant 0 : i32
      %dma_wait3A_427 = tpu.memref_slice %arg2[%dma_wait3A_425, %dma_wait3A_426] : memref<10240x128xf32, #tpu.memory_space<hbm>> -> memref<10240x128xf32, #tpu.memory_space<hbm>>
      tpu.wait_indirect_dma semaphore(%arg15 : memref<!tpu.dma_semaphore, #tpu.memory_space<semaphore_mem>>) src(%dma_wait3A_427 : memref<10240x128xf32, #tpu.memory_space<hbm>>) dst(%arg12 : memref<128x128xf32, #tpu.memory_space<vmem>>)
      %run_scoped3A_428 = arith.constant 7 : i32
      "tpu.region"() ({
        %run_scoped3A_452 = tpu.sem_alloc : memref<!tpu.dma_semaphore, #tpu.memory_space<semaphore_mem>>
        %dma_start3A_453 = arith.constant 0 : i32
        %dma_start3A_454 = tpu.memref_slice %arg10[%run_scoped3A_428, %dma_start3A_453] : memref<8x128xi32, #tpu.memory_space<vmem>> -> memref<1x128xi32, #tpu.memory_space<vmem>>
        %dma_start3A_455 = tpu.memref_squeeze %dma_start3A_454 : memref<1x128xi32, #tpu.memory_space<vmem>> -> memref<128xi32, #tpu.memory_space<vmem>>
        %dma_start3A_456 = arith.constant 0 : i32
        %dma_start3A_457 = arith.constant 0 : i32
        %dma_start3A_458 = tpu.memref_slice %arg13[%dma_start3A_456, %dma_start3A_457] : memref<10240x128xf32, #tpu.memory_space<vmem_shared>> -> memref<10240x128xf32, #tpu.memory_space<vmem_shared>>
        tpu.enqueue_indirect_dma source(%arg12 : memref<128x128xf32, #tpu.memory_space<vmem>>) target(%dma_start3A_458 : memref<10240x128xf32, #tpu.memory_space<vmem_shared>>) offsets(%dma_start3A_455 : memref<128xi32, #tpu.memory_space<vmem>>) semaphore(%run_scoped3A_452 : memref<!tpu.dma_semaphore, #tpu.memory_space<semaphore_mem>>) {add = true}
        %dma_wait3A_459 = arith.constant 0 : i32
        %dma_wait3A_460 = tpu.memref_slice %arg10[%run_scoped3A_428, %dma_wait3A_459] : memref<8x128xi32, #tpu.memory_space<vmem>> -> memref<1x128xi32, #tpu.memory_space<vmem>>
        %dma_wait3A_461 = tpu.memref_squeeze %dma_wait3A_460 : memref<1x128xi32, #tpu.memory_space<vmem>> -> memref<128xi32, #tpu.memory_space<vmem>>
        %dma_wait3A_462 = arith.constant 0 : i32
        %dma_wait3A_463 = arith.constant 0 : i32
        %dma_wait3A_464 = tpu.memref_slice %arg13[%dma_wait3A_462, %dma_wait3A_463] : memref<10240x128xf32, #tpu.memory_space<vmem_shared>> -> memref<10240x128xf32, #tpu.memory_space<vmem_shared>>
        tpu.wait_indirect_dma semaphore(%run_scoped3A_452 : memref<!tpu.dma_semaphore, #tpu.memory_space<semaphore_mem>>) src(%arg12 : memref<128x128xf32, #tpu.memory_space<vmem>>) dst(%dma_wait3A_464 : memref<10240x128xf32, #tpu.memory_space<vmem_shared>>)
        tpu.yield
      }) : () -> ()
      %dma_start3A_429 = arith.constant 1 : i32
      %dma_start3A_430 = arith.constant 0 : i32
      %dma_start3A_431 = tpu.memref_slice %arg7[%dma_start3A_429, %dma_start3A_430] : memref<8x128xi32, #tpu.memory_space<vmem>> -> memref<1x128xi32, #tpu.memory_space<vmem>>
      %dma_start3A_432 = tpu.memref_squeeze %dma_start3A_431 : memref<1x128xi32, #tpu.memory_space<vmem>> -> memref<128xi32, #tpu.memory_space<vmem>>
      %dma_start3A_433 = arith.constant 0 : i32
      %dma_start3A_434 = arith.constant 0 : i32
      %dma_start3A_435 = tpu.memref_slice %arg2[%dma_start3A_433, %dma_start3A_434] : memref<10240x128xf32, #tpu.memory_space<hbm>> -> memref<10240x128xf32, #tpu.memory_space<hbm>>
      tpu.enqueue_indirect_dma source(%dma_start3A_435 : memref<10240x128xf32, #tpu.memory_space<hbm>>) target(%arg12 : memref<128x128xf32, #tpu.memory_space<vmem>>) offsets(%dma_start3A_432 : memref<128xi32, #tpu.memory_space<vmem>>) semaphore(%arg15 : memref<!tpu.dma_semaphore, #tpu.memory_space<semaphore_mem>>)
      %dma_start3A_436 = arith.constant 0 : i32
      %dma_start3A_437 = arith.constant 0 : i32
      %dma_start3A_438 = tpu.memref_slice %arg3[%add3A, %select_n3A_144, %dma_start3A_436, %dma_start3A_437] : memref<32x10x8x128xi32, #tpu.memory_space<hbm>> -> memref<1x1x8x128xi32, #tpu.memory_space<hbm>>
      %dma_start3A_439 = tpu.memref_squeeze %dma_start3A_438 : memref<1x1x8x128xi32, #tpu.memory_space<hbm>> -> memref<8x128xi32, #tpu.memory_space<hbm>>
      %dma_start3A_440 = arith.constant 0 : i32
      %dma_start3A_441 = arith.constant 0 : i32
      %dma_start3A_442 = tpu.memref_slice %arg3[%add3A, %select_n3A_144, %dma_start3A_440, %dma_start3A_441] : memref<32x10x8x128xi32, #tpu.memory_space<hbm>> -> memref<1x1x8x128xi32, #tpu.memory_space<hbm>>
      %dma_start3A_443 = tpu.memref_squeeze %dma_start3A_442 : memref<1x1x8x128xi32, #tpu.memory_space<hbm>> -> memref<8x128xi32, #tpu.memory_space<hbm>>
      tpu.enqueue_dma source(%dma_start3A_443 : memref<8x128xi32, #tpu.memory_space<hbm>>) target(%arg9 : memref<8x128xi32, #tpu.memory_space<vmem>>) target_semaphore(%arg17 : memref<!tpu.dma_semaphore, #tpu.memory_space<semaphore_mem>>)
      %dma_start3A_444 = arith.constant 0 : i32
      %dma_start3A_445 = arith.constant 0 : i32
      %dma_start3A_446 = tpu.memref_slice %arg4[%add3A, %select_n3A_144, %dma_start3A_444, %dma_start3A_445] : memref<32x10x8x128xi32, #tpu.memory_space<hbm>> -> memref<1x1x8x128xi32, #tpu.memory_space<hbm>>
      %dma_start3A_447 = tpu.memref_squeeze %dma_start3A_446 : memref<1x1x8x128xi32, #tpu.memory_space<hbm>> -> memref<8x128xi32, #tpu.memory_space<hbm>>
      %dma_start3A_448 = arith.constant 0 : i32
      %dma_start3A_449 = arith.constant 0 : i32
      %dma_start3A_450 = tpu.memref_slice %arg4[%add3A, %select_n3A_144, %dma_start3A_448, %dma_start3A_449] : memref<32x10x8x128xi32, #tpu.memory_space<hbm>> -> memref<1x1x8x128xi32, #tpu.memory_space<hbm>>
      %dma_start3A_451 = tpu.memref_squeeze %dma_start3A_450 : memref<1x1x8x128xi32, #tpu.memory_space<hbm>> -> memref<8x128xi32, #tpu.memory_space<hbm>>
      tpu.enqueue_dma source(%dma_start3A_451 : memref<8x128xi32, #tpu.memory_space<hbm>>) target(%arg10 : memref<8x128xi32, #tpu.memory_space<vmem>>) target_semaphore(%arg17 : memref<!tpu.dma_semaphore, #tpu.memory_space<semaphore_mem>>)
    }
    %scan3A_73 = arith.constant 5 : i32
    %dma_wait3A_74 = arith.constant 0 : i32
    %dma_wait3A_75 = arith.constant 0 : i32
    %dma_wait3A_76 = tpu.memref_slice %arg7[%dma_wait3A_74, %dma_wait3A_75] : memref<8x128xi32, #tpu.memory_space<vmem>> -> memref<1x128xi32, #tpu.memory_space<vmem>>
    %dma_wait3A_77 = tpu.memref_squeeze %dma_wait3A_76 : memref<1x128xi32, #tpu.memory_space<vmem>> -> memref<128xi32, #tpu.memory_space<vmem>>
    %dma_wait3A_78 = arith.constant 0 : i32
    %dma_wait3A_79 = arith.constant 0 : i32
    %dma_wait3A_80 = tpu.memref_slice %arg2[%dma_wait3A_78, %dma_wait3A_79] : memref<10240x128xf32, #tpu.memory_space<hbm>> -> memref<10240x128xf32, #tpu.memory_space<hbm>>
    tpu.wait_indirect_dma semaphore(%arg14 : memref<!tpu.dma_semaphore, #tpu.memory_space<semaphore_mem>>) src(%dma_wait3A_80 : memref<10240x128xf32, #tpu.memory_space<hbm>>) dst(%arg11 : memref<128x128xf32, #tpu.memory_space<vmem>>)
    %dma_wait3A_81 = arith.constant 1 : i32
    %dma_wait3A_82 = arith.constant 0 : i32
    %dma_wait3A_83 = tpu.memref_slice %arg7[%dma_wait3A_81, %dma_wait3A_82] : memref<8x128xi32, #tpu.memory_space<vmem>> -> memref<1x128xi32, #tpu.memory_space<vmem>>
    %dma_wait3A_84 = tpu.memref_squeeze %dma_wait3A_83 : memref<1x128xi32, #tpu.memory_space<vmem>> -> memref<128xi32, #tpu.memory_space<vmem>>
    %dma_wait3A_85 = arith.constant 0 : i32
    %dma_wait3A_86 = arith.constant 0 : i32
    %dma_wait3A_87 = tpu.memref_slice %arg2[%dma_wait3A_85, %dma_wait3A_86] : memref<10240x128xf32, #tpu.memory_space<hbm>> -> memref<10240x128xf32, #tpu.memory_space<hbm>>
    tpu.wait_indirect_dma semaphore(%arg15 : memref<!tpu.dma_semaphore, #tpu.memory_space<semaphore_mem>>) src(%dma_wait3A_87 : memref<10240x128xf32, #tpu.memory_space<hbm>>) dst(%arg12 : memref<128x128xf32, #tpu.memory_space<vmem>>)
    %dma_wait3A_88 = arith.constant 1 : i32
    %dma_wait3A_89 = arith.constant 0 : i32
    %dma_wait3A_90 = arith.constant 0 : i32
    %dma_wait3A_91 = tpu.memref_slice %arg3[%add3A, %dma_wait3A_88, %dma_wait3A_89, %dma_wait3A_90] : memref<32x10x8x128xi32, #tpu.memory_space<hbm>> -> memref<1x1x8x128xi32, #tpu.memory_space<hbm>>
    %dma_wait3A_92 = tpu.memref_squeeze %dma_wait3A_91 : memref<1x1x8x128xi32, #tpu.memory_space<hbm>> -> memref<8x128xi32, #tpu.memory_space<hbm>>
    %dma_wait3A_93 = arith.constant 0 : i32
    %dma_wait3A_94 = arith.constant 0 : i32
    %dma_wait3A_95 = tpu.memref_slice %arg3[%add3A, %dma_wait3A_88, %dma_wait3A_93, %dma_wait3A_94] : memref<32x10x8x128xi32, #tpu.memory_space<hbm>> -> memref<1x1x8x128xi32, #tpu.memory_space<hbm>>
    %dma_wait3A_96 = tpu.memref_squeeze %dma_wait3A_95 : memref<1x1x8x128xi32, #tpu.memory_space<hbm>> -> memref<8x128xi32, #tpu.memory_space<hbm>>
    tpu.wait_dma2 semaphore(%arg17 : memref<!tpu.dma_semaphore, #tpu.memory_space<semaphore_mem>>) src(%dma_wait3A_96 : memref<8x128xi32, #tpu.memory_space<hbm>>) dst(%arg9 : memref<8x128xi32, #tpu.memory_space<vmem>>)
    %dma_wait3A_97 = arith.constant 1 : i32
    %dma_wait3A_98 = arith.constant 0 : i32
    %dma_wait3A_99 = arith.constant 0 : i32
    %dma_wait3A_100 = tpu.memref_slice %arg4[%add3A, %dma_wait3A_97, %dma_wait3A_98, %dma_wait3A_99] : memref<32x10x8x128xi32, #tpu.memory_space<hbm>> -> memref<1x1x8x128xi32, #tpu.memory_space<hbm>>
    %dma_wait3A_101 = tpu.memref_squeeze %dma_wait3A_100 : memref<1x1x8x128xi32, #tpu.memory_space<hbm>> -> memref<8x128xi32, #tpu.memory_space<hbm>>
    %dma_wait3A_102 = arith.constant 0 : i32
    %dma_wait3A_103 = arith.constant 0 : i32
    %dma_wait3A_104 = tpu.memref_slice %arg4[%add3A, %dma_wait3A_97, %dma_wait3A_102, %dma_wait3A_103] : memref<32x10x8x128xi32, #tpu.memory_space<hbm>> -> memref<1x1x8x128xi32, #tpu.memory_space<hbm>>
    %dma_wait3A_105 = tpu.memref_squeeze %dma_wait3A_104 : memref<1x1x8x128xi32, #tpu.memory_space<hbm>> -> memref<8x128xi32, #tpu.memory_space<hbm>>
    tpu.wait_dma2 semaphore(%arg17 : memref<!tpu.dma_semaphore, #tpu.memory_space<semaphore_mem>>) src(%dma_wait3A_105 : memref<8x128xi32, #tpu.memory_space<hbm>>) dst(%arg10 : memref<8x128xi32, #tpu.memory_space<vmem>>)
    %barrier3A_106 = arith.constant 0 : index
    tpu.barrier barrier_id(%barrier3A_106)
    %mul3A_107 = arith.constant 640 : i32
    %mul3A_108 = arith.muli %arg1, %mul3A_107 : i32
    %mul3A_109 = arith.constant 640 : i32
    %mul3A_110 = arith.muli %arg1, %mul3A_109 : i32
    "tpu.region"() ({
      %run_scoped3A = tpu.sem_alloc : memref<!tpu.dma_semaphore, #tpu.memory_space<semaphore_mem>>
      %dma_start3A_111 = arith.constant 0 : i32
      %dma_start3A_112 = tpu.memref_slice %arg6[%arg0, %mul3A_110, %dma_start3A_111] : memref<2x10240x128xf32, #tpu.memory_space<hbm>> -> memref<1x640x128xf32, #tpu.memory_space<hbm>>
      %dma_start3A_113 = tpu.memref_squeeze %dma_start3A_112 : memref<1x640x128xf32, #tpu.memory_space<hbm>> -> memref<640x128xf32, #tpu.memory_space<hbm>>
      %dma_start3A_114 = arith.constant 0 : i32
      %dma_start3A_115 = tpu.memref_slice %arg13[%mul3A_108, %dma_start3A_114] : memref<10240x128xf32, #tpu.memory_space<vmem_shared>> -> memref<640x128xf32, #tpu.memory_space<vmem_shared>>
      tpu.enqueue_dma source(%dma_start3A_115 : memref<640x128xf32, #tpu.memory_space<vmem_shared>>) target(%dma_start3A_113 : memref<640x128xf32, #tpu.memory_space<hbm>>) target_semaphore(%run_scoped3A : memref<!tpu.dma_semaphore, #tpu.memory_space<semaphore_mem>>)
      %dma_wait3A_116 = arith.constant 0 : i32
      %dma_wait3A_117 = tpu.memref_slice %arg6[%arg0, %mul3A_110, %dma_wait3A_116] : memref<2x10240x128xf32, #tpu.memory_space<hbm>> -> memref<1x640x128xf32, #tpu.memory_space<hbm>>
      %dma_wait3A_118 = tpu.memref_squeeze %dma_wait3A_117 : memref<1x640x128xf32, #tpu.memory_space<hbm>> -> memref<640x128xf32, #tpu.memory_space<hbm>>
      %dma_wait3A_119 = arith.constant 0 : i32
      %dma_wait3A_120 = tpu.memref_slice %arg13[%mul3A_108, %dma_wait3A_119] : memref<10240x128xf32, #tpu.memory_space<vmem_shared>> -> memref<640x128xf32, #tpu.memory_space<vmem_shared>>
      tpu.wait_dma2 semaphore(%run_scoped3A : memref<!tpu.dma_semaphore, #tpu.memory_space<semaphore_mem>>) src(%dma_wait3A_120 : memref<640x128xf32, #tpu.memory_space<vmem_shared>>) dst(%dma_wait3A_118 : memref<640x128xf32, #tpu.memory_space<hbm>>)
      tpu.yield
    }) : () -> ()
    return
  }
}

#map = affine_map<(d0, d1) -> (0, 0)>
#map1 = affine_map<(d0, d1) -> (0, 0, 0)>
module attributes {stable_mosaic.version = 14 : i64} {
  func.func @spmm(%arg0: i32, %arg1: i32, %arg2: memref<10240x64xf32, #tpu.memory_space<hbm>>, %arg3: memref<32x80x128xi32, #tpu.memory_space<hbm>>, %arg4: memref<32x80x128xi32, #tpu.memory_space<hbm>>, %arg5: memref<640x64xf32, #tpu.memory_space<hbm>>, %arg6: memref<2x10240x64xf32, #tpu.memory_space<hbm>>, %arg7: memref<80x128xi32, #tpu.memory_space<vmem>>, %arg8: memref<80x128xi32, #tpu.memory_space<vmem>>, %arg9: memref<128x64xf32, #tpu.memory_space<vmem>>, %arg10: memref<128x64xf32, #tpu.memory_space<vmem>>, %arg11: memref<10240x64xf32, #tpu.memory_space<vmem_shared>>, %arg12: memref<!tpu.dma_semaphore, #tpu.memory_space<semaphore_mem>>, %arg13: memref<!tpu.dma_semaphore, #tpu.memory_space<semaphore_mem>>) attributes {dimension_semantics = [#tpu.dimension_semantics<core_parallel>, #tpu.dimension_semantics<subcore_parallel>], iteration_bounds = array<i64: 2, 16>, scalar_prefetch = 0 : i64, scratch_operands = 7 : i64, tpu.core_type = #tpu.core_type<sc_vector_subcore>, window_params = [{transform_indices = #map}, {transform_indices = #map1}, {transform_indices = #map1}, {transform_indices = #map}, {transform_indices = #map1}]} {
    %mul3A = arith.constant 2 : i32
    %mul3A_0 = arith.muli %arg1, %mul3A : i32
    %add3A = arith.addi %mul3A_0, %arg0 : i32
    "tpu.region"() ({
      %run_scoped3A = tpu.sem_alloc : memref<!tpu.dma_semaphore, #tpu.memory_space<semaphore_mem>>
      %dma_start3A_39 = arith.constant 0 : i32
      %dma_start3A_40 = arith.constant 0 : i32
      %dma_start3A_41 = tpu.memref_slice %arg3[%add3A, %dma_start3A_39, %dma_start3A_40] : memref<32x80x128xi32, #tpu.memory_space<hbm>> -> memref<1x80x128xi32, #tpu.memory_space<hbm>>
      %dma_start3A_42 = tpu.memref_squeeze %dma_start3A_41 : memref<1x80x128xi32, #tpu.memory_space<hbm>> -> memref<80x128xi32, #tpu.memory_space<hbm>>
      %dma_start3A_43 = arith.constant 0 : i32
      %dma_start3A_44 = arith.constant 0 : i32
      %dma_start3A_45 = tpu.memref_slice %arg3[%add3A, %dma_start3A_43, %dma_start3A_44] : memref<32x80x128xi32, #tpu.memory_space<hbm>> -> memref<1x80x128xi32, #tpu.memory_space<hbm>>
      %dma_start3A_46 = tpu.memref_squeeze %dma_start3A_45 : memref<1x80x128xi32, #tpu.memory_space<hbm>> -> memref<80x128xi32, #tpu.memory_space<hbm>>
      tpu.enqueue_dma source(%dma_start3A_46 : memref<80x128xi32, #tpu.memory_space<hbm>>) target(%arg7 : memref<80x128xi32, #tpu.memory_space<vmem>>) target_semaphore(%run_scoped3A : memref<!tpu.dma_semaphore, #tpu.memory_space<semaphore_mem>>)
      %dma_wait3A_47 = arith.constant 0 : i32
      %dma_wait3A_48 = arith.constant 0 : i32
      %dma_wait3A_49 = tpu.memref_slice %arg3[%add3A, %dma_wait3A_47, %dma_wait3A_48] : memref<32x80x128xi32, #tpu.memory_space<hbm>> -> memref<1x80x128xi32, #tpu.memory_space<hbm>>
      %dma_wait3A_50 = tpu.memref_squeeze %dma_wait3A_49 : memref<1x80x128xi32, #tpu.memory_space<hbm>> -> memref<80x128xi32, #tpu.memory_space<hbm>>
      %dma_wait3A_51 = arith.constant 0 : i32
      %dma_wait3A_52 = arith.constant 0 : i32
      %dma_wait3A_53 = tpu.memref_slice %arg3[%add3A, %dma_wait3A_51, %dma_wait3A_52] : memref<32x80x128xi32, #tpu.memory_space<hbm>> -> memref<1x80x128xi32, #tpu.memory_space<hbm>>
      %dma_wait3A_54 = tpu.memref_squeeze %dma_wait3A_53 : memref<1x80x128xi32, #tpu.memory_space<hbm>> -> memref<80x128xi32, #tpu.memory_space<hbm>>
      tpu.wait_dma2 semaphore(%run_scoped3A : memref<!tpu.dma_semaphore, #tpu.memory_space<semaphore_mem>>) src(%dma_wait3A_54 : memref<80x128xi32, #tpu.memory_space<hbm>>) dst(%arg7 : memref<80x128xi32, #tpu.memory_space<vmem>>)
      tpu.yield
    }) : () -> ()
    "tpu.region"() ({
      %run_scoped3A = tpu.sem_alloc : memref<!tpu.dma_semaphore, #tpu.memory_space<semaphore_mem>>
      %dma_start3A_39 = arith.constant 0 : i32
      %dma_start3A_40 = arith.constant 0 : i32
      %dma_start3A_41 = tpu.memref_slice %arg4[%add3A, %dma_start3A_39, %dma_start3A_40] : memref<32x80x128xi32, #tpu.memory_space<hbm>> -> memref<1x80x128xi32, #tpu.memory_space<hbm>>
      %dma_start3A_42 = tpu.memref_squeeze %dma_start3A_41 : memref<1x80x128xi32, #tpu.memory_space<hbm>> -> memref<80x128xi32, #tpu.memory_space<hbm>>
      %dma_start3A_43 = arith.constant 0 : i32
      %dma_start3A_44 = arith.constant 0 : i32
      %dma_start3A_45 = tpu.memref_slice %arg4[%add3A, %dma_start3A_43, %dma_start3A_44] : memref<32x80x128xi32, #tpu.memory_space<hbm>> -> memref<1x80x128xi32, #tpu.memory_space<hbm>>
      %dma_start3A_46 = tpu.memref_squeeze %dma_start3A_45 : memref<1x80x128xi32, #tpu.memory_space<hbm>> -> memref<80x128xi32, #tpu.memory_space<hbm>>
      tpu.enqueue_dma source(%dma_start3A_46 : memref<80x128xi32, #tpu.memory_space<hbm>>) target(%arg8 : memref<80x128xi32, #tpu.memory_space<vmem>>) target_semaphore(%run_scoped3A : memref<!tpu.dma_semaphore, #tpu.memory_space<semaphore_mem>>)
      %dma_wait3A_47 = arith.constant 0 : i32
      %dma_wait3A_48 = arith.constant 0 : i32
      %dma_wait3A_49 = tpu.memref_slice %arg4[%add3A, %dma_wait3A_47, %dma_wait3A_48] : memref<32x80x128xi32, #tpu.memory_space<hbm>> -> memref<1x80x128xi32, #tpu.memory_space<hbm>>
      %dma_wait3A_50 = tpu.memref_squeeze %dma_wait3A_49 : memref<1x80x128xi32, #tpu.memory_space<hbm>> -> memref<80x128xi32, #tpu.memory_space<hbm>>
      %dma_wait3A_51 = arith.constant 0 : i32
      %dma_wait3A_52 = arith.constant 0 : i32
      %dma_wait3A_53 = tpu.memref_slice %arg4[%add3A, %dma_wait3A_51, %dma_wait3A_52] : memref<32x80x128xi32, #tpu.memory_space<hbm>> -> memref<1x80x128xi32, #tpu.memory_space<hbm>>
      %dma_wait3A_54 = tpu.memref_squeeze %dma_wait3A_53 : memref<1x80x128xi32, #tpu.memory_space<hbm>> -> memref<80x128xi32, #tpu.memory_space<hbm>>
      tpu.wait_dma2 semaphore(%run_scoped3A : memref<!tpu.dma_semaphore, #tpu.memory_space<semaphore_mem>>) src(%dma_wait3A_54 : memref<80x128xi32, #tpu.memory_space<hbm>>) dst(%arg8 : memref<80x128xi32, #tpu.memory_space<vmem>>)
      tpu.yield
    }) : () -> ()
    %dma_start3A = arith.constant 0 : i32
    %dma_start3A_1 = arith.constant 0 : i32
    %dma_start3A_2 = tpu.memref_slice %arg7[%dma_start3A, %dma_start3A_1] : memref<80x128xi32, #tpu.memory_space<vmem>> -> memref<1x128xi32, #tpu.memory_space<vmem>>
    %dma_start3A_3 = tpu.memref_squeeze %dma_start3A_2 : memref<1x128xi32, #tpu.memory_space<vmem>> -> memref<128xi32, #tpu.memory_space<vmem>>
    %dma_start3A_4 = arith.constant 0 : i32
    %dma_start3A_5 = arith.constant 0 : i32
    %dma_start3A_6 = tpu.memref_slice %arg2[%dma_start3A_4, %dma_start3A_5] : memref<10240x64xf32, #tpu.memory_space<hbm>> -> memref<10240x64xf32, #tpu.memory_space<hbm>>
    tpu.enqueue_indirect_dma source(%dma_start3A_6 : memref<10240x64xf32, #tpu.memory_space<hbm>>) target(%arg9 : memref<128x64xf32, #tpu.memory_space<vmem>>) offsets(%dma_start3A_3 : memref<128xi32, #tpu.memory_space<vmem>>) semaphore(%arg12 : memref<!tpu.dma_semaphore, #tpu.memory_space<semaphore_mem>>)
    %dma_start3A_7 = arith.constant 1 : i32
    %dma_start3A_8 = arith.constant 0 : i32
    %dma_start3A_9 = tpu.memref_slice %arg7[%dma_start3A_7, %dma_start3A_8] : memref<80x128xi32, #tpu.memory_space<vmem>> -> memref<1x128xi32, #tpu.memory_space<vmem>>
    %dma_start3A_10 = tpu.memref_squeeze %dma_start3A_9 : memref<1x128xi32, #tpu.memory_space<vmem>> -> memref<128xi32, #tpu.memory_space<vmem>>
    %dma_start3A_11 = arith.constant 0 : i32
    %dma_start3A_12 = arith.constant 0 : i32
    %dma_start3A_13 = tpu.memref_slice %arg2[%dma_start3A_11, %dma_start3A_12] : memref<10240x64xf32, #tpu.memory_space<hbm>> -> memref<10240x64xf32, #tpu.memory_space<hbm>>
    tpu.enqueue_indirect_dma source(%dma_start3A_13 : memref<10240x64xf32, #tpu.memory_space<hbm>>) target(%arg10 : memref<128x64xf32, #tpu.memory_space<vmem>>) offsets(%dma_start3A_10 : memref<128xi32, #tpu.memory_space<vmem>>) semaphore(%arg13 : memref<!tpu.dma_semaphore, #tpu.memory_space<semaphore_mem>>)
    %mul3A_14 = arith.constant 640 : i32
    %mul3A_15 = arith.muli %arg1, %mul3A_14 : i32
    "tpu.region"() ({
      %run_scoped3A = tpu.sem_alloc : memref<!tpu.dma_semaphore, #tpu.memory_space<semaphore_mem>>
      %dma_start3A_39 = arith.constant 0 : i32
      %dma_start3A_40 = tpu.memref_slice %arg11[%mul3A_15, %dma_start3A_39] : memref<10240x64xf32, #tpu.memory_space<vmem_shared>> -> memref<640x64xf32, #tpu.memory_space<vmem_shared>>
      tpu.enqueue_dma source(%arg5 : memref<640x64xf32, #tpu.memory_space<hbm>>) target(%dma_start3A_40 : memref<640x64xf32, #tpu.memory_space<vmem_shared>>) target_semaphore(%run_scoped3A : memref<!tpu.dma_semaphore, #tpu.memory_space<semaphore_mem>>)
      %dma_wait3A_41 = arith.constant 0 : i32
      %dma_wait3A_42 = tpu.memref_slice %arg11[%mul3A_15, %dma_wait3A_41] : memref<10240x64xf32, #tpu.memory_space<vmem_shared>> -> memref<640x64xf32, #tpu.memory_space<vmem_shared>>
      tpu.wait_dma2 semaphore(%run_scoped3A : memref<!tpu.dma_semaphore, #tpu.memory_space<semaphore_mem>>) src(%arg5 : memref<640x64xf32, #tpu.memory_space<hbm>>) dst(%dma_wait3A_42 : memref<640x64xf32, #tpu.memory_space<vmem_shared>>)
      tpu.yield
    }) : () -> ()
    %barrier3A = arith.constant 0 : index
    tpu.barrier barrier_id(%barrier3A)
    %scan3A = arith.constant 0 : i32
    %scan3A_16 = arith.constant 0 : i32
    %scan3A_17 = arith.constant 40 : i32
    %scan3A_18 = arith.addi %scan3A_16, %scan3A_17 : i32
    %scan3A_19 = arith.constant 1 : i32
    scf.for %scan3A_39 = %scan3A_16 to %scan3A_18 step %scan3A_19  : i32 {
      %mul3A_40 = arith.constant 2 : i32
      %mul3A_41 = arith.muli %scan3A_39, %mul3A_40 : i32
      %add3A_42 = arith.constant 1 : i32
      %add3A_43 = arith.addi %mul3A_41, %add3A_42 : i32
      %add3A_44 = arith.constant 2 : i32
      %add3A_45 = arith.addi %mul3A_41, %add3A_44 : i32
      %jit3A = arith.constant 80 : i32
      %eq3A = arith.constant 0 : i32
      %eq3A_46 = arith.cmpi eq, %jit3A, %eq3A : i32
      %jit3A_47 = arith.constant 1 : i32
      %select_n3A = arith.select %eq3A_46, %jit3A_47, %jit3A : i32
      %rem3A = arith.remsi %add3A_45, %select_n3A : i32
      %ne3A = arith.constant 0 : i32
      %ne3A_48 = arith.cmpi ne, %rem3A, %ne3A : i32
      %lt3A = arith.constant 0 : i32
      %lt3A_49 = arith.cmpi slt, %rem3A, %lt3A : i32
      %lt3A_50 = arith.constant 0 : i32
      %lt3A_51 = arith.cmpi slt, %select_n3A, %lt3A_50 : i32
      %ne3A_52 = arith.xori %lt3A_49, %lt3A_51 : i1
      %and3A = arith.andi %ne3A_52, %ne3A_48 : i1
      %add3A_53 = arith.addi %rem3A, %select_n3A : i32
      %select_n3A_54 = arith.select %and3A, %add3A_53, %rem3A : i32
      %add3A_55 = arith.constant 2 : i32
      %add3A_56 = arith.addi %add3A_43, %add3A_55 : i32
      %jit3A_57 = arith.constant 80 : i32
      %eq3A_58 = arith.constant 0 : i32
      %eq3A_59 = arith.cmpi eq, %jit3A_57, %eq3A_58 : i32
      %jit3A_60 = arith.constant 1 : i32
      %select_n3A_61 = arith.select %eq3A_59, %jit3A_60, %jit3A_57 : i32
      %rem3A_62 = arith.remsi %add3A_56, %select_n3A_61 : i32
      %ne3A_63 = arith.constant 0 : i32
      %ne3A_64 = arith.cmpi ne, %rem3A_62, %ne3A_63 : i32
      %lt3A_65 = arith.constant 0 : i32
      %lt3A_66 = arith.cmpi slt, %rem3A_62, %lt3A_65 : i32
      %lt3A_67 = arith.constant 0 : i32
      %lt3A_68 = arith.cmpi slt, %select_n3A_61, %lt3A_67 : i32
      %ne3A_69 = arith.xori %lt3A_66, %lt3A_68 : i1
      %and3A_70 = arith.andi %ne3A_69, %ne3A_64 : i1
      %add3A_71 = arith.addi %rem3A_62, %select_n3A_61 : i32
      %select_n3A_72 = arith.select %and3A_70, %add3A_71, %rem3A_62 : i32
      %dma_wait3A_73 = arith.constant 0 : i32
      %dma_wait3A_74 = tpu.memref_slice %arg7[%mul3A_41, %dma_wait3A_73] : memref<80x128xi32, #tpu.memory_space<vmem>> -> memref<1x128xi32, #tpu.memory_space<vmem>>
      %dma_wait3A_75 = tpu.memref_squeeze %dma_wait3A_74 : memref<1x128xi32, #tpu.memory_space<vmem>> -> memref<128xi32, #tpu.memory_space<vmem>>
      %dma_wait3A_76 = arith.constant 0 : i32
      %dma_wait3A_77 = arith.constant 0 : i32
      %dma_wait3A_78 = tpu.memref_slice %arg2[%dma_wait3A_76, %dma_wait3A_77] : memref<10240x64xf32, #tpu.memory_space<hbm>> -> memref<10240x64xf32, #tpu.memory_space<hbm>>
      tpu.wait_indirect_dma semaphore(%arg12 : memref<!tpu.dma_semaphore, #tpu.memory_space<semaphore_mem>>) src(%dma_wait3A_78 : memref<10240x64xf32, #tpu.memory_space<hbm>>) dst(%arg9 : memref<128x64xf32, #tpu.memory_space<vmem>>)
      "tpu.region"() ({
        %run_scoped3A = tpu.sem_alloc : memref<!tpu.dma_semaphore, #tpu.memory_space<semaphore_mem>>
        %dma_start3A_97 = arith.constant 0 : i32
        %dma_start3A_98 = tpu.memref_slice %arg8[%mul3A_41, %dma_start3A_97] : memref<80x128xi32, #tpu.memory_space<vmem>> -> memref<1x128xi32, #tpu.memory_space<vmem>>
        %dma_start3A_99 = tpu.memref_squeeze %dma_start3A_98 : memref<1x128xi32, #tpu.memory_space<vmem>> -> memref<128xi32, #tpu.memory_space<vmem>>
        %dma_start3A_100 = arith.constant 0 : i32
        %dma_start3A_101 = arith.constant 0 : i32
        %dma_start3A_102 = tpu.memref_slice %arg11[%dma_start3A_100, %dma_start3A_101] : memref<10240x64xf32, #tpu.memory_space<vmem_shared>> -> memref<10240x64xf32, #tpu.memory_space<vmem_shared>>
        tpu.enqueue_indirect_dma source(%arg9 : memref<128x64xf32, #tpu.memory_space<vmem>>) target(%dma_start3A_102 : memref<10240x64xf32, #tpu.memory_space<vmem_shared>>) offsets(%dma_start3A_99 : memref<128xi32, #tpu.memory_space<vmem>>) semaphore(%run_scoped3A : memref<!tpu.dma_semaphore, #tpu.memory_space<semaphore_mem>>) {add = true}
        %dma_wait3A_103 = arith.constant 0 : i32
        %dma_wait3A_104 = tpu.memref_slice %arg8[%mul3A_41, %dma_wait3A_103] : memref<80x128xi32, #tpu.memory_space<vmem>> -> memref<1x128xi32, #tpu.memory_space<vmem>>
        %dma_wait3A_105 = tpu.memref_squeeze %dma_wait3A_104 : memref<1x128xi32, #tpu.memory_space<vmem>> -> memref<128xi32, #tpu.memory_space<vmem>>
        %dma_wait3A_106 = arith.constant 0 : i32
        %dma_wait3A_107 = arith.constant 0 : i32
        %dma_wait3A_108 = tpu.memref_slice %arg11[%dma_wait3A_106, %dma_wait3A_107] : memref<10240x64xf32, #tpu.memory_space<vmem_shared>> -> memref<10240x64xf32, #tpu.memory_space<vmem_shared>>
        tpu.wait_indirect_dma semaphore(%run_scoped3A : memref<!tpu.dma_semaphore, #tpu.memory_space<semaphore_mem>>) src(%arg9 : memref<128x64xf32, #tpu.memory_space<vmem>>) dst(%dma_wait3A_108 : memref<10240x64xf32, #tpu.memory_space<vmem_shared>>)
        tpu.yield
      }) : () -> ()
      %dma_start3A_79 = arith.constant 0 : i32
      %dma_start3A_80 = tpu.memref_slice %arg7[%select_n3A_54, %dma_start3A_79] : memref<80x128xi32, #tpu.memory_space<vmem>> -> memref<1x128xi32, #tpu.memory_space<vmem>>
      %dma_start3A_81 = tpu.memref_squeeze %dma_start3A_80 : memref<1x128xi32, #tpu.memory_space<vmem>> -> memref<128xi32, #tpu.memory_space<vmem>>
      %dma_start3A_82 = arith.constant 0 : i32
      %dma_start3A_83 = arith.constant 0 : i32
      %dma_start3A_84 = tpu.memref_slice %arg2[%dma_start3A_82, %dma_start3A_83] : memref<10240x64xf32, #tpu.memory_space<hbm>> -> memref<10240x64xf32, #tpu.memory_space<hbm>>
      tpu.enqueue_indirect_dma source(%dma_start3A_84 : memref<10240x64xf32, #tpu.memory_space<hbm>>) target(%arg9 : memref<128x64xf32, #tpu.memory_space<vmem>>) offsets(%dma_start3A_81 : memref<128xi32, #tpu.memory_space<vmem>>) semaphore(%arg12 : memref<!tpu.dma_semaphore, #tpu.memory_space<semaphore_mem>>)
      %dma_wait3A_85 = arith.constant 0 : i32
      %dma_wait3A_86 = tpu.memref_slice %arg7[%add3A_43, %dma_wait3A_85] : memref<80x128xi32, #tpu.memory_space<vmem>> -> memref<1x128xi32, #tpu.memory_space<vmem>>
      %dma_wait3A_87 = tpu.memref_squeeze %dma_wait3A_86 : memref<1x128xi32, #tpu.memory_space<vmem>> -> memref<128xi32, #tpu.memory_space<vmem>>
      %dma_wait3A_88 = arith.constant 0 : i32
      %dma_wait3A_89 = arith.constant 0 : i32
      %dma_wait3A_90 = tpu.memref_slice %arg2[%dma_wait3A_88, %dma_wait3A_89] : memref<10240x64xf32, #tpu.memory_space<hbm>> -> memref<10240x64xf32, #tpu.memory_space<hbm>>
      tpu.wait_indirect_dma semaphore(%arg13 : memref<!tpu.dma_semaphore, #tpu.memory_space<semaphore_mem>>) src(%dma_wait3A_90 : memref<10240x64xf32, #tpu.memory_space<hbm>>) dst(%arg10 : memref<128x64xf32, #tpu.memory_space<vmem>>)
      "tpu.region"() ({
        %run_scoped3A = tpu.sem_alloc : memref<!tpu.dma_semaphore, #tpu.memory_space<semaphore_mem>>
        %dma_start3A_97 = arith.constant 0 : i32
        %dma_start3A_98 = tpu.memref_slice %arg8[%add3A_43, %dma_start3A_97] : memref<80x128xi32, #tpu.memory_space<vmem>> -> memref<1x128xi32, #tpu.memory_space<vmem>>
        %dma_start3A_99 = tpu.memref_squeeze %dma_start3A_98 : memref<1x128xi32, #tpu.memory_space<vmem>> -> memref<128xi32, #tpu.memory_space<vmem>>
        %dma_start3A_100 = arith.constant 0 : i32
        %dma_start3A_101 = arith.constant 0 : i32
        %dma_start3A_102 = tpu.memref_slice %arg11[%dma_start3A_100, %dma_start3A_101] : memref<10240x64xf32, #tpu.memory_space<vmem_shared>> -> memref<10240x64xf32, #tpu.memory_space<vmem_shared>>
        tpu.enqueue_indirect_dma source(%arg10 : memref<128x64xf32, #tpu.memory_space<vmem>>) target(%dma_start3A_102 : memref<10240x64xf32, #tpu.memory_space<vmem_shared>>) offsets(%dma_start3A_99 : memref<128xi32, #tpu.memory_space<vmem>>) semaphore(%run_scoped3A : memref<!tpu.dma_semaphore, #tpu.memory_space<semaphore_mem>>) {add = true}
        %dma_wait3A_103 = arith.constant 0 : i32
        %dma_wait3A_104 = tpu.memref_slice %arg8[%add3A_43, %dma_wait3A_103] : memref<80x128xi32, #tpu.memory_space<vmem>> -> memref<1x128xi32, #tpu.memory_space<vmem>>
        %dma_wait3A_105 = tpu.memref_squeeze %dma_wait3A_104 : memref<1x128xi32, #tpu.memory_space<vmem>> -> memref<128xi32, #tpu.memory_space<vmem>>
        %dma_wait3A_106 = arith.constant 0 : i32
        %dma_wait3A_107 = arith.constant 0 : i32
        %dma_wait3A_108 = tpu.memref_slice %arg11[%dma_wait3A_106, %dma_wait3A_107] : memref<10240x64xf32, #tpu.memory_space<vmem_shared>> -> memref<10240x64xf32, #tpu.memory_space<vmem_shared>>
        tpu.wait_indirect_dma semaphore(%run_scoped3A : memref<!tpu.dma_semaphore, #tpu.memory_space<semaphore_mem>>) src(%arg10 : memref<128x64xf32, #tpu.memory_space<vmem>>) dst(%dma_wait3A_108 : memref<10240x64xf32, #tpu.memory_space<vmem_shared>>)
        tpu.yield
      }) : () -> ()
      %dma_start3A_91 = arith.constant 0 : i32
      %dma_start3A_92 = tpu.memref_slice %arg7[%select_n3A_72, %dma_start3A_91] : memref<80x128xi32, #tpu.memory_space<vmem>> -> memref<1x128xi32, #tpu.memory_space<vmem>>
      %dma_start3A_93 = tpu.memref_squeeze %dma_start3A_92 : memref<1x128xi32, #tpu.memory_space<vmem>> -> memref<128xi32, #tpu.memory_space<vmem>>
      %dma_start3A_94 = arith.constant 0 : i32
      %dma_start3A_95 = arith.constant 0 : i32
      %dma_start3A_96 = tpu.memref_slice %arg2[%dma_start3A_94, %dma_start3A_95] : memref<10240x64xf32, #tpu.memory_space<hbm>> -> memref<10240x64xf32, #tpu.memory_space<hbm>>
      tpu.enqueue_indirect_dma source(%dma_start3A_96 : memref<10240x64xf32, #tpu.memory_space<hbm>>) target(%arg10 : memref<128x64xf32, #tpu.memory_space<vmem>>) offsets(%dma_start3A_93 : memref<128xi32, #tpu.memory_space<vmem>>) semaphore(%arg13 : memref<!tpu.dma_semaphore, #tpu.memory_space<semaphore_mem>>)
    }
    %scan3A_20 = arith.constant 40 : i32
    %dma_wait3A = arith.constant 0 : i32
    %dma_wait3A_21 = arith.constant 0 : i32
    %dma_wait3A_22 = tpu.memref_slice %arg7[%dma_wait3A, %dma_wait3A_21] : memref<80x128xi32, #tpu.memory_space<vmem>> -> memref<1x128xi32, #tpu.memory_space<vmem>>
    %dma_wait3A_23 = tpu.memref_squeeze %dma_wait3A_22 : memref<1x128xi32, #tpu.memory_space<vmem>> -> memref<128xi32, #tpu.memory_space<vmem>>
    %dma_wait3A_24 = arith.constant 0 : i32
    %dma_wait3A_25 = arith.constant 0 : i32
    %dma_wait3A_26 = tpu.memref_slice %arg2[%dma_wait3A_24, %dma_wait3A_25] : memref<10240x64xf32, #tpu.memory_space<hbm>> -> memref<10240x64xf32, #tpu.memory_space<hbm>>
    tpu.wait_indirect_dma semaphore(%arg12 : memref<!tpu.dma_semaphore, #tpu.memory_space<semaphore_mem>>) src(%dma_wait3A_26 : memref<10240x64xf32, #tpu.memory_space<hbm>>) dst(%arg9 : memref<128x64xf32, #tpu.memory_space<vmem>>)
    %dma_wait3A_27 = arith.constant 1 : i32
    %dma_wait3A_28 = arith.constant 0 : i32
    %dma_wait3A_29 = tpu.memref_slice %arg7[%dma_wait3A_27, %dma_wait3A_28] : memref<80x128xi32, #tpu.memory_space<vmem>> -> memref<1x128xi32, #tpu.memory_space<vmem>>
    %dma_wait3A_30 = tpu.memref_squeeze %dma_wait3A_29 : memref<1x128xi32, #tpu.memory_space<vmem>> -> memref<128xi32, #tpu.memory_space<vmem>>
    %dma_wait3A_31 = arith.constant 0 : i32
    %dma_wait3A_32 = arith.constant 0 : i32
    %dma_wait3A_33 = tpu.memref_slice %arg2[%dma_wait3A_31, %dma_wait3A_32] : memref<10240x64xf32, #tpu.memory_space<hbm>> -> memref<10240x64xf32, #tpu.memory_space<hbm>>
    tpu.wait_indirect_dma semaphore(%arg13 : memref<!tpu.dma_semaphore, #tpu.memory_space<semaphore_mem>>) src(%dma_wait3A_33 : memref<10240x64xf32, #tpu.memory_space<hbm>>) dst(%arg10 : memref<128x64xf32, #tpu.memory_space<vmem>>)
    %barrier3A_34 = arith.constant 0 : index
    tpu.barrier barrier_id(%barrier3A_34)
    %mul3A_35 = arith.constant 640 : i32
    %mul3A_36 = arith.muli %arg1, %mul3A_35 : i32
    %mul3A_37 = arith.constant 640 : i32
    %mul3A_38 = arith.muli %arg1, %mul3A_37 : i32
    "tpu.region"() ({
      %run_scoped3A = tpu.sem_alloc : memref<!tpu.dma_semaphore, #tpu.memory_space<semaphore_mem>>
      %dma_start3A_39 = arith.constant 0 : i32
      %dma_start3A_40 = tpu.memref_slice %arg6[%arg0, %mul3A_38, %dma_start3A_39] : memref<2x10240x64xf32, #tpu.memory_space<hbm>> -> memref<1x640x64xf32, #tpu.memory_space<hbm>>
      %dma_start3A_41 = tpu.memref_squeeze %dma_start3A_40 : memref<1x640x64xf32, #tpu.memory_space<hbm>> -> memref<640x64xf32, #tpu.memory_space<hbm>>
      %dma_start3A_42 = arith.constant 0 : i32
      %dma_start3A_43 = tpu.memref_slice %arg11[%mul3A_36, %dma_start3A_42] : memref<10240x64xf32, #tpu.memory_space<vmem_shared>> -> memref<640x64xf32, #tpu.memory_space<vmem_shared>>
      tpu.enqueue_dma source(%dma_start3A_43 : memref<640x64xf32, #tpu.memory_space<vmem_shared>>) target(%dma_start3A_41 : memref<640x64xf32, #tpu.memory_space<hbm>>) target_semaphore(%run_scoped3A : memref<!tpu.dma_semaphore, #tpu.memory_space<semaphore_mem>>)
      %dma_wait3A_44 = arith.constant 0 : i32
      %dma_wait3A_45 = tpu.memref_slice %arg6[%arg0, %mul3A_38, %dma_wait3A_44] : memref<2x10240x64xf32, #tpu.memory_space<hbm>> -> memref<1x640x64xf32, #tpu.memory_space<hbm>>
      %dma_wait3A_46 = tpu.memref_squeeze %dma_wait3A_45 : memref<1x640x64xf32, #tpu.memory_space<hbm>> -> memref<640x64xf32, #tpu.memory_space<hbm>>
      %dma_wait3A_47 = arith.constant 0 : i32
      %dma_wait3A_48 = tpu.memref_slice %arg11[%mul3A_36, %dma_wait3A_47] : memref<10240x64xf32, #tpu.memory_space<vmem_shared>> -> memref<640x64xf32, #tpu.memory_space<vmem_shared>>
      tpu.wait_dma2 semaphore(%run_scoped3A : memref<!tpu.dma_semaphore, #tpu.memory_space<semaphore_mem>>) src(%dma_wait3A_48 : memref<640x64xf32, #tpu.memory_space<vmem_shared>>) dst(%dma_wait3A_46 : memref<640x64xf32, #tpu.memory_space<hbm>>)
      tpu.yield
    }) : () -> ()
    return
  }
}

#map = affine_map<(d0, d1) -> (0, 0)>
#map1 = affine_map<(d0, d1) -> (0, 0, 0)>
module attributes {stable_mosaic.version = 14 : i64} {
  func.func @spmm(%arg0: i32, %arg1: i32, %arg2: memref<10240x64xf32, #tpu.memory_space<hbm>>, %arg3: memref<32x80x128xi32, #tpu.memory_space<hbm>>, %arg4: memref<32x80x128xi32, #tpu.memory_space<hbm>>, %arg5: memref<640x64xf32, #tpu.memory_space<hbm>>, %arg6: memref<2x10240x64xf32, #tpu.memory_space<hbm>>, %arg7: memref<80x128xi32, #tpu.memory_space<vmem>>, %arg8: memref<80x128xi32, #tpu.memory_space<vmem>>, %arg9: memref<128x64xf32, #tpu.memory_space<vmem>>, %arg10: memref<128x64xf32, #tpu.memory_space<vmem>>, %arg11: memref<10240x64xf32, #tpu.memory_space<vmem_shared>>, %arg12: memref<!tpu.dma_semaphore, #tpu.memory_space<semaphore_mem>>, %arg13: memref<!tpu.dma_semaphore, #tpu.memory_space<semaphore_mem>>) attributes {dimension_semantics = [#tpu.dimension_semantics<core_parallel>, #tpu.dimension_semantics<subcore_parallel>], iteration_bounds = array<i64: 2, 16>, scalar_prefetch = 0 : i64, scratch_operands = 7 : i64, tpu.core_type = #tpu.core_type<sc_vector_subcore>, window_params = [{transform_indices = #map}, {transform_indices = #map1}, {transform_indices = #map1}, {transform_indices = #map}, {transform_indices = #map1}]} {
    %mul3A = arith.constant 2 : i32
    %mul3A_0 = arith.muli %arg1, %mul3A : i32
    %add3A = arith.addi %mul3A_0, %arg0 : i32
    "tpu.region"() ({
      %run_scoped3A = tpu.sem_alloc : memref<!tpu.dma_semaphore, #tpu.memory_space<semaphore_mem>>
      %dma_start3A_39 = arith.constant 0 : i32
      %dma_start3A_40 = arith.constant 0 : i32
      %dma_start3A_41 = tpu.memref_slice %arg3[%add3A, %dma_start3A_39, %dma_start3A_40] : memref<32x80x128xi32, #tpu.memory_space<hbm>> -> memref<1x80x128xi32, #tpu.memory_space<hbm>>
      %dma_start3A_42 = tpu.memref_squeeze %dma_start3A_41 : memref<1x80x128xi32, #tpu.memory_space<hbm>> -> memref<80x128xi32, #tpu.memory_space<hbm>>
      %dma_start3A_43 = arith.constant 0 : i32
      %dma_start3A_44 = arith.constant 0 : i32
      %dma_start3A_45 = tpu.memref_slice %arg3[%add3A, %dma_start3A_43, %dma_start3A_44] : memref<32x80x128xi32, #tpu.memory_space<hbm>> -> memref<1x80x128xi32, #tpu.memory_space<hbm>>
      %dma_start3A_46 = tpu.memref_squeeze %dma_start3A_45 : memref<1x80x128xi32, #tpu.memory_space<hbm>> -> memref<80x128xi32, #tpu.memory_space<hbm>>
      tpu.enqueue_dma source(%dma_start3A_46 : memref<80x128xi32, #tpu.memory_space<hbm>>) target(%arg7 : memref<80x128xi32, #tpu.memory_space<vmem>>) target_semaphore(%run_scoped3A : memref<!tpu.dma_semaphore, #tpu.memory_space<semaphore_mem>>)
      %dma_wait3A_47 = arith.constant 0 : i32
      %dma_wait3A_48 = arith.constant 0 : i32
      %dma_wait3A_49 = tpu.memref_slice %arg3[%add3A, %dma_wait3A_47, %dma_wait3A_48] : memref<32x80x128xi32, #tpu.memory_space<hbm>> -> memref<1x80x128xi32, #tpu.memory_space<hbm>>
      %dma_wait3A_50 = tpu.memref_squeeze %dma_wait3A_49 : memref<1x80x128xi32, #tpu.memory_space<hbm>> -> memref<80x128xi32, #tpu.memory_space<hbm>>
      %dma_wait3A_51 = arith.constant 0 : i32
      %dma_wait3A_52 = arith.constant 0 : i32
      %dma_wait3A_53 = tpu.memref_slice %arg3[%add3A, %dma_wait3A_51, %dma_wait3A_52] : memref<32x80x128xi32, #tpu.memory_space<hbm>> -> memref<1x80x128xi32, #tpu.memory_space<hbm>>
      %dma_wait3A_54 = tpu.memref_squeeze %dma_wait3A_53 : memref<1x80x128xi32, #tpu.memory_space<hbm>> -> memref<80x128xi32, #tpu.memory_space<hbm>>
      tpu.wait_dma2 semaphore(%run_scoped3A : memref<!tpu.dma_semaphore, #tpu.memory_space<semaphore_mem>>) src(%dma_wait3A_54 : memref<80x128xi32, #tpu.memory_space<hbm>>) dst(%arg7 : memref<80x128xi32, #tpu.memory_space<vmem>>)
      tpu.yield
    }) : () -> ()
    "tpu.region"() ({
      %run_scoped3A = tpu.sem_alloc : memref<!tpu.dma_semaphore, #tpu.memory_space<semaphore_mem>>
      %dma_start3A_39 = arith.constant 0 : i32
      %dma_start3A_40 = arith.constant 0 : i32
      %dma_start3A_41 = tpu.memref_slice %arg4[%add3A, %dma_start3A_39, %dma_start3A_40] : memref<32x80x128xi32, #tpu.memory_space<hbm>> -> memref<1x80x128xi32, #tpu.memory_space<hbm>>
      %dma_start3A_42 = tpu.memref_squeeze %dma_start3A_41 : memref<1x80x128xi32, #tpu.memory_space<hbm>> -> memref<80x128xi32, #tpu.memory_space<hbm>>
      %dma_start3A_43 = arith.constant 0 : i32
      %dma_start3A_44 = arith.constant 0 : i32
      %dma_start3A_45 = tpu.memref_slice %arg4[%add3A, %dma_start3A_43, %dma_start3A_44] : memref<32x80x128xi32, #tpu.memory_space<hbm>> -> memref<1x80x128xi32, #tpu.memory_space<hbm>>
      %dma_start3A_46 = tpu.memref_squeeze %dma_start3A_45 : memref<1x80x128xi32, #tpu.memory_space<hbm>> -> memref<80x128xi32, #tpu.memory_space<hbm>>
      tpu.enqueue_dma source(%dma_start3A_46 : memref<80x128xi32, #tpu.memory_space<hbm>>) target(%arg8 : memref<80x128xi32, #tpu.memory_space<vmem>>) target_semaphore(%run_scoped3A : memref<!tpu.dma_semaphore, #tpu.memory_space<semaphore_mem>>)
      %dma_wait3A_47 = arith.constant 0 : i32
      %dma_wait3A_48 = arith.constant 0 : i32
      %dma_wait3A_49 = tpu.memref_slice %arg4[%add3A, %dma_wait3A_47, %dma_wait3A_48] : memref<32x80x128xi32, #tpu.memory_space<hbm>> -> memref<1x80x128xi32, #tpu.memory_space<hbm>>
      %dma_wait3A_50 = tpu.memref_squeeze %dma_wait3A_49 : memref<1x80x128xi32, #tpu.memory_space<hbm>> -> memref<80x128xi32, #tpu.memory_space<hbm>>
      %dma_wait3A_51 = arith.constant 0 : i32
      %dma_wait3A_52 = arith.constant 0 : i32
      %dma_wait3A_53 = tpu.memref_slice %arg4[%add3A, %dma_wait3A_51, %dma_wait3A_52] : memref<32x80x128xi32, #tpu.memory_space<hbm>> -> memref<1x80x128xi32, #tpu.memory_space<hbm>>
      %dma_wait3A_54 = tpu.memref_squeeze %dma_wait3A_53 : memref<1x80x128xi32, #tpu.memory_space<hbm>> -> memref<80x128xi32, #tpu.memory_space<hbm>>
      tpu.wait_dma2 semaphore(%run_scoped3A : memref<!tpu.dma_semaphore, #tpu.memory_space<semaphore_mem>>) src(%dma_wait3A_54 : memref<80x128xi32, #tpu.memory_space<hbm>>) dst(%arg8 : memref<80x128xi32, #tpu.memory_space<vmem>>)
      tpu.yield
    }) : () -> ()
    %dma_start3A = arith.constant 0 : i32
    %dma_start3A_1 = arith.constant 0 : i32
    %dma_start3A_2 = tpu.memref_slice %arg7[%dma_start3A, %dma_start3A_1] : memref<80x128xi32, #tpu.memory_space<vmem>> -> memref<1x128xi32, #tpu.memory_space<vmem>>
    %dma_start3A_3 = tpu.memref_squeeze %dma_start3A_2 : memref<1x128xi32, #tpu.memory_space<vmem>> -> memref<128xi32, #tpu.memory_space<vmem>>
    %dma_start3A_4 = arith.constant 0 : i32
    %dma_start3A_5 = arith.constant 0 : i32
    %dma_start3A_6 = tpu.memref_slice %arg2[%dma_start3A_4, %dma_start3A_5] : memref<10240x64xf32, #tpu.memory_space<hbm>> -> memref<10240x64xf32, #tpu.memory_space<hbm>>
    tpu.enqueue_indirect_dma source(%dma_start3A_6 : memref<10240x64xf32, #tpu.memory_space<hbm>>) target(%arg9 : memref<128x64xf32, #tpu.memory_space<vmem>>) offsets(%dma_start3A_3 : memref<128xi32, #tpu.memory_space<vmem>>) semaphore(%arg12 : memref<!tpu.dma_semaphore, #tpu.memory_space<semaphore_mem>>)
    %dma_start3A_7 = arith.constant 1 : i32
    %dma_start3A_8 = arith.constant 0 : i32
    %dma_start3A_9 = tpu.memref_slice %arg7[%dma_start3A_7, %dma_start3A_8] : memref<80x128xi32, #tpu.memory_space<vmem>> -> memref<1x128xi32, #tpu.memory_space<vmem>>
    %dma_start3A_10 = tpu.memref_squeeze %dma_start3A_9 : memref<1x128xi32, #tpu.memory_space<vmem>> -> memref<128xi32, #tpu.memory_space<vmem>>
    %dma_start3A_11 = arith.constant 0 : i32
    %dma_start3A_12 = arith.constant 0 : i32
    %dma_start3A_13 = tpu.memref_slice %arg2[%dma_start3A_11, %dma_start3A_12] : memref<10240x64xf32, #tpu.memory_space<hbm>> -> memref<10240x64xf32, #tpu.memory_space<hbm>>
    tpu.enqueue_indirect_dma source(%dma_start3A_13 : memref<10240x64xf32, #tpu.memory_space<hbm>>) target(%arg10 : memref<128x64xf32, #tpu.memory_space<vmem>>) offsets(%dma_start3A_10 : memref<128xi32, #tpu.memory_space<vmem>>) semaphore(%arg13 : memref<!tpu.dma_semaphore, #tpu.memory_space<semaphore_mem>>)
    %mul3A_14 = arith.constant 640 : i32
    %mul3A_15 = arith.muli %arg1, %mul3A_14 : i32
    "tpu.region"() ({
      %run_scoped3A = tpu.sem_alloc : memref<!tpu.dma_semaphore, #tpu.memory_space<semaphore_mem>>
      %dma_start3A_39 = arith.constant 0 : i32
      %dma_start3A_40 = tpu.memref_slice %arg11[%mul3A_15, %dma_start3A_39] : memref<10240x64xf32, #tpu.memory_space<vmem_shared>> -> memref<640x64xf32, #tpu.memory_space<vmem_shared>>
      tpu.enqueue_dma source(%arg5 : memref<640x64xf32, #tpu.memory_space<hbm>>) target(%dma_start3A_40 : memref<640x64xf32, #tpu.memory_space<vmem_shared>>) target_semaphore(%run_scoped3A : memref<!tpu.dma_semaphore, #tpu.memory_space<semaphore_mem>>)
      %dma_wait3A_41 = arith.constant 0 : i32
      %dma_wait3A_42 = tpu.memref_slice %arg11[%mul3A_15, %dma_wait3A_41] : memref<10240x64xf32, #tpu.memory_space<vmem_shared>> -> memref<640x64xf32, #tpu.memory_space<vmem_shared>>
      tpu.wait_dma2 semaphore(%run_scoped3A : memref<!tpu.dma_semaphore, #tpu.memory_space<semaphore_mem>>) src(%arg5 : memref<640x64xf32, #tpu.memory_space<hbm>>) dst(%dma_wait3A_42 : memref<640x64xf32, #tpu.memory_space<vmem_shared>>)
      tpu.yield
    }) : () -> ()
    %barrier3A = arith.constant 0 : index
    tpu.barrier barrier_id(%barrier3A)
    %scan3A = arith.constant 0 : i32
    %scan3A_16 = arith.constant 0 : i32
    %scan3A_17 = arith.constant 40 : i32
    %scan3A_18 = arith.addi %scan3A_16, %scan3A_17 : i32
    %scan3A_19 = arith.constant 1 : i32
    scf.for %scan3A_39 = %scan3A_16 to %scan3A_18 step %scan3A_19  : i32 {
      %mul3A_40 = arith.constant 2 : i32
      %mul3A_41 = arith.muli %scan3A_39, %mul3A_40 : i32
      %add3A_42 = arith.constant 1 : i32
      %add3A_43 = arith.addi %mul3A_41, %add3A_42 : i32
      %add3A_44 = arith.constant 2 : i32
      %add3A_45 = arith.addi %mul3A_41, %add3A_44 : i32
      %jit3A = arith.constant 80 : i32
      %eq3A = arith.constant 0 : i32
      %eq3A_46 = arith.cmpi eq, %jit3A, %eq3A : i32
      %jit3A_47 = arith.constant 1 : i32
      %select_n3A = arith.select %eq3A_46, %jit3A_47, %jit3A : i32
      %rem3A = arith.remsi %add3A_45, %select_n3A : i32
      %ne3A = arith.constant 0 : i32
      %ne3A_48 = arith.cmpi ne, %rem3A, %ne3A : i32
      %lt3A = arith.constant 0 : i32
      %lt3A_49 = arith.cmpi slt, %rem3A, %lt3A : i32
      %lt3A_50 = arith.constant 0 : i32
      %lt3A_51 = arith.cmpi slt, %select_n3A, %lt3A_50 : i32
      %ne3A_52 = arith.xori %lt3A_49, %lt3A_51 : i1
      %and3A = arith.andi %ne3A_52, %ne3A_48 : i1
      %add3A_53 = arith.addi %rem3A, %select_n3A : i32
      %select_n3A_54 = arith.select %and3A, %add3A_53, %rem3A : i32
      %add3A_55 = arith.constant 2 : i32
      %add3A_56 = arith.addi %add3A_43, %add3A_55 : i32
      %jit3A_57 = arith.constant 80 : i32
      %eq3A_58 = arith.constant 0 : i32
      %eq3A_59 = arith.cmpi eq, %jit3A_57, %eq3A_58 : i32
      %jit3A_60 = arith.constant 1 : i32
      %select_n3A_61 = arith.select %eq3A_59, %jit3A_60, %jit3A_57 : i32
      %rem3A_62 = arith.remsi %add3A_56, %select_n3A_61 : i32
      %ne3A_63 = arith.constant 0 : i32
      %ne3A_64 = arith.cmpi ne, %rem3A_62, %ne3A_63 : i32
      %lt3A_65 = arith.constant 0 : i32
      %lt3A_66 = arith.cmpi slt, %rem3A_62, %lt3A_65 : i32
      %lt3A_67 = arith.constant 0 : i32
      %lt3A_68 = arith.cmpi slt, %select_n3A_61, %lt3A_67 : i32
      %ne3A_69 = arith.xori %lt3A_66, %lt3A_68 : i1
      %and3A_70 = arith.andi %ne3A_69, %ne3A_64 : i1
      %add3A_71 = arith.addi %rem3A_62, %select_n3A_61 : i32
      %select_n3A_72 = arith.select %and3A_70, %add3A_71, %rem3A_62 : i32
      %dma_wait3A_73 = arith.constant 0 : i32
      %dma_wait3A_74 = tpu.memref_slice %arg7[%mul3A_41, %dma_wait3A_73] : memref<80x128xi32, #tpu.memory_space<vmem>> -> memref<1x128xi32, #tpu.memory_space<vmem>>
      %dma_wait3A_75 = tpu.memref_squeeze %dma_wait3A_74 : memref<1x128xi32, #tpu.memory_space<vmem>> -> memref<128xi32, #tpu.memory_space<vmem>>
      %dma_wait3A_76 = arith.constant 0 : i32
      %dma_wait3A_77 = arith.constant 0 : i32
      %dma_wait3A_78 = tpu.memref_slice %arg2[%dma_wait3A_76, %dma_wait3A_77] : memref<10240x64xf32, #tpu.memory_space<hbm>> -> memref<10240x64xf32, #tpu.memory_space<hbm>>
      tpu.wait_indirect_dma semaphore(%arg12 : memref<!tpu.dma_semaphore, #tpu.memory_space<semaphore_mem>>) src(%dma_wait3A_78 : memref<10240x64xf32, #tpu.memory_space<hbm>>) dst(%arg9 : memref<128x64xf32, #tpu.memory_space<vmem>>)
      "tpu.region"() ({
        %run_scoped3A = tpu.sem_alloc : memref<!tpu.dma_semaphore, #tpu.memory_space<semaphore_mem>>
        %dma_start3A_97 = arith.constant 0 : i32
        %dma_start3A_98 = tpu.memref_slice %arg8[%mul3A_41, %dma_start3A_97] : memref<80x128xi32, #tpu.memory_space<vmem>> -> memref<1x128xi32, #tpu.memory_space<vmem>>
        %dma_start3A_99 = tpu.memref_squeeze %dma_start3A_98 : memref<1x128xi32, #tpu.memory_space<vmem>> -> memref<128xi32, #tpu.memory_space<vmem>>
        %dma_start3A_100 = arith.constant 0 : i32
        %dma_start3A_101 = arith.constant 0 : i32
        %dma_start3A_102 = tpu.memref_slice %arg11[%dma_start3A_100, %dma_start3A_101] : memref<10240x64xf32, #tpu.memory_space<vmem_shared>> -> memref<10240x64xf32, #tpu.memory_space<vmem_shared>>
        tpu.enqueue_indirect_dma source(%arg9 : memref<128x64xf32, #tpu.memory_space<vmem>>) target(%dma_start3A_102 : memref<10240x64xf32, #tpu.memory_space<vmem_shared>>) offsets(%dma_start3A_99 : memref<128xi32, #tpu.memory_space<vmem>>) semaphore(%run_scoped3A : memref<!tpu.dma_semaphore, #tpu.memory_space<semaphore_mem>>) {add = true}
        %dma_wait3A_103 = arith.constant 0 : i32
        %dma_wait3A_104 = tpu.memref_slice %arg8[%mul3A_41, %dma_wait3A_103] : memref<80x128xi32, #tpu.memory_space<vmem>> -> memref<1x128xi32, #tpu.memory_space<vmem>>
        %dma_wait3A_105 = tpu.memref_squeeze %dma_wait3A_104 : memref<1x128xi32, #tpu.memory_space<vmem>> -> memref<128xi32, #tpu.memory_space<vmem>>
        %dma_wait3A_106 = arith.constant 0 : i32
        %dma_wait3A_107 = arith.constant 0 : i32
        %dma_wait3A_108 = tpu.memref_slice %arg11[%dma_wait3A_106, %dma_wait3A_107] : memref<10240x64xf32, #tpu.memory_space<vmem_shared>> -> memref<10240x64xf32, #tpu.memory_space<vmem_shared>>
        tpu.wait_indirect_dma semaphore(%run_scoped3A : memref<!tpu.dma_semaphore, #tpu.memory_space<semaphore_mem>>) src(%arg9 : memref<128x64xf32, #tpu.memory_space<vmem>>) dst(%dma_wait3A_108 : memref<10240x64xf32, #tpu.memory_space<vmem_shared>>)
        tpu.yield
      }) : () -> ()
      %dma_start3A_79 = arith.constant 0 : i32
      %dma_start3A_80 = tpu.memref_slice %arg7[%select_n3A_54, %dma_start3A_79] : memref<80x128xi32, #tpu.memory_space<vmem>> -> memref<1x128xi32, #tpu.memory_space<vmem>>
      %dma_start3A_81 = tpu.memref_squeeze %dma_start3A_80 : memref<1x128xi32, #tpu.memory_space<vmem>> -> memref<128xi32, #tpu.memory_space<vmem>>
      %dma_start3A_82 = arith.constant 0 : i32
      %dma_start3A_83 = arith.constant 0 : i32
      %dma_start3A_84 = tpu.memref_slice %arg2[%dma_start3A_82, %dma_start3A_83] : memref<10240x64xf32, #tpu.memory_space<hbm>> -> memref<10240x64xf32, #tpu.memory_space<hbm>>
      tpu.enqueue_indirect_dma source(%dma_start3A_84 : memref<10240x64xf32, #tpu.memory_space<hbm>>) target(%arg9 : memref<128x64xf32, #tpu.memory_space<vmem>>) offsets(%dma_start3A_81 : memref<128xi32, #tpu.memory_space<vmem>>) semaphore(%arg12 : memref<!tpu.dma_semaphore, #tpu.memory_space<semaphore_mem>>)
      %dma_wait3A_85 = arith.constant 0 : i32
      %dma_wait3A_86 = tpu.memref_slice %arg7[%add3A_43, %dma_wait3A_85] : memref<80x128xi32, #tpu.memory_space<vmem>> -> memref<1x128xi32, #tpu.memory_space<vmem>>
      %dma_wait3A_87 = tpu.memref_squeeze %dma_wait3A_86 : memref<1x128xi32, #tpu.memory_space<vmem>> -> memref<128xi32, #tpu.memory_space<vmem>>
      %dma_wait3A_88 = arith.constant 0 : i32
      %dma_wait3A_89 = arith.constant 0 : i32
      %dma_wait3A_90 = tpu.memref_slice %arg2[%dma_wait3A_88, %dma_wait3A_89] : memref<10240x64xf32, #tpu.memory_space<hbm>> -> memref<10240x64xf32, #tpu.memory_space<hbm>>
      tpu.wait_indirect_dma semaphore(%arg13 : memref<!tpu.dma_semaphore, #tpu.memory_space<semaphore_mem>>) src(%dma_wait3A_90 : memref<10240x64xf32, #tpu.memory_space<hbm>>) dst(%arg10 : memref<128x64xf32, #tpu.memory_space<vmem>>)
      "tpu.region"() ({
        %run_scoped3A = tpu.sem_alloc : memref<!tpu.dma_semaphore, #tpu.memory_space<semaphore_mem>>
        %dma_start3A_97 = arith.constant 0 : i32
        %dma_start3A_98 = tpu.memref_slice %arg8[%add3A_43, %dma_start3A_97] : memref<80x128xi32, #tpu.memory_space<vmem>> -> memref<1x128xi32, #tpu.memory_space<vmem>>
        %dma_start3A_99 = tpu.memref_squeeze %dma_start3A_98 : memref<1x128xi32, #tpu.memory_space<vmem>> -> memref<128xi32, #tpu.memory_space<vmem>>
        %dma_start3A_100 = arith.constant 0 : i32
        %dma_start3A_101 = arith.constant 0 : i32
        %dma_start3A_102 = tpu.memref_slice %arg11[%dma_start3A_100, %dma_start3A_101] : memref<10240x64xf32, #tpu.memory_space<vmem_shared>> -> memref<10240x64xf32, #tpu.memory_space<vmem_shared>>
        tpu.enqueue_indirect_dma source(%arg10 : memref<128x64xf32, #tpu.memory_space<vmem>>) target(%dma_start3A_102 : memref<10240x64xf32, #tpu.memory_space<vmem_shared>>) offsets(%dma_start3A_99 : memref<128xi32, #tpu.memory_space<vmem>>) semaphore(%run_scoped3A : memref<!tpu.dma_semaphore, #tpu.memory_space<semaphore_mem>>) {add = true}
        %dma_wait3A_103 = arith.constant 0 : i32
        %dma_wait3A_104 = tpu.memref_slice %arg8[%add3A_43, %dma_wait3A_103] : memref<80x128xi32, #tpu.memory_space<vmem>> -> memref<1x128xi32, #tpu.memory_space<vmem>>
        %dma_wait3A_105 = tpu.memref_squeeze %dma_wait3A_104 : memref<1x128xi32, #tpu.memory_space<vmem>> -> memref<128xi32, #tpu.memory_space<vmem>>
        %dma_wait3A_106 = arith.constant 0 : i32
        %dma_wait3A_107 = arith.constant 0 : i32
        %dma_wait3A_108 = tpu.memref_slice %arg11[%dma_wait3A_106, %dma_wait3A_107] : memref<10240x64xf32, #tpu.memory_space<vmem_shared>> -> memref<10240x64xf32, #tpu.memory_space<vmem_shared>>
        tpu.wait_indirect_dma semaphore(%run_scoped3A : memref<!tpu.dma_semaphore, #tpu.memory_space<semaphore_mem>>) src(%arg10 : memref<128x64xf32, #tpu.memory_space<vmem>>) dst(%dma_wait3A_108 : memref<10240x64xf32, #tpu.memory_space<vmem_shared>>)
        tpu.yield
      }) : () -> ()
      %dma_start3A_91 = arith.constant 0 : i32
      %dma_start3A_92 = tpu.memref_slice %arg7[%select_n3A_72, %dma_start3A_91] : memref<80x128xi32, #tpu.memory_space<vmem>> -> memref<1x128xi32, #tpu.memory_space<vmem>>
      %dma_start3A_93 = tpu.memref_squeeze %dma_start3A_92 : memref<1x128xi32, #tpu.memory_space<vmem>> -> memref<128xi32, #tpu.memory_space<vmem>>
      %dma_start3A_94 = arith.constant 0 : i32
      %dma_start3A_95 = arith.constant 0 : i32
      %dma_start3A_96 = tpu.memref_slice %arg2[%dma_start3A_94, %dma_start3A_95] : memref<10240x64xf32, #tpu.memory_space<hbm>> -> memref<10240x64xf32, #tpu.memory_space<hbm>>
      tpu.enqueue_indirect_dma source(%dma_start3A_96 : memref<10240x64xf32, #tpu.memory_space<hbm>>) target(%arg10 : memref<128x64xf32, #tpu.memory_space<vmem>>) offsets(%dma_start3A_93 : memref<128xi32, #tpu.memory_space<vmem>>) semaphore(%arg13 : memref<!tpu.dma_semaphore, #tpu.memory_space<semaphore_mem>>)
    }
    %scan3A_20 = arith.constant 40 : i32
    %dma_wait3A = arith.constant 0 : i32
    %dma_wait3A_21 = arith.constant 0 : i32
    %dma_wait3A_22 = tpu.memref_slice %arg7[%dma_wait3A, %dma_wait3A_21] : memref<80x128xi32, #tpu.memory_space<vmem>> -> memref<1x128xi32, #tpu.memory_space<vmem>>
    %dma_wait3A_23 = tpu.memref_squeeze %dma_wait3A_22 : memref<1x128xi32, #tpu.memory_space<vmem>> -> memref<128xi32, #tpu.memory_space<vmem>>
    %dma_wait3A_24 = arith.constant 0 : i32
    %dma_wait3A_25 = arith.constant 0 : i32
    %dma_wait3A_26 = tpu.memref_slice %arg2[%dma_wait3A_24, %dma_wait3A_25] : memref<10240x64xf32, #tpu.memory_space<hbm>> -> memref<10240x64xf32, #tpu.memory_space<hbm>>
    tpu.wait_indirect_dma semaphore(%arg12 : memref<!tpu.dma_semaphore, #tpu.memory_space<semaphore_mem>>) src(%dma_wait3A_26 : memref<10240x64xf32, #tpu.memory_space<hbm>>) dst(%arg9 : memref<128x64xf32, #tpu.memory_space<vmem>>)
    %dma_wait3A_27 = arith.constant 1 : i32
    %dma_wait3A_28 = arith.constant 0 : i32
    %dma_wait3A_29 = tpu.memref_slice %arg7[%dma_wait3A_27, %dma_wait3A_28] : memref<80x128xi32, #tpu.memory_space<vmem>> -> memref<1x128xi32, #tpu.memory_space<vmem>>
    %dma_wait3A_30 = tpu.memref_squeeze %dma_wait3A_29 : memref<1x128xi32, #tpu.memory_space<vmem>> -> memref<128xi32, #tpu.memory_space<vmem>>
    %dma_wait3A_31 = arith.constant 0 : i32
    %dma_wait3A_32 = arith.constant 0 : i32
    %dma_wait3A_33 = tpu.memref_slice %arg2[%dma_wait3A_31, %dma_wait3A_32] : memref<10240x64xf32, #tpu.memory_space<hbm>> -> memref<10240x64xf32, #tpu.memory_space<hbm>>
    tpu.wait_indirect_dma semaphore(%arg13 : memref<!tpu.dma_semaphore, #tpu.memory_space<semaphore_mem>>) src(%dma_wait3A_33 : memref<10240x64xf32, #tpu.memory_space<hbm>>) dst(%arg10 : memref<128x64xf32, #tpu.memory_space<vmem>>)
    %barrier3A_34 = arith.constant 0 : index
    tpu.barrier barrier_id(%barrier3A_34)
    %mul3A_35 = arith.constant 640 : i32
    %mul3A_36 = arith.muli %arg1, %mul3A_35 : i32
    %mul3A_37 = arith.constant 640 : i32
    %mul3A_38 = arith.muli %arg1, %mul3A_37 : i32
    "tpu.region"() ({
      %run_scoped3A = tpu.sem_alloc : memref<!tpu.dma_semaphore, #tpu.memory_space<semaphore_mem>>
      %dma_start3A_39 = arith.constant 0 : i32
      %dma_start3A_40 = tpu.memref_slice %arg6[%arg0, %mul3A_38, %dma_start3A_39] : memref<2x10240x64xf32, #tpu.memory_space<hbm>> -> memref<1x640x64xf32, #tpu.memory_space<hbm>>
      %dma_start3A_41 = tpu.memref_squeeze %dma_start3A_40 : memref<1x640x64xf32, #tpu.memory_space<hbm>> -> memref<640x64xf32, #tpu.memory_space<hbm>>
      %dma_start3A_42 = arith.constant 0 : i32
      %dma_start3A_43 = tpu.memref_slice %arg11[%mul3A_36, %dma_start3A_42] : memref<10240x64xf32, #tpu.memory_space<vmem_shared>> -> memref<640x64xf32, #tpu.memory_space<vmem_shared>>
      tpu.enqueue_dma source(%dma_start3A_43 : memref<640x64xf32, #tpu.memory_space<vmem_shared>>) target(%dma_start3A_41 : memref<640x64xf32, #tpu.memory_space<hbm>>) target_semaphore(%run_scoped3A : memref<!tpu.dma_semaphore, #tpu.memory_space<semaphore_mem>>)
      %dma_wait3A_44 = arith.constant 0 : i32
      %dma_wait3A_45 = tpu.memref_slice %arg6[%arg0, %mul3A_38, %dma_wait3A_44] : memref<2x10240x64xf32, #tpu.memory_space<hbm>> -> memref<1x640x64xf32, #tpu.memory_space<hbm>>
      %dma_wait3A_46 = tpu.memref_squeeze %dma_wait3A_45 : memref<1x640x64xf32, #tpu.memory_space<hbm>> -> memref<640x64xf32, #tpu.memory_space<hbm>>
      %dma_wait3A_47 = arith.constant 0 : i32
      %dma_wait3A_48 = tpu.memref_slice %arg11[%mul3A_36, %dma_wait3A_47] : memref<10240x64xf32, #tpu.memory_space<vmem_shared>> -> memref<640x64xf32, #tpu.memory_space<vmem_shared>>
      tpu.wait_dma2 semaphore(%run_scoped3A : memref<!tpu.dma_semaphore, #tpu.memory_space<semaphore_mem>>) src(%dma_wait3A_48 : memref<640x64xf32, #tpu.memory_space<vmem_shared>>) dst(%dma_wait3A_46 : memref<640x64xf32, #tpu.memory_space<hbm>>)
      tpu.yield
    }) : () -> ()
    return
  }
}

module attributes {stable_mosaic.version = 14 : i64} {
  func.func @tc1a(%arg0: i32, %arg1: memref<2560x128xf32, #tpu.memory_space<vmem>>, %arg2: memref<128x64xf32, #tpu.memory_space<vmem>>, %arg3: memref<1x64xf32, #tpu.memory_space<vmem>>, %arg4: memref<128x64xf32, #tpu.memory_space<vmem>>, %arg5: memref<1x64xf32, #tpu.memory_space<vmem>>, %arg6: memref<2560x128xf32, #tpu.memory_space<vmem>>) attributes {dimension_semantics = [#tpu.dimension_semantics<arbitrary>], iteration_bounds = array<i64: 4>, scalar_prefetch = 0 : i64, scratch_operands = 0 : i64, tpu.core_type = #tpu.core_type<tc>, window_params = [{transform_indices = @transform_0, window_bounds = array<i64: 2560, 128>}, {pipeline_mode = #tpu.pipeline_mode<synchronous>, transform_indices = @transform_1, window_bounds = array<i64: 128, 64>}, {pipeline_mode = #tpu.pipeline_mode<synchronous>, transform_indices = @transform_2, window_bounds = array<i64: 1, 64>}, {pipeline_mode = #tpu.pipeline_mode<synchronous>, transform_indices = @transform_3, window_bounds = array<i64: 128, 64>}, {pipeline_mode = #tpu.pipeline_mode<synchronous>, transform_indices = @transform_4, window_bounds = array<i64: 1, 64>}, {transform_indices = @transform_5, window_bounds = array<i64: 2560, 128>}]} {
    %get3A = arith.constant 0 : index
    %get3A_0 = arith.constant 0 : index
    %get3A_1 = vector.load %arg1[%get3A, %get3A_0] : memref<2560x128xf32, #tpu.memory_space<vmem>>, vector<2560x128xf32>
    %get3A_2 = arith.constant 0 : index
    %get3A_3 = arith.constant 0 : index
    %get3A_4 = vector.load %arg2[%get3A_2, %get3A_3] : memref<128x64xf32, #tpu.memory_space<vmem>>, vector<128x64xf32>
    %dot_general3A = arith.constant dense<0.000000e+00> : vector<2560x64xf32>
    %dot_general3A_5 = tpu.matmul %get3A_1, %get3A_4, %dot_general3A {dimension_numbers = #tpu.dot_dimension_numbers<[1], [0], [0], [1], [0, 0, 1, 1], [], []>, transpose_lhs_hint = false} : vector<2560x128xf32>, vector<128x64xf32>, vector<2560x64xf32> -> vector<2560x64xf32>
    %get3A_6 = arith.constant 0 : index
    %get3A_7 = arith.constant 0 : index
    %get3A_8 = vector.load %arg3[%get3A_6, %get3A_7] : memref<1x64xf32, #tpu.memory_space<vmem>>, vector<1x64xf32>
    %add3A = vector.broadcast %get3A_8 : vector<1x64xf32> to vector<2560x64xf32>
    %add3A_9 = arith.addf %dot_general3A_5, %add3A : vector<2560x64xf32>
    %get3A_10 = arith.constant 0 : index
    %get3A_11 = arith.constant 0 : index
    %get3A_12 = vector.load %arg4[%get3A_10, %get3A_11] : memref<128x64xf32, #tpu.memory_space<vmem>>, vector<128x64xf32>
    %dot_general3A_13 = arith.constant dense<0.000000e+00> : vector<2560x64xf32>
    %dot_general3A_14 = tpu.matmul %get3A_1, %get3A_12, %dot_general3A_13 {dimension_numbers = #tpu.dot_dimension_numbers<[1], [0], [0], [1], [0, 0, 1, 1], [], []>, transpose_lhs_hint = false} : vector<2560x128xf32>, vector<128x64xf32>, vector<2560x64xf32> -> vector<2560x64xf32>
    %get3A_15 = arith.constant 0 : index
    %get3A_16 = arith.constant 0 : index
    %get3A_17 = vector.load %arg5[%get3A_15, %get3A_16] : memref<1x64xf32, #tpu.memory_space<vmem>>, vector<1x64xf32>
    %add3A_18 = vector.broadcast %get3A_17 : vector<1x64xf32> to vector<2560x64xf32>
    %add3A_19 = arith.addf %dot_general3A_14, %add3A_18 : vector<2560x64xf32>
    %concatenate3A = tpu.concatenate %add3A_9, %add3A_19 in 1 : vector<2560x64xf32>, vector<2560x64xf32> -> vector<2560x128xf32>
    %swap3A = arith.constant 0 : index
    %swap3A_20 = arith.constant 0 : index
    %swap3A_21 = vector.load %arg6[%swap3A, %swap3A_20] : memref<2560x128xf32, #tpu.memory_space<vmem>>, vector<2560x128xf32>
    tpu.vector_store %arg6[%swap3A, %swap3A_20], %concatenate3A {strides = array<i32>} : memref<2560x128xf32, #tpu.memory_space<vmem>>, vector<2560x128xf32>,
    return
  }
  func.func @transform_0(%arg0: i32) -> (i32, i32) {
    %c0_i32 = arith.constant 0 : i32
    %c0_i32_0 = arith.constant 0 : i32
    return %arg0, %c0_i32 : i32, i32
  }
  func.func @transform_1(%arg0: i32) -> (i32, i32) {
    %c0_i32 = arith.constant 0 : i32
    %c0_i32_0 = arith.constant 0 : i32
    %c0_i32_1 = arith.constant 0 : i32
    return %c0_i32, %c0_i32_0 : i32, i32
  }
  func.func @transform_2(%arg0: i32) -> (i32, i32) {
    %c0_i32 = arith.constant 0 : i32
    %c0_i32_0 = arith.constant 0 : i32
    %c0_i32_1 = arith.constant 0 : i32
    return %c0_i32, %c0_i32_0 : i32, i32
  }
  func.func @transform_3(%arg0: i32) -> (i32, i32) {
    %c0_i32 = arith.constant 0 : i32
    %c0_i32_0 = arith.constant 0 : i32
    %c0_i32_1 = arith.constant 0 : i32
    return %c0_i32, %c0_i32_0 : i32, i32
  }
  func.func @transform_4(%arg0: i32) -> (i32, i32) {
    %c0_i32 = arith.constant 0 : i32
    %c0_i32_0 = arith.constant 0 : i32
    %c0_i32_1 = arith.constant 0 : i32
    return %c0_i32, %c0_i32_0 : i32, i32
  }
  func.func @transform_5(%arg0: i32) -> (i32, i32) {
    %c0_i32 = arith.constant 0 : i32
    %c0_i32_0 = arith.constant 0 : i32
    return %arg0, %c0_i32 : i32, i32
  }
}

module attributes {stable_mosaic.version = 14 : i64} {
  func.func @tc1b(%arg0: i32, %arg1: memref<2x2560x16xf32, #tpu.memory_space<vmem>>, %arg2: memref<2560x128xf32, #tpu.memory_space<vmem>>, %arg3: memref<2560x1xf32, #tpu.memory_space<vmem>>, %arg4: memref<2560x128xf32, #tpu.memory_space<vmem>>) attributes {dimension_semantics = [#tpu.dimension_semantics<arbitrary>], iteration_bounds = array<i64: 4>, scalar_prefetch = 0 : i64, scratch_operands = 0 : i64, tpu.core_type = #tpu.core_type<tc>, window_params = [{transform_indices = @transform_0, window_bounds = array<i64: 2, 2560, 16>}, {transform_indices = @transform_1, window_bounds = array<i64: 2560, 128>}, {transform_indices = @transform_2, window_bounds = array<i64: 2560, 1>}, {transform_indices = @transform_3, window_bounds = array<i64: 2560, 128>}]} {
    %get3A = arith.constant 0 : index
    %get3A_0 = arith.constant 0 : index
    %get3A_1 = arith.constant 0 : index
    %get3A_2 = vector.load %arg1[%get3A, %get3A_0, %get3A_1] : memref<2x2560x16xf32, #tpu.memory_space<vmem>>, vector<1x2560x1xf32>
    %get3A_3 = vector.shape_cast %get3A_2 : vector<1x2560x1xf32> to vector<2560x1xf32>
    %get3A_4 = arith.constant 1 : index
    %get3A_5 = arith.constant 0 : index
    %get3A_6 = arith.constant 0 : index
    %get3A_7 = vector.load %arg1[%get3A_4, %get3A_5, %get3A_6] : memref<2x2560x16xf32, #tpu.memory_space<vmem>>, vector<1x2560x1xf32>
    %get3A_8 = vector.shape_cast %get3A_7 : vector<1x2560x1xf32> to vector<2560x1xf32>
    %add3A = arith.addf %get3A_3, %get3A_8 : vector<2560x1xf32>
    %add3A_9 = arith.constant 1.000000e+00 : f32
    %add3A_10 = vector.broadcast %add3A_9 : f32 to vector<2560x1xf32>
    %add3A_11 = arith.addf %add3A, %add3A_10 : vector<2560x1xf32>
    %max3A = arith.constant 1.000000e+00 : f32
    %max3A_12 = vector.broadcast %max3A : f32 to vector<2560x1xf32>
    %max3A_13 = arith.maximumf %add3A_11, %max3A_12 : vector<2560x1xf32>
    %rsqrt3A = math.rsqrt %max3A_13 : vector<2560x1xf32>
    %swap3A = arith.constant 0 : index
    %swap3A_14 = arith.constant 0 : index
    %swap3A_15 = vector.load %arg3[%swap3A, %swap3A_14] : memref<2560x1xf32, #tpu.memory_space<vmem>>, vector<2560x1xf32>
    tpu.vector_store %arg3[%swap3A, %swap3A_14], %rsqrt3A {strides = array<i32>} : memref<2560x1xf32, #tpu.memory_space<vmem>>, vector<2560x1xf32>,
    %get3A_16 = arith.constant 0 : index
    %get3A_17 = arith.constant 0 : index
    %get3A_18 = vector.load %arg2[%get3A_16, %get3A_17] : memref<2560x128xf32, #tpu.memory_space<vmem>>, vector<2560x128xf32>
    %mul3A = vector.broadcast %rsqrt3A : vector<2560x1xf32> to vector<2560x128xf32>
    %mul3A_19 = arith.mulf %get3A_18, %mul3A : vector<2560x128xf32>
    %swap3A_20 = arith.constant 0 : index
    %swap3A_21 = arith.constant 0 : index
    %swap3A_22 = vector.load %arg4[%swap3A_20, %swap3A_21] : memref<2560x128xf32, #tpu.memory_space<vmem>>, vector<2560x128xf32>
    tpu.vector_store %arg4[%swap3A_20, %swap3A_21], %mul3A_19 {strides = array<i32>} : memref<2560x128xf32, #tpu.memory_space<vmem>>, vector<2560x128xf32>,
    return
  }
  func.func @transform_0(%arg0: i32) -> (i32, i32, i32) {
    %c0_i32 = arith.constant 0 : i32
    %c0_i32_0 = arith.constant 0 : i32
    %c0_i32_1 = arith.constant 0 : i32
    return %c0_i32, %arg0, %c0_i32_0 : i32, i32, i32
  }
  func.func @transform_1(%arg0: i32) -> (i32, i32) {
    %c0_i32 = arith.constant 0 : i32
    %c0_i32_0 = arith.constant 0 : i32
    return %arg0, %c0_i32 : i32, i32
  }
  func.func @transform_2(%arg0: i32) -> (i32, i32) {
    %c0_i32 = arith.constant 0 : i32
    %c0_i32_0 = arith.constant 0 : i32
    return %arg0, %c0_i32 : i32, i32
  }
  func.func @transform_3(%arg0: i32) -> (i32, i32) {
    %c0_i32 = arith.constant 0 : i32
    %c0_i32_0 = arith.constant 0 : i32
    return %arg0, %c0_i32 : i32, i32
  }
}

module attributes {stable_mosaic.version = 14 : i64} {
  func.func @tc2(%arg0: i32, %arg1: memref<2x2560x128xf32, #tpu.memory_space<vmem>>, %arg2: memref<2560x128xf32, #tpu.memory_space<vmem>>, %arg3: memref<2560x1xf32, #tpu.memory_space<vmem>>, %arg4: memref<64x64xf32, #tpu.memory_space<vmem>>, %arg5: memref<1x64xf32, #tpu.memory_space<vmem>>, %arg6: memref<64x64xf32, #tpu.memory_space<vmem>>, %arg7: memref<1x64xf32, #tpu.memory_space<vmem>>, %arg8: memref<2560x128xf32, #tpu.memory_space<vmem>>) attributes {dimension_semantics = [#tpu.dimension_semantics<arbitrary>], iteration_bounds = array<i64: 4>, scalar_prefetch = 0 : i64, scratch_operands = 0 : i64, tpu.core_type = #tpu.core_type<tc>, window_params = [{transform_indices = @transform_0, window_bounds = array<i64: 2, 2560, 128>}, {transform_indices = @transform_1, window_bounds = array<i64: 2560, 128>}, {transform_indices = @transform_2, window_bounds = array<i64: 2560, 1>}, {pipeline_mode = #tpu.pipeline_mode<synchronous>, transform_indices = @transform_3, window_bounds = array<i64: 64, 64>}, {pipeline_mode = #tpu.pipeline_mode<synchronous>, transform_indices = @transform_4, window_bounds = array<i64: 1, 64>}, {pipeline_mode = #tpu.pipeline_mode<synchronous>, transform_indices = @transform_5, window_bounds = array<i64: 64, 64>}, {pipeline_mode = #tpu.pipeline_mode<synchronous>, transform_indices = @transform_6, window_bounds = array<i64: 1, 64>}, {transform_indices = @transform_7, window_bounds = array<i64: 2560, 128>}]} {
    %get3A = arith.constant 0 : index
    %get3A_0 = arith.constant 0 : index
    %get3A_1 = vector.load %arg3[%get3A, %get3A_0] : memref<2560x1xf32, #tpu.memory_space<vmem>>, vector<2560x1xf32>
    %get3A_2 = arith.constant 0 : index
    %get3A_3 = arith.constant 0 : index
    %get3A_4 = arith.constant 0 : index
    %get3A_5 = vector.load %arg1[%get3A_2, %get3A_3, %get3A_4] : memref<2x2560x128xf32, #tpu.memory_space<vmem>>, vector<1x2560x128xf32>
    %get3A_6 = vector.shape_cast %get3A_5 : vector<1x2560x128xf32> to vector<2560x128xf32>
    %get3A_7 = arith.constant 1 : index
    %get3A_8 = arith.constant 0 : index
    %get3A_9 = arith.constant 0 : index
    %get3A_10 = vector.load %arg1[%get3A_7, %get3A_8, %get3A_9] : memref<2x2560x128xf32, #tpu.memory_space<vmem>>, vector<1x2560x128xf32>
    %get3A_11 = vector.shape_cast %get3A_10 : vector<1x2560x128xf32> to vector<2560x128xf32>
    %add3A = arith.addf %get3A_6, %get3A_11 : vector<2560x128xf32>
    %get3A_12 = arith.constant 0 : index
    %get3A_13 = arith.constant 0 : index
    %get3A_14 = vector.load %arg2[%get3A_12, %get3A_13] : memref<2560x128xf32, #tpu.memory_space<vmem>>, vector<2560x128xf32>
    %add3A_15 = arith.addf %add3A, %get3A_14 : vector<2560x128xf32>
    %mul3A = vector.broadcast %get3A_1 : vector<2560x1xf32> to vector<2560x128xf32>
    %mul3A_16 = arith.mulf %add3A_15, %mul3A : vector<2560x128xf32>
    %slice3A = vector.extract_strided_slice %mul3A_16 {offsets = [0, 0], sizes = [2560, 64], strides = [1, 1]} : vector<2560x128xf32> to vector<2560x64xf32>
    %max3A = arith.constant 0.000000e+00 : f32
    %max3A_17 = vector.broadcast %max3A : f32 to vector<2560x64xf32>
    %max3A_18 = arith.maximumf %slice3A, %max3A_17 : vector<2560x64xf32>
    %slice3A_19 = vector.extract_strided_slice %mul3A_16 {offsets = [0, 64], sizes = [2560, 64], strides = [1, 1]} : vector<2560x128xf32> to vector<2560x64xf32>
    %max3A_20 = arith.constant 0.000000e+00 : f32
    %max3A_21 = vector.broadcast %max3A_20 : f32 to vector<2560x64xf32>
    %max3A_22 = arith.maximumf %slice3A_19, %max3A_21 : vector<2560x64xf32>
    %get3A_23 = arith.constant 0 : index
    %get3A_24 = arith.constant 0 : index
    %get3A_25 = vector.load %arg4[%get3A_23, %get3A_24] : memref<64x64xf32, #tpu.memory_space<vmem>>, vector<64x64xf32>
    %dot_general3A = arith.constant dense<0.000000e+00> : vector<2560x64xf32>
    %dot_general3A_26 = tpu.matmul %max3A_18, %get3A_25, %dot_general3A {dimension_numbers = #tpu.dot_dimension_numbers<[1], [0], [0], [1], [0, 0, 1, 1], [], []>, transpose_lhs_hint = false} : vector<2560x64xf32>, vector<64x64xf32>, vector<2560x64xf32> -> vector<2560x64xf32>
    %get3A_27 = arith.constant 0 : index
    %get3A_28 = arith.constant 0 : index
    %get3A_29 = vector.load %arg5[%get3A_27, %get3A_28] : memref<1x64xf32, #tpu.memory_space<vmem>>, vector<1x64xf32>
    %add3A_30 = vector.broadcast %get3A_29 : vector<1x64xf32> to vector<2560x64xf32>
    %add3A_31 = arith.addf %dot_general3A_26, %add3A_30 : vector<2560x64xf32>
    %get3A_32 = arith.constant 0 : index
    %get3A_33 = arith.constant 0 : index
    %get3A_34 = vector.load %arg6[%get3A_32, %get3A_33] : memref<64x64xf32, #tpu.memory_space<vmem>>, vector<64x64xf32>
    %dot_general3A_35 = arith.constant dense<0.000000e+00> : vector<2560x64xf32>
    %dot_general3A_36 = tpu.matmul %max3A_22, %get3A_34, %dot_general3A_35 {dimension_numbers = #tpu.dot_dimension_numbers<[1], [0], [0], [1], [0, 0, 1, 1], [], []>, transpose_lhs_hint = false} : vector<2560x64xf32>, vector<64x64xf32>, vector<2560x64xf32> -> vector<2560x64xf32>
    %get3A_37 = arith.constant 0 : index
    %get3A_38 = arith.constant 0 : index
    %get3A_39 = vector.load %arg7[%get3A_37, %get3A_38] : memref<1x64xf32, #tpu.memory_space<vmem>>, vector<1x64xf32>
    %add3A_40 = vector.broadcast %get3A_39 : vector<1x64xf32> to vector<2560x64xf32>
    %add3A_41 = arith.addf %dot_general3A_36, %add3A_40 : vector<2560x64xf32>
    %concatenate3A = tpu.concatenate %add3A_31, %add3A_41 in 1 : vector<2560x64xf32>, vector<2560x64xf32> -> vector<2560x128xf32>
    %mul3A_42 = vector.broadcast %get3A_1 : vector<2560x1xf32> to vector<2560x128xf32>
    %mul3A_43 = arith.mulf %concatenate3A, %mul3A_42 : vector<2560x128xf32>
    %swap3A = arith.constant 0 : index
    %swap3A_44 = arith.constant 0 : index
    %swap3A_45 = vector.load %arg8[%swap3A, %swap3A_44] : memref<2560x128xf32, #tpu.memory_space<vmem>>, vector<2560x128xf32>
    tpu.vector_store %arg8[%swap3A, %swap3A_44], %mul3A_43 {strides = array<i32>} : memref<2560x128xf32, #tpu.memory_space<vmem>>, vector<2560x128xf32>,
    return
  }
  func.func @transform_0(%arg0: i32) -> (i32, i32, i32) {
    %c0_i32 = arith.constant 0 : i32
    %c0_i32_0 = arith.constant 0 : i32
    %c0_i32_1 = arith.constant 0 : i32
    return %c0_i32, %arg0, %c0_i32_0 : i32, i32, i32
  }
  func.func @transform_1(%arg0: i32) -> (i32, i32) {
    %c0_i32 = arith.constant 0 : i32
    %c0_i32_0 = arith.constant 0 : i32
    return %arg0, %c0_i32 : i32, i32
  }
  func.func @transform_2(%arg0: i32) -> (i32, i32) {
    %c0_i32 = arith.constant 0 : i32
    %c0_i32_0 = arith.constant 0 : i32
    return %arg0, %c0_i32 : i32, i32
  }
  func.func @transform_3(%arg0: i32) -> (i32, i32) {
    %c0_i32 = arith.constant 0 : i32
    %c0_i32_0 = arith.constant 0 : i32
    %c0_i32_1 = arith.constant 0 : i32
    return %c0_i32, %c0_i32_0 : i32, i32
  }
  func.func @transform_4(%arg0: i32) -> (i32, i32) {
    %c0_i32 = arith.constant 0 : i32
    %c0_i32_0 = arith.constant 0 : i32
    %c0_i32_1 = arith.constant 0 : i32
    return %c0_i32, %c0_i32_0 : i32, i32
  }
  func.func @transform_5(%arg0: i32) -> (i32, i32) {
    %c0_i32 = arith.constant 0 : i32
    %c0_i32_0 = arith.constant 0 : i32
    %c0_i32_1 = arith.constant 0 : i32
    return %c0_i32, %c0_i32_0 : i32, i32
  }
  func.func @transform_6(%arg0: i32) -> (i32, i32) {
    %c0_i32 = arith.constant 0 : i32
    %c0_i32_0 = arith.constant 0 : i32
    %c0_i32_1 = arith.constant 0 : i32
    return %c0_i32, %c0_i32_0 : i32, i32
  }
  func.func @transform_7(%arg0: i32) -> (i32, i32) {
    %c0_i32 = arith.constant 0 : i32
    %c0_i32_0 = arith.constant 0 : i32
    return %arg0, %c0_i32 : i32, i32
  }
}

module attributes {stable_mosaic.version = 14 : i64} {
  func.func @tc3(%arg0: i32, %arg1: memref<2x2560x128xf32, #tpu.memory_space<vmem>>, %arg2: memref<2560x128xf32, #tpu.memory_space<vmem>>, %arg3: memref<2560x1xf32, #tpu.memory_space<vmem>>, %arg4: memref<2560x1xi32, #tpu.memory_space<vmem>>, %arg5: memref<64x64xf32, #tpu.memory_space<vmem>>, %arg6: memref<64x64xf32, #tpu.memory_space<vmem>>, %arg7: memref<1x64xf32, #tpu.memory_space<vmem>>, %arg8: memref<1x64xf32, #tpu.memory_space<vmem>>, %arg9: memref<2560x64xf32, #tpu.memory_space<vmem>>, %arg10: memref<2560x64xf32, #tpu.memory_space<vmem>>) attributes {dimension_semantics = [#tpu.dimension_semantics<arbitrary>], iteration_bounds = array<i64: 4>, scalar_prefetch = 0 : i64, scratch_operands = 0 : i64, tpu.core_type = #tpu.core_type<tc>, window_params = [{transform_indices = @transform_0, window_bounds = array<i64: 2, 2560, 128>}, {transform_indices = @transform_1, window_bounds = array<i64: 2560, 128>}, {transform_indices = @transform_2, window_bounds = array<i64: 2560, 1>}, {transform_indices = @transform_3, window_bounds = array<i64: 2560, 1>}, {pipeline_mode = #tpu.pipeline_mode<synchronous>, transform_indices = @transform_4, window_bounds = array<i64: 64, 64>}, {pipeline_mode = #tpu.pipeline_mode<synchronous>, transform_indices = @transform_5, window_bounds = array<i64: 64, 64>}, {pipeline_mode = #tpu.pipeline_mode<synchronous>, transform_indices = @transform_6, window_bounds = array<i64: 1, 64>}, {pipeline_mode = #tpu.pipeline_mode<synchronous>, transform_indices = @transform_7, window_bounds = array<i64: 1, 64>}, {transform_indices = @transform_8, window_bounds = array<i64: 2560, 64>}, {transform_indices = @transform_9, window_bounds = array<i64: 2560, 64>}]} {
    %get3A = arith.constant 0 : index
    %get3A_0 = arith.constant 0 : index
    %get3A_1 = vector.load %arg3[%get3A, %get3A_0] : memref<2560x1xf32, #tpu.memory_space<vmem>>, vector<2560x1xf32>
    %get3A_2 = arith.constant 0 : index
    %get3A_3 = arith.constant 0 : index
    %get3A_4 = arith.constant 0 : index
    %get3A_5 = vector.load %arg1[%get3A_2, %get3A_3, %get3A_4] : memref<2x2560x128xf32, #tpu.memory_space<vmem>>, vector<1x2560x128xf32>
    %get3A_6 = vector.shape_cast %get3A_5 : vector<1x2560x128xf32> to vector<2560x128xf32>
    %get3A_7 = arith.constant 1 : index
    %get3A_8 = arith.constant 0 : index
    %get3A_9 = arith.constant 0 : index
    %get3A_10 = vector.load %arg1[%get3A_7, %get3A_8, %get3A_9] : memref<2x2560x128xf32, #tpu.memory_space<vmem>>, vector<1x2560x128xf32>
    %get3A_11 = vector.shape_cast %get3A_10 : vector<1x2560x128xf32> to vector<2560x128xf32>
    %add3A = arith.addf %get3A_6, %get3A_11 : vector<2560x128xf32>
    %get3A_12 = arith.constant 0 : index
    %get3A_13 = arith.constant 0 : index
    %get3A_14 = vector.load %arg2[%get3A_12, %get3A_13] : memref<2560x128xf32, #tpu.memory_space<vmem>>, vector<2560x128xf32>
    %add3A_15 = arith.addf %add3A, %get3A_14 : vector<2560x128xf32>
    %mul3A = vector.broadcast %get3A_1 : vector<2560x1xf32> to vector<2560x128xf32>
    %mul3A_16 = arith.mulf %add3A_15, %mul3A : vector<2560x128xf32>
    %slice3A = vector.extract_strided_slice %mul3A_16 {offsets = [0, 0], sizes = [2560, 64], strides = [1, 1]} : vector<2560x128xf32> to vector<2560x64xf32>
    %tanh3A = math.tanh %slice3A : vector<2560x64xf32>
    %slice3A_17 = vector.extract_strided_slice %mul3A_16 {offsets = [0, 64], sizes = [2560, 64], strides = [1, 1]} : vector<2560x128xf32> to vector<2560x64xf32>
    %tanh3A_18 = math.tanh %slice3A_17 : vector<2560x64xf32>
    %swap3A = arith.constant 0 : index
    %swap3A_19 = arith.constant 0 : index
    %swap3A_20 = vector.load %arg10[%swap3A, %swap3A_19] : memref<2560x64xf32, #tpu.memory_space<vmem>>, vector<2560x64xf32>
    tpu.vector_store %arg10[%swap3A, %swap3A_19], %tanh3A {strides = array<i32>} : memref<2560x64xf32, #tpu.memory_space<vmem>>, vector<2560x64xf32>,
    %get3A_21 = arith.constant 0 : index
    %get3A_22 = arith.constant 0 : index
    %get3A_23 = vector.load %arg4[%get3A_21, %get3A_22] : memref<2560x1xi32, #tpu.memory_space<vmem>>, vector<2560x1xi32>
    %convert_element_type3A = arith.sitofp %get3A_23 : vector<2560x1xi32> to vector<2560x1xf32>
    %get3A_24 = arith.constant 0 : index
    %get3A_25 = arith.constant 0 : index
    %get3A_26 = vector.load %arg5[%get3A_24, %get3A_25] : memref<64x64xf32, #tpu.memory_space<vmem>>, vector<64x64xf32>
    %dot_general3A = arith.constant dense<0.000000e+00> : vector<2560x64xf32>
    %dot_general3A_27 = tpu.matmul %tanh3A, %get3A_26, %dot_general3A {dimension_numbers = #tpu.dot_dimension_numbers<[1], [0], [0], [1], [0, 0, 1, 1], [], []>, transpose_lhs_hint = false} : vector<2560x64xf32>, vector<64x64xf32>, vector<2560x64xf32> -> vector<2560x64xf32>
    %get3A_28 = arith.constant 0 : index
    %get3A_29 = arith.constant 0 : index
    %get3A_30 = vector.load %arg6[%get3A_28, %get3A_29] : memref<64x64xf32, #tpu.memory_space<vmem>>, vector<64x64xf32>
    %dot_general3A_31 = arith.constant dense<0.000000e+00> : vector<2560x64xf32>
    %dot_general3A_32 = tpu.matmul %tanh3A_18, %get3A_30, %dot_general3A_31 {dimension_numbers = #tpu.dot_dimension_numbers<[1], [0], [0], [1], [0, 0, 1, 1], [], []>, transpose_lhs_hint = false} : vector<2560x64xf32>, vector<64x64xf32>, vector<2560x64xf32> -> vector<2560x64xf32>
    %add3A_33 = arith.addf %dot_general3A_27, %dot_general3A_32 : vector<2560x64xf32>
    %get3A_34 = arith.constant 0 : index
    %get3A_35 = arith.constant 0 : index
    %get3A_36 = vector.load %arg7[%get3A_34, %get3A_35] : memref<1x64xf32, #tpu.memory_space<vmem>>, vector<1x64xf32>
    %mul3A_37 = vector.broadcast %convert_element_type3A : vector<2560x1xf32> to vector<2560x64xf32>
    %mul3A_38 = vector.broadcast %get3A_36 : vector<1x64xf32> to vector<2560x64xf32>
    %mul3A_39 = arith.mulf %mul3A_37, %mul3A_38 : vector<2560x64xf32>
    %add3A_40 = arith.addf %add3A_33, %mul3A_39 : vector<2560x64xf32>
    %get3A_41 = arith.constant 0 : index
    %get3A_42 = arith.constant 0 : index
    %get3A_43 = vector.load %arg8[%get3A_41, %get3A_42] : memref<1x64xf32, #tpu.memory_space<vmem>>, vector<1x64xf32>
    %add3A_44 = vector.broadcast %get3A_43 : vector<1x64xf32> to vector<2560x64xf32>
    %add3A_45 = arith.addf %add3A_40, %add3A_44 : vector<2560x64xf32>
    %mul3A_46 = vector.broadcast %get3A_1 : vector<2560x1xf32> to vector<2560x64xf32>
    %mul3A_47 = arith.mulf %add3A_45, %mul3A_46 : vector<2560x64xf32>
    %swap3A_48 = arith.constant 0 : index
    %swap3A_49 = arith.constant 0 : index
    %swap3A_50 = vector.load %arg9[%swap3A_48, %swap3A_49] : memref<2560x64xf32, #tpu.memory_space<vmem>>, vector<2560x64xf32>
    tpu.vector_store %arg9[%swap3A_48, %swap3A_49], %mul3A_47 {strides = array<i32>} : memref<2560x64xf32, #tpu.memory_space<vmem>>, vector<2560x64xf32>,
    return
  }
  func.func @transform_0(%arg0: i32) -> (i32, i32, i32) {
    %c0_i32 = arith.constant 0 : i32
    %c0_i32_0 = arith.constant 0 : i32
    %c0_i32_1 = arith.constant 0 : i32
    return %c0_i32, %arg0, %c0_i32_0 : i32, i32, i32
  }
  func.func @transform_1(%arg0: i32) -> (i32, i32) {
    %c0_i32 = arith.constant 0 : i32
    %c0_i32_0 = arith.constant 0 : i32
    return %arg0, %c0_i32 : i32, i32
  }
  func.func @transform_2(%arg0: i32) -> (i32, i32) {
    %c0_i32 = arith.constant 0 : i32
    %c0_i32_0 = arith.constant 0 : i32
    return %arg0, %c0_i32 : i32, i32
  }
  func.func @transform_3(%arg0: i32) -> (i32, i32) {
    %c0_i32 = arith.constant 0 : i32
    %c0_i32_0 = arith.constant 0 : i32
    return %arg0, %c0_i32 : i32, i32
  }
  func.func @transform_4(%arg0: i32) -> (i32, i32) {
    %c0_i32 = arith.constant 0 : i32
    %c0_i32_0 = arith.constant 0 : i32
    %c0_i32_1 = arith.constant 0 : i32
    return %c0_i32, %c0_i32_0 : i32, i32
  }
  func.func @transform_5(%arg0: i32) -> (i32, i32) {
    %c0_i32 = arith.constant 0 : i32
    %c0_i32_0 = arith.constant 0 : i32
    %c0_i32_1 = arith.constant 0 : i32
    return %c0_i32, %c0_i32_0 : i32, i32
  }
  func.func @transform_6(%arg0: i32) -> (i32, i32) {
    %c0_i32 = arith.constant 0 : i32
    %c0_i32_0 = arith.constant 0 : i32
    %c0_i32_1 = arith.constant 0 : i32
    return %c0_i32, %c0_i32_0 : i32, i32
  }
  func.func @transform_7(%arg0: i32) -> (i32, i32) {
    %c0_i32 = arith.constant 0 : i32
    %c0_i32_0 = arith.constant 0 : i32
    %c0_i32_1 = arith.constant 0 : i32
    return %c0_i32, %c0_i32_0 : i32, i32
  }
  func.func @transform_8(%arg0: i32) -> (i32, i32) {
    %c0_i32 = arith.constant 0 : i32
    %c0_i32_0 = arith.constant 0 : i32
    return %arg0, %c0_i32 : i32, i32
  }
  func.func @transform_9(%arg0: i32) -> (i32, i32) {
    %c0_i32 = arith.constant 0 : i32
    %c0_i32_0 = arith.constant 0 : i32
    return %arg0, %c0_i32 : i32, i32
  }
}

module attributes {stable_mosaic.version = 14 : i64} {
  func.func @tc4(%arg0: i32, %arg1: memref<2x2560x64xf32, #tpu.memory_space<vmem>>, %arg2: memref<2560x64xf32, #tpu.memory_space<vmem>>, %arg3: memref<2560x1xf32, #tpu.memory_space<vmem>>, %arg4: memref<2560x64xf32, #tpu.memory_space<vmem>>) attributes {dimension_semantics = [#tpu.dimension_semantics<arbitrary>], iteration_bounds = array<i64: 4>, scalar_prefetch = 0 : i64, scratch_operands = 0 : i64, tpu.core_type = #tpu.core_type<tc>, window_params = [{transform_indices = @transform_0, window_bounds = array<i64: 2, 2560, 64>}, {transform_indices = @transform_1, window_bounds = array<i64: 2560, 64>}, {transform_indices = @transform_2, window_bounds = array<i64: 2560, 1>}, {transform_indices = @transform_3, window_bounds = array<i64: 2560, 64>}]} {
    %get3A = arith.constant 0 : index
    %get3A_0 = arith.constant 0 : index
    %get3A_1 = vector.load %arg3[%get3A, %get3A_0] : memref<2560x1xf32, #tpu.memory_space<vmem>>, vector<2560x1xf32>
    %get3A_2 = arith.constant 0 : index
    %get3A_3 = arith.constant 0 : index
    %get3A_4 = arith.constant 0 : index
    %get3A_5 = vector.load %arg1[%get3A_2, %get3A_3, %get3A_4] : memref<2x2560x64xf32, #tpu.memory_space<vmem>>, vector<1x2560x64xf32>
    %get3A_6 = vector.shape_cast %get3A_5 : vector<1x2560x64xf32> to vector<2560x64xf32>
    %get3A_7 = arith.constant 1 : index
    %get3A_8 = arith.constant 0 : index
    %get3A_9 = arith.constant 0 : index
    %get3A_10 = vector.load %arg1[%get3A_7, %get3A_8, %get3A_9] : memref<2x2560x64xf32, #tpu.memory_space<vmem>>, vector<1x2560x64xf32>
    %get3A_11 = vector.shape_cast %get3A_10 : vector<1x2560x64xf32> to vector<2560x64xf32>
    %add3A = arith.addf %get3A_6, %get3A_11 : vector<2560x64xf32>
    %get3A_12 = arith.constant 0 : index
    %get3A_13 = arith.constant 0 : index
    %get3A_14 = vector.load %arg2[%get3A_12, %get3A_13] : memref<2560x64xf32, #tpu.memory_space<vmem>>, vector<2560x64xf32>
    %add3A_15 = arith.addf %add3A, %get3A_14 : vector<2560x64xf32>
    %mul3A = vector.broadcast %get3A_1 : vector<2560x1xf32> to vector<2560x64xf32>
    %mul3A_16 = arith.mulf %add3A_15, %mul3A : vector<2560x64xf32>
    %max3A = arith.constant 0.000000e+00 : f32
    %max3A_17 = vector.broadcast %max3A : f32 to vector<2560x64xf32>
    %max3A_18 = arith.maximumf %mul3A_16, %max3A_17 : vector<2560x64xf32>
    %mul3A_19 = vector.broadcast %get3A_1 : vector<2560x1xf32> to vector<2560x64xf32>
    %mul3A_20 = arith.mulf %max3A_18, %mul3A_19 : vector<2560x64xf32>
    %swap3A = arith.constant 0 : index
    %swap3A_21 = arith.constant 0 : index
    %swap3A_22 = vector.load %arg4[%swap3A, %swap3A_21] : memref<2560x64xf32, #tpu.memory_space<vmem>>, vector<2560x64xf32>
    tpu.vector_store %arg4[%swap3A, %swap3A_21], %mul3A_20 {strides = array<i32>} : memref<2560x64xf32, #tpu.memory_space<vmem>>, vector<2560x64xf32>,
    return
  }
  func.func @transform_0(%arg0: i32) -> (i32, i32, i32) {
    %c0_i32 = arith.constant 0 : i32
    %c0_i32_0 = arith.constant 0 : i32
    %c0_i32_1 = arith.constant 0 : i32
    return %c0_i32, %arg0, %c0_i32_0 : i32, i32, i32
  }
  func.func @transform_1(%arg0: i32) -> (i32, i32) {
    %c0_i32 = arith.constant 0 : i32
    %c0_i32_0 = arith.constant 0 : i32
    return %arg0, %c0_i32 : i32, i32
  }
  func.func @transform_2(%arg0: i32) -> (i32, i32) {
    %c0_i32 = arith.constant 0 : i32
    %c0_i32_0 = arith.constant 0 : i32
    return %arg0, %c0_i32 : i32, i32
  }
  func.func @transform_3(%arg0: i32) -> (i32, i32) {
    %c0_i32 = arith.constant 0 : i32
    %c0_i32_0 = arith.constant 0 : i32
    return %arg0, %c0_i32 : i32, i32
  }
}

module attributes {stable_mosaic.version = 14 : i64} {
  func.func @tc3b(%arg0: i32, %arg1: memref<2560x64xf32, #tpu.memory_space<vmem>>, %arg2: memref<2560x1xi32, #tpu.memory_space<vmem>>, %arg3: memref<64x64xf32, #tpu.memory_space<vmem>>, %arg4: memref<1x64xf32, #tpu.memory_space<vmem>>, %arg5: memref<64x10xf32, #tpu.memory_space<vmem>>, %arg6: memref<1x10xf32, #tpu.memory_space<vmem>>, %arg7: memref<1x10xf32, #tpu.memory_space<vmem>>, %arg8: memref<1x10xf32, #tpu.memory_space<vmem>>, %arg9: memref<1x1xf32, #tpu.memory_space<vmem>>) attributes {dimension_semantics = [#tpu.dimension_semantics<arbitrary>], iteration_bounds = array<i64: 4>, scalar_prefetch = 0 : i64, scratch_operands = 0 : i64, tpu.core_type = #tpu.core_type<tc>, window_params = [{transform_indices = @transform_0, window_bounds = array<i64: 2560, 64>}, {transform_indices = @transform_1, window_bounds = array<i64: 2560, 1>}, {pipeline_mode = #tpu.pipeline_mode<synchronous>, transform_indices = @transform_2, window_bounds = array<i64: 64, 64>}, {pipeline_mode = #tpu.pipeline_mode<synchronous>, transform_indices = @transform_3, window_bounds = array<i64: 1, 64>}, {pipeline_mode = #tpu.pipeline_mode<synchronous>, transform_indices = @transform_4, window_bounds = array<i64: 64, 10>}, {pipeline_mode = #tpu.pipeline_mode<synchronous>, transform_indices = @transform_5, window_bounds = array<i64: 1, 10>}, {pipeline_mode = #tpu.pipeline_mode<synchronous>, transform_indices = @transform_6, window_bounds = array<i64: 1, 10>}, {pipeline_mode = #tpu.pipeline_mode<synchronous>, transform_indices = @transform_7, window_bounds = array<i64: 1, 10>}, {pipeline_mode = #tpu.pipeline_mode<synchronous>, transform_indices = @transform_8, window_bounds = array<i64: 1, 1>}]} {
    %get3A = arith.constant 0 : index
    %get3A_0 = arith.constant 0 : index
    %get3A_1 = vector.load %arg1[%get3A, %get3A_0] : memref<2560x64xf32, #tpu.memory_space<vmem>>, vector<2560x64xf32>
    %get3A_2 = arith.constant 0 : index
    %get3A_3 = arith.constant 0 : index
    %get3A_4 = vector.load %arg3[%get3A_2, %get3A_3] : memref<64x64xf32, #tpu.memory_space<vmem>>, vector<64x64xf32>
    %dot_general3A = arith.constant dense<0.000000e+00> : vector<2560x64xf32>
    %dot_general3A_5 = tpu.matmul %get3A_1, %get3A_4, %dot_general3A {dimension_numbers = #tpu.dot_dimension_numbers<[1], [0], [0], [1], [0, 0, 1, 1], [], []>, transpose_lhs_hint = false} : vector<2560x64xf32>, vector<64x64xf32>, vector<2560x64xf32> -> vector<2560x64xf32>
    %get3A_6 = arith.constant 0 : index
    %get3A_7 = arith.constant 0 : index
    %get3A_8 = vector.load %arg4[%get3A_6, %get3A_7] : memref<1x64xf32, #tpu.memory_space<vmem>>, vector<1x64xf32>
    %add3A = vector.broadcast %get3A_8 : vector<1x64xf32> to vector<2560x64xf32>
    %add3A_9 = arith.addf %dot_general3A_5, %add3A : vector<2560x64xf32>
    %max3A = arith.constant 0.000000e+00 : f32
    %max3A_10 = vector.broadcast %max3A : f32 to vector<2560x64xf32>
    %max3A_11 = arith.maximumf %add3A_9, %max3A_10 : vector<2560x64xf32>
    %get3A_12 = arith.constant 0 : index
    %get3A_13 = arith.constant 0 : index
    %get3A_14 = vector.load %arg5[%get3A_12, %get3A_13] : memref<64x10xf32, #tpu.memory_space<vmem>>, vector<64x10xf32>
    %dot_general3A_15 = arith.constant dense<0.000000e+00> : vector<2560x10xf32>
    %dot_general3A_16 = tpu.matmul %max3A_11, %get3A_14, %dot_general3A_15 {dimension_numbers = #tpu.dot_dimension_numbers<[1], [0], [0], [1], [0, 0, 1, 1], [], []>, transpose_lhs_hint = false} : vector<2560x64xf32>, vector<64x10xf32>, vector<2560x10xf32> -> vector<2560x10xf32>
    %get3A_17 = arith.constant 0 : index
    %get3A_18 = arith.constant 0 : index
    %get3A_19 = vector.load %arg6[%get3A_17, %get3A_18] : memref<1x10xf32, #tpu.memory_space<vmem>>, vector<1x10xf32>
    %add3A_20 = vector.broadcast %get3A_19 : vector<1x10xf32> to vector<2560x10xf32>
    %add3A_21 = arith.addf %dot_general3A_16, %add3A_20 : vector<2560x10xf32>
    %reduce_sum3A = arith.constant dense<0.000000e+00> : vector<2560xf32>
    %reduce_sum3A_22 = vector.multi_reduction <add>, %add3A_21, %reduce_sum3A [1] : vector<2560x10xf32> to vector<2560xf32>
    %broadcast_in_dim3A = vector.shape_cast %reduce_sum3A_22 : vector<2560xf32> to vector<2560x1xf32>
    %div3A = arith.constant 1.000000e+01 : f32
    %div3A_23 = vector.broadcast %div3A : f32 to vector<2560x1xf32>
    %div3A_24 = arith.divf %broadcast_in_dim3A, %div3A_23 : vector<2560x1xf32>
    %sub3A = vector.broadcast %div3A_24 : vector<2560x1xf32> to vector<2560x10xf32>
    %sub3A_25 = arith.subf %add3A_21, %sub3A : vector<2560x10xf32>
    %integer_pow3A = arith.mulf %sub3A_25, %sub3A_25 : vector<2560x10xf32>
    %reduce_sum3A_26 = arith.constant dense<0.000000e+00> : vector<2560xf32>
    %reduce_sum3A_27 = vector.multi_reduction <add>, %integer_pow3A, %reduce_sum3A_26 [1] : vector<2560x10xf32> to vector<2560xf32>
    %broadcast_in_dim3A_28 = vector.shape_cast %reduce_sum3A_27 : vector<2560xf32> to vector<2560x1xf32>
    %div3A_29 = arith.constant 1.000000e+01 : f32
    %div3A_30 = vector.broadcast %div3A_29 : f32 to vector<2560x1xf32>
    %div3A_31 = arith.divf %broadcast_in_dim3A_28, %div3A_30 : vector<2560x1xf32>
    %sub3A_32 = vector.broadcast %div3A_24 : vector<2560x1xf32> to vector<2560x10xf32>
    %sub3A_33 = arith.subf %add3A_21, %sub3A_32 : vector<2560x10xf32>
    %add3A_34 = arith.constant 9.99999974E-6 : f32
    %add3A_35 = vector.broadcast %add3A_34 : f32 to vector<2560x1xf32>
    %add3A_36 = arith.addf %div3A_31, %add3A_35 : vector<2560x1xf32>
    %sqrt3A = math.sqrt %add3A_36 : vector<2560x1xf32>
    %div3A_37 = vector.broadcast %sqrt3A : vector<2560x1xf32> to vector<2560x10xf32>
    %div3A_38 = arith.divf %sub3A_33, %div3A_37 : vector<2560x10xf32>
    %get3A_39 = arith.constant 0 : index
    %get3A_40 = arith.constant 0 : index
    %get3A_41 = vector.load %arg7[%get3A_39, %get3A_40] : memref<1x10xf32, #tpu.memory_space<vmem>>, vector<1x10xf32>
    %mul3A = vector.broadcast %get3A_41 : vector<1x10xf32> to vector<2560x10xf32>
    %mul3A_42 = arith.mulf %div3A_38, %mul3A : vector<2560x10xf32>
    %get3A_43 = arith.constant 0 : index
    %get3A_44 = arith.constant 0 : index
    %get3A_45 = vector.load %arg8[%get3A_43, %get3A_44] : memref<1x10xf32, #tpu.memory_space<vmem>>, vector<1x10xf32>
    %add3A_46 = vector.broadcast %get3A_45 : vector<1x10xf32> to vector<2560x10xf32>
    %add3A_47 = arith.addf %mul3A_42, %add3A_46 : vector<2560x10xf32>
    %reduce_max3A = arith.constant dense<0xFF800000> : vector<2560xf32>
    %reduce_max3A_48 = vector.multi_reduction <maximumf>, %add3A_47, %reduce_max3A [1] : vector<2560x10xf32> to vector<2560xf32>
    %broadcast_in_dim3A_49 = vector.shape_cast %reduce_max3A_48 : vector<2560xf32> to vector<2560x1xf32>
    %sub3A_50 = vector.broadcast %broadcast_in_dim3A_49 : vector<2560x1xf32> to vector<2560x10xf32>
    %sub3A_51 = arith.subf %add3A_47, %sub3A_50 : vector<2560x10xf32>
    %exp3A = math.exp %sub3A_51 : vector<2560x10xf32>
    %reduce_sum3A_52 = arith.constant dense<0.000000e+00> : vector<2560xf32>
    %reduce_sum3A_53 = vector.multi_reduction <add>, %exp3A, %reduce_sum3A_52 [1] : vector<2560x10xf32> to vector<2560xf32>
    %broadcast_in_dim3A_54 = vector.shape_cast %reduce_sum3A_53 : vector<2560xf32> to vector<2560x1xf32>
    %log3A = math.log %broadcast_in_dim3A_54 : vector<2560x1xf32>
    %add3A_55 = arith.addf %log3A, %broadcast_in_dim3A_49 : vector<2560x1xf32>
    %iota3A = tpu.iota {dimensions = array<i32: 1>} : vector<2560x10xi32>
    %get3A_56 = arith.constant 0 : index
    %get3A_57 = arith.constant 0 : index
    %get3A_58 = vector.load %arg2[%get3A_56, %get3A_57] : memref<2560x1xi32, #tpu.memory_space<vmem>>, vector<2560x1xi32>
    %eq3A = vector.broadcast %get3A_58 : vector<2560x1xi32> to vector<2560x10xi32>
    %eq3A_59 = arith.cmpi eq, %iota3A, %eq3A : vector<2560x10xi32>
    %convert_element_type3A = arith.extui %eq3A_59 : vector<2560x10xi1> to vector<2560x10xi32>
    %convert_element_type3A_60 = arith.sitofp %convert_element_type3A : vector<2560x10xi32> to vector<2560x10xf32>
    %mul3A_61 = arith.mulf %add3A_47, %convert_element_type3A_60 : vector<2560x10xf32>
    %reduce_sum3A_62 = arith.constant dense<0.000000e+00> : vector<2560xf32>
    %reduce_sum3A_63 = vector.multi_reduction <add>, %mul3A_61, %reduce_sum3A_62 [1] : vector<2560x10xf32> to vector<2560xf32>
    %broadcast_in_dim3A_64 = vector.shape_cast %reduce_sum3A_63 : vector<2560xf32> to vector<2560x1xf32>
    %iota3A_65 = tpu.iota {dimensions = array<i32: 0>} : vector<2560x1xi32>
    %mul3A_66 = arith.constant 2560 : i32
    %mul3A_67 = arith.muli %arg0, %mul3A_66 : i32
    %add3A_68 = vector.broadcast %mul3A_67 : i32 to vector<2560x1xi32>
    %add3A_69 = arith.addi %iota3A_65, %add3A_68 : vector<2560x1xi32>
    %lt3A = arith.constant 10000 : i32
    %lt3A_70 = vector.broadcast %lt3A : i32 to vector<2560x1xi32>
    %lt3A_71 = arith.cmpi slt, %add3A_69, %lt3A_70 : vector<2560x1xi32>
    %sub3A_72 = arith.subf %add3A_55, %broadcast_in_dim3A_64 : vector<2560x1xf32>
    %jit3A = arith.constant 0.000000e+00 : f32
    %broadcast_in_dim3A_73 = vector.broadcast %jit3A : f32 to vector<2560x1xf32>
    %select_n3A = arith.select %lt3A_71, %sub3A_72, %broadcast_in_dim3A_73 : vector<2560x1xi1>, vector<2560x1xf32>
    %reduce_sum3A_74 = vector.shape_cast %select_n3A : vector<2560x1xf32> to vector<1x2560x1xf32>
    %reduce_sum3A_75 = arith.constant dense<0.000000e+00> : vector<1xf32>
    %reduce_sum3A_76 = vector.multi_reduction <add>, %reduce_sum3A_74, %reduce_sum3A_75 [1, 2] : vector<1x2560x1xf32> to vector<1xf32>
    %reduce_sum3A_77 = vector.shape_cast %reduce_sum3A_76 : vector<1xf32> to vector<1x1x1xf32>
    %reduce_sum3A_78 = vector.extract %reduce_sum3A_77[0, 0, 0] : f32 from vector<1x1x1xf32>
    %div3A_79 = arith.constant 1.000000e+04 : f32
    %div3A_80 = arith.divf %reduce_sum3A_78, %div3A_79 : f32
    %reshape3A = vector.broadcast %div3A_80 : f32 to vector<1x1xf32>
    %eq3A_81 = arith.constant 0 : i32
    %eq3A_82 = arith.cmpi eq, %arg0, %eq3A_81 : i32
    %convert_element_type3A_83 = arith.extui %eq3A_82 : i1 to i32
    %cond3A = arith.constant 0 : i32
    %cond3A_84 = arith.cmpi ne, %convert_element_type3A_83, %cond3A : i32
    scf.if %cond3A_84 {
      %broadcast_in_dim3A_91 = arith.constant 0.000000e+00 : f32
      %broadcast_in_dim3A_92 = vector.broadcast %broadcast_in_dim3A_91 : f32 to vector<1x1xf32>
      %swap3A_93 = arith.constant 0 : index
      %swap3A_94 = arith.constant 0 : index
      %swap3A_95 = vector.load %arg9[%swap3A_93, %swap3A_94] : memref<1x1xf32, #tpu.memory_space<vmem>>, vector<1x1xf32>
      tpu.vector_store %arg9[%swap3A_93, %swap3A_94], %broadcast_in_dim3A_92 {strides = array<i32>} : memref<1x1xf32, #tpu.memory_space<vmem>>, vector<1x1xf32>,
    } else {
    }
    %get3A_85 = arith.constant 0 : index
    %get3A_86 = arith.constant 0 : index
    %get3A_87 = vector.load %arg9[%get3A_85, %get3A_86] : memref<1x1xf32, #tpu.memory_space<vmem>>, vector<1x1xf32>
    %add3A_88 = arith.addf %get3A_87, %reshape3A : vector<1x1xf32>
    %swap3A = arith.constant 0 : index
    %swap3A_89 = arith.constant 0 : index
    %swap3A_90 = vector.load %arg9[%swap3A, %swap3A_89] : memref<1x1xf32, #tpu.memory_space<vmem>>, vector<1x1xf32>
    tpu.vector_store %arg9[%swap3A, %swap3A_89], %add3A_88 {strides = array<i32>} : memref<1x1xf32, #tpu.memory_space<vmem>>, vector<1x1xf32>,
    return
  }
  func.func @transform_0(%arg0: i32) -> (i32, i32) {
    %c0_i32 = arith.constant 0 : i32
    %c0_i32_0 = arith.constant 0 : i32
    return %arg0, %c0_i32 : i32, i32
  }
  func.func @transform_1(%arg0: i32) -> (i32, i32) {
    %c0_i32 = arith.constant 0 : i32
    %c0_i32_0 = arith.constant 0 : i32
    return %arg0, %c0_i32 : i32, i32
  }
  func.func @transform_2(%arg0: i32) -> (i32, i32) {
    %c0_i32 = arith.constant 0 : i32
    %c0_i32_0 = arith.constant 0 : i32
    %c0_i32_1 = arith.constant 0 : i32
    return %c0_i32, %c0_i32_0 : i32, i32
  }
  func.func @transform_3(%arg0: i32) -> (i32, i32) {
    %c0_i32 = arith.constant 0 : i32
    %c0_i32_0 = arith.constant 0 : i32
    %c0_i32_1 = arith.constant 0 : i32
    return %c0_i32, %c0_i32_0 : i32, i32
  }
  func.func @transform_4(%arg0: i32) -> (i32, i32) {
    %c0_i32 = arith.constant 0 : i32
    %c0_i32_0 = arith.constant 0 : i32
    %c0_i32_1 = arith.constant 0 : i32
    return %c0_i32, %c0_i32_0 : i32, i32
  }
  func.func @transform_5(%arg0: i32) -> (i32, i32) {
    %c0_i32 = arith.constant 0 : i32
    %c0_i32_0 = arith.constant 0 : i32
    %c0_i32_1 = arith.constant 0 : i32
    return %c0_i32, %c0_i32_0 : i32, i32
  }
  func.func @transform_6(%arg0: i32) -> (i32, i32) {
    %c0_i32 = arith.constant 0 : i32
    %c0_i32_0 = arith.constant 0 : i32
    %c0_i32_1 = arith.constant 0 : i32
    return %c0_i32, %c0_i32_0 : i32, i32
  }
  func.func @transform_7(%arg0: i32) -> (i32, i32) {
    %c0_i32 = arith.constant 0 : i32
    %c0_i32_0 = arith.constant 0 : i32
    %c0_i32_1 = arith.constant 0 : i32
    return %c0_i32, %c0_i32_0 : i32, i32
  }
  func.func @transform_8(%arg0: i32) -> (i32, i32) {
    %c0_i32 = arith.constant 0 : i32
    %c0_i32_0 = arith.constant 0 : i32
    %c0_i32_1 = arith.constant 0 : i32
    return %c0_i32, %c0_i32_0 : i32, i32
  }
}

module attributes {stable_mosaic.version = 14 : i64} {
  func.func @tc5(%arg0: i32, %arg1: memref<2x2560x64xf32, #tpu.memory_space<vmem>>, %arg2: memref<2560x64xf32, #tpu.memory_space<vmem>>, %arg3: memref<2560x1xf32, #tpu.memory_space<vmem>>, %arg4: memref<64x128xf32, #tpu.memory_space<vmem>>, %arg5: memref<1x128xf32, #tpu.memory_space<vmem>>, %arg6: memref<1x128xf32, #tpu.memory_space<vmem>>, %arg7: memref<1x128xf32, #tpu.memory_space<vmem>>, %arg8: memref<2560x128xf32, #tpu.memory_space<vmem>>) attributes {dimension_semantics = [#tpu.dimension_semantics<arbitrary>], iteration_bounds = array<i64: 4>, scalar_prefetch = 0 : i64, scratch_operands = 0 : i64, tpu.core_type = #tpu.core_type<tc>, window_params = [{transform_indices = @transform_0, window_bounds = array<i64: 2, 2560, 64>}, {transform_indices = @transform_1, window_bounds = array<i64: 2560, 64>}, {transform_indices = @transform_2, window_bounds = array<i64: 2560, 1>}, {pipeline_mode = #tpu.pipeline_mode<synchronous>, transform_indices = @transform_3, window_bounds = array<i64: 64, 128>}, {pipeline_mode = #tpu.pipeline_mode<synchronous>, transform_indices = @transform_4, window_bounds = array<i64: 1, 128>}, {pipeline_mode = #tpu.pipeline_mode<synchronous>, transform_indices = @transform_5, window_bounds = array<i64: 1, 128>}, {pipeline_mode = #tpu.pipeline_mode<synchronous>, transform_indices = @transform_6, window_bounds = array<i64: 1, 128>}, {transform_indices = @transform_7, window_bounds = array<i64: 2560, 128>}]} {
    %get3A = arith.constant 0 : index
    %get3A_0 = arith.constant 0 : index
    %get3A_1 = arith.constant 0 : index
    %get3A_2 = vector.load %arg1[%get3A, %get3A_0, %get3A_1] : memref<2x2560x64xf32, #tpu.memory_space<vmem>>, vector<1x2560x64xf32>
    %get3A_3 = vector.shape_cast %get3A_2 : vector<1x2560x64xf32> to vector<2560x64xf32>
    %get3A_4 = arith.constant 1 : index
    %get3A_5 = arith.constant 0 : index
    %get3A_6 = arith.constant 0 : index
    %get3A_7 = vector.load %arg1[%get3A_4, %get3A_5, %get3A_6] : memref<2x2560x64xf32, #tpu.memory_space<vmem>>, vector<1x2560x64xf32>
    %get3A_8 = vector.shape_cast %get3A_7 : vector<1x2560x64xf32> to vector<2560x64xf32>
    %add3A = arith.addf %get3A_3, %get3A_8 : vector<2560x64xf32>
    %get3A_9 = arith.constant 0 : index
    %get3A_10 = arith.constant 0 : index
    %get3A_11 = vector.load %arg2[%get3A_9, %get3A_10] : memref<2560x64xf32, #tpu.memory_space<vmem>>, vector<2560x64xf32>
    %add3A_12 = arith.addf %add3A, %get3A_11 : vector<2560x64xf32>
    %get3A_13 = arith.constant 0 : index
    %get3A_14 = arith.constant 0 : index
    %get3A_15 = vector.load %arg3[%get3A_13, %get3A_14] : memref<2560x1xf32, #tpu.memory_space<vmem>>, vector<2560x1xf32>
    %mul3A = vector.broadcast %get3A_15 : vector<2560x1xf32> to vector<2560x64xf32>
    %mul3A_16 = arith.mulf %add3A_12, %mul3A : vector<2560x64xf32>
    %get3A_17 = arith.constant 0 : index
    %get3A_18 = arith.constant 0 : index
    %get3A_19 = vector.load %arg4[%get3A_17, %get3A_18] : memref<64x128xf32, #tpu.memory_space<vmem>>, vector<64x128xf32>
    %dot_general3A = arith.constant dense<0.000000e+00> : vector<2560x128xf32>
    %dot_general3A_20 = tpu.matmul %mul3A_16, %get3A_19, %dot_general3A {dimension_numbers = #tpu.dot_dimension_numbers<[1], [0], [0], [1], [0, 0, 1, 1], [], []>, transpose_lhs_hint = false} : vector<2560x64xf32>, vector<64x128xf32>, vector<2560x128xf32> -> vector<2560x128xf32>
    %get3A_21 = arith.constant 0 : index
    %get3A_22 = arith.constant 0 : index
    %get3A_23 = vector.load %arg5[%get3A_21, %get3A_22] : memref<1x128xf32, #tpu.memory_space<vmem>>, vector<1x128xf32>
    %add3A_24 = vector.broadcast %get3A_23 : vector<1x128xf32> to vector<2560x128xf32>
    %add3A_25 = arith.addf %dot_general3A_20, %add3A_24 : vector<2560x128xf32>
    %reduce_sum3A = arith.constant dense<0.000000e+00> : vector<2560xf32>
    %reduce_sum3A_26 = vector.multi_reduction <add>, %add3A_25, %reduce_sum3A [1] : vector<2560x128xf32> to vector<2560xf32>
    %broadcast_in_dim3A = vector.shape_cast %reduce_sum3A_26 : vector<2560xf32> to vector<2560x1xf32>
    %div3A = arith.constant 1.280000e+02 : f32
    %div3A_27 = vector.broadcast %div3A : f32 to vector<2560x1xf32>
    %div3A_28 = arith.divf %broadcast_in_dim3A, %div3A_27 : vector<2560x1xf32>
    %sub3A = vector.broadcast %div3A_28 : vector<2560x1xf32> to vector<2560x128xf32>
    %sub3A_29 = arith.subf %add3A_25, %sub3A : vector<2560x128xf32>
    %integer_pow3A = arith.mulf %sub3A_29, %sub3A_29 : vector<2560x128xf32>
    %reduce_sum3A_30 = arith.constant dense<0.000000e+00> : vector<2560xf32>
    %reduce_sum3A_31 = vector.multi_reduction <add>, %integer_pow3A, %reduce_sum3A_30 [1] : vector<2560x128xf32> to vector<2560xf32>
    %broadcast_in_dim3A_32 = vector.shape_cast %reduce_sum3A_31 : vector<2560xf32> to vector<2560x1xf32>
    %div3A_33 = arith.constant 1.280000e+02 : f32
    %div3A_34 = vector.broadcast %div3A_33 : f32 to vector<2560x1xf32>
    %div3A_35 = arith.divf %broadcast_in_dim3A_32, %div3A_34 : vector<2560x1xf32>
    %sub3A_36 = vector.broadcast %div3A_28 : vector<2560x1xf32> to vector<2560x128xf32>
    %sub3A_37 = arith.subf %add3A_25, %sub3A_36 : vector<2560x128xf32>
    %add3A_38 = arith.constant 9.99999974E-6 : f32
    %add3A_39 = vector.broadcast %add3A_38 : f32 to vector<2560x1xf32>
    %add3A_40 = arith.addf %div3A_35, %add3A_39 : vector<2560x1xf32>
    %sqrt3A = math.sqrt %add3A_40 : vector<2560x1xf32>
    %div3A_41 = vector.broadcast %sqrt3A : vector<2560x1xf32> to vector<2560x128xf32>
    %div3A_42 = arith.divf %sub3A_37, %div3A_41 : vector<2560x128xf32>
    %get3A_43 = arith.constant 0 : index
    %get3A_44 = arith.constant 0 : index
    %get3A_45 = vector.load %arg6[%get3A_43, %get3A_44] : memref<1x128xf32, #tpu.memory_space<vmem>>, vector<1x128xf32>
    %mul3A_46 = vector.broadcast %get3A_45 : vector<1x128xf32> to vector<2560x128xf32>
    %mul3A_47 = arith.mulf %div3A_42, %mul3A_46 : vector<2560x128xf32>
    %get3A_48 = arith.constant 0 : index
    %get3A_49 = arith.constant 0 : index
    %get3A_50 = vector.load %arg7[%get3A_48, %get3A_49] : memref<1x128xf32, #tpu.memory_space<vmem>>, vector<1x128xf32>
    %add3A_51 = vector.broadcast %get3A_50 : vector<1x128xf32> to vector<2560x128xf32>
    %add3A_52 = arith.addf %mul3A_47, %add3A_51 : vector<2560x128xf32>
    %swap3A = arith.constant 0 : index
    %swap3A_53 = arith.constant 0 : index
    %swap3A_54 = vector.load %arg8[%swap3A, %swap3A_53] : memref<2560x128xf32, #tpu.memory_space<vmem>>, vector<2560x128xf32>
    tpu.vector_store %arg8[%swap3A, %swap3A_53], %add3A_52 {strides = array<i32>} : memref<2560x128xf32, #tpu.memory_space<vmem>>, vector<2560x128xf32>,
    return
  }
  func.func @transform_0(%arg0: i32) -> (i32, i32, i32) {
    %c0_i32 = arith.constant 0 : i32
    %c0_i32_0 = arith.constant 0 : i32
    %c0_i32_1 = arith.constant 0 : i32
    return %c0_i32, %arg0, %c0_i32_0 : i32, i32, i32
  }
  func.func @transform_1(%arg0: i32) -> (i32, i32) {
    %c0_i32 = arith.constant 0 : i32
    %c0_i32_0 = arith.constant 0 : i32
    return %arg0, %c0_i32 : i32, i32
  }
  func.func @transform_2(%arg0: i32) -> (i32, i32) {
    %c0_i32 = arith.constant 0 : i32
    %c0_i32_0 = arith.constant 0 : i32
    return %arg0, %c0_i32 : i32, i32
  }
  func.func @transform_3(%arg0: i32) -> (i32, i32) {
    %c0_i32 = arith.constant 0 : i32
    %c0_i32_0 = arith.constant 0 : i32
    %c0_i32_1 = arith.constant 0 : i32
    return %c0_i32, %c0_i32_0 : i32, i32
  }
  func.func @transform_4(%arg0: i32) -> (i32, i32) {
    %c0_i32 = arith.constant 0 : i32
    %c0_i32_0 = arith.constant 0 : i32
    %c0_i32_1 = arith.constant 0 : i32
    return %c0_i32, %c0_i32_0 : i32, i32
  }
  func.func @transform_5(%arg0: i32) -> (i32, i32) {
    %c0_i32 = arith.constant 0 : i32
    %c0_i32_0 = arith.constant 0 : i32
    %c0_i32_1 = arith.constant 0 : i32
    return %c0_i32, %c0_i32_0 : i32, i32
  }
  func.func @transform_6(%arg0: i32) -> (i32, i32) {
    %c0_i32 = arith.constant 0 : i32
    %c0_i32_0 = arith.constant 0 : i32
    %c0_i32_1 = arith.constant 0 : i32
    return %c0_i32, %c0_i32_0 : i32, i32
  }
  func.func @transform_7(%arg0: i32) -> (i32, i32) {
    %c0_i32 = arith.constant 0 : i32
    %c0_i32_0 = arith.constant 0 : i32
    return %arg0, %c0_i32 : i32, i32
  }
}

</mosaic_0001>

<sc_bundles>
// kernel: kernel.14.cloned.1.call-start
scs
__scs_entry_jumppad:
0x0: {  	(pc) =	sbr.rel $0x88, $3  }
0x1: {  	(tag) =	ssettag $0x0;
	lr =	simm.s32 $0x1  }
0x2: {  	[smem:$0x3F8A] =	sst lr;
	_ =	strace $0xD0000000  }
0x3: {  	_ = 	snop  }
0x4: {  	_ = 	snop  }
0x5: {  	_ = 	snop  }
0x6: {  	_ = 	snop  }
0x7: {  	_ = 	snop  }
__scs_overlays_trampoline_lowered:
0x8: {  	[smem:$0x3F99] =	sst s0  }
0x9: {  	[smem:$0x3F9A] =	sst s1  }
0xa: {  	[smem:$0x3F9B] =	sst s2  }
0xb: {  	[smem:$0x3F9C] =	sst s3  }
0xc: {  	[smem:$0x3F9D] =	sst s4  }
0xd: {  	[smem:$0x3F9E] =	sst s5  }
0xe: {  	[smem:$0x3F9F] =	sst s6  }
0xf: {  	[smem:$0x3FA0] =	sst s7  }
0x10: {  	[smem:$0x3FA1] =	sst s8  }
0x11: {  	[smem:$0x3FA2] =	sst s9;
	s0 =	simm.s32 @!p0 $0x0  }
0x12: {  	s1 =	sld [smem:$0x3F88];
	s0 =	simm.s32 @p0 $0x1  }
0x13: {  	[smem:$0x3FA3] =	sst s0;
	s0 =	simm.s32 @!p1 $0x0  }
0x14: {  	s2 =	sld [smem:$0x3F87];
	s0 =	simm.s32 @p1 $0x1  }
0x15: {  	[smem:$0x3FA4] =	sst s0;
	s0 =	simm.s32 @!p2 $0x0  }
0x16: {  	s3 =	sld [smem:$0x3FDB];
	s0 =	simm.s32 @p2 $0x1  }
0x17: {  	s4 =	simm.s32 $0x1BF5;
	[smem:$0x3FA6] =	sst s0  }
0x18: {  	s0 =	sld [smem:$0x3F89];
	_ =	swait.ge [sflag:s4], $0x0  }
0x19: {  	s7 =	sld [smem:$0x3F8A]  }
0x1a: {  	s8 =	sadd.s32 $0xFFFFE003, lr  }
0x1b: {  	s9 =	sadd.s32 $0xFFFFFEF7, lr;
	s5 =	simm.s32 $0xFFFFFFFF;
	p2 =	slt.u32 s8, $0xFFFFF086  }
0x1c: {  	p1 =	slt.u32 s9, $0xF7A;
	s5 =	simm.s32 @!p2 $0x0  }
0x1d: {  	s5 =	simm.s32 @p1 $0x1;
	p0 =	seq.s32 s7, s2  }
0x1e: {  	s7 =	smul.u32 @!p0 $0xF7A, s2;
	p2 =	seq.s32 @!p0 s5, $0x0  }
0x1f: {  	s9 =	smul.u32 $0xF7A, s1;
	s8 =	simm.s32 @!p0 $0x1BF5;
	p2 =	por !p2, p0  }
0x20: {  	[sflag:s8] =	ssyncset.s32 @!p0 $0xFFFFF086;
	s6 =	sadd.s32 @!p0 s3, s7;
	s7 =	simm.s32 @!p0 $0x108  }
0x21: {  	s3 =	sadd.s32 s3, s9;
	s6 =	sadd.s32 @!p0 $0x88, s6;
	s7 =	simm.s32 @p2 $0x1082  }
0x22: {  	[simem:s7], [sflag:s8] =	dma.local @!p0 [hbm:s6], $0xF7A  }
0x23: {  	s9 =	sor.u32 $0xD0000000, s2;
	s6 =	simm.s32 $0x108;
	_ =	swait.ge @!p0 [sflag:s8], $0x0  }
0x24: {  	s3 =	sadd.s32 $0x88, s3;
	s6 =	simm.s32 @!p1 $0x1082;
	[sflag:s4] =	ssyncset.s32 $0xFFFFF086  }
0x25: {  	[simem:s6], [sflag:s4] =	dma.local [hbm:s3], $0xF7A  }
0x26: {  	[smem:$0x3F8A] =	sst s1;
	(tag) =	ssettag s2;
	_ =	strace s9  }
0x27: {  	s1 =	sld [smem:$0x3F9A]  }
0x28: {  	s2 =	sld [smem:$0x3F9B]  }
0x29: {  	s4 =	sld [smem:$0x3F9D]  }
0x2a: {  	p0 =	seq.s32 s5, $0x0;
	s5 =	sld [smem:$0x3F9E]  }
0x2b: {  	s6 =	sld [smem:$0x3F9F]  }
0x2c: {  	s7 =	sld [smem:$0x3FA0]  }
0x2d: {  	s3 =	simm.s32 $0x108;
	s8 =	sld [smem:$0x3FA1]  }
0x2e: {  	s3 =	simm.s32 @!p0 $0x1082;
	s9 =	sld [smem:$0x3FA2]  }
0x2f: {  	lr =	sadd.s32 s0, s3;
	s0 =	sld [smem:$0x3F99]  }
0x30: {  	s3 =	sld [smem:$0x3F9C]  }
0x31: {  	[smem:$0x3FA5] =	sst s10  }
0x32: {  	s10 =	sld [smem:$0x3FA3];
	_ =	sdelay $0x3  }
0x33: {  	p0 =	seq.s32 s10, $0x1;
	s10 =	sld [smem:$0x3FA5];
	_ =	sdelay $0x3  }
0x34: {  	[smem:$0x3FA5] =	sst s10  }
0x35: {  	s10 =	sld [smem:$0x3FA4];
	_ =	sdelay $0x3  }
0x36: {  	p1 =	seq.s32 s10, $0x1;
	s10 =	sld [smem:$0x3FA5];
	_ =	sdelay $0x3  }
0x37: {  	[smem:$0x3FA5] =	sst s10  }
0x38: {  	s10 =	sld [smem:$0x3FA6]  }
0x39: {  	_ = 	snop;
	(pc) =	sbr.ind lr, $3  }
0x3a: {  	_ = 	snop  }
0x3b: {  	_ = 	snop  }
0x3c: {  	p2 =	seq.s32 s10, $0x1;
	s10 =	sld [smem:$0x3FA5]  }
0x3d: {  	_ =	shalt  }
0x3e: {  	_ =	shalt  }
0x3f: {  	_ =	shalt  }
0x40: {  	_ =	shalt  }
0x41: {  	_ =	shalt  }
0x42: {  	_ =	shalt  }
0x43: {  	_ =	shalt  }
0x44: {  	_ =	shalt  }
0x45: {  	_ =	shalt  }
0x46: {  	_ =	shalt  }
0x47: {  	_ =	shalt  }
0x48: {  	_ =	shalt  }
0x49: {  	_ =	shalt  }
0x4a: {  	_ =	shalt  }
0x4b: {  	_ =	shalt  }
0x4c: {  	_ =	shalt  }
0x4d: {  	_ =	shalt  }
0x4e: {  	_ =	shalt  }
0x4f: {  	_ =	shalt  }
0x50: {  	_ =	shalt  }
0x51: {  	_ =	shalt  }
0x52: {  	_ =	shalt  }
0x53: {  	_ =	shalt  }
0x54: {  	_ =	shalt  }
0x55: {  	_ =	shalt  }
0x56: {  	_ =	shalt  }
0x57: {  	_ =	shalt  }
0x58: {  	_ =	shalt  }
0x59: {  	_ =	shalt  }
0x5a: {  	_ =	shalt  }
0x5b: {  	_ =	shalt  }
0x5c: {  	_ =	shalt  }
0x5d: {  	_ =	shalt  }
0x5e: {  	_ =	shalt  }
0x5f: {  	_ =	shalt  }
0x60: {  	_ =	shalt  }
0x61: {  	_ =	shalt  }
0x62: {  	_ =	shalt  }
0x63: {  	_ =	shalt  }
0x64: {  	_ =	shalt  }
0x65: {  	_ =	shalt  }
0x66: {  	_ =	shalt  }
0x67: {  	_ =	shalt  }
0x68: {  	_ =	shalt  }
0x69: {  	_ =	shalt  }
0x6a: {  	_ =	shalt  }
0x6b: {  	_ =	shalt  }
0x6c: {  	_ =	shalt  }
0x6d: {  	_ =	shalt  }
0x6e: {  	_ =	shalt  }
0x6f: {  	_ =	shalt  }
0x70: {  	_ =	shalt  }
0x71: {  	_ =	shalt  }
0x72: {  	_ =	shalt  }
0x73: {  	_ =	shalt  }
0x74: {  	_ =	shalt  }
0x75: {  	_ =	shalt  }
0x76: {  	_ =	shalt  }
0x77: {  	_ =	shalt  }
0x78: {  	_ =	shalt  }
0x79: {  	_ =	shalt  }
0x7a: {  	_ =	shalt  }
0x7b: {  	_ =	shalt  }
0x7c: {  	_ =	shalt  }
0x7d: {  	_ =	shalt  }
0x7e: {  	_ =	shalt  }
0x7f: {  	_ =	shalt  }
0x80: {  	_ =	shalt  }
0x81: {  	_ =	shalt  }
0x82: {  	_ =	shalt  }
0x83: {  	_ =	shalt  }
0x84: {  	_ =	shalt  }
0x85: {  	_ =	shalt  }
0x86: {  	_ =	shalt  }
0x87: {  	_ =	shalt  }
.Lfunc_end0:
.L_simem_size_0:
called_computation_lowered:
.L_overlay_start_0:
0x88: {  	s2 =	sld [smem:$0x3FD9]  }
0x89: {  	s3 =	sld [smem:$0x3FFE];
	_ =	sdelay $0x1  }
0x8a: {  	s1 =	srdreg.scid  }
0x8b: {  	s0 =	sand.u32 $0x1, s1  }
0x8c: {  	s14 =	sshll.u32 s0, $0xA;
	s2 =	sadd.s32 s3, s2  }
0x8d: {  	s2 =	sadd.s32 s2, s14  }
0x8e: {  	[smem:$0x3FB1] =	sst s2  }
0x8f: {  	_ = 	snop  }
0x90: {  	s2 =	sld [smem:$0x3FD0];
	_ =	sdelay $0x2  }
0x91: {  	s15 =	simm.s32 $0xA;
	s4 =	simm.s32 $0x10  }
0x92: {  	[smem:s4], [sflag:s15] =	dma.local [hbm:s2], $0x1  }
0x93: {  	_ =	swait.eq [sflag:s15], $0x1  }
0x94: {  	[sflag:s15] =	ssyncset.done $0x0  }
0x95: {  	[sflag:s15] =	ssyncadd.s32 $0xFFFFFFFF  }
0x96: {  	s16 =	sld [smem:$0x11];
	(tm) =	ssettm $0x1  }
0x97: {  	s17 =	sld [smem:$0x3FFB];
	_ =	sdelay $0x3  }
0x98: {  	_ =	strace s17  }
0x99: {  	s3 =	sld [smem:$0x3FFC];
	_ =	sdelay $0x3  }
0x9a: {  	_ =	strace s3  }
0x9b: {  	s3 =	sld [smem:$0x3FFD];
	_ =	sdelay $0x3  }
0x9c: {  	_ =	strace s3  }
0x9d: {  	_ =	strace $0x8FFFFFFF  }
0x9e: {  	s18 =	sld [smem:$0x3FDB];
	_ =	sdelay $0x1  }
0x9f: {  	s19 =	simm.s32 $_scs_section_size  }
0xa0: {  	s5 =	simm.s32 $_size__tile_overlayer_lowered;
	s6 =	simm.s32 $_tile_overlayer_lowered  }
0xa1: {  	s22 =	simm.s32 $0x1BFF;
	s21 =	sshll.u32 s6, $0x1;
	s3 =	sadd.s32 s19, s18  }
0xa2: {  	s7 =	simm.s32 $0x0;
	s20 =	sshll.u32 s5, $0x1;
	s5 =	sadd.s32 s21, s3  }
0xa3: {  	[timem:s7], [sflag:s22] =	dma.local [hbm:s5], s20  }
0xa4: {  	_ =	swait.ge [sflag:s22], s20  }
0xa5: {  	s4 =	ssub.s32 $0x0, s20;
	[sflag:s22] =	ssyncset.done $0x0  }
0xa6: {  	[sflag:s22] =	ssyncadd.s32 s4;
	_ =	sdelay $0x1  }
0xa7: {  	s23 =	simm.s32 $0x1B8B  }
0xa8: {  	_ =	swait.ge [sflag:s23], $0x1  }
0xa9: {  	[sflag:s23] =	ssyncset.done $0x0  }
0xaa: {  	s25 =	simm.s32 $0x1B8E;
	s24 =	sld [smem:$0x3FFE];
	[sflag:s23] =	ssyncadd.s32 $0xFFFFFFFF  }
0xab: {  	s26 =	simm.s32 $execute0_lowered;
	[smem:$0x3FD2] =	sst s25  }
0xac: {  	s5 =	sshll.u32 s26, $0x1;
	_ =	strace $0x80000046;
	[dreg:$0x1] =	wrdreg $0xFFFFFFFF  }
0xad: {  	s28 =	simm.s32 $_size_execute0_lowered;
	s3 =	sadd.s32 s3, s5;
	[dreg:$0x0] =	wrdreg $0x0  }
0xae: {  	s5 =	sshll.u32 s28, $0x1;
	[dreg:$0x2] =	wrdreg s3  }
0xaf: {  	[dreg:$0x3] =	wrdreg s5  }
0xb0: {  	[dreg:$0x4] =	wrdreg $0xC0  }
0xb1: {  	_ =	task [dreg:s7], $0x5FFFF  }
0xb2: {  	[dreg:$0x1] =	wrdreg $0xFFFFFFFF  }
0xb3: {  	[dreg:$0x0] =	wrdreg $0x60  }
0xb4: {  	[dreg:$0x2] =	wrdreg s24  }
0xb5: {  	[dreg:$0x3] =	wrdreg s16  }
0xb6: {  	[dreg:$0x4] =	wrdreg $0x30000  }
0xb7: {  	[dreg:$0x5] =	wrdreg $0x9  }
0xb8: {  	_ =	task.clear_ibuf [dreg:s7], $0x6FFFF;
	_ =	strace $0x90000046  }
0xb9: {  	s29 =	simm.s32 $0x9;
	_ =	strace $0x80000048  }
0xba: {  	_ =	swait.ge [sflag:s29], $0x1  }
0xbb: {  	[sflag:s29] =	ssyncadd.s32 $0xFFFFFFFF  }
0xbc: {  	_ =	strace $0x90000048  }
0xbd: {  	_ =	sfence  }
0xbe: {  	s30 =	sld [smem:$0x0];
	_ =	sdelay $0x2  }
0xbf: {  	s31 =	sshll.u32 s1, $0xD;
	s1 =	sshrl.u32 s1, $0x2  }
0xc0: {  	s3 =	sand.u32 $0x4000, s31;
	s1 =	sadd.s32 s1, s30  }
0xc1: {  	s0 =	sor.u32 s3, s0;
	s1 =	sshll.u32 s1, $0x11  }
0xc2: {  	s0 =	sor.u32 s1, s0  }
0xc3: {  	s0 =	sadd.s32 $0x8F2B, s0  }
0xc4: {  	[sflag:s0] =	ssyncadd.remote.s32 $0x1  }
0xc5: {  	_ =	sfence.sel $0xFFFF  }
0xc6: {  	[dreg:$0x0] =	wrdreg $0xFFFFFFFF;
	(pc) =	sbr.abs _section_cstart, $3  }
0xc7: {  	[dreg:$0x1] =	wrdreg $0xFFFFFFFF  }
0xc8: {  	_ =	task.clear_ibuf [dreg:s7], $0x2FFFF;
	_ =	strace $0x9FFFFFFF  }
0xc9: {  	(tm) =	ssettm $0x7FFFFFFF  }
tec
execute0_lowered:
.L_overlay_start_1:
0x0: {  	(tag) =	ssettag $0x1  }
0x1: {  	s5 =	rddreg [dreg:$0x0];
	s1 =	srdreg.scid  }
0x2: {  	s0 =	stileid.u32;
	s8 =	rddreg [dreg:$0x1]  }
0x3: {  	s2 =	rddreg [dreg:$0x2];
	s3 =	simm.s32 $0x0;
	s13 =	simm.s32 $0x80  }
0x4: {  	s14 =	simm.s32 $0x0;
	s4 =	sand.u32 $0x1, s1;
	s1 =	rddreg [dreg:$0x3]  }
0x5: {  	s26 =	sshll.u32 s0, $0x1;
	[smem:$0x7FF] =	sst s3;
	s7 =	smul.u32 $0x2800, s0  }
0x6: {  	s31 =	sshll.u32 s0, $0x6;
	s6 =	sor.u32 s4, s26;
	_ =	strace $0x80000047  }
0x7: {  	s9 =	ssub.s32 $0x2, s4;
	s10 =	smul.u32 $0x28000, s4;
	s4 =	sadd.s32 $0x1A000, s5  }
0x8: {  	s6 =	smul.u32 $0x500, s6;
	s28 =	sshrl.u32 s9, $0x1;
	s30 =	sadd.s32 s7, s2  }
0x9: {  	s9 =	ssub.s32 s9, s28;
	s29 =	sadd.s32 s7, s10;
	s10 =	sshrl.u32 s30, $0x3  }
0xa: {  	s11 =	sadd.s32 s6, s5;
	s5 =	sadd.s32 $0x1A200, s5;
	s12 =	sshrl.u32 s29, $0x3  }
0xb: {  	s6 =	sor.u32 $0x1C01, s31;
	s9 =	smax.u32 s9, $0x1;
	s7 =	sadd.s32 $0x10000, s11  }
0xc: {  	s8 =	sadd.s32 s8, s12;
	s11 =	simm.s32 $0x1;
	s12 =	simm.s32 $0x2800  }
.LBB2_1:
0xd: {  	[spmem:s10], [sflag:s6] =	dma.local [hbm:s5], $0x500  }
0xe: {  	_ =	swait.ge [sflag:s11], $0x500  }
0xf: {  	[sflag:s11] =	ssyncset.done $0x0  }
0x10: {  	[sflag:s11] =	ssyncadd.s32 $0xFFFFFB00  }
0x11: {  	[tilespmem:s12], [sflag:$0x1] =	stream.linear.gather [hbm4b:s4+s3], $0x800, $0x38;
	[tilespmem:$0x5800] =	vst v63  }
0x12: {  	_ =	swait.ge [sflag:s11], $0x800  }
0x13: {  	[sflag:s11] =	ssyncset.done $0x0  }
0x14: {  	[sflag:s11] =	ssyncadd.s32 $0xFFFFF800  }
0x15: {  	[bflag:$0x0] =	sbarrier.arrive $0xFFFF  }
0x16: {  	[tilespmem:s3], [sflag:$0x1] =	stream.linear.gather [hbm4b:s7+s3], $0x2800, $0x38;
	[tilespmem:$0x5800] =	vst v63  }
0x17: {  	_ =	swait.ge [sflag:s11], $0x2800  }
0x18: {  	[sflag:s11] =	ssyncset.done $0x0  }
0x19: {  	s15 =	simm.s32 $0x0;
	[sflag:s11] =	ssyncadd.s32 $0xFFFFD800  }
0x1a: {  	[spmem:s2] =	stream.indirect.scatter.add.f32 [tilespmem:s12], [sflag:$0x1], $0x10, s15, s13, $0xb8;
	[tilespmem:$0x5800] =	vst v63  }
0x1b: {  	_ =	swait.ge [sflag:s11], $0x800  }
0x1c: {  	s15 =	simm.s32 $0x200;
	[sflag:s11] =	ssyncset.done $0x0  }
.LBB2_2:
0x1d: {  	s16 =	sshra.s32 s15, $0x2;
	[sflag:s11] =	ssyncadd.s32 $0xFFFFF800;
	p0 =	sne.s32 s15, $0x9E00  }
0x1e: {  	[spmem:s2] =	stream.indirect.scatter.add.f32 [tilespmem:s12], [sflag:$0x1], $0x10, s16, s13, $0xb8;
	[tilespmem:$0x5800] =	vst v63  }
.Ltmp0:
0x1f: {  	_ = 	snop;
	(pc) =	sbr.rel @p0 .LBB2_2-.Ltmp0, $4  }
0x20: {  	_ = 	snop  }
0x21: {  	s15 =	sadd.s32 $0x200, s15  }
0x22: {  	_ =	swait.ge [sflag:s11], $0x800  }
0x23: {  	[sflag:s11] =	ssyncset.done $0x0  }
0x24: {  	s14 =	sadd.s32 $0x1, s14  }
0x25: {  	[sflag:s11] =	ssyncadd.s32 $0xFFFFF800;
	p0 =	sne.s32 s14, s9  }
.Ltmp1:
0x26: {  	[bflag:$0x0] =	sbarrier.arrive $0xFFFF;
	(pc) =	sbr.rel @p0 .LBB2_1-.Ltmp1, $4  }
0x27: {  	[hbm:s8], [sflag:s6] =	dma.local [spmem:s10], $0x500  }
0x28: {  	_ =	swait.ge [sflag:s11], $0x500  }
0x29: {  	[sflag:s11] =	ssyncset.done $0x0  }
0x2a: {  	[sflag:s11] =	ssyncadd.s32 $0xFFFFFB00  }
0x2b: {  	_ =	sfence.sel $0x180000  }
0x2c: {  	[bflag:$0x0] =	sbarrier.arrive $0xFFFF  }
0x2d: {  	p0 =	sne.s32 s0, $0x0;
	_ =	strace $0x90000047  }
0x2e: {  	s0 =	sadd.s32 @!p0 $0x100000, s1;
	[bflag:$0x2] =	sbarrier.arrive $0xFFFF  }
0x2f: {  	[sflag:s0] =	ssyncadd.tile.s32 @!p0 $0x1;
	_ =	shalt  }
.Lfunc_end2:
_tile_overlayer_lowered:
.L_overlay_start_2:
0x30: {  	(tag) =	ssettag $0x2  }
0x31: {  	s0 =	rddreg [dreg:$0x0];
	s2 =	stileid.u32  }
0x32: {  	s1 =	rddreg [dreg:$0x1];
	p0 =	sne.s32 s2, $0x0  }
0x33: {  	s3 =	rddreg [dreg:$0x2];
	[bflag:$0x3] =	sbarrier.arrive $0xFFFF;
	s2 =	simm.s32 @!p0 $0x1C01  }
0x34: {  	[timem:s3], [sflag:s2] =	dma.local @!p0 [hbm:s0], s1  }
0x35: {  	s0 =	simm.s32 @!p0 $0x1  }
0x36: {  	_ =	swait.ge @!p0 [sflag:s0], s1  }
0x37: {  	s1 =	ssub.s32 @!p0 $0x0, s1;
	[sflag:s0] =	ssyncset.done @!p0 $0x0  }
0x38: {  	[sflag:s0] =	ssyncadd.s32 @!p0 s1  }
0x39: {  	[bflag:$0x3] =	sbarrier.arrive $0xFFFF  }
0x3a: {  	_ =	shalt  }

// kernel: kernel.17.cloned.1.call-start
scs
__scs_entry_jumppad:
0x0: {  	(pc) =	sbr.rel $0x88, $3  }
0x1: {  	(tag) =	ssettag $0x0;
	lr =	simm.s32 $0x1  }
0x2: {  	[smem:$0x3F8A] =	sst lr;
	_ =	strace $0xD0000000  }
0x3: {  	_ = 	snop  }
0x4: {  	_ = 	snop  }
0x5: {  	_ = 	snop  }
0x6: {  	_ = 	snop  }
0x7: {  	_ = 	snop  }
__scs_overlays_trampoline_lowered:
0x8: {  	[smem:$0x3F99] =	sst s0  }
0x9: {  	[smem:$0x3F9A] =	sst s1  }
0xa: {  	[smem:$0x3F9B] =	sst s2  }
0xb: {  	[smem:$0x3F9C] =	sst s3  }
0xc: {  	[smem:$0x3F9D] =	sst s4  }
0xd: {  	[smem:$0x3F9E] =	sst s5  }
0xe: {  	[smem:$0x3F9F] =	sst s6  }
0xf: {  	[smem:$0x3FA0] =	sst s7  }
0x10: {  	[smem:$0x3FA1] =	sst s8  }
0x11: {  	[smem:$0x3FA2] =	sst s9;
	s0 =	simm.s32 @!p0 $0x0  }
0x12: {  	s1 =	sld [smem:$0x3F88];
	s0 =	simm.s32 @p0 $0x1  }
0x13: {  	[smem:$0x3FA3] =	sst s0;
	s0 =	simm.s32 @!p1 $0x0  }
0x14: {  	s2 =	sld [smem:$0x3F87];
	s0 =	simm.s32 @p1 $0x1  }
0x15: {  	[smem:$0x3FA4] =	sst s0;
	s0 =	simm.s32 @!p2 $0x0  }
0x16: {  	s3 =	sld [smem:$0x3FDB];
	s0 =	simm.s32 @p2 $0x1  }
0x17: {  	s4 =	simm.s32 $0x1BF5;
	[smem:$0x3FA6] =	sst s0  }
0x18: {  	s0 =	sld [smem:$0x3F89];
	_ =	swait.ge [sflag:s4], $0x0  }
0x19: {  	s7 =	sld [smem:$0x3F8A]  }
0x1a: {  	s8 =	sadd.s32 $0xFFFFE003, lr  }
0x1b: {  	s9 =	sadd.s32 $0xFFFFFEF7, lr;
	s5 =	simm.s32 $0xFFFFFFFF;
	p2 =	slt.u32 s8, $0xFFFFF086  }
0x1c: {  	p1 =	slt.u32 s9, $0xF7A;
	s5 =	simm.s32 @!p2 $0x0  }
0x1d: {  	s5 =	simm.s32 @p1 $0x1;
	p0 =	seq.s32 s7, s2  }
0x1e: {  	s7 =	smul.u32 @!p0 $0xF7A, s2;
	p2 =	seq.s32 @!p0 s5, $0x0  }
0x1f: {  	s9 =	smul.u32 $0xF7A, s1;
	s8 =	simm.s32 @!p0 $0x1BF5;
	p2 =	por !p2, p0  }
0x20: {  	[sflag:s8] =	ssyncset.s32 @!p0 $0xFFFFF086;
	s6 =	sadd.s32 @!p0 s3, s7;
	s7 =	simm.s32 @!p0 $0x108  }
0x21: {  	s3 =	sadd.s32 s3, s9;
	s6 =	sadd.s32 @!p0 $0x88, s6;
	s7 =	simm.s32 @p2 $0x1082  }
0x22: {  	[simem:s7], [sflag:s8] =	dma.local @!p0 [hbm:s6], $0xF7A  }
0x23: {  	s9 =	sor.u32 $0xD0000000, s2;
	s6 =	simm.s32 $0x108;
	_ =	swait.ge @!p0 [sflag:s8], $0x0  }
0x24: {  	s3 =	sadd.s32 $0x88, s3;
	s6 =	simm.s32 @!p1 $0x1082;
	[sflag:s4] =	ssyncset.s32 $0xFFFFF086  }
0x25: {  	[simem:s6], [sflag:s4] =	dma.local [hbm:s3], $0xF7A  }
0x26: {  	[smem:$0x3F8A] =	sst s1;
	(tag) =	ssettag s2;
	_ =	strace s9  }
0x27: {  	s1 =	sld [smem:$0x3F9A]  }
0x28: {  	s2 =	sld [smem:$0x3F9B]  }
0x29: {  	s4 =	sld [smem:$0x3F9D]  }
0x2a: {  	p0 =	seq.s32 s5, $0x0;
	s5 =	sld [smem:$0x3F9E]  }
0x2b: {  	s6 =	sld [smem:$0x3F9F]  }
0x2c: {  	s7 =	sld [smem:$0x3FA0]  }
0x2d: {  	s3 =	simm.s32 $0x108;
	s8 =	sld [smem:$0x3FA1]  }
0x2e: {  	s3 =	simm.s32 @!p0 $0x1082;
	s9 =	sld [smem:$0x3FA2]  }
0x2f: {  	lr =	sadd.s32 s0, s3;
	s0 =	sld [smem:$0x3F99]  }
0x30: {  	s3 =	sld [smem:$0x3F9C]  }
0x31: {  	[smem:$0x3FA5] =	sst s10  }
0x32: {  	s10 =	sld [smem:$0x3FA3];
	_ =	sdelay $0x3  }
0x33: {  	p0 =	seq.s32 s10, $0x1;
	s10 =	sld [smem:$0x3FA5];
	_ =	sdelay $0x3  }
0x34: {  	[smem:$0x3FA5] =	sst s10  }
0x35: {  	s10 =	sld [smem:$0x3FA4];
	_ =	sdelay $0x3  }
0x36: {  	p1 =	seq.s32 s10, $0x1;
	s10 =	sld [smem:$0x3FA5];
	_ =	sdelay $0x3  }
0x37: {  	[smem:$0x3FA5] =	sst s10  }
0x38: {  	s10 =	sld [smem:$0x3FA6]  }
0x39: {  	_ = 	snop;
	(pc) =	sbr.ind lr, $3  }
0x3a: {  	_ = 	snop  }
0x3b: {  	_ = 	snop  }
0x3c: {  	p2 =	seq.s32 s10, $0x1;
	s10 =	sld [smem:$0x3FA5]  }
0x3d: {  	_ =	shalt  }
0x3e: {  	_ =	shalt  }
0x3f: {  	_ =	shalt  }
0x40: {  	_ =	shalt  }
0x41: {  	_ =	shalt  }
0x42: {  	_ =	shalt  }
0x43: {  	_ =	shalt  }
0x44: {  	_ =	shalt  }
0x45: {  	_ =	shalt  }
0x46: {  	_ =	shalt  }
0x47: {  	_ =	shalt  }
0x48: {  	_ =	shalt  }
0x49: {  	_ =	shalt  }
0x4a: {  	_ =	shalt  }
0x4b: {  	_ =	shalt  }
0x4c: {  	_ =	shalt  }
0x4d: {  	_ =	shalt  }
0x4e: {  	_ =	shalt  }
0x4f: {  	_ =	shalt  }
0x50: {  	_ =	shalt  }
0x51: {  	_ =	shalt  }
0x52: {  	_ =	shalt  }
0x53: {  	_ =	shalt  }
0x54: {  	_ =	shalt  }
0x55: {  	_ =	shalt  }
0x56: {  	_ =	shalt  }
0x57: {  	_ =	shalt  }
0x58: {  	_ =	shalt  }
0x59: {  	_ =	shalt  }
0x5a: {  	_ =	shalt  }
0x5b: {  	_ =	shalt  }
0x5c: {  	_ =	shalt  }
0x5d: {  	_ =	shalt  }
0x5e: {  	_ =	shalt  }
0x5f: {  	_ =	shalt  }
0x60: {  	_ =	shalt  }
0x61: {  	_ =	shalt  }
0x62: {  	_ =	shalt  }
0x63: {  	_ =	shalt  }
0x64: {  	_ =	shalt  }
0x65: {  	_ =	shalt  }
0x66: {  	_ =	shalt  }
0x67: {  	_ =	shalt  }
0x68: {  	_ =	shalt  }
0x69: {  	_ =	shalt  }
0x6a: {  	_ =	shalt  }
0x6b: {  	_ =	shalt  }
0x6c: {  	_ =	shalt  }
0x6d: {  	_ =	shalt  }
0x6e: {  	_ =	shalt  }
0x6f: {  	_ =	shalt  }
0x70: {  	_ =	shalt  }
0x71: {  	_ =	shalt  }
0x72: {  	_ =	shalt  }
0x73: {  	_ =	shalt  }
0x74: {  	_ =	shalt  }
0x75: {  	_ =	shalt  }
0x76: {  	_ =	shalt  }
0x77: {  	_ =	shalt  }
0x78: {  	_ =	shalt  }
0x79: {  	_ =	shalt  }
0x7a: {  	_ =	shalt  }
0x7b: {  	_ =	shalt  }
0x7c: {  	_ =	shalt  }
0x7d: {  	_ =	shalt  }
0x7e: {  	_ =	shalt  }
0x7f: {  	_ =	shalt  }
0x80: {  	_ =	shalt  }
0x81: {  	_ =	shalt  }
0x82: {  	_ =	shalt  }
0x83: {  	_ =	shalt  }
0x84: {  	_ =	shalt  }
0x85: {  	_ =	shalt  }
0x86: {  	_ =	shalt  }
0x87: {  	_ =	shalt  }
.Lfunc_end0:
.L_simem_size_0:
called_computation.1_lowered:
.L_overlay_start_0:
0x88: {  	s2 =	sld [smem:$0x3FD9]  }
0x89: {  	s3 =	sld [smem:$0x3FFE];
	_ =	sdelay $0x1  }
0x8a: {  	s1 =	srdreg.scid  }
0x8b: {  	s0 =	sand.u32 $0x1, s1  }
0x8c: {  	s14 =	sshll.u32 s0, $0xA;
	s2 =	sadd.s32 s3, s2  }
0x8d: {  	s2 =	sadd.s32 s2, s14  }
0x8e: {  	[smem:$0x3FB1] =	sst s2  }
0x8f: {  	_ = 	snop  }
0x90: {  	s2 =	sld [smem:$0x3FD0];
	_ =	sdelay $0x2  }
0x91: {  	s15 =	simm.s32 $0xA;
	s4 =	simm.s32 $0x10  }
0x92: {  	[smem:s4], [sflag:s15] =	dma.local [hbm:s2], $0x1  }
0x93: {  	_ =	swait.eq [sflag:s15], $0x1  }
0x94: {  	[sflag:s15] =	ssyncset.done $0x0  }
0x95: {  	[sflag:s15] =	ssyncadd.s32 $0xFFFFFFFF  }
0x96: {  	s16 =	sld [smem:$0x11];
	(tm) =	ssettm $0x1  }
0x97: {  	s17 =	sld [smem:$0x3FFB];
	_ =	sdelay $0x3  }
0x98: {  	_ =	strace s17  }
0x99: {  	s3 =	sld [smem:$0x3FFC];
	_ =	sdelay $0x3  }
0x9a: {  	_ =	strace s3  }
0x9b: {  	s3 =	sld [smem:$0x3FFD];
	_ =	sdelay $0x3  }
0x9c: {  	_ =	strace s3  }
0x9d: {  	_ =	strace $0x8FFFFFFF  }
0x9e: {  	s18 =	sld [smem:$0x3FDB];
	_ =	sdelay $0x1  }
0x9f: {  	s19 =	simm.s32 $_scs_section_size  }
0xa0: {  	s5 =	simm.s32 $_size__tile_overlayer_lowered;
	s6 =	simm.s32 $_tile_overlayer_lowered  }
0xa1: {  	s22 =	simm.s32 $0x1BFF;
	s21 =	sshll.u32 s6, $0x1;
	s3 =	sadd.s32 s19, s18  }
0xa2: {  	s7 =	simm.s32 $0x0;
	s20 =	sshll.u32 s5, $0x1;
	s5 =	sadd.s32 s21, s3  }
0xa3: {  	[timem:s7], [sflag:s22] =	dma.local [hbm:s5], s20  }
0xa4: {  	_ =	swait.ge [sflag:s22], s20  }
0xa5: {  	s4 =	ssub.s32 $0x0, s20;
	[sflag:s22] =	ssyncset.done $0x0  }
0xa6: {  	[sflag:s22] =	ssyncadd.s32 s4;
	_ =	sdelay $0x1  }
0xa7: {  	s23 =	simm.s32 $0x1B8B  }
0xa8: {  	_ =	swait.ge [sflag:s23], $0x1  }
0xa9: {  	[sflag:s23] =	ssyncset.done $0x0  }
0xaa: {  	s25 =	simm.s32 $0x1B8E;
	s24 =	sld [smem:$0x3FFE];
	[sflag:s23] =	ssyncadd.s32 $0xFFFFFFFF  }
0xab: {  	s26 =	simm.s32 $execute0_lowered;
	[smem:$0x3FD2] =	sst s25  }
0xac: {  	s5 =	sshll.u32 s26, $0x1;
	_ =	strace $0x80000049;
	[dreg:$0x1] =	wrdreg $0xFFFFFFFF  }
0xad: {  	s28 =	simm.s32 $_size_execute0_lowered;
	s3 =	sadd.s32 s3, s5;
	[dreg:$0x0] =	wrdreg $0x0  }
0xae: {  	s5 =	sshll.u32 s28, $0x1;
	[dreg:$0x2] =	wrdreg s3  }
0xaf: {  	[dreg:$0x3] =	wrdreg s5  }
0xb0: {  	[dreg:$0x4] =	wrdreg $0xC0  }
0xb1: {  	_ =	task [dreg:s7], $0x5FFFF  }
0xb2: {  	[dreg:$0x1] =	wrdreg $0xFFFFFFFF  }
0xb3: {  	[dreg:$0x0] =	wrdreg $0x60  }
0xb4: {  	[dreg:$0x2] =	wrdreg s24  }
0xb5: {  	[dreg:$0x3] =	wrdreg s16  }
0xb6: {  	[dreg:$0x4] =	wrdreg $0x90000  }
0xb7: {  	[dreg:$0x5] =	wrdreg $0x9  }
0xb8: {  	_ =	task.clear_ibuf [dreg:s7], $0x6FFFF;
	_ =	strace $0x90000049  }
0xb9: {  	s29 =	simm.s32 $0x9;
	_ =	strace $0x8000004B  }
0xba: {  	_ =	swait.ge [sflag:s29], $0x1  }
0xbb: {  	[sflag:s29] =	ssyncadd.s32 $0xFFFFFFFF  }
0xbc: {  	_ =	strace $0x9000004B  }
0xbd: {  	_ =	sfence  }
0xbe: {  	s30 =	sld [smem:$0x0];
	_ =	sdelay $0x2  }
0xbf: {  	s31 =	sshll.u32 s1, $0xD;
	s1 =	sshrl.u32 s1, $0x2  }
0xc0: {  	s3 =	sand.u32 $0x4000, s31;
	s1 =	sadd.s32 s1, s30  }
0xc1: {  	s0 =	sor.u32 s3, s0;
	s1 =	sshll.u32 s1, $0x11  }
0xc2: {  	s0 =	sor.u32 s1, s0  }
0xc3: {  	s0 =	sadd.s32 $0x8F2B, s0  }
0xc4: {  	[sflag:s0] =	ssyncadd.remote.s32 $0x1  }
0xc5: {  	_ =	sfence.sel $0xFFFF  }
0xc6: {  	[dreg:$0x0] =	wrdreg $0xFFFFFFFF;
	(pc) =	sbr.abs _section_cstart, $3  }
0xc7: {  	[dreg:$0x1] =	wrdreg $0xFFFFFFFF  }
0xc8: {  	_ =	task.clear_ibuf [dreg:s7], $0x2FFFF;
	_ =	strace $0x9FFFFFFF  }
0xc9: {  	(tm) =	ssettm $0x7FFFFFFF  }
tec
execute0_lowered:
.L_overlay_start_1:
0x0: {  	(tag) =	ssettag $0x1  }
0x1: {  	s0 =	rddreg [dreg:$0x0]  }
0x2: {  	s3 =	rddreg [dreg:$0x2];
	s1 =	srdreg.scid  }
0x3: {  	s13 =	stileid.u32;
	s4 =	simm.s32 $0x0;
	s14 =	simm.s32 $0x100  }
0x4: {  	s15 =	simm.s32 $0x480;
	s16 =	simm.s32 $0x180;
	[smem:$0x7FF] =	sst s4  }
0x5: {  	s17 =	simm.s32 $0x500;
	_ =	strace $0x8000004A;
	[dreg:$0x4] =	wrdreg s14  }
0x6: {  	s18 =	simm.s32 $0x200;
	s20 =	simm.s32 $0x580;
	[dreg:$0x5] =	wrdreg s15  }
0x7: {  	s22 =	simm.s32 $0x280;
	s24 =	simm.s32 $0x600;
	[dreg:$0x6] =	wrdreg s16  }
0x8: {  	s25 =	simm.s32 $0x300;
	s26 =	simm.s32 $0x680;
	[dreg:$0x7] =	wrdreg s17  }
0x9: {  	s28 =	simm.s32 $0xC00;
	s29 =	simm.s32 $0xB80;
	[dreg:$0x8] =	wrdreg s18  }
0xa: {  	s30 =	simm.s32 $0xF00;
	s31 =	simm.s32 $0xF80;
	[dreg:$0x9] =	wrdreg s20  }
0xb: {  	s1 =	sand.u32 $0x1, s1;
	s2 =	smul.u32 $0x14000, s13;
	[dreg:$0xa] =	wrdreg s22  }
0xc: {  	s5 =	sadd.s32 $0x1A000, s0;
	s6 =	sadd.s32 $0x6000, s0;
	[dreg:$0xb] =	wrdreg s24  }
0xd: {  	s11 =	sshll.u32 s13, $0x1;
	s13 =	sshll.u32 s13, $0x6;
	[dreg:$0xc] =	wrdreg s25  }
0xe: {  	s7 =	smul.u32 $0x140000, s1;
	[dreg:$0xd] =	wrdreg s26;
	s14 =	simm.s32 $0x700  }
0xf: {  	s9 =	ssub.s32 $0x2, s1;
	s15 =	simm.s32 $0x780;
	[dreg:$0xf] =	wrdreg s14  }
0x10: {  	s1 =	sor.u32 s1, s11;
	s16 =	simm.s32 $0x880;
	[dreg:$0x10] =	wrdreg s15  }
0x11: {  	s13 =	sor.u32 $0x1C05, s13;
	s17 =	simm.s32 $0x900;
	[dreg:$0x11] =	wrdreg s16  }
0x12: {  	s18 =	simm.s32 $0xC80;
	s20 =	simm.s32 $0xD00;
	[dreg:$0x12] =	wrdreg s17  }
0x13: {  	s22 =	simm.s32 $0xD80;
	s24 =	simm.s32 $0xE00;
	[dreg:$0x13] =	wrdreg s18  }
0x14: {  	s25 =	simm.s32 $0xB00;
	s26 =	simm.s32 $0xE80;
	[dreg:$0x15] =	wrdreg s20  }
0x15: {  	s10 =	sshrl.u32 s9, $0x1;
	s16 =	simm.s32 $0x400;
	[dreg:$0x17] =	wrdreg s22  }
0x16: {  	s17 =	simm.s32 $0x800;
	s20 =	simm.s32 $0x3;
	[dreg:$0x19] =	wrdreg s24  }
0x17: {  	s22 =	simm.s32 $0x1000;
	[dreg:$0x1a] =	wrdreg s25;
	s24 =	simm.s32 $0x1  }
0x18: {  	[dreg:$0x1b] =	wrdreg s26;
	s25 =	simm.s32 $0x2;
	s8 =	sadd.s32 s2, s7  }
0x19: {  	s7 =	sadd.s32 $0x10000, s0;
	s9 =	ssub.s32 s9, s10;
	s8 =	sshrl.u32 s8, $0x3  }
0x1a: {  	s10 =	simm.s32 $0x380;
	s0 =	sadd.s32 s8, s0;
	s8 =	smul.u32 $0x2800, s1  }
0x1b: {  	s26 =	simm.s32 $0x4;
	s2 =	sadd.s32 s2, s3;
	[dreg:$0xe] =	wrdreg s10  }
0x1c: {  	s15 =	smax.u32 s9, $0x1;
	s18 =	sshrl.u32 s2, $0x3;
	s19 =	sshrl.u32 s8, $0x3  }
0x1d: {  	s14 =	sadd.s32 $0x42000, s0;
	s0 =	simm.s32 $0x0;
	s21 =	sadd.s32 s6, s19  }
0x1e: {  	s23 =	sadd.s32 s7, s19;
	s12 =	sor.u32 $0x80, s19;
	[dreg:$0x1c] =	wrdreg s21  }
0x1f: {  	s19 =	simm.s32 $0x980;
	[dreg:$0x1d] =	wrdreg s23;
	s11 =	sadd.s32 s6, s12  }
0x20: {  	s12 =	sadd.s32 s7, s12;
	[dreg:$0x14] =	wrdreg s19;
	s21 =	simm.s32 $0xA00  }
0x21: {  	s19 =	simm.s32 $0x5;
	s23 =	simm.s32 $0xA80;
	[dreg:$0x16] =	wrdreg s21  }
0x22: {  	s21 =	simm.s32 $0x80;
	[dreg:$0x18] =	wrdreg s23;
	s23 =	simm.s32 $0x5000  }
.LBB2_1:
0x23: {  	s1 =	rddreg [dreg:$0x1c]  }
0x24: {  	[tilespmem:s4], [sflag:$0x3] =	stream.linear.gather [hbm4b:s1+s4], $0x400, $0x38;
	[tilespmem:$0x1D000] =	vst v63  }
0x25: {  	s10 =	rddreg [dreg:$0x1d]  }
0x26: {  	[tilespmem:s16], [sflag:$0x3] =	stream.linear.gather [hbm4b:s10+s4], $0x400, $0x38;
	[tilespmem:$0x1D000] =	vst v63  }
0x27: {  	_ = 	snop  }
0x28: {  	[tilespmem:s17], [sflag:$0x4] =	stream.linear.gather [hbm4b:s11+s4], $0x400, $0x38;
	[tilespmem:$0x1D000] =	vst v63  }
0x29: {  	s2 =	rddreg [dreg:$0x1]  }
0x2a: {  	[tilespmem:s28], [sflag:$0x4] =	stream.linear.gather [hbm4b:s12+s4], $0x400, $0x38;
	[tilespmem:$0x1D000] =	vst v63  }
0x2b: {  	[spmem:s18], [sflag:s13] =	dma.local [hbm:s2], $0x2800  }
0x2c: {  	_ =	swait.ge [sflag:s19], $0x2800  }
0x2d: {  	[sflag:s19] =	ssyncset.done $0x0  }
0x2e: {  	[sflag:s19] =	ssyncadd.s32 $0xFFFFD800  }
0x2f: {  	_ =	swait.ge [sflag:s20], $0x400  }
0x30: {  	[sflag:s20] =	ssyncset.done $0x0  }
0x31: {  	[sflag:s20] =	ssyncadd.s32 $0xFFFFFC00  }
0x32: {  	_ =	swait.ge [sflag:s20], $0x400  }
0x33: {  	[sflag:s20] =	ssyncset.done $0x0  }
0x34: {  	[sflag:s20] =	ssyncadd.s32 $0xFFFFFC00  }
0x35: {  	[tilespmem:s22], [sflag:$0x1] =	stream.indirect.gather [hbm4b:s5+s21], $0x80, s4, s21, $0xb8;
	[tilespmem:$0x1D000] =	vst v63  }
0x36: {  	_ = 	snop  }
0x37: {  	[tilespmem:s23], [sflag:$0x2] =	stream.indirect.gather [hbm4b:s5+s21], $0x80, s21, s21, $0xb8;
	[tilespmem:$0x1D000] =	vst v63  }
0x38: {  	[bflag:$0x0] =	sbarrier.arrive $0xFFFF  }
0x39: {  	_ =	swait.ge [sflag:s24], $0x4000  }
0x3a: {  	[sflag:s24] =	ssyncset.done $0x0  }
0x3b: {  	[sflag:s24] =	ssyncadd.s32 $0xFFFFC000  }
0x3c: {  	[spmem:s3] =	stream.indirect.scatter.add.f32 [tilespmem:s22], [sflag:$0x5], $0x80, s16, s21, $0xb8;
	[tilespmem:$0x1D000] =	vst v63  }
0x3d: {  	_ =	swait.ge [sflag:s19], $0x4000  }
0x3e: {  	[sflag:s19] =	ssyncset.done $0x0  }
0x3f: {  	s9 =	rddreg [dreg:$0x4];
	[sflag:s19] =	ssyncadd.s32 $0xFFFFC000  }
0x40: {  	[tilespmem:s22], [sflag:$0x1] =	stream.indirect.gather [hbm4b:s5+s21], $0x80, s9, s21, $0xb8;
	[tilespmem:$0x1D000] =	vst v63  }
0x41: {  	_ =	swait.ge [sflag:s25], $0x4000  }
0x42: {  	[sflag:s25] =	ssyncset.done $0x0  }
0x43: {  	s10 =	rddreg [dreg:$0x5];
	[sflag:s25] =	ssyncadd.s32 $0xFFFFC000  }
0x44: {  	[spmem:s3] =	stream.indirect.scatter.add.f32 [tilespmem:s23], [sflag:$0x5], $0x80, s10, s21, $0xb8;
	[tilespmem:$0x1D000] =	vst v63  }
0x45: {  	_ =	swait.ge [sflag:s19], $0x4000  }
0x46: {  	[sflag:s19] =	ssyncset.done $0x0  }
0x47: {  	s2 =	rddreg [dreg:$0x6];
	[sflag:s19] =	ssyncadd.s32 $0xFFFFC000  }
0x48: {  	[tilespmem:s23], [sflag:$0x2] =	stream.indirect.gather [hbm4b:s5+s21], $0x80, s2, s21, $0xb8;
	[tilespmem:$0x1D000] =	vst v63  }
0x49: {  	_ =	swait.ge [sflag:s24], $0x4000  }
0x4a: {  	[sflag:s24] =	ssyncset.done $0x0  }
0x4b: {  	s9 =	rddreg [dreg:$0x7];
	[sflag:s24] =	ssyncadd.s32 $0xFFFFC000  }
0x4c: {  	[spmem:s3] =	stream.indirect.scatter.add.f32 [tilespmem:s22], [sflag:$0x5], $0x80, s9, s21, $0xb8;
	[tilespmem:$0x1D000] =	vst v63  }
0x4d: {  	_ =	swait.ge [sflag:s19], $0x4000  }
0x4e: {  	[sflag:s19] =	ssyncset.done $0x0  }
0x4f: {  	s10 =	rddreg [dreg:$0x8];
	[sflag:s19] =	ssyncadd.s32 $0xFFFFC000  }
0x50: {  	[tilespmem:s22], [sflag:$0x1] =	stream.indirect.gather [hbm4b:s5+s21], $0x80, s10, s21, $0xb8;
	[tilespmem:$0x1D000] =	vst v63  }
0x51: {  	_ =	swait.ge [sflag:s25], $0x4000  }
0x52: {  	[sflag:s25] =	ssyncset.done $0x0  }
0x53: {  	s2 =	rddreg [dreg:$0x9];
	[sflag:s25] =	ssyncadd.s32 $0xFFFFC000  }
0x54: {  	[spmem:s3] =	stream.indirect.scatter.add.f32 [tilespmem:s23], [sflag:$0x5], $0x80, s2, s21, $0xb8;
	[tilespmem:$0x1D000] =	vst v63  }
0x55: {  	_ =	swait.ge [sflag:s19], $0x4000  }
0x56: {  	[sflag:s19] =	ssyncset.done $0x0  }
0x57: {  	s9 =	rddreg [dreg:$0xa];
	[sflag:s19] =	ssyncadd.s32 $0xFFFFC000  }
0x58: {  	[tilespmem:s23], [sflag:$0x2] =	stream.indirect.gather [hbm4b:s5+s21], $0x80, s9, s21, $0xb8;
	[tilespmem:$0x1D000] =	vst v63  }
0x59: {  	_ =	swait.ge [sflag:s24], $0x4000  }
0x5a: {  	[sflag:s24] =	ssyncset.done $0x0  }
0x5b: {  	s10 =	rddreg [dreg:$0xb];
	[sflag:s24] =	ssyncadd.s32 $0xFFFFC000  }
0x5c: {  	[spmem:s3] =	stream.indirect.scatter.add.f32 [tilespmem:s22], [sflag:$0x5], $0x80, s10, s21, $0xb8;
	[tilespmem:$0x1D000] =	vst v63  }
0x5d: {  	_ =	swait.ge [sflag:s19], $0x4000  }
0x5e: {  	[sflag:s19] =	ssyncset.done $0x0  }
0x5f: {  	s2 =	rddreg [dreg:$0xc];
	[sflag:s19] =	ssyncadd.s32 $0xFFFFC000  }
0x60: {  	[tilespmem:s22], [sflag:$0x1] =	stream.indirect.gather [hbm4b:s5+s21], $0x80, s2, s21, $0xb8;
	[tilespmem:$0x1D000] =	vst v63  }
0x61: {  	_ =	swait.ge [sflag:s25], $0x4000  }
0x62: {  	[sflag:s25] =	ssyncset.done $0x0  }
0x63: {  	s9 =	rddreg [dreg:$0xd];
	[sflag:s25] =	ssyncadd.s32 $0xFFFFC000  }
0x64: {  	[spmem:s3] =	stream.indirect.scatter.add.f32 [tilespmem:s23], [sflag:$0x5], $0x80, s9, s21, $0xb8;
	[tilespmem:$0x1D000] =	vst v63  }
0x65: {  	_ =	swait.ge [sflag:s19], $0x4000  }
0x66: {  	[sflag:s19] =	ssyncset.done $0x0  }
0x67: {  	s10 =	rddreg [dreg:$0xe];
	[sflag:s19] =	ssyncadd.s32 $0xFFFFC000  }
0x68: {  	[tilespmem:s23], [sflag:$0x2] =	stream.indirect.gather [hbm4b:s5+s21], $0x80, s10, s21, $0xb8;
	[tilespmem:$0x1D000] =	vst v63  }
0x69: {  	_ =	swait.ge [sflag:s24], $0x4000  }
0x6a: {  	[sflag:s24] =	ssyncset.done $0x0  }
0x6b: {  	s2 =	rddreg [dreg:$0xf];
	[sflag:s24] =	ssyncadd.s32 $0xFFFFC000  }
0x6c: {  	[spmem:s3] =	stream.indirect.scatter.add.f32 [tilespmem:s22], [sflag:$0x5], $0x80, s2, s21, $0xb8;
	[tilespmem:$0x1D000] =	vst v63  }
0x6d: {  	_ =	swait.ge [sflag:s19], $0x4000  }
0x6e: {  	[sflag:s19] =	ssyncset.done $0x0  }
0x6f: {  	[sflag:s19] =	ssyncadd.s32 $0xFFFFC000  }
0x70: {  	_ =	swait.ge [sflag:s26], $0x400  }
0x71: {  	[sflag:s26] =	ssyncset.done $0x0  }
0x72: {  	[sflag:s26] =	ssyncadd.s32 $0xFFFFFC00  }
0x73: {  	_ =	swait.ge [sflag:s26], $0x400  }
0x74: {  	[sflag:s26] =	ssyncset.done $0x0  }
0x75: {  	[sflag:s26] =	ssyncadd.s32 $0xFFFFFC00  }
0x76: {  	[tilespmem:s22], [sflag:$0x1] =	stream.indirect.gather [hbm4b:s5+s21], $0x80, s17, s21, $0xb8;
	[tilespmem:$0x1D000] =	vst v63  }
0x77: {  	_ =	swait.ge [sflag:s25], $0x4000  }
0x78: {  	p0 =	por $0x0, $0x0;
	[sflag:s25] =	ssyncset.done $0x0  }
0x79: {  	s1 =	simm.s32 $0x800;
	s9 =	rddreg [dreg:$0x10];
	[sflag:s25] =	ssyncadd.s32 $0xFFFFC000  }
0x7a: {  	[spmem:s3] =	stream.indirect.scatter.add.f32 [tilespmem:s23], [sflag:$0x5], $0x80, s9, s21, $0xb8;
	[tilespmem:$0x1D000] =	vst v63  }
0x7b: {  	s1 =	simm.s32 @p0 $0x4;
	_ =	swait.ge [sflag:s19], $0x4000  }
0x7c: {  	s1 =	sadd.s32 s8, s1;
	[sflag:s19] =	ssyncset.done $0x0  }
0x7d: {  	s1 =	sshrl.u32 s1, $0x3;
	s2 =	rddreg [dreg:$0x11];
	[sflag:s19] =	ssyncadd.s32 $0xFFFFC000  }
0x7e: {  	[tilespmem:s23], [sflag:$0x2] =	stream.indirect.gather [hbm4b:s5+s21], $0x80, s2, s21, $0xb8;
	[tilespmem:$0x1D000] =	vst v63  }
0x7f: {  	s10 =	sadd.s32 s6, s1  }
0x80: {  	[tilespmem:s4], [sflag:$0x3] =	stream.linear.gather [hbm4b:s10+s4], $0x400, $0x38;
	[tilespmem:$0x1D000] =	vst v63  }
0x81: {  	s1 =	sadd.s32 s7, s1  }
0x82: {  	[tilespmem:s16], [sflag:$0x3] =	stream.linear.gather [hbm4b:s1+s4], $0x400, $0x38;
	[tilespmem:$0x1D000] =	vst v63  }
0x83: {  	_ =	swait.ge [sflag:s24], $0x4000  }
0x84: {  	[sflag:s24] =	ssyncset.done $0x0  }
0x85: {  	[sflag:s24] =	ssyncadd.s32 $0xFFFFC000  }
0x86: {  	[spmem:s3] =	stream.indirect.scatter.add.f32 [tilespmem:s22], [sflag:$0x5], $0x80, s28, s21, $0xb8;
	[tilespmem:$0x1D000] =	vst v63  }
0x87: {  	_ =	swait.ge [sflag:s19], $0x4000  }
0x88: {  	[sflag:s19] =	ssyncset.done $0x0  }
0x89: {  	s9 =	rddreg [dreg:$0x12];
	[sflag:s19] =	ssyncadd.s32 $0xFFFFC000  }
0x8a: {  	[tilespmem:s22], [sflag:$0x1] =	stream.indirect.gather [hbm4b:s5+s21], $0x80, s9, s21, $0xb8;
	[tilespmem:$0x1D000] =	vst v63  }
0x8b: {  	_ =	swait.ge [sflag:s25], $0x4000  }
0x8c: {  	[sflag:s25] =	ssyncset.done $0x0  }
0x8d: {  	s10 =	rddreg [dreg:$0x13];
	[sflag:s25] =	ssyncadd.s32 $0xFFFFC000  }
0x8e: {  	[spmem:s3] =	stream.indirect.scatter.add.f32 [tilespmem:s23], [sflag:$0x5], $0x80, s10, s21, $0xb8;
	[tilespmem:$0x1D000] =	vst v63  }
0x8f: {  	_ =	swait.ge [sflag:s19], $0x4000  }
0x90: {  	[sflag:s19] =	ssyncset.done $0x0  }
0x91: {  	s2 =	rddreg [dreg:$0x14];
	[sflag:s19] =	ssyncadd.s32 $0xFFFFC000  }
0x92: {  	[tilespmem:s23], [sflag:$0x2] =	stream.indirect.gather [hbm4b:s5+s21], $0x80, s2, s21, $0xb8;
	[tilespmem:$0x1D000] =	vst v63  }
0x93: {  	_ =	swait.ge [sflag:s24], $0x4000  }
0x94: {  	[sflag:s24] =	ssyncset.done $0x0  }
0x95: {  	s9 =	rddreg [dreg:$0x15];
	[sflag:s24] =	ssyncadd.s32 $0xFFFFC000  }
0x96: {  	[spmem:s3] =	stream.indirect.scatter.add.f32 [tilespmem:s22], [sflag:$0x5], $0x80, s9, s21, $0xb8;
	[tilespmem:$0x1D000] =	vst v63  }
0x97: {  	_ =	swait.ge [sflag:s19], $0x4000  }
0x98: {  	[sflag:s19] =	ssyncset.done $0x0  }
0x99: {  	s10 =	rddreg [dreg:$0x16];
	[sflag:s19] =	ssyncadd.s32 $0xFFFFC000  }
0x9a: {  	[tilespmem:s22], [sflag:$0x1] =	stream.indirect.gather [hbm4b:s5+s21], $0x80, s10, s21, $0xb8;
	[tilespmem:$0x1D000] =	vst v63  }
0x9b: {  	_ =	swait.ge [sflag:s25], $0x4000  }
0x9c: {  	[sflag:s25] =	ssyncset.done $0x0  }
0x9d: {  	s2 =	rddreg [dreg:$0x17];
	[sflag:s25] =	ssyncadd.s32 $0xFFFFC000  }
0x9e: {  	[spmem:s3] =	stream.indirect.scatter.add.f32 [tilespmem:s23], [sflag:$0x5], $0x80, s2, s21, $0xb8;
	[tilespmem:$0x1D000] =	vst v63  }
0x9f: {  	_ =	swait.ge [sflag:s19], $0x4000  }
0xa0: {  	[sflag:s19] =	ssyncset.done $0x0  }
0xa1: {  	s9 =	rddreg [dreg:$0x18];
	[sflag:s19] =	ssyncadd.s32 $0xFFFFC000  }
0xa2: {  	[tilespmem:s23], [sflag:$0x2] =	stream.indirect.gather [hbm4b:s5+s21], $0x80, s9, s21, $0xb8;
	[tilespmem:$0x1D000] =	vst v63  }
0xa3: {  	_ =	swait.ge [sflag:s24], $0x4000  }
0xa4: {  	[sflag:s24] =	ssyncset.done $0x0  }
0xa5: {  	s10 =	rddreg [dreg:$0x19];
	[sflag:s24] =	ssyncadd.s32 $0xFFFFC000  }
0xa6: {  	[spmem:s3] =	stream.indirect.scatter.add.f32 [tilespmem:s22], [sflag:$0x5], $0x80, s10, s21, $0xb8;
	[tilespmem:$0x1D000] =	vst v63  }
0xa7: {  	_ =	swait.ge [sflag:s19], $0x4000  }
0xa8: {  	[sflag:s19] =	ssyncset.done $0x0  }
0xa9: {  	s2 =	rddreg [dreg:$0x1a];
	[sflag:s19] =	ssyncadd.s32 $0xFFFFC000  }
0xaa: {  	[tilespmem:s22], [sflag:$0x1] =	stream.indirect.gather [hbm4b:s5+s21], $0x80, s2, s21, $0xb8;
	[tilespmem:$0x1D000] =	vst v63  }
0xab: {  	_ =	swait.ge [sflag:s25], $0x4000  }
0xac: {  	[sflag:s25] =	ssyncset.done $0x0  }
0xad: {  	s9 =	rddreg [dreg:$0x1b];
	[sflag:s25] =	ssyncadd.s32 $0xFFFFC000  }
0xae: {  	[spmem:s3] =	stream.indirect.scatter.add.f32 [tilespmem:s23], [sflag:$0x5], $0x80, s9, s21, $0xb8;
	[tilespmem:$0x1D000] =	vst v63  }
0xaf: {  	_ =	swait.ge [sflag:s19], $0x4000  }
0xb0: {  	[sflag:s19] =	ssyncset.done $0x0  }
0xb1: {  	[sflag:s19] =	ssyncadd.s32 $0xFFFFC000  }
0xb2: {  	[tilespmem:s23], [sflag:$0x2] =	stream.indirect.gather [hbm4b:s5+s21], $0x80, s29, s21, $0xb8;
	[tilespmem:$0x1D000] =	vst v63  }
0xb3: {  	_ =	swait.ge [sflag:s24], $0x4000  }
0xb4: {  	[sflag:s24] =	ssyncset.done $0x0  }
0xb5: {  	[sflag:s24] =	ssyncadd.s32 $0xFFFFC000  }
0xb6: {  	[spmem:s3] =	stream.indirect.scatter.add.f32 [tilespmem:s22], [sflag:$0x5], $0x80, s30, s21, $0xb8;
	[tilespmem:$0x1D000] =	vst v63  }
0xb7: {  	_ =	swait.ge [sflag:s19], $0x4000  }
0xb8: {  	[sflag:s19] =	ssyncset.done $0x0  }
0xb9: {  	[sflag:s19] =	ssyncadd.s32 $0xFFFFC000  }
0xba: {  	_ =	swait.ge [sflag:s20], $0x400  }
0xbb: {  	[sflag:s20] =	ssyncset.done $0x0  }
0xbc: {  	[sflag:s20] =	ssyncadd.s32 $0xFFFFFC00  }
0xbd: {  	_ =	swait.ge [sflag:s20], $0x400  }
0xbe: {  	[sflag:s20] =	ssyncset.done $0x0  }
0xbf: {  	[sflag:s20] =	ssyncadd.s32 $0xFFFFFC00  }
0xc0: {  	[tilespmem:s22], [sflag:$0x1] =	stream.indirect.gather [hbm4b:s5+s21], $0x80, s4, s21, $0xb8;
	[tilespmem:$0x1D000] =	vst v63  }
0xc1: {  	_ =	swait.ge [sflag:s25], $0x4000  }
0xc2: {  	[sflag:s25] =	ssyncset.done $0x0  }
0xc3: {  	s1 =	simm.s32 $0xC00;
	[sflag:s25] =	ssyncadd.s32 $0xFFFFC000  }
0xc4: {  	[spmem:s3] =	stream.indirect.scatter.add.f32 [tilespmem:s23], [sflag:$0x5], $0x80, s31, s21, $0xb8;
	[tilespmem:$0x1D000] =	vst v63  }
0xc5: {  	s1 =	simm.s32 @p0 $0x400;
	_ =	swait.ge [sflag:s19], $0x4000  }
0xc6: {  	s1 =	sadd.s32 s8, s1;
	[sflag:s19] =	ssyncset.done $0x0  }
0xc7: {  	s10 =	sshrl.u32 s1, $0x3;
	[sflag:s19] =	ssyncadd.s32 $0xFFFFC000  }
0xc8: {  	[tilespmem:s23], [sflag:$0x2] =	stream.indirect.gather [hbm4b:s5+s21], $0x80, s21, s21, $0xb8;
	[tilespmem:$0x1D000] =	vst v63  }
0xc9: {  	s1 =	sadd.s32 s6, s10  }
0xca: {  	[tilespmem:s17], [sflag:$0x4] =	stream.linear.gather [hbm4b:s1+s4], $0x400, $0x38;
	[tilespmem:$0x1D000] =	vst v63  }
0xcb: {  	s9 =	sadd.s32 s7, s10;
	s1 =	simm.s32 $0x1400  }
.LBB2_2:
0xcc: {  	[tilespmem:s28], [sflag:$0x4] =	stream.linear.gather [hbm4b:s9+s4], $0x400, $0x38;
	[tilespmem:$0x1D000] =	vst v63  }
0xcd: {  	_ =	swait.ge [sflag:s24], $0x4000  }
0xce: {  	[sflag:s24] =	ssyncset.done $0x0  }
0xcf: {  	[sflag:s24] =	ssyncadd.s32 $0xFFFFC000  }
0xd0: {  	[spmem:s3] =	stream.indirect.scatter.add.f32 [tilespmem:s22], [sflag:$0x5], $0x80, s16, s21, $0xb8;
	[tilespmem:$0x1D000] =	vst v63  }
0xd1: {  	_ =	swait.ge [sflag:s19], $0x4000  }
0xd2: {  	[sflag:s19] =	ssyncset.done $0x0  }
0xd3: {  	s10 =	rddreg [dreg:$0x4];
	[sflag:s19] =	ssyncadd.s32 $0xFFFFC000  }
0xd4: {  	[tilespmem:s22], [sflag:$0x1] =	stream.indirect.gather [hbm4b:s5+s21], $0x80, s10, s21, $0xb8;
	[tilespmem:$0x1D000] =	vst v63  }
0xd5: {  	_ =	swait.ge [sflag:s25], $0x4000  }
0xd6: {  	[sflag:s25] =	ssyncset.done $0x0  }
0xd7: {  	s10 =	rddreg [dreg:$0x5];
	[sflag:s25] =	ssyncadd.s32 $0xFFFFC000  }
0xd8: {  	[spmem:s3] =	stream.indirect.scatter.add.f32 [tilespmem:s23], [sflag:$0x5], $0x80, s10, s21, $0xb8;
	[tilespmem:$0x1D000] =	vst v63  }
0xd9: {  	_ =	swait.ge [sflag:s19], $0x4000  }
0xda: {  	[sflag:s19] =	ssyncset.done $0x0  }
0xdb: {  	s10 =	rddreg [dreg:$0x6];
	[sflag:s19] =	ssyncadd.s32 $0xFFFFC000  }
0xdc: {  	[tilespmem:s23], [sflag:$0x2] =	stream.indirect.gather [hbm4b:s5+s21], $0x80, s10, s21, $0xb8;
	[tilespmem:$0x1D000] =	vst v63  }
0xdd: {  	_ =	swait.ge [sflag:s24], $0x4000  }
0xde: {  	[sflag:s24] =	ssyncset.done $0x0  }
0xdf: {  	s10 =	rddreg [dreg:$0x7];
	[sflag:s24] =	ssyncadd.s32 $0xFFFFC000  }
0xe0: {  	[spmem:s3] =	stream.indirect.scatter.add.f32 [tilespmem:s22], [sflag:$0x5], $0x80, s10, s21, $0xb8;
	[tilespmem:$0x1D000] =	vst v63  }
0xe1: {  	_ =	swait.ge [sflag:s19], $0x4000  }
0xe2: {  	[sflag:s19] =	ssyncset.done $0x0  }
0xe3: {  	s10 =	rddreg [dreg:$0x8];
	[sflag:s19] =	ssyncadd.s32 $0xFFFFC000  }
0xe4: {  	[tilespmem:s22], [sflag:$0x1] =	stream.indirect.gather [hbm4b:s5+s21], $0x80, s10, s21, $0xb8;
	[tilespmem:$0x1D000] =	vst v63  }
0xe5: {  	_ =	swait.ge [sflag:s25], $0x4000  }
0xe6: {  	[sflag:s25] =	ssyncset.done $0x0  }
0xe7: {  	s10 =	rddreg [dreg:$0x9];
	[sflag:s25] =	ssyncadd.s32 $0xFFFFC000  }
0xe8: {  	[spmem:s3] =	stream.indirect.scatter.add.f32 [tilespmem:s23], [sflag:$0x5], $0x80, s10, s21, $0xb8;
	[tilespmem:$0x1D000] =	vst v63  }
0xe9: {  	_ =	swait.ge [sflag:s19], $0x4000  }
0xea: {  	[sflag:s19] =	ssyncset.done $0x0  }
0xeb: {  	s10 =	rddreg [dreg:$0xa];
	[sflag:s19] =	ssyncadd.s32 $0xFFFFC000  }
0xec: {  	[tilespmem:s23], [sflag:$0x2] =	stream.indirect.gather [hbm4b:s5+s21], $0x80, s10, s21, $0xb8;
	[tilespmem:$0x1D000] =	vst v63  }
0xed: {  	_ =	swait.ge [sflag:s24], $0x4000  }
0xee: {  	[sflag:s24] =	ssyncset.done $0x0  }
0xef: {  	s10 =	rddreg [dreg:$0xb];
	[sflag:s24] =	ssyncadd.s32 $0xFFFFC000  }
0xf0: {  	[spmem:s3] =	stream.indirect.scatter.add.f32 [tilespmem:s22], [sflag:$0x5], $0x80, s10, s21, $0xb8;
	[tilespmem:$0x1D000] =	vst v63  }
0xf1: {  	_ =	swait.ge [sflag:s19], $0x4000  }
0xf2: {  	[sflag:s19] =	ssyncset.done $0x0  }
0xf3: {  	s10 =	rddreg [dreg:$0xc];
	[sflag:s19] =	ssyncadd.s32 $0xFFFFC000  }
0xf4: {  	[tilespmem:s22], [sflag:$0x1] =	stream.indirect.gather [hbm4b:s5+s21], $0x80, s10, s21, $0xb8;
	[tilespmem:$0x1D000] =	vst v63  }
0xf5: {  	_ =	swait.ge [sflag:s25], $0x4000  }
0xf6: {  	[sflag:s25] =	ssyncset.done $0x0  }
0xf7: {  	s10 =	rddreg [dreg:$0xd];
	[sflag:s25] =	ssyncadd.s32 $0xFFFFC000  }
0xf8: {  	[spmem:s3] =	stream.indirect.scatter.add.f32 [tilespmem:s23], [sflag:$0x5], $0x80, s10, s21, $0xb8;
	[tilespmem:$0x1D000] =	vst v63  }
0xf9: {  	_ =	swait.ge [sflag:s19], $0x4000  }
0xfa: {  	[sflag:s19] =	ssyncset.done $0x0  }
0xfb: {  	s10 =	rddreg [dreg:$0xe];
	[sflag:s19] =	ssyncadd.s32 $0xFFFFC000  }
0xfc: {  	[tilespmem:s23], [sflag:$0x2] =	stream.indirect.gather [hbm4b:s5+s21], $0x80, s10, s21, $0xb8;
	[tilespmem:$0x1D000] =	vst v63  }
0xfd: {  	_ =	swait.ge [sflag:s24], $0x4000  }
0xfe: {  	[sflag:s24] =	ssyncset.done $0x0  }
0xff: {  	s10 =	rddreg [dreg:$0xf];
	[sflag:s24] =	ssyncadd.s32 $0xFFFFC000  }
0x100: {  	[spmem:s3] =	stream.indirect.scatter.add.f32 [tilespmem:s22], [sflag:$0x5], $0x80, s10, s21, $0xb8;
	[tilespmem:$0x1D000] =	vst v63  }
0x101: {  	_ =	swait.ge [sflag:s19], $0x4000  }
0x102: {  	[sflag:s19] =	ssyncset.done $0x0  }
0x103: {  	[sflag:s19] =	ssyncadd.s32 $0xFFFFC000  }
0x104: {  	_ =	swait.ge [sflag:s26], $0x400  }
0x105: {  	[sflag:s26] =	ssyncset.done $0x0  }
0x106: {  	[sflag:s26] =	ssyncadd.s32 $0xFFFFFC00  }
0x107: {  	_ =	swait.ge [sflag:s26], $0x400  }
0x108: {  	[sflag:s26] =	ssyncset.done $0x0  }
0x109: {  	[sflag:s26] =	ssyncadd.s32 $0xFFFFFC00  }
0x10a: {  	[tilespmem:s22], [sflag:$0x1] =	stream.indirect.gather [hbm4b:s5+s21], $0x80, s17, s21, $0xb8;
	[tilespmem:$0x1D000] =	vst v63  }
0x10b: {  	s2 =	smov.u32 s1;
	_ =	swait.ge [sflag:s25], $0x4000  }
0x10c: {  	p1 =	seq.s32 s2, $0x2C00;
	[sflag:s25] =	ssyncset.done $0x0  }
0x10d: {  	s9 =	sadd.s32 $0xFFFFFC00, s2;
	s10 =	rddreg [dreg:$0x10];
	[sflag:s25] =	ssyncadd.s32 $0xFFFFC000  }
0x10e: {  	[spmem:s3] =	stream.indirect.scatter.add.f32 [tilespmem:s23], [sflag:$0x5], $0x80, s10, s21, $0xb8;
	[tilespmem:$0x1D000] =	vst v63  }
0x10f: {  	s9 =	simm.s32 @p1 $0x4;
	_ =	swait.ge [sflag:s19], $0x4000  }
0x110: {  	s9 =	sadd.s32 s8, s9;
	[sflag:s19] =	ssyncset.done $0x0  }
0x111: {  	s9 =	sshrl.u32 s9, $0x3;
	s10 =	rddreg [dreg:$0x11];
	[sflag:s19] =	ssyncadd.s32 $0xFFFFC000  }
0x112: {  	[tilespmem:s23], [sflag:$0x2] =	stream.indirect.gather [hbm4b:s5+s21], $0x80, s10, s21, $0xb8;
	[tilespmem:$0x1D000] =	vst v63  }
0x113: {  	s10 =	sadd.s32 s6, s9  }
0x114: {  	[tilespmem:s4], [sflag:$0x3] =	stream.linear.gather [hbm4b:s10+s4], $0x400, $0x38;
	[tilespmem:$0x1D000] =	vst v63  }
0x115: {  	s9 =	sadd.s32 s7, s9  }
0x116: {  	[tilespmem:s16], [sflag:$0x3] =	stream.linear.gather [hbm4b:s9+s4], $0x400, $0x38;
	[tilespmem:$0x1D000] =	vst v63  }
0x117: {  	_ =	swait.ge [sflag:s24], $0x4000  }
0x118: {  	[sflag:s24] =	ssyncset.done $0x0  }
0x119: {  	[sflag:s24] =	ssyncadd.s32 $0xFFFFC000  }
0x11a: {  	[spmem:s3] =	stream.indirect.scatter.add.f32 [tilespmem:s22], [sflag:$0x5], $0x80, s28, s21, $0xb8;
	[tilespmem:$0x1D000] =	vst v63  }
0x11b: {  	_ =	swait.ge [sflag:s19], $0x4000  }
0x11c: {  	[sflag:s19] =	ssyncset.done $0x0  }
0x11d: {  	s10 =	rddreg [dreg:$0x12];
	[sflag:s19] =	ssyncadd.s32 $0xFFFFC000  }
0x11e: {  	[tilespmem:s22], [sflag:$0x1] =	stream.indirect.gather [hbm4b:s5+s21], $0x80, s10, s21, $0xb8;
	[tilespmem:$0x1D000] =	vst v63  }
0x11f: {  	_ =	swait.ge [sflag:s25], $0x4000  }
0x120: {  	[sflag:s25] =	ssyncset.done $0x0  }
0x121: {  	s10 =	rddreg [dreg:$0x13];
	[sflag:s25] =	ssyncadd.s32 $0xFFFFC000  }
0x122: {  	[spmem:s3] =	stream.indirect.scatter.add.f32 [tilespmem:s23], [sflag:$0x5], $0x80, s10, s21, $0xb8;
	[tilespmem:$0x1D000] =	vst v63  }
0x123: {  	_ =	swait.ge [sflag:s19], $0x4000  }
0x124: {  	[sflag:s19] =	ssyncset.done $0x0  }
0x125: {  	s10 =	rddreg [dreg:$0x14];
	[sflag:s19] =	ssyncadd.s32 $0xFFFFC000  }
0x126: {  	[tilespmem:s23], [sflag:$0x2] =	stream.indirect.gather [hbm4b:s5+s21], $0x80, s10, s21, $0xb8;
	[tilespmem:$0x1D000] =	vst v63  }
0x127: {  	_ =	swait.ge [sflag:s24], $0x4000  }
0x128: {  	[sflag:s24] =	ssyncset.done $0x0  }
0x129: {  	s10 =	rddreg [dreg:$0x15];
	[sflag:s24] =	ssyncadd.s32 $0xFFFFC000  }
0x12a: {  	[spmem:s3] =	stream.indirect.scatter.add.f32 [tilespmem:s22], [sflag:$0x5], $0x80, s10, s21, $0xb8;
	[tilespmem:$0x1D000] =	vst v63  }
0x12b: {  	_ =	swait.ge [sflag:s19], $0x4000  }
0x12c: {  	[sflag:s19] =	ssyncset.done $0x0  }
0x12d: {  	s10 =	rddreg [dreg:$0x16];
	[sflag:s19] =	ssyncadd.s32 $0xFFFFC000  }
0x12e: {  	[tilespmem:s22], [sflag:$0x1] =	stream.indirect.gather [hbm4b:s5+s21], $0x80, s10, s21, $0xb8;
	[tilespmem:$0x1D000] =	vst v63  }
0x12f: {  	_ =	swait.ge [sflag:s25], $0x4000  }
0x130: {  	[sflag:s25] =	ssyncset.done $0x0  }
0x131: {  	s10 =	rddreg [dreg:$0x17];
	[sflag:s25] =	ssyncadd.s32 $0xFFFFC000  }
0x132: {  	[spmem:s3] =	stream.indirect.scatter.add.f32 [tilespmem:s23], [sflag:$0x5], $0x80, s10, s21, $0xb8;
	[tilespmem:$0x1D000] =	vst v63  }
0x133: {  	_ =	swait.ge [sflag:s19], $0x4000  }
0x134: {  	[sflag:s19] =	ssyncset.done $0x0  }
0x135: {  	s10 =	rddreg [dreg:$0x18];
	[sflag:s19] =	ssyncadd.s32 $0xFFFFC000  }
0x136: {  	[tilespmem:s23], [sflag:$0x2] =	stream.indirect.gather [hbm4b:s5+s21], $0x80, s10, s21, $0xb8;
	[tilespmem:$0x1D000] =	vst v63  }
0x137: {  	_ =	swait.ge [sflag:s24], $0x4000  }
0x138: {  	[sflag:s24] =	ssyncset.done $0x0  }
0x139: {  	s10 =	rddreg [dreg:$0x19];
	[sflag:s24] =	ssyncadd.s32 $0xFFFFC000  }
0x13a: {  	[spmem:s3] =	stream.indirect.scatter.add.f32 [tilespmem:s22], [sflag:$0x5], $0x80, s10, s21, $0xb8;
	[tilespmem:$0x1D000] =	vst v63  }
0x13b: {  	_ =	swait.ge [sflag:s19], $0x4000  }
0x13c: {  	[sflag:s19] =	ssyncset.done $0x0  }
0x13d: {  	s10 =	rddreg [dreg:$0x1a];
	[sflag:s19] =	ssyncadd.s32 $0xFFFFC000  }
0x13e: {  	[tilespmem:s22], [sflag:$0x1] =	stream.indirect.gather [hbm4b:s5+s21], $0x80, s10, s21, $0xb8;
	[tilespmem:$0x1D000] =	vst v63  }
0x13f: {  	_ =	swait.ge [sflag:s25], $0x4000  }
0x140: {  	[sflag:s25] =	ssyncset.done $0x0  }
0x141: {  	s10 =	rddreg [dreg:$0x1b];
	[sflag:s25] =	ssyncadd.s32 $0xFFFFC000  }
0x142: {  	[spmem:s3] =	stream.indirect.scatter.add.f32 [tilespmem:s23], [sflag:$0x5], $0x80, s10, s21, $0xb8;
	[tilespmem:$0x1D000] =	vst v63  }
0x143: {  	_ =	swait.ge [sflag:s19], $0x4000  }
0x144: {  	[sflag:s19] =	ssyncset.done $0x0  }
0x145: {  	[sflag:s19] =	ssyncadd.s32 $0xFFFFC000  }
0x146: {  	[tilespmem:s23], [sflag:$0x2] =	stream.indirect.gather [hbm4b:s5+s21], $0x80, s29, s21, $0xb8;
	[tilespmem:$0x1D000] =	vst v63  }
0x147: {  	_ =	swait.ge [sflag:s24], $0x4000  }
0x148: {  	[sflag:s24] =	ssyncset.done $0x0  }
0x149: {  	[sflag:s24] =	ssyncadd.s32 $0xFFFFC000  }
0x14a: {  	[spmem:s3] =	stream.indirect.scatter.add.f32 [tilespmem:s22], [sflag:$0x5], $0x80, s30, s21, $0xb8;
	[tilespmem:$0x1D000] =	vst v63  }
0x14b: {  	_ =	swait.ge [sflag:s19], $0x4000  }
0x14c: {  	[sflag:s19] =	ssyncset.done $0x0  }
0x14d: {  	[sflag:s19] =	ssyncadd.s32 $0xFFFFC000  }
0x14e: {  	_ =	swait.ge [sflag:s20], $0x400  }
0x14f: {  	[sflag:s20] =	ssyncset.done $0x0  }
0x150: {  	[sflag:s20] =	ssyncadd.s32 $0xFFFFFC00  }
0x151: {  	_ =	swait.ge [sflag:s20], $0x400  }
0x152: {  	[sflag:s20] =	ssyncset.done $0x0  }
0x153: {  	[sflag:s20] =	ssyncadd.s32 $0xFFFFFC00  }
0x154: {  	[tilespmem:s22], [sflag:$0x1] =	stream.indirect.gather [hbm4b:s5+s21], $0x80, s4, s21, $0xb8;
	[tilespmem:$0x1D000] =	vst v63  }
0x155: {  	_ =	swait.ge [sflag:s25], $0x4000  }
0x156: {  	[sflag:s25] =	ssyncset.done $0x0  }
0x157: {  	[sflag:s25] =	ssyncadd.s32 $0xFFFFC000  }
0x158: {  	[spmem:s3] =	stream.indirect.scatter.add.f32 [tilespmem:s23], [sflag:$0x5], $0x80, s31, s21, $0xb8;
	[tilespmem:$0x1D000] =	vst v63  }
0x159: {  	p0 =	sne.s32 s1, $0x2C00;
	s2 =	simm.s32 @p1 $0x400;
	_ =	swait.ge [sflag:s19], $0x4000  }
.Ltmp0:
0x15a: {  	s2 =	sadd.s32 s8, s2;
	[sflag:s19] =	ssyncset.done $0x0;
	(pc) =	sbr.rel @p0 .LBB2_2-.Ltmp0, $4  }
0x15b: {  	s2 =	sshrl.u32 s2, $0x3;
	[sflag:s19] =	ssyncadd.s32 $0xFFFFC000  }
0x15c: {  	[tilespmem:s23], [sflag:$0x2] =	stream.indirect.gather [hbm4b:s5+s21], $0x80, s21, s21, $0xb8;
	[tilespmem:$0x1D000] =	vst v63  }
0x15d: {  	s1 =	sadd.s32 $0x800, s1;
	s9 =	sadd.s32 s7, s2;
	s10 =	sadd.s32 s6, s2  }
0x15e: {  	[tilespmem:s17], [sflag:$0x4] =	stream.linear.gather [hbm4b:s10+s4], $0x400, $0x38;
	[tilespmem:$0x1D000] =	vst v63  }
0x15f: {  	[tilespmem:s28], [sflag:$0x4] =	stream.linear.gather [hbm4b:s9+s4], $0x400, $0x38;
	[tilespmem:$0x1D000] =	vst v63  }
0x160: {  	_ =	swait.ge [sflag:s24], $0x4000  }
0x161: {  	[sflag:s24] =	ssyncset.done $0x0  }
0x162: {  	[sflag:s24] =	ssyncadd.s32 $0xFFFFC000  }
0x163: {  	_ =	swait.ge [sflag:s25], $0x4000  }
0x164: {  	[sflag:s25] =	ssyncset.done $0x0  }
0x165: {  	[sflag:s25] =	ssyncadd.s32 $0xFFFFC000  }
0x166: {  	_ =	swait.ge [sflag:s26], $0x400  }
0x167: {  	[sflag:s26] =	ssyncset.done $0x0  }
0x168: {  	[sflag:s26] =	ssyncadd.s32 $0xFFFFFC00  }
0x169: {  	_ =	swait.ge [sflag:s26], $0x400  }
0x16a: {  	s0 =	sadd.s32 $0x1, s0;
	[sflag:s26] =	ssyncset.done $0x0  }
0x16b: {  	p0 =	sne.s32 s0, s15;
	[sflag:s26] =	ssyncadd.s32 $0xFFFFFC00  }
.Ltmp1:
0x16c: {  	[bflag:$0x0] =	sbarrier.arrive $0xFFFF;
	(pc) =	sbr.rel @p0 .LBB2_1-.Ltmp1, $4  }
0x16d: {  	[hbm:s14], [sflag:s13] =	dma.local [spmem:s18], $0x2800  }
0x16e: {  	_ =	swait.ge [sflag:s19], $0x2800  }
0x16f: {  	[sflag:s19] =	ssyncset.done $0x0  }
0x170: {  	[sflag:s19] =	ssyncadd.s32 $0xFFFFD800  }
0x171: {  	_ =	sfence.sel $0x180000  }
0x172: {  	[bflag:$0x0] =	sbarrier.arrive $0xFFFF  }
0x173: {  	_ =	strace $0x9000004A  }
0x174: {  	s0 =	stileid.u32;
	[bflag:$0x2] =	sbarrier.arrive $0xFFFF  }
0x175: {  	p0 =	sne.s32 s0, $0x0;
	s0 =	rddreg [dreg:$0x3]  }
0x176: {  	s0 =	sadd.s32 @!p0 $0x100000, s0  }
0x177: {  	[sflag:s0] =	ssyncadd.tile.s32 @!p0 $0x1;
	_ =	shalt  }
.Lfunc_end2:
_tile_overlayer_lowered:
.L_overlay_start_2:
0x178: {  	(tag) =	ssettag $0x2  }
0x179: {  	s0 =	rddreg [dreg:$0x0];
	s2 =	stileid.u32  }
0x17a: {  	s1 =	rddreg [dreg:$0x1];
	p0 =	sne.s32 s2, $0x0  }
0x17b: {  	s3 =	rddreg [dreg:$0x2];
	[bflag:$0x3] =	sbarrier.arrive $0xFFFF;
	s2 =	simm.s32 @!p0 $0x1C05  }
0x17c: {  	[timem:s3], [sflag:s2] =	dma.local @!p0 [hbm:s0], s1  }
0x17d: {  	s0 =	simm.s32 @!p0 $0x5  }
0x17e: {  	_ =	swait.ge @!p0 [sflag:s0], s1  }
0x17f: {  	s1 =	ssub.s32 @!p0 $0x0, s1;
	[sflag:s0] =	ssyncset.done @!p0 $0x0  }
0x180: {  	[sflag:s0] =	ssyncadd.s32 @!p0 s1  }
0x181: {  	[bflag:$0x3] =	sbarrier.arrive $0xFFFF  }
0x182: {  	_ =	shalt  }

// kernel: kernel.20.cloned.1.call-start
scs
__scs_entry_jumppad:
0x0: {  	(pc) =	sbr.rel $0x88, $3  }
0x1: {  	(tag) =	ssettag $0x0;
	lr =	simm.s32 $0x1  }
0x2: {  	[smem:$0x3F8A] =	sst lr;
	_ =	strace $0xD0000000  }
0x3: {  	_ = 	snop  }
0x4: {  	_ = 	snop  }
0x5: {  	_ = 	snop  }
0x6: {  	_ = 	snop  }
0x7: {  	_ = 	snop  }
__scs_overlays_trampoline_lowered:
0x8: {  	[smem:$0x3F99] =	sst s0  }
0x9: {  	[smem:$0x3F9A] =	sst s1  }
0xa: {  	[smem:$0x3F9B] =	sst s2  }
0xb: {  	[smem:$0x3F9C] =	sst s3  }
0xc: {  	[smem:$0x3F9D] =	sst s4  }
0xd: {  	[smem:$0x3F9E] =	sst s5  }
0xe: {  	[smem:$0x3F9F] =	sst s6  }
0xf: {  	[smem:$0x3FA0] =	sst s7  }
0x10: {  	[smem:$0x3FA1] =	sst s8  }
0x11: {  	[smem:$0x3FA2] =	sst s9;
	s0 =	simm.s32 @!p0 $0x0  }
0x12: {  	s1 =	sld [smem:$0x3F88];
	s0 =	simm.s32 @p0 $0x1  }
0x13: {  	[smem:$0x3FA3] =	sst s0;
	s0 =	simm.s32 @!p1 $0x0  }
0x14: {  	s2 =	sld [smem:$0x3F87];
	s0 =	simm.s32 @p1 $0x1  }
0x15: {  	[smem:$0x3FA4] =	sst s0;
	s0 =	simm.s32 @!p2 $0x0  }
0x16: {  	s3 =	sld [smem:$0x3FDB];
	s0 =	simm.s32 @p2 $0x1  }
0x17: {  	s4 =	simm.s32 $0x1BF5;
	[smem:$0x3FA6] =	sst s0  }
0x18: {  	s0 =	sld [smem:$0x3F89];
	_ =	swait.ge [sflag:s4], $0x0  }
0x19: {  	s7 =	sld [smem:$0x3F8A]  }
0x1a: {  	s8 =	sadd.s32 $0xFFFFE003, lr  }
0x1b: {  	s9 =	sadd.s32 $0xFFFFFEF7, lr;
	s5 =	simm.s32 $0xFFFFFFFF;
	p2 =	slt.u32 s8, $0xFFFFF086  }
0x1c: {  	p1 =	slt.u32 s9, $0xF7A;
	s5 =	simm.s32 @!p2 $0x0  }
0x1d: {  	s5 =	simm.s32 @p1 $0x1;
	p0 =	seq.s32 s7, s2  }
0x1e: {  	s7 =	smul.u32 @!p0 $0xF7A, s2;
	p2 =	seq.s32 @!p0 s5, $0x0  }
0x1f: {  	s9 =	smul.u32 $0xF7A, s1;
	s8 =	simm.s32 @!p0 $0x1BF5;
	p2 =	por !p2, p0  }
0x20: {  	[sflag:s8] =	ssyncset.s32 @!p0 $0xFFFFF086;
	s6 =	sadd.s32 @!p0 s3, s7;
	s7 =	simm.s32 @!p0 $0x108  }
0x21: {  	s3 =	sadd.s32 s3, s9;
	s6 =	sadd.s32 @!p0 $0x88, s6;
	s7 =	simm.s32 @p2 $0x1082  }
0x22: {  	[simem:s7], [sflag:s8] =	dma.local @!p0 [hbm:s6], $0xF7A  }
0x23: {  	s9 =	sor.u32 $0xD0000000, s2;
	s6 =	simm.s32 $0x108;
	_ =	swait.ge @!p0 [sflag:s8], $0x0  }
0x24: {  	s3 =	sadd.s32 $0x88, s3;
	s6 =	simm.s32 @!p1 $0x1082;
	[sflag:s4] =	ssyncset.s32 $0xFFFFF086  }
0x25: {  	[simem:s6], [sflag:s4] =	dma.local [hbm:s3], $0xF7A  }
0x26: {  	[smem:$0x3F8A] =	sst s1;
	(tag) =	ssettag s2;
	_ =	strace s9  }
0x27: {  	s1 =	sld [smem:$0x3F9A]  }
0x28: {  	s2 =	sld [smem:$0x3F9B]  }
0x29: {  	s4 =	sld [smem:$0x3F9D]  }
0x2a: {  	p0 =	seq.s32 s5, $0x0;
	s5 =	sld [smem:$0x3F9E]  }
0x2b: {  	s6 =	sld [smem:$0x3F9F]  }
0x2c: {  	s7 =	sld [smem:$0x3FA0]  }
0x2d: {  	s3 =	simm.s32 $0x108;
	s8 =	sld [smem:$0x3FA1]  }
0x2e: {  	s3 =	simm.s32 @!p0 $0x1082;
	s9 =	sld [smem:$0x3FA2]  }
0x2f: {  	lr =	sadd.s32 s0, s3;
	s0 =	sld [smem:$0x3F99]  }
0x30: {  	s3 =	sld [smem:$0x3F9C]  }
0x31: {  	[smem:$0x3FA5] =	sst s10  }
0x32: {  	s10 =	sld [smem:$0x3FA3];
	_ =	sdelay $0x3  }
0x33: {  	p0 =	seq.s32 s10, $0x1;
	s10 =	sld [smem:$0x3FA5];
	_ =	sdelay $0x3  }
0x34: {  	[smem:$0x3FA5] =	sst s10  }
0x35: {  	s10 =	sld [smem:$0x3FA4];
	_ =	sdelay $0x3  }
0x36: {  	p1 =	seq.s32 s10, $0x1;
	s10 =	sld [smem:$0x3FA5];
	_ =	sdelay $0x3  }
0x37: {  	[smem:$0x3FA5] =	sst s10  }
0x38: {  	s10 =	sld [smem:$0x3FA6]  }
0x39: {  	_ = 	snop;
	(pc) =	sbr.ind lr, $3  }
0x3a: {  	_ = 	snop  }
0x3b: {  	_ = 	snop  }
0x3c: {  	p2 =	seq.s32 s10, $0x1;
	s10 =	sld [smem:$0x3FA5]  }
0x3d: {  	_ =	shalt  }
0x3e: {  	_ =	shalt  }
0x3f: {  	_ =	shalt  }
0x40: {  	_ =	shalt  }
0x41: {  	_ =	shalt  }
0x42: {  	_ =	shalt  }
0x43: {  	_ =	shalt  }
0x44: {  	_ =	shalt  }
0x45: {  	_ =	shalt  }
0x46: {  	_ =	shalt  }
0x47: {  	_ =	shalt  }
0x48: {  	_ =	shalt  }
0x49: {  	_ =	shalt  }
0x4a: {  	_ =	shalt  }
0x4b: {  	_ =	shalt  }
0x4c: {  	_ =	shalt  }
0x4d: {  	_ =	shalt  }
0x4e: {  	_ =	shalt  }
0x4f: {  	_ =	shalt  }
0x50: {  	_ =	shalt  }
0x51: {  	_ =	shalt  }
0x52: {  	_ =	shalt  }
0x53: {  	_ =	shalt  }
0x54: {  	_ =	shalt  }
0x55: {  	_ =	shalt  }
0x56: {  	_ =	shalt  }
0x57: {  	_ =	shalt  }
0x58: {  	_ =	shalt  }
0x59: {  	_ =	shalt  }
0x5a: {  	_ =	shalt  }
0x5b: {  	_ =	shalt  }
0x5c: {  	_ =	shalt  }
0x5d: {  	_ =	shalt  }
0x5e: {  	_ =	shalt  }
0x5f: {  	_ =	shalt  }
0x60: {  	_ =	shalt  }
0x61: {  	_ =	shalt  }
0x62: {  	_ =	shalt  }
0x63: {  	_ =	shalt  }
0x64: {  	_ =	shalt  }
0x65: {  	_ =	shalt  }
0x66: {  	_ =	shalt  }
0x67: {  	_ =	shalt  }
0x68: {  	_ =	shalt  }
0x69: {  	_ =	shalt  }
0x6a: {  	_ =	shalt  }
0x6b: {  	_ =	shalt  }
0x6c: {  	_ =	shalt  }
0x6d: {  	_ =	shalt  }
0x6e: {  	_ =	shalt  }
0x6f: {  	_ =	shalt  }
0x70: {  	_ =	shalt  }
0x71: {  	_ =	shalt  }
0x72: {  	_ =	shalt  }
0x73: {  	_ =	shalt  }
0x74: {  	_ =	shalt  }
0x75: {  	_ =	shalt  }
0x76: {  	_ =	shalt  }
0x77: {  	_ =	shalt  }
0x78: {  	_ =	shalt  }
0x79: {  	_ =	shalt  }
0x7a: {  	_ =	shalt  }
0x7b: {  	_ =	shalt  }
0x7c: {  	_ =	shalt  }
0x7d: {  	_ =	shalt  }
0x7e: {  	_ =	shalt  }
0x7f: {  	_ =	shalt  }
0x80: {  	_ =	shalt  }
0x81: {  	_ =	shalt  }
0x82: {  	_ =	shalt  }
0x83: {  	_ =	shalt  }
0x84: {  	_ =	shalt  }
0x85: {  	_ =	shalt  }
0x86: {  	_ =	shalt  }
0x87: {  	_ =	shalt  }
.Lfunc_end0:
.L_simem_size_0:
called_computation.2_lowered:
.L_overlay_start_0:
0x88: {  	s2 =	sld [smem:$0x3FD9]  }
0x89: {  	s3 =	sld [smem:$0x3FFE];
	_ =	sdelay $0x1  }
0x8a: {  	s1 =	srdreg.scid  }
0x8b: {  	s0 =	sand.u32 $0x1, s1  }
0x8c: {  	s14 =	sshll.u32 s0, $0xA;
	s2 =	sadd.s32 s3, s2  }
0x8d: {  	s2 =	sadd.s32 s2, s14  }
0x8e: {  	[smem:$0x3FB1] =	sst s2  }
0x8f: {  	_ = 	snop  }
0x90: {  	s2 =	sld [smem:$0x3FD0];
	_ =	sdelay $0x2  }
0x91: {  	s15 =	simm.s32 $0xA;
	s4 =	simm.s32 $0x10  }
0x92: {  	[smem:s4], [sflag:s15] =	dma.local [hbm:s2], $0x1  }
0x93: {  	_ =	swait.eq [sflag:s15], $0x1  }
0x94: {  	[sflag:s15] =	ssyncset.done $0x0  }
0x95: {  	[sflag:s15] =	ssyncadd.s32 $0xFFFFFFFF  }
0x96: {  	s16 =	sld [smem:$0x11];
	(tm) =	ssettm $0x1  }
0x97: {  	s17 =	sld [smem:$0x3FFB];
	_ =	sdelay $0x3  }
0x98: {  	_ =	strace s17  }
0x99: {  	s3 =	sld [smem:$0x3FFC];
	_ =	sdelay $0x3  }
0x9a: {  	_ =	strace s3  }
0x9b: {  	s3 =	sld [smem:$0x3FFD];
	_ =	sdelay $0x3  }
0x9c: {  	_ =	strace s3  }
0x9d: {  	_ =	strace $0x8FFFFFFF  }
0x9e: {  	s18 =	sld [smem:$0x3FDB];
	_ =	sdelay $0x1  }
0x9f: {  	s19 =	simm.s32 $_scs_section_size  }
0xa0: {  	s5 =	simm.s32 $_size__tile_overlayer_lowered;
	s6 =	simm.s32 $_tile_overlayer_lowered  }
0xa1: {  	s22 =	simm.s32 $0x1BFF;
	s21 =	sshll.u32 s6, $0x1;
	s3 =	sadd.s32 s19, s18  }
0xa2: {  	s7 =	simm.s32 $0x0;
	s20 =	sshll.u32 s5, $0x1;
	s5 =	sadd.s32 s21, s3  }
0xa3: {  	[timem:s7], [sflag:s22] =	dma.local [hbm:s5], s20  }
0xa4: {  	_ =	swait.ge [sflag:s22], s20  }
0xa5: {  	s4 =	ssub.s32 $0x0, s20;
	[sflag:s22] =	ssyncset.done $0x0  }
0xa6: {  	[sflag:s22] =	ssyncadd.s32 s4;
	_ =	sdelay $0x1  }
0xa7: {  	s23 =	simm.s32 $0x1B8B  }
0xa8: {  	_ =	swait.ge [sflag:s23], $0x1  }
0xa9: {  	[sflag:s23] =	ssyncset.done $0x0  }
0xaa: {  	s25 =	simm.s32 $0x1B8E;
	s24 =	sld [smem:$0x3FFE];
	[sflag:s23] =	ssyncadd.s32 $0xFFFFFFFF  }
0xab: {  	s26 =	simm.s32 $execute0_lowered;
	[smem:$0x3FD2] =	sst s25  }
0xac: {  	s5 =	sshll.u32 s26, $0x1;
	_ =	strace $0x8000004C;
	[dreg:$0x1] =	wrdreg $0xFFFFFFFF  }
0xad: {  	s28 =	simm.s32 $_size_execute0_lowered;
	s3 =	sadd.s32 s3, s5;
	[dreg:$0x0] =	wrdreg $0x0  }
0xae: {  	s5 =	sshll.u32 s28, $0x1;
	[dreg:$0x2] =	wrdreg s3  }
0xaf: {  	[dreg:$0x3] =	wrdreg s5  }
0xb0: {  	[dreg:$0x4] =	wrdreg $0xC0  }
0xb1: {  	_ =	task [dreg:s7], $0x5FFFF  }
0xb2: {  	[dreg:$0x1] =	wrdreg $0xFFFFFFFF  }
0xb3: {  	[dreg:$0x0] =	wrdreg $0x60  }
0xb4: {  	[dreg:$0x2] =	wrdreg s24  }
0xb5: {  	[dreg:$0x3] =	wrdreg s16  }
0xb6: {  	[dreg:$0x4] =	wrdreg $0x90000  }
0xb7: {  	[dreg:$0x5] =	wrdreg $0x9  }
0xb8: {  	_ =	task.clear_ibuf [dreg:s7], $0x6FFFF;
	_ =	strace $0x9000004C  }
0xb9: {  	s29 =	simm.s32 $0x9;
	_ =	strace $0x8000004E  }
0xba: {  	_ =	swait.ge [sflag:s29], $0x1  }
0xbb: {  	[sflag:s29] =	ssyncadd.s32 $0xFFFFFFFF  }
0xbc: {  	_ =	strace $0x9000004E  }
0xbd: {  	_ =	sfence  }
0xbe: {  	s30 =	sld [smem:$0x0];
	_ =	sdelay $0x2  }
0xbf: {  	s31 =	sshll.u32 s1, $0xD;
	s1 =	sshrl.u32 s1, $0x2  }
0xc0: {  	s3 =	sand.u32 $0x4000, s31;
	s1 =	sadd.s32 s1, s30  }
0xc1: {  	s0 =	sor.u32 s3, s0;
	s1 =	sshll.u32 s1, $0x11  }
0xc2: {  	s0 =	sor.u32 s1, s0  }
0xc3: {  	s0 =	sadd.s32 $0x8F2B, s0  }
0xc4: {  	[sflag:s0] =	ssyncadd.remote.s32 $0x1  }
0xc5: {  	_ =	sfence.sel $0xFFFF  }
0xc6: {  	[dreg:$0x0] =	wrdreg $0xFFFFFFFF;
	(pc) =	sbr.abs _section_cstart, $3  }
0xc7: {  	[dreg:$0x1] =	wrdreg $0xFFFFFFFF  }
0xc8: {  	_ =	task.clear_ibuf [dreg:s7], $0x2FFFF;
	_ =	strace $0x9FFFFFFF  }
0xc9: {  	(tm) =	ssettm $0x7FFFFFFF  }
tec
execute0_lowered:
.L_overlay_start_1:
0x0: {  	(tag) =	ssettag $0x1  }
0x1: {  	s0 =	rddreg [dreg:$0x0]  }
0x2: {  	s3 =	rddreg [dreg:$0x2];
	s1 =	srdreg.scid  }
0x3: {  	s13 =	stileid.u32;
	s4 =	simm.s32 $0x0;
	s14 =	simm.s32 $0x100  }
0x4: {  	s15 =	simm.s32 $0x480;
	s16 =	simm.s32 $0x180;
	[smem:$0x7FF] =	sst s4  }
0x5: {  	s17 =	simm.s32 $0x500;
	_ =	strace $0x8000004D;
	[dreg:$0x4] =	wrdreg s14  }
0x6: {  	s18 =	simm.s32 $0x200;
	s20 =	simm.s32 $0x580;
	[dreg:$0x5] =	wrdreg s15  }
0x7: {  	s22 =	simm.s32 $0x280;
	s24 =	simm.s32 $0x600;
	[dreg:$0x6] =	wrdreg s16  }
0x8: {  	s25 =	simm.s32 $0x300;
	s26 =	simm.s32 $0x680;
	[dreg:$0x7] =	wrdreg s17  }
0x9: {  	s28 =	simm.s32 $0xC00;
	s29 =	simm.s32 $0xB80;
	[dreg:$0x8] =	wrdreg s18  }
0xa: {  	s30 =	simm.s32 $0xF00;
	s31 =	simm.s32 $0xF80;
	[dreg:$0x9] =	wrdreg s20  }
0xb: {  	s1 =	sand.u32 $0x1, s1;
	s2 =	smul.u32 $0x14000, s13;
	[dreg:$0xa] =	wrdreg s22  }
0xc: {  	s5 =	sadd.s32 $0x1A000, s0;
	s6 =	sadd.s32 $0x6000, s0;
	[dreg:$0xb] =	wrdreg s24  }
0xd: {  	s11 =	sshll.u32 s13, $0x1;
	s13 =	sshll.u32 s13, $0x6;
	[dreg:$0xc] =	wrdreg s25  }
0xe: {  	s7 =	smul.u32 $0x140000, s1;
	[dreg:$0xd] =	wrdreg s26;
	s14 =	simm.s32 $0x700  }
0xf: {  	s9 =	ssub.s32 $0x2, s1;
	s15 =	simm.s32 $0x780;
	[dreg:$0xf] =	wrdreg s14  }
0x10: {  	s1 =	sor.u32 s1, s11;
	s16 =	simm.s32 $0x880;
	[dreg:$0x10] =	wrdreg s15  }
0x11: {  	s13 =	sor.u32 $0x1C05, s13;
	s17 =	simm.s32 $0x900;
	[dreg:$0x11] =	wrdreg s16  }
0x12: {  	s18 =	simm.s32 $0xC80;
	s20 =	simm.s32 $0xD00;
	[dreg:$0x12] =	wrdreg s17  }
0x13: {  	s22 =	simm.s32 $0xD80;
	s24 =	simm.s32 $0xE00;
	[dreg:$0x13] =	wrdreg s18  }
0x14: {  	s25 =	simm.s32 $0xB00;
	s26 =	simm.s32 $0xE80;
	[dreg:$0x15] =	wrdreg s20  }
0x15: {  	s10 =	sshrl.u32 s9, $0x1;
	s16 =	simm.s32 $0x400;
	[dreg:$0x17] =	wrdreg s22  }
0x16: {  	s17 =	simm.s32 $0x800;
	s20 =	simm.s32 $0x3;
	[dreg:$0x19] =	wrdreg s24  }
0x17: {  	s22 =	simm.s32 $0x1000;
	[dreg:$0x1a] =	wrdreg s25;
	s24 =	simm.s32 $0x1  }
0x18: {  	[dreg:$0x1b] =	wrdreg s26;
	s25 =	simm.s32 $0x2;
	s8 =	sadd.s32 s2, s7  }
0x19: {  	s7 =	sadd.s32 $0x10000, s0;
	s9 =	ssub.s32 s9, s10;
	s8 =	sshrl.u32 s8, $0x3  }
0x1a: {  	s10 =	simm.s32 $0x380;
	s0 =	sadd.s32 s8, s0;
	s8 =	smul.u32 $0x2800, s1  }
0x1b: {  	s26 =	simm.s32 $0x4;
	s2 =	sadd.s32 s2, s3;
	[dreg:$0xe] =	wrdreg s10  }
0x1c: {  	s15 =	smax.u32 s9, $0x1;
	s18 =	sshrl.u32 s2, $0x3;
	s19 =	sshrl.u32 s8, $0x3  }
0x1d: {  	s14 =	sadd.s32 $0x42000, s0;
	s0 =	simm.s32 $0x0;
	s21 =	sadd.s32 s6, s19  }
0x1e: {  	s23 =	sadd.s32 s7, s19;
	s12 =	sor.u32 $0x80, s19;
	[dreg:$0x1c] =	wrdreg s21  }
0x1f: {  	s19 =	simm.s32 $0x980;
	[dreg:$0x1d] =	wrdreg s23;
	s11 =	sadd.s32 s6, s12  }
0x20: {  	s12 =	sadd.s32 s7, s12;
	[dreg:$0x14] =	wrdreg s19;
	s21 =	simm.s32 $0xA00  }
0x21: {  	s19 =	simm.s32 $0x5;
	s23 =	simm.s32 $0xA80;
	[dreg:$0x16] =	wrdreg s21  }
0x22: {  	s21 =	simm.s32 $0x80;
	[dreg:$0x18] =	wrdreg s23;
	s23 =	simm.s32 $0x5000  }
.LBB2_1:
0x23: {  	s1 =	rddreg [dreg:$0x1c]  }
0x24: {  	[tilespmem:s4], [sflag:$0x3] =	stream.linear.gather [hbm4b:s1+s4], $0x400, $0x38;
	[tilespmem:$0x1D000] =	vst v63  }
0x25: {  	s10 =	rddreg [dreg:$0x1d]  }
0x26: {  	[tilespmem:s16], [sflag:$0x3] =	stream.linear.gather [hbm4b:s10+s4], $0x400, $0x38;
	[tilespmem:$0x1D000] =	vst v63  }
0x27: {  	_ = 	snop  }
0x28: {  	[tilespmem:s17], [sflag:$0x4] =	stream.linear.gather [hbm4b:s11+s4], $0x400, $0x38;
	[tilespmem:$0x1D000] =	vst v63  }
0x29: {  	s2 =	rddreg [dreg:$0x1]  }
0x2a: {  	[tilespmem:s28], [sflag:$0x4] =	stream.linear.gather [hbm4b:s12+s4], $0x400, $0x38;
	[tilespmem:$0x1D000] =	vst v63  }
0x2b: {  	[spmem:s18], [sflag:s13] =	dma.local [hbm:s2], $0x2800  }
0x2c: {  	_ =	swait.ge [sflag:s19], $0x2800  }
0x2d: {  	[sflag:s19] =	ssyncset.done $0x0  }
0x2e: {  	[sflag:s19] =	ssyncadd.s32 $0xFFFFD800  }
0x2f: {  	_ =	swait.ge [sflag:s20], $0x400  }
0x30: {  	[sflag:s20] =	ssyncset.done $0x0  }
0x31: {  	[sflag:s20] =	ssyncadd.s32 $0xFFFFFC00  }
0x32: {  	_ =	swait.ge [sflag:s20], $0x400  }
0x33: {  	[sflag:s20] =	ssyncset.done $0x0  }
0x34: {  	[sflag:s20] =	ssyncadd.s32 $0xFFFFFC00  }
0x35: {  	[tilespmem:s22], [sflag:$0x1] =	stream.indirect.gather [hbm4b:s5+s21], $0x80, s4, s21, $0xb8;
	[tilespmem:$0x1D000] =	vst v63  }
0x36: {  	_ = 	snop  }
0x37: {  	[tilespmem:s23], [sflag:$0x2] =	stream.indirect.gather [hbm4b:s5+s21], $0x80, s21, s21, $0xb8;
	[tilespmem:$0x1D000] =	vst v63  }
0x38: {  	[bflag:$0x0] =	sbarrier.arrive $0xFFFF  }
0x39: {  	_ =	swait.ge [sflag:s24], $0x4000  }
0x3a: {  	[sflag:s24] =	ssyncset.done $0x0  }
0x3b: {  	[sflag:s24] =	ssyncadd.s32 $0xFFFFC000  }
0x3c: {  	[spmem:s3] =	stream.indirect.scatter.add.f32 [tilespmem:s22], [sflag:$0x5], $0x80, s16, s21, $0xb8;
	[tilespmem:$0x1D000] =	vst v63  }
0x3d: {  	_ =	swait.ge [sflag:s19], $0x4000  }
0x3e: {  	[sflag:s19] =	ssyncset.done $0x0  }
0x3f: {  	s9 =	rddreg [dreg:$0x4];
	[sflag:s19] =	ssyncadd.s32 $0xFFFFC000  }
0x40: {  	[tilespmem:s22], [sflag:$0x1] =	stream.indirect.gather [hbm4b:s5+s21], $0x80, s9, s21, $0xb8;
	[tilespmem:$0x1D000] =	vst v63  }
0x41: {  	_ =	swait.ge [sflag:s25], $0x4000  }
0x42: {  	[sflag:s25] =	ssyncset.done $0x0  }
0x43: {  	s10 =	rddreg [dreg:$0x5];
	[sflag:s25] =	ssyncadd.s32 $0xFFFFC000  }
0x44: {  	[spmem:s3] =	stream.indirect.scatter.add.f32 [tilespmem:s23], [sflag:$0x5], $0x80, s10, s21, $0xb8;
	[tilespmem:$0x1D000] =	vst v63  }
0x45: {  	_ =	swait.ge [sflag:s19], $0x4000  }
0x46: {  	[sflag:s19] =	ssyncset.done $0x0  }
0x47: {  	s2 =	rddreg [dreg:$0x6];
	[sflag:s19] =	ssyncadd.s32 $0xFFFFC000  }
0x48: {  	[tilespmem:s23], [sflag:$0x2] =	stream.indirect.gather [hbm4b:s5+s21], $0x80, s2, s21, $0xb8;
	[tilespmem:$0x1D000] =	vst v63  }
0x49: {  	_ =	swait.ge [sflag:s24], $0x4000  }
0x4a: {  	[sflag:s24] =	ssyncset.done $0x0  }
0x4b: {  	s9 =	rddreg [dreg:$0x7];
	[sflag:s24] =	ssyncadd.s32 $0xFFFFC000  }
0x4c: {  	[spmem:s3] =	stream.indirect.scatter.add.f32 [tilespmem:s22], [sflag:$0x5], $0x80, s9, s21, $0xb8;
	[tilespmem:$0x1D000] =	vst v63  }
0x4d: {  	_ =	swait.ge [sflag:s19], $0x4000  }
0x4e: {  	[sflag:s19] =	ssyncset.done $0x0  }
0x4f: {  	s10 =	rddreg [dreg:$0x8];
	[sflag:s19] =	ssyncadd.s32 $0xFFFFC000  }
0x50: {  	[tilespmem:s22], [sflag:$0x1] =	stream.indirect.gather [hbm4b:s5+s21], $0x80, s10, s21, $0xb8;
	[tilespmem:$0x1D000] =	vst v63  }
0x51: {  	_ =	swait.ge [sflag:s25], $0x4000  }
0x52: {  	[sflag:s25] =	ssyncset.done $0x0  }
0x53: {  	s2 =	rddreg [dreg:$0x9];
	[sflag:s25] =	ssyncadd.s32 $0xFFFFC000  }
0x54: {  	[spmem:s3] =	stream.indirect.scatter.add.f32 [tilespmem:s23], [sflag:$0x5], $0x80, s2, s21, $0xb8;
	[tilespmem:$0x1D000] =	vst v63  }
0x55: {  	_ =	swait.ge [sflag:s19], $0x4000  }
0x56: {  	[sflag:s19] =	ssyncset.done $0x0  }
0x57: {  	s9 =	rddreg [dreg:$0xa];
	[sflag:s19] =	ssyncadd.s32 $0xFFFFC000  }
0x58: {  	[tilespmem:s23], [sflag:$0x2] =	stream.indirect.gather [hbm4b:s5+s21], $0x80, s9, s21, $0xb8;
	[tilespmem:$0x1D000] =	vst v63  }
0x59: {  	_ =	swait.ge [sflag:s24], $0x4000  }
0x5a: {  	[sflag:s24] =	ssyncset.done $0x0  }
0x5b: {  	s10 =	rddreg [dreg:$0xb];
	[sflag:s24] =	ssyncadd.s32 $0xFFFFC000  }
0x5c: {  	[spmem:s3] =	stream.indirect.scatter.add.f32 [tilespmem:s22], [sflag:$0x5], $0x80, s10, s21, $0xb8;
	[tilespmem:$0x1D000] =	vst v63  }
0x5d: {  	_ =	swait.ge [sflag:s19], $0x4000  }
0x5e: {  	[sflag:s19] =	ssyncset.done $0x0  }
0x5f: {  	s2 =	rddreg [dreg:$0xc];
	[sflag:s19] =	ssyncadd.s32 $0xFFFFC000  }
0x60: {  	[tilespmem:s22], [sflag:$0x1] =	stream.indirect.gather [hbm4b:s5+s21], $0x80, s2, s21, $0xb8;
	[tilespmem:$0x1D000] =	vst v63  }
0x61: {  	_ =	swait.ge [sflag:s25], $0x4000  }
0x62: {  	[sflag:s25] =	ssyncset.done $0x0  }
0x63: {  	s9 =	rddreg [dreg:$0xd];
	[sflag:s25] =	ssyncadd.s32 $0xFFFFC000  }
0x64: {  	[spmem:s3] =	stream.indirect.scatter.add.f32 [tilespmem:s23], [sflag:$0x5], $0x80, s9, s21, $0xb8;
	[tilespmem:$0x1D000] =	vst v63  }
0x65: {  	_ =	swait.ge [sflag:s19], $0x4000  }
0x66: {  	[sflag:s19] =	ssyncset.done $0x0  }
0x67: {  	s10 =	rddreg [dreg:$0xe];
	[sflag:s19] =	ssyncadd.s32 $0xFFFFC000  }
0x68: {  	[tilespmem:s23], [sflag:$0x2] =	stream.indirect.gather [hbm4b:s5+s21], $0x80, s10, s21, $0xb8;
	[tilespmem:$0x1D000] =	vst v63  }
0x69: {  	_ =	swait.ge [sflag:s24], $0x4000  }
0x6a: {  	[sflag:s24] =	ssyncset.done $0x0  }
0x6b: {  	s2 =	rddreg [dreg:$0xf];
	[sflag:s24] =	ssyncadd.s32 $0xFFFFC000  }
0x6c: {  	[spmem:s3] =	stream.indirect.scatter.add.f32 [tilespmem:s22], [sflag:$0x5], $0x80, s2, s21, $0xb8;
	[tilespmem:$0x1D000] =	vst v63  }
0x6d: {  	_ =	swait.ge [sflag:s19], $0x4000  }
0x6e: {  	[sflag:s19] =	ssyncset.done $0x0  }
0x6f: {  	[sflag:s19] =	ssyncadd.s32 $0xFFFFC000  }
0x70: {  	_ =	swait.ge [sflag:s26], $0x400  }
0x71: {  	[sflag:s26] =	ssyncset.done $0x0  }
0x72: {  	[sflag:s26] =	ssyncadd.s32 $0xFFFFFC00  }
0x73: {  	_ =	swait.ge [sflag:s26], $0x400  }
0x74: {  	[sflag:s26] =	ssyncset.done $0x0  }
0x75: {  	[sflag:s26] =	ssyncadd.s32 $0xFFFFFC00  }
0x76: {  	[tilespmem:s22], [sflag:$0x1] =	stream.indirect.gather [hbm4b:s5+s21], $0x80, s17, s21, $0xb8;
	[tilespmem:$0x1D000] =	vst v63  }
0x77: {  	_ =	swait.ge [sflag:s25], $0x4000  }
0x78: {  	p0 =	por $0x0, $0x0;
	[sflag:s25] =	ssyncset.done $0x0  }
0x79: {  	s1 =	simm.s32 $0x800;
	s9 =	rddreg [dreg:$0x10];
	[sflag:s25] =	ssyncadd.s32 $0xFFFFC000  }
0x7a: {  	[spmem:s3] =	stream.indirect.scatter.add.f32 [tilespmem:s23], [sflag:$0x5], $0x80, s9, s21, $0xb8;
	[tilespmem:$0x1D000] =	vst v63  }
0x7b: {  	s1 =	simm.s32 @p0 $0x4;
	_ =	swait.ge [sflag:s19], $0x4000  }
0x7c: {  	s1 =	sadd.s32 s8, s1;
	[sflag:s19] =	ssyncset.done $0x0  }
0x7d: {  	s1 =	sshrl.u32 s1, $0x3;
	s2 =	rddreg [dreg:$0x11];
	[sflag:s19] =	ssyncadd.s32 $0xFFFFC000  }
0x7e: {  	[tilespmem:s23], [sflag:$0x2] =	stream.indirect.gather [hbm4b:s5+s21], $0x80, s2, s21, $0xb8;
	[tilespmem:$0x1D000] =	vst v63  }
0x7f: {  	s10 =	sadd.s32 s6, s1  }
0x80: {  	[tilespmem:s4], [sflag:$0x3] =	stream.linear.gather [hbm4b:s10+s4], $0x400, $0x38;
	[tilespmem:$0x1D000] =	vst v63  }
0x81: {  	s1 =	sadd.s32 s7, s1  }
0x82: {  	[tilespmem:s16], [sflag:$0x3] =	stream.linear.gather [hbm4b:s1+s4], $0x400, $0x38;
	[tilespmem:$0x1D000] =	vst v63  }
0x83: {  	_ =	swait.ge [sflag:s24], $0x4000  }
0x84: {  	[sflag:s24] =	ssyncset.done $0x0  }
0x85: {  	[sflag:s24] =	ssyncadd.s32 $0xFFFFC000  }
0x86: {  	[spmem:s3] =	stream.indirect.scatter.add.f32 [tilespmem:s22], [sflag:$0x5], $0x80, s28, s21, $0xb8;
	[tilespmem:$0x1D000] =	vst v63  }
0x87: {  	_ =	swait.ge [sflag:s19], $0x4000  }
0x88: {  	[sflag:s19] =	ssyncset.done $0x0  }
0x89: {  	s9 =	rddreg [dreg:$0x12];
	[sflag:s19] =	ssyncadd.s32 $0xFFFFC000  }
0x8a: {  	[tilespmem:s22], [sflag:$0x1] =	stream.indirect.gather [hbm4b:s5+s21], $0x80, s9, s21, $0xb8;
	[tilespmem:$0x1D000] =	vst v63  }
0x8b: {  	_ =	swait.ge [sflag:s25], $0x4000  }
0x8c: {  	[sflag:s25] =	ssyncset.done $0x0  }
0x8d: {  	s10 =	rddreg [dreg:$0x13];
	[sflag:s25] =	ssyncadd.s32 $0xFFFFC000  }
0x8e: {  	[spmem:s3] =	stream.indirect.scatter.add.f32 [tilespmem:s23], [sflag:$0x5], $0x80, s10, s21, $0xb8;
	[tilespmem:$0x1D000] =	vst v63  }
0x8f: {  	_ =	swait.ge [sflag:s19], $0x4000  }
0x90: {  	[sflag:s19] =	ssyncset.done $0x0  }
0x91: {  	s2 =	rddreg [dreg:$0x14];
	[sflag:s19] =	ssyncadd.s32 $0xFFFFC000  }
0x92: {  	[tilespmem:s23], [sflag:$0x2] =	stream.indirect.gather [hbm4b:s5+s21], $0x80, s2, s21, $0xb8;
	[tilespmem:$0x1D000] =	vst v63  }
0x93: {  	_ =	swait.ge [sflag:s24], $0x4000  }
0x94: {  	[sflag:s24] =	ssyncset.done $0x0  }
0x95: {  	s9 =	rddreg [dreg:$0x15];
	[sflag:s24] =	ssyncadd.s32 $0xFFFFC000  }
0x96: {  	[spmem:s3] =	stream.indirect.scatter.add.f32 [tilespmem:s22], [sflag:$0x5], $0x80, s9, s21, $0xb8;
	[tilespmem:$0x1D000] =	vst v63  }
0x97: {  	_ =	swait.ge [sflag:s19], $0x4000  }
0x98: {  	[sflag:s19] =	ssyncset.done $0x0  }
0x99: {  	s10 =	rddreg [dreg:$0x16];
	[sflag:s19] =	ssyncadd.s32 $0xFFFFC000  }
0x9a: {  	[tilespmem:s22], [sflag:$0x1] =	stream.indirect.gather [hbm4b:s5+s21], $0x80, s10, s21, $0xb8;
	[tilespmem:$0x1D000] =	vst v63  }
0x9b: {  	_ =	swait.ge [sflag:s25], $0x4000  }
0x9c: {  	[sflag:s25] =	ssyncset.done $0x0  }
0x9d: {  	s2 =	rddreg [dreg:$0x17];
	[sflag:s25] =	ssyncadd.s32 $0xFFFFC000  }
0x9e: {  	[spmem:s3] =	stream.indirect.scatter.add.f32 [tilespmem:s23], [sflag:$0x5], $0x80, s2, s21, $0xb8;
	[tilespmem:$0x1D000] =	vst v63  }
0x9f: {  	_ =	swait.ge [sflag:s19], $0x4000  }
0xa0: {  	[sflag:s19] =	ssyncset.done $0x0  }
0xa1: {  	s9 =	rddreg [dreg:$0x18];
	[sflag:s19] =	ssyncadd.s32 $0xFFFFC000  }
0xa2: {  	[tilespmem:s23], [sflag:$0x2] =	stream.indirect.gather [hbm4b:s5+s21], $0x80, s9, s21, $0xb8;
	[tilespmem:$0x1D000] =	vst v63  }
0xa3: {  	_ =	swait.ge [sflag:s24], $0x4000  }
0xa4: {  	[sflag:s24] =	ssyncset.done $0x0  }
0xa5: {  	s10 =	rddreg [dreg:$0x19];
	[sflag:s24] =	ssyncadd.s32 $0xFFFFC000  }
0xa6: {  	[spmem:s3] =	stream.indirect.scatter.add.f32 [tilespmem:s22], [sflag:$0x5], $0x80, s10, s21, $0xb8;
	[tilespmem:$0x1D000] =	vst v63  }
0xa7: {  	_ =	swait.ge [sflag:s19], $0x4000  }
0xa8: {  	[sflag:s19] =	ssyncset.done $0x0  }
0xa9: {  	s2 =	rddreg [dreg:$0x1a];
	[sflag:s19] =	ssyncadd.s32 $0xFFFFC000  }
0xaa: {  	[tilespmem:s22], [sflag:$0x1] =	stream.indirect.gather [hbm4b:s5+s21], $0x80, s2, s21, $0xb8;
	[tilespmem:$0x1D000] =	vst v63  }
0xab: {  	_ =	swait.ge [sflag:s25], $0x4000  }
0xac: {  	[sflag:s25] =	ssyncset.done $0x0  }
0xad: {  	s9 =	rddreg [dreg:$0x1b];
	[sflag:s25] =	ssyncadd.s32 $0xFFFFC000  }
0xae: {  	[spmem:s3] =	stream.indirect.scatter.add.f32 [tilespmem:s23], [sflag:$0x5], $0x80, s9, s21, $0xb8;
	[tilespmem:$0x1D000] =	vst v63  }
0xaf: {  	_ =	swait.ge [sflag:s19], $0x4000  }
0xb0: {  	[sflag:s19] =	ssyncset.done $0x0  }
0xb1: {  	[sflag:s19] =	ssyncadd.s32 $0xFFFFC000  }
0xb2: {  	[tilespmem:s23], [sflag:$0x2] =	stream.indirect.gather [hbm4b:s5+s21], $0x80, s29, s21, $0xb8;
	[tilespmem:$0x1D000] =	vst v63  }
0xb3: {  	_ =	swait.ge [sflag:s24], $0x4000  }
0xb4: {  	[sflag:s24] =	ssyncset.done $0x0  }
0xb5: {  	[sflag:s24] =	ssyncadd.s32 $0xFFFFC000  }
0xb6: {  	[spmem:s3] =	stream.indirect.scatter.add.f32 [tilespmem:s22], [sflag:$0x5], $0x80, s30, s21, $0xb8;
	[tilespmem:$0x1D000] =	vst v63  }
0xb7: {  	_ =	swait.ge [sflag:s19], $0x4000  }
0xb8: {  	[sflag:s19] =	ssyncset.done $0x0  }
0xb9: {  	[sflag:s19] =	ssyncadd.s32 $0xFFFFC000  }
0xba: {  	_ =	swait.ge [sflag:s20], $0x400  }
0xbb: {  	[sflag:s20] =	ssyncset.done $0x0  }
0xbc: {  	[sflag:s20] =	ssyncadd.s32 $0xFFFFFC00  }
0xbd: {  	_ =	swait.ge [sflag:s20], $0x400  }
0xbe: {  	[sflag:s20] =	ssyncset.done $0x0  }
0xbf: {  	[sflag:s20] =	ssyncadd.s32 $0xFFFFFC00  }
0xc0: {  	[tilespmem:s22], [sflag:$0x1] =	stream.indirect.gather [hbm4b:s5+s21], $0x80, s4, s21, $0xb8;
	[tilespmem:$0x1D000] =	vst v63  }
0xc1: {  	_ =	swait.ge [sflag:s25], $0x4000  }
0xc2: {  	[sflag:s25] =	ssyncset.done $0x0  }
0xc3: {  	s1 =	simm.s32 $0xC00;
	[sflag:s25] =	ssyncadd.s32 $0xFFFFC000  }
0xc4: {  	[spmem:s3] =	stream.indirect.scatter.add.f32 [tilespmem:s23], [sflag:$0x5], $0x80, s31, s21, $0xb8;
	[tilespmem:$0x1D000] =	vst v63  }
0xc5: {  	s1 =	simm.s32 @p0 $0x400;
	_ =	swait.ge [sflag:s19], $0x4000  }
0xc6: {  	s1 =	sadd.s32 s8, s1;
	[sflag:s19] =	ssyncset.done $0x0  }
0xc7: {  	s10 =	sshrl.u32 s1, $0x3;
	[sflag:s19] =	ssyncadd.s32 $0xFFFFC000  }
0xc8: {  	[tilespmem:s23], [sflag:$0x2] =	stream.indirect.gather [hbm4b:s5+s21], $0x80, s21, s21, $0xb8;
	[tilespmem:$0x1D000] =	vst v63  }
0xc9: {  	s1 =	sadd.s32 s6, s10  }
0xca: {  	[tilespmem:s17], [sflag:$0x4] =	stream.linear.gather [hbm4b:s1+s4], $0x400, $0x38;
	[tilespmem:$0x1D000] =	vst v63  }
0xcb: {  	s9 =	sadd.s32 s7, s10;
	s1 =	simm.s32 $0x1400  }
.LBB2_2:
0xcc: {  	[tilespmem:s28], [sflag:$0x4] =	stream.linear.gather [hbm4b:s9+s4], $0x400, $0x38;
	[tilespmem:$0x1D000] =	vst v63  }
0xcd: {  	_ =	swait.ge [sflag:s24], $0x4000  }
0xce: {  	[sflag:s24] =	ssyncset.done $0x0  }
0xcf: {  	[sflag:s24] =	ssyncadd.s32 $0xFFFFC000  }
0xd0: {  	[spmem:s3] =	stream.indirect.scatter.add.f32 [tilespmem:s22], [sflag:$0x5], $0x80, s16, s21, $0xb8;
	[tilespmem:$0x1D000] =	vst v63  }
0xd1: {  	_ =	swait.ge [sflag:s19], $0x4000  }
0xd2: {  	[sflag:s19] =	ssyncset.done $0x0  }
0xd3: {  	s10 =	rddreg [dreg:$0x4];
	[sflag:s19] =	ssyncadd.s32 $0xFFFFC000  }
0xd4: {  	[tilespmem:s22], [sflag:$0x1] =	stream.indirect.gather [hbm4b:s5+s21], $0x80, s10, s21, $0xb8;
	[tilespmem:$0x1D000] =	vst v63  }
0xd5: {  	_ =	swait.ge [sflag:s25], $0x4000  }
0xd6: {  	[sflag:s25] =	ssyncset.done $0x0  }
0xd7: {  	s10 =	rddreg [dreg:$0x5];
	[sflag:s25] =	ssyncadd.s32 $0xFFFFC000  }
0xd8: {  	[spmem:s3] =	stream.indirect.scatter.add.f32 [tilespmem:s23], [sflag:$0x5], $0x80, s10, s21, $0xb8;
	[tilespmem:$0x1D000] =	vst v63  }
0xd9: {  	_ =	swait.ge [sflag:s19], $0x4000  }
0xda: {  	[sflag:s19] =	ssyncset.done $0x0  }
0xdb: {  	s10 =	rddreg [dreg:$0x6];
	[sflag:s19] =	ssyncadd.s32 $0xFFFFC000  }
0xdc: {  	[tilespmem:s23], [sflag:$0x2] =	stream.indirect.gather [hbm4b:s5+s21], $0x80, s10, s21, $0xb8;
	[tilespmem:$0x1D000] =	vst v63  }
0xdd: {  	_ =	swait.ge [sflag:s24], $0x4000  }
0xde: {  	[sflag:s24] =	ssyncset.done $0x0  }
0xdf: {  	s10 =	rddreg [dreg:$0x7];
	[sflag:s24] =	ssyncadd.s32 $0xFFFFC000  }
0xe0: {  	[spmem:s3] =	stream.indirect.scatter.add.f32 [tilespmem:s22], [sflag:$0x5], $0x80, s10, s21, $0xb8;
	[tilespmem:$0x1D000] =	vst v63  }
0xe1: {  	_ =	swait.ge [sflag:s19], $0x4000  }
0xe2: {  	[sflag:s19] =	ssyncset.done $0x0  }
0xe3: {  	s10 =	rddreg [dreg:$0x8];
	[sflag:s19] =	ssyncadd.s32 $0xFFFFC000  }
0xe4: {  	[tilespmem:s22], [sflag:$0x1] =	stream.indirect.gather [hbm4b:s5+s21], $0x80, s10, s21, $0xb8;
	[tilespmem:$0x1D000] =	vst v63  }
0xe5: {  	_ =	swait.ge [sflag:s25], $0x4000  }
0xe6: {  	[sflag:s25] =	ssyncset.done $0x0  }
0xe7: {  	s10 =	rddreg [dreg:$0x9];
	[sflag:s25] =	ssyncadd.s32 $0xFFFFC000  }
0xe8: {  	[spmem:s3] =	stream.indirect.scatter.add.f32 [tilespmem:s23], [sflag:$0x5], $0x80, s10, s21, $0xb8;
	[tilespmem:$0x1D000] =	vst v63  }
0xe9: {  	_ =	swait.ge [sflag:s19], $0x4000  }
0xea: {  	[sflag:s19] =	ssyncset.done $0x0  }
0xeb: {  	s10 =	rddreg [dreg:$0xa];
	[sflag:s19] =	ssyncadd.s32 $0xFFFFC000  }
0xec: {  	[tilespmem:s23], [sflag:$0x2] =	stream.indirect.gather [hbm4b:s5+s21], $0x80, s10, s21, $0xb8;
	[tilespmem:$0x1D000] =	vst v63  }
0xed: {  	_ =	swait.ge [sflag:s24], $0x4000  }
0xee: {  	[sflag:s24] =	ssyncset.done $0x0  }
0xef: {  	s10 =	rddreg [dreg:$0xb];
	[sflag:s24] =	ssyncadd.s32 $0xFFFFC000  }
0xf0: {  	[spmem:s3] =	stream.indirect.scatter.add.f32 [tilespmem:s22], [sflag:$0x5], $0x80, s10, s21, $0xb8;
	[tilespmem:$0x1D000] =	vst v63  }
0xf1: {  	_ =	swait.ge [sflag:s19], $0x4000  }
0xf2: {  	[sflag:s19] =	ssyncset.done $0x0  }
0xf3: {  	s10 =	rddreg [dreg:$0xc];
	[sflag:s19] =	ssyncadd.s32 $0xFFFFC000  }
0xf4: {  	[tilespmem:s22], [sflag:$0x1] =	stream.indirect.gather [hbm4b:s5+s21], $0x80, s10, s21, $0xb8;
	[tilespmem:$0x1D000] =	vst v63  }
0xf5: {  	_ =	swait.ge [sflag:s25], $0x4000  }
0xf6: {  	[sflag:s25] =	ssyncset.done $0x0  }
0xf7: {  	s10 =	rddreg [dreg:$0xd];
	[sflag:s25] =	ssyncadd.s32 $0xFFFFC000  }
0xf8: {  	[spmem:s3] =	stream.indirect.scatter.add.f32 [tilespmem:s23], [sflag:$0x5], $0x80, s10, s21, $0xb8;
	[tilespmem:$0x1D000] =	vst v63  }
0xf9: {  	_ =	swait.ge [sflag:s19], $0x4000  }
0xfa: {  	[sflag:s19] =	ssyncset.done $0x0  }
0xfb: {  	s10 =	rddreg [dreg:$0xe];
	[sflag:s19] =	ssyncadd.s32 $0xFFFFC000  }
0xfc: {  	[tilespmem:s23], [sflag:$0x2] =	stream.indirect.gather [hbm4b:s5+s21], $0x80, s10, s21, $0xb8;
	[tilespmem:$0x1D000] =	vst v63  }
0xfd: {  	_ =	swait.ge [sflag:s24], $0x4000  }
0xfe: {  	[sflag:s24] =	ssyncset.done $0x0  }
0xff: {  	s10 =	rddreg [dreg:$0xf];
	[sflag:s24] =	ssyncadd.s32 $0xFFFFC000  }
0x100: {  	[spmem:s3] =	stream.indirect.scatter.add.f32 [tilespmem:s22], [sflag:$0x5], $0x80, s10, s21, $0xb8;
	[tilespmem:$0x1D000] =	vst v63  }
0x101: {  	_ =	swait.ge [sflag:s19], $0x4000  }
0x102: {  	[sflag:s19] =	ssyncset.done $0x0  }
0x103: {  	[sflag:s19] =	ssyncadd.s32 $0xFFFFC000  }
0x104: {  	_ =	swait.ge [sflag:s26], $0x400  }
0x105: {  	[sflag:s26] =	ssyncset.done $0x0  }
0x106: {  	[sflag:s26] =	ssyncadd.s32 $0xFFFFFC00  }
0x107: {  	_ =	swait.ge [sflag:s26], $0x400  }
0x108: {  	[sflag:s26] =	ssyncset.done $0x0  }
0x109: {  	[sflag:s26] =	ssyncadd.s32 $0xFFFFFC00  }
0x10a: {  	[tilespmem:s22], [sflag:$0x1] =	stream.indirect.gather [hbm4b:s5+s21], $0x80, s17, s21, $0xb8;
	[tilespmem:$0x1D000] =	vst v63  }
0x10b: {  	s2 =	smov.u32 s1;
	_ =	swait.ge [sflag:s25], $0x4000  }
0x10c: {  	p1 =	seq.s32 s2, $0x2C00;
	[sflag:s25] =	ssyncset.done $0x0  }
0x10d: {  	s9 =	sadd.s32 $0xFFFFFC00, s2;
	s10 =	rddreg [dreg:$0x10];
	[sflag:s25] =	ssyncadd.s32 $0xFFFFC000  }
0x10e: {  	[spmem:s3] =	stream.indirect.scatter.add.f32 [tilespmem:s23], [sflag:$0x5], $0x80, s10, s21, $0xb8;
	[tilespmem:$0x1D000] =	vst v63  }
0x10f: {  	s9 =	simm.s32 @p1 $0x4;
	_ =	swait.ge [sflag:s19], $0x4000  }
0x110: {  	s9 =	sadd.s32 s8, s9;
	[sflag:s19] =	ssyncset.done $0x0  }
0x111: {  	s9 =	sshrl.u32 s9, $0x3;
	s10 =	rddreg [dreg:$0x11];
	[sflag:s19] =	ssyncadd.s32 $0xFFFFC000  }
0x112: {  	[tilespmem:s23], [sflag:$0x2] =	stream.indirect.gather [hbm4b:s5+s21], $0x80, s10, s21, $0xb8;
	[tilespmem:$0x1D000] =	vst v63  }
0x113: {  	s10 =	sadd.s32 s6, s9  }
0x114: {  	[tilespmem:s4], [sflag:$0x3] =	stream.linear.gather [hbm4b:s10+s4], $0x400, $0x38;
	[tilespmem:$0x1D000] =	vst v63  }
0x115: {  	s9 =	sadd.s32 s7, s9  }
0x116: {  	[tilespmem:s16], [sflag:$0x3] =	stream.linear.gather [hbm4b:s9+s4], $0x400, $0x38;
	[tilespmem:$0x1D000] =	vst v63  }
0x117: {  	_ =	swait.ge [sflag:s24], $0x4000  }
0x118: {  	[sflag:s24] =	ssyncset.done $0x0  }
0x119: {  	[sflag:s24] =	ssyncadd.s32 $0xFFFFC000  }
0x11a: {  	[spmem:s3] =	stream.indirect.scatter.add.f32 [tilespmem:s22], [sflag:$0x5], $0x80, s28, s21, $0xb8;
	[tilespmem:$0x1D000] =	vst v63  }
0x11b: {  	_ =	swait.ge [sflag:s19], $0x4000  }
0x11c: {  	[sflag:s19] =	ssyncset.done $0x0  }
0x11d: {  	s10 =	rddreg [dreg:$0x12];
	[sflag:s19] =	ssyncadd.s32 $0xFFFFC000  }
0x11e: {  	[tilespmem:s22], [sflag:$0x1] =	stream.indirect.gather [hbm4b:s5+s21], $0x80, s10, s21, $0xb8;
	[tilespmem:$0x1D000] =	vst v63  }
0x11f: {  	_ =	swait.ge [sflag:s25], $0x4000  }
0x120: {  	[sflag:s25] =	ssyncset.done $0x0  }
0x121: {  	s10 =	rddreg [dreg:$0x13];
	[sflag:s25] =	ssyncadd.s32 $0xFFFFC000  }
0x122: {  	[spmem:s3] =	stream.indirect.scatter.add.f32 [tilespmem:s23], [sflag:$0x5], $0x80, s10, s21, $0xb8;
	[tilespmem:$0x1D000] =	vst v63  }
0x123: {  	_ =	swait.ge [sflag:s19], $0x4000  }
0x124: {  	[sflag:s19] =	ssyncset.done $0x0  }
0x125: {  	s10 =	rddreg [dreg:$0x14];
	[sflag:s19] =	ssyncadd.s32 $0xFFFFC000  }
0x126: {  	[tilespmem:s23], [sflag:$0x2] =	stream.indirect.gather [hbm4b:s5+s21], $0x80, s10, s21, $0xb8;
	[tilespmem:$0x1D000] =	vst v63  }
0x127: {  	_ =	swait.ge [sflag:s24], $0x4000  }
0x128: {  	[sflag:s24] =	ssyncset.done $0x0  }
0x129: {  	s10 =	rddreg [dreg:$0x15];
	[sflag:s24] =	ssyncadd.s32 $0xFFFFC000  }
0x12a: {  	[spmem:s3] =	stream.indirect.scatter.add.f32 [tilespmem:s22], [sflag:$0x5], $0x80, s10, s21, $0xb8;
	[tilespmem:$0x1D000] =	vst v63  }
0x12b: {  	_ =	swait.ge [sflag:s19], $0x4000  }
0x12c: {  	[sflag:s19] =	ssyncset.done $0x0  }
0x12d: {  	s10 =	rddreg [dreg:$0x16];
	[sflag:s19] =	ssyncadd.s32 $0xFFFFC000  }
0x12e: {  	[tilespmem:s22], [sflag:$0x1] =	stream.indirect.gather [hbm4b:s5+s21], $0x80, s10, s21, $0xb8;
	[tilespmem:$0x1D000] =	vst v63  }
0x12f: {  	_ =	swait.ge [sflag:s25], $0x4000  }
0x130: {  	[sflag:s25] =	ssyncset.done $0x0  }
0x131: {  	s10 =	rddreg [dreg:$0x17];
	[sflag:s25] =	ssyncadd.s32 $0xFFFFC000  }
0x132: {  	[spmem:s3] =	stream.indirect.scatter.add.f32 [tilespmem:s23], [sflag:$0x5], $0x80, s10, s21, $0xb8;
	[tilespmem:$0x1D000] =	vst v63  }
0x133: {  	_ =	swait.ge [sflag:s19], $0x4000  }
0x134: {  	[sflag:s19] =	ssyncset.done $0x0  }
0x135: {  	s10 =	rddreg [dreg:$0x18];
	[sflag:s19] =	ssyncadd.s32 $0xFFFFC000  }
0x136: {  	[tilespmem:s23], [sflag:$0x2] =	stream.indirect.gather [hbm4b:s5+s21], $0x80, s10, s21, $0xb8;
	[tilespmem:$0x1D000] =	vst v63  }
0x137: {  	_ =	swait.ge [sflag:s24], $0x4000  }
0x138: {  	[sflag:s24] =	ssyncset.done $0x0  }
0x139: {  	s10 =	rddreg [dreg:$0x19];
	[sflag:s24] =	ssyncadd.s32 $0xFFFFC000  }
0x13a: {  	[spmem:s3] =	stream.indirect.scatter.add.f32 [tilespmem:s22], [sflag:$0x5], $0x80, s10, s21, $0xb8;
	[tilespmem:$0x1D000] =	vst v63  }
0x13b: {  	_ =	swait.ge [sflag:s19], $0x4000  }
0x13c: {  	[sflag:s19] =	ssyncset.done $0x0  }
0x13d: {  	s10 =	rddreg [dreg:$0x1a];
	[sflag:s19] =	ssyncadd.s32 $0xFFFFC000  }
0x13e: {  	[tilespmem:s22], [sflag:$0x1] =	stream.indirect.gather [hbm4b:s5+s21], $0x80, s10, s21, $0xb8;
	[tilespmem:$0x1D000] =	vst v63  }
0x13f: {  	_ =	swait.ge [sflag:s25], $0x4000  }
0x140: {  	[sflag:s25] =	ssyncset.done $0x0  }
0x141: {  	s10 =	rddreg [dreg:$0x1b];
	[sflag:s25] =	ssyncadd.s32 $0xFFFFC000  }
0x142: {  	[spmem:s3] =	stream.indirect.scatter.add.f32 [tilespmem:s23], [sflag:$0x5], $0x80, s10, s21, $0xb8;
	[tilespmem:$0x1D000] =	vst v63  }
0x143: {  	_ =	swait.ge [sflag:s19], $0x4000  }
0x144: {  	[sflag:s19] =	ssyncset.done $0x0  }
0x145: {  	[sflag:s19] =	ssyncadd.s32 $0xFFFFC000  }
0x146: {  	[tilespmem:s23], [sflag:$0x2] =	stream.indirect.gather [hbm4b:s5+s21], $0x80, s29, s21, $0xb8;
	[tilespmem:$0x1D000] =	vst v63  }
0x147: {  	_ =	swait.ge [sflag:s24], $0x4000  }
0x148: {  	[sflag:s24] =	ssyncset.done $0x0  }
0x149: {  	[sflag:s24] =	ssyncadd.s32 $0xFFFFC000  }
0x14a: {  	[spmem:s3] =	stream.indirect.scatter.add.f32 [tilespmem:s22], [sflag:$0x5], $0x80, s30, s21, $0xb8;
	[tilespmem:$0x1D000] =	vst v63  }
0x14b: {  	_ =	swait.ge [sflag:s19], $0x4000  }
0x14c: {  	[sflag:s19] =	ssyncset.done $0x0  }
0x14d: {  	[sflag:s19] =	ssyncadd.s32 $0xFFFFC000  }
0x14e: {  	_ =	swait.ge [sflag:s20], $0x400  }
0x14f: {  	[sflag:s20] =	ssyncset.done $0x0  }
0x150: {  	[sflag:s20] =	ssyncadd.s32 $0xFFFFFC00  }
0x151: {  	_ =	swait.ge [sflag:s20], $0x400  }
0x152: {  	[sflag:s20] =	ssyncset.done $0x0  }
0x153: {  	[sflag:s20] =	ssyncadd.s32 $0xFFFFFC00  }
0x154: {  	[tilespmem:s22], [sflag:$0x1] =	stream.indirect.gather [hbm4b:s5+s21], $0x80, s4, s21, $0xb8;
	[tilespmem:$0x1D000] =	vst v63  }
0x155: {  	_ =	swait.ge [sflag:s25], $0x4000  }
0x156: {  	[sflag:s25] =	ssyncset.done $0x0  }
0x157: {  	[sflag:s25] =	ssyncadd.s32 $0xFFFFC000  }
0x158: {  	[spmem:s3] =	stream.indirect.scatter.add.f32 [tilespmem:s23], [sflag:$0x5], $0x80, s31, s21, $0xb8;
	[tilespmem:$0x1D000] =	vst v63  }
0x159: {  	p0 =	sne.s32 s1, $0x2C00;
	s2 =	simm.s32 @p1 $0x400;
	_ =	swait.ge [sflag:s19], $0x4000  }
.Ltmp0:
0x15a: {  	s2 =	sadd.s32 s8, s2;
	[sflag:s19] =	ssyncset.done $0x0;
	(pc) =	sbr.rel @p0 .LBB2_2-.Ltmp0, $4  }
0x15b: {  	s2 =	sshrl.u32 s2, $0x3;
	[sflag:s19] =	ssyncadd.s32 $0xFFFFC000  }
0x15c: {  	[tilespmem:s23], [sflag:$0x2] =	stream.indirect.gather [hbm4b:s5+s21], $0x80, s21, s21, $0xb8;
	[tilespmem:$0x1D000] =	vst v63  }
0x15d: {  	s1 =	sadd.s32 $0x800, s1;
	s9 =	sadd.s32 s7, s2;
	s10 =	sadd.s32 s6, s2  }
0x15e: {  	[tilespmem:s17], [sflag:$0x4] =	stream.linear.gather [hbm4b:s10+s4], $0x400, $0x38;
	[tilespmem:$0x1D000] =	vst v63  }
0x15f: {  	[tilespmem:s28], [sflag:$0x4] =	stream.linear.gather [hbm4b:s9+s4], $0x400, $0x38;
	[tilespmem:$0x1D000] =	vst v63  }
0x160: {  	_ =	swait.ge [sflag:s24], $0x4000  }
0x161: {  	[sflag:s24] =	ssyncset.done $0x0  }
0x162: {  	[sflag:s24] =	ssyncadd.s32 $0xFFFFC000  }
0x163: {  	_ =	swait.ge [sflag:s25], $0x4000  }
0x164: {  	[sflag:s25] =	ssyncset.done $0x0  }
0x165: {  	[sflag:s25] =	ssyncadd.s32 $0xFFFFC000  }
0x166: {  	_ =	swait.ge [sflag:s26], $0x400  }
0x167: {  	[sflag:s26] =	ssyncset.done $0x0  }
0x168: {  	[sflag:s26] =	ssyncadd.s32 $0xFFFFFC00  }
0x169: {  	_ =	swait.ge [sflag:s26], $0x400  }
0x16a: {  	s0 =	sadd.s32 $0x1, s0;
	[sflag:s26] =	ssyncset.done $0x0  }
0x16b: {  	p0 =	sne.s32 s0, s15;
	[sflag:s26] =	ssyncadd.s32 $0xFFFFFC00  }
.Ltmp1:
0x16c: {  	[bflag:$0x0] =	sbarrier.arrive $0xFFFF;
	(pc) =	sbr.rel @p0 .LBB2_1-.Ltmp1, $4  }
0x16d: {  	[hbm:s14], [sflag:s13] =	dma.local [spmem:s18], $0x2800  }
0x16e: {  	_ =	swait.ge [sflag:s19], $0x2800  }
0x16f: {  	[sflag:s19] =	ssyncset.done $0x0  }
0x170: {  	[sflag:s19] =	ssyncadd.s32 $0xFFFFD800  }
0x171: {  	_ =	sfence.sel $0x180000  }
0x172: {  	[bflag:$0x0] =	sbarrier.arrive $0xFFFF  }
0x173: {  	_ =	strace $0x9000004D  }
0x174: {  	s0 =	stileid.u32;
	[bflag:$0x2] =	sbarrier.arrive $0xFFFF  }
0x175: {  	p0 =	sne.s32 s0, $0x0;
	s0 =	rddreg [dreg:$0x3]  }
0x176: {  	s0 =	sadd.s32 @!p0 $0x100000, s0  }
0x177: {  	[sflag:s0] =	ssyncadd.tile.s32 @!p0 $0x1;
	_ =	shalt  }
.Lfunc_end2:
_tile_overlayer_lowered:
.L_overlay_start_2:
0x178: {  	(tag) =	ssettag $0x2  }
0x179: {  	s0 =	rddreg [dreg:$0x0];
	s2 =	stileid.u32  }
0x17a: {  	s1 =	rddreg [dreg:$0x1];
	p0 =	sne.s32 s2, $0x0  }
0x17b: {  	s3 =	rddreg [dreg:$0x2];
	[bflag:$0x3] =	sbarrier.arrive $0xFFFF;
	s2 =	simm.s32 @!p0 $0x1C05  }
0x17c: {  	[timem:s3], [sflag:s2] =	dma.local @!p0 [hbm:s0], s1  }
0x17d: {  	s0 =	simm.s32 @!p0 $0x5  }
0x17e: {  	_ =	swait.ge @!p0 [sflag:s0], s1  }
0x17f: {  	s1 =	ssub.s32 @!p0 $0x0, s1;
	[sflag:s0] =	ssyncset.done @!p0 $0x0  }
0x180: {  	[sflag:s0] =	ssyncadd.s32 @!p0 s1  }
0x181: {  	[bflag:$0x3] =	sbarrier.arrive $0xFFFF  }
0x182: {  	_ =	shalt  }

// kernel: kernel.23.cloned.1.call-start
scs
__scs_entry_jumppad:
0x0: {  	(pc) =	sbr.rel $0x88, $3  }
0x1: {  	(tag) =	ssettag $0x0;
	lr =	simm.s32 $0x1  }
0x2: {  	[smem:$0x3F8A] =	sst lr;
	_ =	strace $0xD0000000  }
0x3: {  	_ = 	snop  }
0x4: {  	_ = 	snop  }
0x5: {  	_ = 	snop  }
0x6: {  	_ = 	snop  }
0x7: {  	_ = 	snop  }
__scs_overlays_trampoline_lowered:
0x8: {  	[smem:$0x3F99] =	sst s0  }
0x9: {  	[smem:$0x3F9A] =	sst s1  }
0xa: {  	[smem:$0x3F9B] =	sst s2  }
0xb: {  	[smem:$0x3F9C] =	sst s3  }
0xc: {  	[smem:$0x3F9D] =	sst s4  }
0xd: {  	[smem:$0x3F9E] =	sst s5  }
0xe: {  	[smem:$0x3F9F] =	sst s6  }
0xf: {  	[smem:$0x3FA0] =	sst s7  }
0x10: {  	[smem:$0x3FA1] =	sst s8  }
0x11: {  	[smem:$0x3FA2] =	sst s9;
	s0 =	simm.s32 @!p0 $0x0  }
0x12: {  	s1 =	sld [smem:$0x3F88];
	s0 =	simm.s32 @p0 $0x1  }
0x13: {  	[smem:$0x3FA3] =	sst s0;
	s0 =	simm.s32 @!p1 $0x0  }
0x14: {  	s2 =	sld [smem:$0x3F87];
	s0 =	simm.s32 @p1 $0x1  }
0x15: {  	[smem:$0x3FA4] =	sst s0;
	s0 =	simm.s32 @!p2 $0x0  }
0x16: {  	s3 =	sld [smem:$0x3FDB];
	s0 =	simm.s32 @p2 $0x1  }
0x17: {  	s4 =	simm.s32 $0x1BF5;
	[smem:$0x3FA6] =	sst s0  }
0x18: {  	s0 =	sld [smem:$0x3F89];
	_ =	swait.ge [sflag:s4], $0x0  }
0x19: {  	s7 =	sld [smem:$0x3F8A]  }
0x1a: {  	s8 =	sadd.s32 $0xFFFFE003, lr  }
0x1b: {  	s9 =	sadd.s32 $0xFFFFFEF7, lr;
	s5 =	simm.s32 $0xFFFFFFFF;
	p2 =	slt.u32 s8, $0xFFFFF086  }
0x1c: {  	p1 =	slt.u32 s9, $0xF7A;
	s5 =	simm.s32 @!p2 $0x0  }
0x1d: {  	s5 =	simm.s32 @p1 $0x1;
	p0 =	seq.s32 s7, s2  }
0x1e: {  	s7 =	smul.u32 @!p0 $0xF7A, s2;
	p2 =	seq.s32 @!p0 s5, $0x0  }
0x1f: {  	s9 =	smul.u32 $0xF7A, s1;
	s8 =	simm.s32 @!p0 $0x1BF5;
	p2 =	por !p2, p0  }
0x20: {  	[sflag:s8] =	ssyncset.s32 @!p0 $0xFFFFF086;
	s6 =	sadd.s32 @!p0 s3, s7;
	s7 =	simm.s32 @!p0 $0x108  }
0x21: {  	s3 =	sadd.s32 s3, s9;
	s6 =	sadd.s32 @!p0 $0x88, s6;
	s7 =	simm.s32 @p2 $0x1082  }
0x22: {  	[simem:s7], [sflag:s8] =	dma.local @!p0 [hbm:s6], $0xF7A  }
0x23: {  	s9 =	sor.u32 $0xD0000000, s2;
	s6 =	simm.s32 $0x108;
	_ =	swait.ge @!p0 [sflag:s8], $0x0  }
0x24: {  	s3 =	sadd.s32 $0x88, s3;
	s6 =	simm.s32 @!p1 $0x1082;
	[sflag:s4] =	ssyncset.s32 $0xFFFFF086  }
0x25: {  	[simem:s6], [sflag:s4] =	dma.local [hbm:s3], $0xF7A  }
0x26: {  	[smem:$0x3F8A] =	sst s1;
	(tag) =	ssettag s2;
	_ =	strace s9  }
0x27: {  	s1 =	sld [smem:$0x3F9A]  }
0x28: {  	s2 =	sld [smem:$0x3F9B]  }
0x29: {  	s4 =	sld [smem:$0x3F9D]  }
0x2a: {  	p0 =	seq.s32 s5, $0x0;
	s5 =	sld [smem:$0x3F9E]  }
0x2b: {  	s6 =	sld [smem:$0x3F9F]  }
0x2c: {  	s7 =	sld [smem:$0x3FA0]  }
0x2d: {  	s3 =	simm.s32 $0x108;
	s8 =	sld [smem:$0x3FA1]  }
0x2e: {  	s3 =	simm.s32 @!p0 $0x1082;
	s9 =	sld [smem:$0x3FA2]  }
0x2f: {  	lr =	sadd.s32 s0, s3;
	s0 =	sld [smem:$0x3F99]  }
0x30: {  	s3 =	sld [smem:$0x3F9C]  }
0x31: {  	[smem:$0x3FA5] =	sst s10  }
0x32: {  	s10 =	sld [smem:$0x3FA3];
	_ =	sdelay $0x3  }
0x33: {  	p0 =	seq.s32 s10, $0x1;
	s10 =	sld [smem:$0x3FA5];
	_ =	sdelay $0x3  }
0x34: {  	[smem:$0x3FA5] =	sst s10  }
0x35: {  	s10 =	sld [smem:$0x3FA4];
	_ =	sdelay $0x3  }
0x36: {  	p1 =	seq.s32 s10, $0x1;
	s10 =	sld [smem:$0x3FA5];
	_ =	sdelay $0x3  }
0x37: {  	[smem:$0x3FA5] =	sst s10  }
0x38: {  	s10 =	sld [smem:$0x3FA6]  }
0x39: {  	_ = 	snop;
	(pc) =	sbr.ind lr, $3  }
0x3a: {  	_ = 	snop  }
0x3b: {  	_ = 	snop  }
0x3c: {  	p2 =	seq.s32 s10, $0x1;
	s10 =	sld [smem:$0x3FA5]  }
0x3d: {  	_ =	shalt  }
0x3e: {  	_ =	shalt  }
0x3f: {  	_ =	shalt  }
0x40: {  	_ =	shalt  }
0x41: {  	_ =	shalt  }
0x42: {  	_ =	shalt  }
0x43: {  	_ =	shalt  }
0x44: {  	_ =	shalt  }
0x45: {  	_ =	shalt  }
0x46: {  	_ =	shalt  }
0x47: {  	_ =	shalt  }
0x48: {  	_ =	shalt  }
0x49: {  	_ =	shalt  }
0x4a: {  	_ =	shalt  }
0x4b: {  	_ =	shalt  }
0x4c: {  	_ =	shalt  }
0x4d: {  	_ =	shalt  }
0x4e: {  	_ =	shalt  }
0x4f: {  	_ =	shalt  }
0x50: {  	_ =	shalt  }
0x51: {  	_ =	shalt  }
0x52: {  	_ =	shalt  }
0x53: {  	_ =	shalt  }
0x54: {  	_ =	shalt  }
0x55: {  	_ =	shalt  }
0x56: {  	_ =	shalt  }
0x57: {  	_ =	shalt  }
0x58: {  	_ =	shalt  }
0x59: {  	_ =	shalt  }
0x5a: {  	_ =	shalt  }
0x5b: {  	_ =	shalt  }
0x5c: {  	_ =	shalt  }
0x5d: {  	_ =	shalt  }
0x5e: {  	_ =	shalt  }
0x5f: {  	_ =	shalt  }
0x60: {  	_ =	shalt  }
0x61: {  	_ =	shalt  }
0x62: {  	_ =	shalt  }
0x63: {  	_ =	shalt  }
0x64: {  	_ =	shalt  }
0x65: {  	_ =	shalt  }
0x66: {  	_ =	shalt  }
0x67: {  	_ =	shalt  }
0x68: {  	_ =	shalt  }
0x69: {  	_ =	shalt  }
0x6a: {  	_ =	shalt  }
0x6b: {  	_ =	shalt  }
0x6c: {  	_ =	shalt  }
0x6d: {  	_ =	shalt  }
0x6e: {  	_ =	shalt  }
0x6f: {  	_ =	shalt  }
0x70: {  	_ =	shalt  }
0x71: {  	_ =	shalt  }
0x72: {  	_ =	shalt  }
0x73: {  	_ =	shalt  }
0x74: {  	_ =	shalt  }
0x75: {  	_ =	shalt  }
0x76: {  	_ =	shalt  }
0x77: {  	_ =	shalt  }
0x78: {  	_ =	shalt  }
0x79: {  	_ =	shalt  }
0x7a: {  	_ =	shalt  }
0x7b: {  	_ =	shalt  }
0x7c: {  	_ =	shalt  }
0x7d: {  	_ =	shalt  }
0x7e: {  	_ =	shalt  }
0x7f: {  	_ =	shalt  }
0x80: {  	_ =	shalt  }
0x81: {  	_ =	shalt  }
0x82: {  	_ =	shalt  }
0x83: {  	_ =	shalt  }
0x84: {  	_ =	shalt  }
0x85: {  	_ =	shalt  }
0x86: {  	_ =	shalt  }
0x87: {  	_ =	shalt  }
.Lfunc_end0:
.L_simem_size_0:
called_computation.3_lowered:
.L_overlay_start_0:
0x88: {  	s2 =	sld [smem:$0x3FD9]  }
0x89: {  	s3 =	sld [smem:$0x3FFE];
	_ =	sdelay $0x1  }
0x8a: {  	s1 =	srdreg.scid  }
0x8b: {  	s0 =	sand.u32 $0x1, s1  }
0x8c: {  	s14 =	sshll.u32 s0, $0xA;
	s2 =	sadd.s32 s3, s2  }
0x8d: {  	s2 =	sadd.s32 s2, s14  }
0x8e: {  	[smem:$0x3FB1] =	sst s2  }
0x8f: {  	_ = 	snop  }
0x90: {  	s2 =	sld [smem:$0x3FD0];
	_ =	sdelay $0x2  }
0x91: {  	s15 =	simm.s32 $0xA;
	s4 =	simm.s32 $0x10  }
0x92: {  	[smem:s4], [sflag:s15] =	dma.local [hbm:s2], $0x1  }
0x93: {  	_ =	swait.eq [sflag:s15], $0x1  }
0x94: {  	[sflag:s15] =	ssyncset.done $0x0  }
0x95: {  	[sflag:s15] =	ssyncadd.s32 $0xFFFFFFFF  }
0x96: {  	s16 =	sld [smem:$0x11];
	(tm) =	ssettm $0x1  }
0x97: {  	s17 =	sld [smem:$0x3FFB];
	_ =	sdelay $0x3  }
0x98: {  	_ =	strace s17  }
0x99: {  	s3 =	sld [smem:$0x3FFC];
	_ =	sdelay $0x3  }
0x9a: {  	_ =	strace s3  }
0x9b: {  	s3 =	sld [smem:$0x3FFD];
	_ =	sdelay $0x3  }
0x9c: {  	_ =	strace s3  }
0x9d: {  	_ =	strace $0x8FFFFFFF  }
0x9e: {  	s18 =	sld [smem:$0x3FDB];
	_ =	sdelay $0x1  }
0x9f: {  	s19 =	simm.s32 $_scs_section_size  }
0xa0: {  	s5 =	simm.s32 $_size__tile_overlayer_lowered;
	s6 =	simm.s32 $_tile_overlayer_lowered  }
0xa1: {  	s22 =	simm.s32 $0x1BFF;
	s21 =	sshll.u32 s6, $0x1;
	s3 =	sadd.s32 s19, s18  }
0xa2: {  	s7 =	simm.s32 $0x0;
	s20 =	sshll.u32 s5, $0x1;
	s5 =	sadd.s32 s21, s3  }
0xa3: {  	[timem:s7], [sflag:s22] =	dma.local [hbm:s5], s20  }
0xa4: {  	_ =	swait.ge [sflag:s22], s20  }
0xa5: {  	s4 =	ssub.s32 $0x0, s20;
	[sflag:s22] =	ssyncset.done $0x0  }
0xa6: {  	[sflag:s22] =	ssyncadd.s32 s4;
	_ =	sdelay $0x1  }
0xa7: {  	s23 =	simm.s32 $0x1B8B  }
0xa8: {  	_ =	swait.ge [sflag:s23], $0x1  }
0xa9: {  	[sflag:s23] =	ssyncset.done $0x0  }
0xaa: {  	s25 =	simm.s32 $0x1B8E;
	s24 =	sld [smem:$0x3FFE];
	[sflag:s23] =	ssyncadd.s32 $0xFFFFFFFF  }
0xab: {  	s26 =	simm.s32 $execute0_lowered;
	[smem:$0x3FD2] =	sst s25  }
0xac: {  	s5 =	sshll.u32 s26, $0x1;
	_ =	strace $0x8000004F;
	[dreg:$0x1] =	wrdreg $0xFFFFFFFF  }
0xad: {  	s28 =	simm.s32 $_size_execute0_lowered;
	s3 =	sadd.s32 s3, s5;
	[dreg:$0x0] =	wrdreg $0x0  }
0xae: {  	s5 =	sshll.u32 s28, $0x1;
	[dreg:$0x2] =	wrdreg s3  }
0xaf: {  	[dreg:$0x3] =	wrdreg s5  }
0xb0: {  	[dreg:$0x4] =	wrdreg $0xC0  }
0xb1: {  	_ =	task [dreg:s7], $0x5FFFF  }
0xb2: {  	[dreg:$0x1] =	wrdreg $0xFFFFFFFF  }
0xb3: {  	[dreg:$0x0] =	wrdreg $0x60  }
0xb4: {  	[dreg:$0x2] =	wrdreg s16  }
0xb5: {  	[dreg:$0x3] =	wrdreg s24  }
0xb6: {  	[dreg:$0x4] =	wrdreg $0x90000  }
0xb7: {  	[dreg:$0x5] =	wrdreg $0x9  }
0xb8: {  	_ =	task.clear_ibuf [dreg:s7], $0x6FFFF;
	_ =	strace $0x9000004F  }
0xb9: {  	s29 =	simm.s32 $0x9;
	_ =	strace $0x80000051  }
0xba: {  	_ =	swait.ge [sflag:s29], $0x1  }
0xbb: {  	[sflag:s29] =	ssyncadd.s32 $0xFFFFFFFF  }
0xbc: {  	_ =	strace $0x90000051  }
0xbd: {  	_ =	sfence  }
0xbe: {  	s30 =	sld [smem:$0x0];
	_ =	sdelay $0x2  }
0xbf: {  	s31 =	sshll.u32 s1, $0xD;
	s1 =	sshrl.u32 s1, $0x2  }
0xc0: {  	s3 =	sand.u32 $0x4000, s31;
	s1 =	sadd.s32 s1, s30  }
0xc1: {  	s0 =	sor.u32 s3, s0;
	s1 =	sshll.u32 s1, $0x11  }
0xc2: {  	s0 =	sor.u32 s1, s0  }
0xc3: {  	s0 =	sadd.s32 $0x8F2B, s0  }
0xc4: {  	[sflag:s0] =	ssyncadd.remote.s32 $0x1  }
0xc5: {  	_ =	sfence.sel $0xFFFF  }
0xc6: {  	[dreg:$0x0] =	wrdreg $0xFFFFFFFF;
	(pc) =	sbr.abs _section_cstart, $3  }
0xc7: {  	[dreg:$0x1] =	wrdreg $0xFFFFFFFF  }
0xc8: {  	_ =	task.clear_ibuf [dreg:s7], $0x2FFFF;
	_ =	strace $0x9FFFFFFF  }
0xc9: {  	(tm) =	ssettm $0x7FFFFFFF  }
tec
execute0_lowered:
.L_overlay_start_1:
0x0: {  	(tag) =	ssettag $0x1  }
0x1: {  	s1 =	rddreg [dreg:$0x0]  }
0x2: {  	s6 =	rddreg [dreg:$0x1]  }
0x3: {  	s3 =	rddreg [dreg:$0x2]  }
0x4: {  	s0 =	rddreg [dreg:$0x3];
	s4 =	srdreg.scid  }
0x5: {  	s2 =	stileid.u32;
	s12 =	simm.s32 $0x80;
	s13 =	simm.s32 $0x5000  }
0x6: {  	s14 =	simm.s32 $0x7000;
	s17 =	simm.s32 $0x1;
	s18 =	simm.s32 $0x2  }
0x7: {  	s19 =	simm.s32 $0x4F00;
	s20 =	simm.s32 $0x4F80;
	s21 =	simm.s32 $0x0  }
0x8: {  	s5 =	sand.u32 $0x1, s4;
	s7 =	sshll.u32 s2, $0x1;
	s8 =	smul.u32 $0xA000, s2  }
0x9: {  	s4 =	simm.s32 $0x0;
	s15 =	sshll.u32 s2, $0x6;
	s7 =	sor.u32 s5, s7  }
0xa: {  	s9 =	smul.u32 $0xA0000, s5;
	[smem:$0x7FF] =	sst s4;
	s10 =	ssub.s32 $0x2, s5  }
0xb: {  	s5 =	sadd.s32 $0x1A000, s6;
	s15 =	sor.u32 $0x1C03, s15;
	s7 =	smul.u32 $0x500, s7  }
0xc: {  	_ =	strace $0x80000050;
	s11 =	sshrl.u32 s10, $0x1;
	s16 =	sadd.s32 s8, s3  }
0xd: {  	s9 =	sadd.s32 s8, s9;
	s10 =	ssub.s32 s10, s11;
	s11 =	simm.s32 $0x2800  }
0xe: {  	s16 =	sshrl.u32 s16, $0x3;
	s7 =	sadd.s32 s7, s6;
	s9 =	sshrl.u32 s9, $0x3  }
0xf: {  	s9 =	sadd.s32 s9, s6;
	s6 =	sadd.s32 $0x6000, s7;
	s7 =	sadd.s32 $0x10000, s7  }
0x10: {  	s8 =	sadd.s32 $0x1B400, s9;
	s9 =	smax.u32 s10, $0x1;
	s10 =	simm.s32 $0x3  }
.LBB2_1:
0x11: {  	[tilespmem:s4], [sflag:$0x3] =	stream.linear.gather [hbm4b:s6+s4], $0x2800, $0x38;
	[tilespmem:$0x13000] =	vst v63  }
0x12: {  	_ =	swait.ge [sflag:s10], $0x2800  }
0x13: {  	[sflag:s10] =	ssyncset.done $0x0  }
0x14: {  	[sflag:s10] =	ssyncadd.s32 $0xFFFFD800  }
0x15: {  	[tilespmem:s11], [sflag:$0x3] =	stream.linear.gather [hbm4b:s7+s4], $0x2800, $0x38;
	[tilespmem:$0x13000] =	vst v63  }
0x16: {  	_ =	swait.ge [sflag:s10], $0x2800  }
0x17: {  	[sflag:s10] =	ssyncset.done $0x0  }
0x18: {  	[sflag:s10] =	ssyncadd.s32 $0xFFFFD800  }
0x19: {  	[tilespmem:s13], [sflag:$0x1] =	stream.indirect.gather [hbm4b:s1+s12], $0x40, s4, s12, $0xb8;
	[tilespmem:$0x13000] =	vst v63  }
0x1a: {  	_ = 	snop  }
0x1b: {  	[tilespmem:s14], [sflag:$0x2] =	stream.indirect.gather [hbm4b:s1+s12], $0x40, s12, s12, $0xb8;
	[tilespmem:$0x13000] =	vst v63  }
0x1c: {  	[spmem:s16], [sflag:s15] =	dma.local [hbm:s5], $0x1400  }
0x1d: {  	_ =	swait.ge [sflag:s10], $0x1400  }
0x1e: {  	[sflag:s10] =	ssyncset.done $0x0  }
0x1f: {  	[sflag:s10] =	ssyncadd.s32 $0xFFFFEC00  }
0x20: {  	[bflag:$0x0] =	sbarrier.arrive $0xFFFF  }
0x21: {  	_ =	swait.ge [sflag:s17], $0x2000  }
0x22: {  	[sflag:s17] =	ssyncset.done $0x0  }
0x23: {  	s22 =	simm.s32 $0x2800;
	[sflag:s17] =	ssyncadd.s32 $0xFFFFE000  }
0x24: {  	[spmem:s3] =	stream.indirect.scatter.add.f32 [tilespmem:s13], [sflag:$0x3], $0x40, s22, s12, $0xb8;
	[tilespmem:$0x13000] =	vst v63  }
0x25: {  	_ =	swait.ge [sflag:s10], $0x2000  }
0x26: {  	[sflag:s10] =	ssyncset.done $0x0  }
0x27: {  	s30 =	simm.s32 $0x100;
	[sflag:s10] =	ssyncadd.s32 $0xFFFFE000  }
0x28: {  	[tilespmem:s13], [sflag:$0x1] =	stream.indirect.gather [hbm4b:s1+s12], $0x40, s30, s12, $0xb8;
	[tilespmem:$0x13000] =	vst v63  }
0x29: {  	_ =	swait.ge [sflag:s18], $0x2000  }
0x2a: {  	[sflag:s18] =	ssyncset.done $0x0  }
0x2b: {  	s31 =	simm.s32 $0x2880;
	[sflag:s18] =	ssyncadd.s32 $0xFFFFE000  }
0x2c: {  	[spmem:s3] =	stream.indirect.scatter.add.f32 [tilespmem:s14], [sflag:$0x3], $0x40, s31, s12, $0xb8;
	[tilespmem:$0x13000] =	vst v63  }
0x2d: {  	_ =	swait.ge [sflag:s10], $0x2000  }
0x2e: {  	[sflag:s10] =	ssyncset.done $0x0  }
0x2f: {  	s23 =	simm.s32 $0x180;
	s22 =	simm.s32 $0x400;
	[sflag:s10] =	ssyncadd.s32 $0xFFFFE000  }
.LBB2_2:
0x30: {  	[tilespmem:s14], [sflag:$0x2] =	stream.indirect.gather [hbm4b:s1+s12], $0x40, s23, s12, $0xb8;
	[tilespmem:$0x13000] =	vst v63  }
0x31: {  	s23 =	smov.u32 s22  }
0x32: {  	p0 =	sne.s32 s22, $0x9800;
	s22 =	sadd.s32 $0x400, s22;
	_ =	swait.ge [sflag:s17], $0x2000  }
0x33: {  	s23 =	sshra.s32 s23, $0x2;
	[sflag:s17] =	ssyncset.done $0x0  }
0x34: {  	s24 =	sadd.s32 $0x2800, s23;
	[sflag:s17] =	ssyncadd.s32 $0xFFFFE000  }
0x35: {  	[spmem:s3] =	stream.indirect.scatter.add.f32 [tilespmem:s13], [sflag:$0x3], $0x40, s24, s12, $0xb8;
	[tilespmem:$0x13000] =	vst v63  }
0x36: {  	_ =	swait.ge [sflag:s10], $0x2000  }
0x37: {  	[sflag:s10] =	ssyncset.done $0x0  }
0x38: {  	s24 =	sadd.s32 $0x100, s23;
	[sflag:s10] =	ssyncadd.s32 $0xFFFFE000  }
0x39: {  	[tilespmem:s13], [sflag:$0x1] =	stream.indirect.gather [hbm4b:s1+s12], $0x40, s24, s12, $0xb8;
	[tilespmem:$0x13000] =	vst v63  }
0x3a: {  	_ =	swait.ge [sflag:s18], $0x2000  }
0x3b: {  	[sflag:s18] =	ssyncset.done $0x0  }
.Ltmp0:
0x3c: {  	s24 =	sadd.s32 $0x2880, s23;
	[sflag:s18] =	ssyncadd.s32 $0xFFFFE000;
	(pc) =	sbr.rel @p0 .LBB2_2-.Ltmp0, $4  }
0x3d: {  	[spmem:s3] =	stream.indirect.scatter.add.f32 [tilespmem:s14], [sflag:$0x3], $0x40, s24, s12, $0xb8;
	[tilespmem:$0x13000] =	vst v63  }
0x3e: {  	_ =	swait.ge [sflag:s10], $0x2000  }
0x3f: {  	[sflag:s10] =	ssyncset.done $0x0  }
0x40: {  	s23 =	sadd.s32 $0x180, s23;
	[sflag:s10] =	ssyncadd.s32 $0xFFFFE000  }
0x41: {  	[tilespmem:s14], [sflag:$0x2] =	stream.indirect.gather [hbm4b:s1+s12], $0x40, s23, s12, $0xb8;
	[tilespmem:$0x13000] =	vst v63  }
0x42: {  	_ =	swait.ge [sflag:s17], $0x2000  }
0x43: {  	[sflag:s17] =	ssyncset.done $0x0  }
0x44: {  	[sflag:s17] =	ssyncadd.s32 $0xFFFFE000  }
0x45: {  	[spmem:s3] =	stream.indirect.scatter.add.f32 [tilespmem:s13], [sflag:$0x3], $0x40, s19, s12, $0xb8;
	[tilespmem:$0x13000] =	vst v63  }
0x46: {  	_ =	swait.ge [sflag:s10], $0x2000  }
0x47: {  	[sflag:s10] =	ssyncset.done $0x0  }
0x48: {  	[sflag:s10] =	ssyncadd.s32 $0xFFFFE000  }
0x49: {  	[tilespmem:s13], [sflag:$0x1] =	stream.indirect.gather [hbm4b:s1+s12], $0x40, s4, s12, $0xb8;
	[tilespmem:$0x13000] =	vst v63  }
0x4a: {  	_ =	swait.ge [sflag:s18], $0x2000  }
0x4b: {  	[sflag:s18] =	ssyncset.done $0x0  }
0x4c: {  	[sflag:s18] =	ssyncadd.s32 $0xFFFFE000  }
0x4d: {  	[spmem:s3] =	stream.indirect.scatter.add.f32 [tilespmem:s14], [sflag:$0x3], $0x40, s20, s12, $0xb8;
	[tilespmem:$0x13000] =	vst v63  }
0x4e: {  	_ =	swait.ge [sflag:s10], $0x2000  }
0x4f: {  	[sflag:s10] =	ssyncset.done $0x0  }
0x50: {  	[sflag:s10] =	ssyncadd.s32 $0xFFFFE000  }
0x51: {  	[tilespmem:s14], [sflag:$0x2] =	stream.indirect.gather [hbm4b:s1+s12], $0x40, s12, s12, $0xb8;
	[tilespmem:$0x13000] =	vst v63  }
0x52: {  	_ =	swait.ge [sflag:s17], $0x2000  }
0x53: {  	[sflag:s17] =	ssyncset.done $0x0  }
0x54: {  	[sflag:s17] =	ssyncadd.s32 $0xFFFFE000  }
0x55: {  	_ =	swait.ge [sflag:s18], $0x2000  }
0x56: {  	s21 =	sadd.s32 $0x1, s21;
	[sflag:s18] =	ssyncset.done $0x0  }
0x57: {  	p0 =	sne.s32 s21, s9;
	[sflag:s18] =	ssyncadd.s32 $0xFFFFE000  }
.Ltmp1:
0x58: {  	[bflag:$0x0] =	sbarrier.arrive $0xFFFF;
	(pc) =	sbr.rel @p0 .LBB2_1-.Ltmp1, $4  }
0x59: {  	[hbm:s8], [sflag:s15] =	dma.local [spmem:s16], $0x1400  }
0x5a: {  	_ =	swait.ge [sflag:s10], $0x1400  }
0x5b: {  	[sflag:s10] =	ssyncset.done $0x0  }
0x5c: {  	[sflag:s10] =	ssyncadd.s32 $0xFFFFEC00  }
0x5d: {  	_ =	sfence.sel $0x180000  }
0x5e: {  	[bflag:$0x0] =	sbarrier.arrive $0xFFFF  }
0x5f: {  	p0 =	sne.s32 s2, $0x0;
	_ =	strace $0x90000050  }
0x60: {  	s0 =	sadd.s32 @!p0 $0x100000, s0;
	[bflag:$0x2] =	sbarrier.arrive $0xFFFF  }
0x61: {  	[sflag:s0] =	ssyncadd.tile.s32 @!p0 $0x1;
	_ =	shalt  }
.Lfunc_end2:
_tile_overlayer_lowered:
.L_overlay_start_2:
0x62: {  	(tag) =	ssettag $0x2  }
0x63: {  	s0 =	rddreg [dreg:$0x0];
	s2 =	stileid.u32  }
0x64: {  	s1 =	rddreg [dreg:$0x1];
	p0 =	sne.s32 s2, $0x0  }
0x65: {  	s3 =	rddreg [dreg:$0x2];
	[bflag:$0x3] =	sbarrier.arrive $0xFFFF;
	s2 =	simm.s32 @!p0 $0x1C03  }
0x66: {  	[timem:s3], [sflag:s2] =	dma.local @!p0 [hbm:s0], s1  }
0x67: {  	s0 =	simm.s32 @!p0 $0x3  }
0x68: {  	_ =	swait.ge @!p0 [sflag:s0], s1  }
0x69: {  	s1 =	ssub.s32 @!p0 $0x0, s1;
	[sflag:s0] =	ssyncset.done @!p0 $0x0  }
0x6a: {  	[sflag:s0] =	ssyncadd.s32 @!p0 s1  }
0x6b: {  	[bflag:$0x3] =	sbarrier.arrive $0xFFFF  }
0x6c: {  	_ =	shalt  }

// kernel: kernel.26.cloned.1.call-start
scs
__scs_entry_jumppad:
0x0: {  	(pc) =	sbr.rel $0x88, $3  }
0x1: {  	(tag) =	ssettag $0x0;
	lr =	simm.s32 $0x1  }
0x2: {  	[smem:$0x3F8A] =	sst lr;
	_ =	strace $0xD0000000  }
0x3: {  	_ = 	snop  }
0x4: {  	_ = 	snop  }
0x5: {  	_ = 	snop  }
0x6: {  	_ = 	snop  }
0x7: {  	_ = 	snop  }
__scs_overlays_trampoline_lowered:
0x8: {  	[smem:$0x3F99] =	sst s0  }
0x9: {  	[smem:$0x3F9A] =	sst s1  }
0xa: {  	[smem:$0x3F9B] =	sst s2  }
0xb: {  	[smem:$0x3F9C] =	sst s3  }
0xc: {  	[smem:$0x3F9D] =	sst s4  }
0xd: {  	[smem:$0x3F9E] =	sst s5  }
0xe: {  	[smem:$0x3F9F] =	sst s6  }
0xf: {  	[smem:$0x3FA0] =	sst s7  }
0x10: {  	[smem:$0x3FA1] =	sst s8  }
0x11: {  	[smem:$0x3FA2] =	sst s9;
	s0 =	simm.s32 @!p0 $0x0  }
0x12: {  	s1 =	sld [smem:$0x3F88];
	s0 =	simm.s32 @p0 $0x1  }
0x13: {  	[smem:$0x3FA3] =	sst s0;
	s0 =	simm.s32 @!p1 $0x0  }
0x14: {  	s2 =	sld [smem:$0x3F87];
	s0 =	simm.s32 @p1 $0x1  }
0x15: {  	[smem:$0x3FA4] =	sst s0;
	s0 =	simm.s32 @!p2 $0x0  }
0x16: {  	s3 =	sld [smem:$0x3FDB];
	s0 =	simm.s32 @p2 $0x1  }
0x17: {  	s4 =	simm.s32 $0x1BF5;
	[smem:$0x3FA6] =	sst s0  }
0x18: {  	s0 =	sld [smem:$0x3F89];
	_ =	swait.ge [sflag:s4], $0x0  }
0x19: {  	s7 =	sld [smem:$0x3F8A]  }
0x1a: {  	s8 =	sadd.s32 $0xFFFFE003, lr  }
0x1b: {  	s9 =	sadd.s32 $0xFFFFFEF7, lr;
	s5 =	simm.s32 $0xFFFFFFFF;
	p2 =	slt.u32 s8, $0xFFFFF086  }
0x1c: {  	p1 =	slt.u32 s9, $0xF7A;
	s5 =	simm.s32 @!p2 $0x0  }
0x1d: {  	s5 =	simm.s32 @p1 $0x1;
	p0 =	seq.s32 s7, s2  }
0x1e: {  	s7 =	smul.u32 @!p0 $0xF7A, s2;
	p2 =	seq.s32 @!p0 s5, $0x0  }
0x1f: {  	s9 =	smul.u32 $0xF7A, s1;
	s8 =	simm.s32 @!p0 $0x1BF5;
	p2 =	por !p2, p0  }
0x20: {  	[sflag:s8] =	ssyncset.s32 @!p0 $0xFFFFF086;
	s6 =	sadd.s32 @!p0 s3, s7;
	s7 =	simm.s32 @!p0 $0x108  }
0x21: {  	s3 =	sadd.s32 s3, s9;
	s6 =	sadd.s32 @!p0 $0x88, s6;
	s7 =	simm.s32 @p2 $0x1082  }
0x22: {  	[simem:s7], [sflag:s8] =	dma.local @!p0 [hbm:s6], $0xF7A  }
0x23: {  	s9 =	sor.u32 $0xD0000000, s2;
	s6 =	simm.s32 $0x108;
	_ =	swait.ge @!p0 [sflag:s8], $0x0  }
0x24: {  	s3 =	sadd.s32 $0x88, s3;
	s6 =	simm.s32 @!p1 $0x1082;
	[sflag:s4] =	ssyncset.s32 $0xFFFFF086  }
0x25: {  	[simem:s6], [sflag:s4] =	dma.local [hbm:s3], $0xF7A  }
0x26: {  	[smem:$0x3F8A] =	sst s1;
	(tag) =	ssettag s2;
	_ =	strace s9  }
0x27: {  	s1 =	sld [smem:$0x3F9A]  }
0x28: {  	s2 =	sld [smem:$0x3F9B]  }
0x29: {  	s4 =	sld [smem:$0x3F9D]  }
0x2a: {  	p0 =	seq.s32 s5, $0x0;
	s5 =	sld [smem:$0x3F9E]  }
0x2b: {  	s6 =	sld [smem:$0x3F9F]  }
0x2c: {  	s7 =	sld [smem:$0x3FA0]  }
0x2d: {  	s3 =	simm.s32 $0x108;
	s8 =	sld [smem:$0x3FA1]  }
0x2e: {  	s3 =	simm.s32 @!p0 $0x1082;
	s9 =	sld [smem:$0x3FA2]  }
0x2f: {  	lr =	sadd.s32 s0, s3;
	s0 =	sld [smem:$0x3F99]  }
0x30: {  	s3 =	sld [smem:$0x3F9C]  }
0x31: {  	[smem:$0x3FA5] =	sst s10  }
0x32: {  	s10 =	sld [smem:$0x3FA3];
	_ =	sdelay $0x3  }
0x33: {  	p0 =	seq.s32 s10, $0x1;
	s10 =	sld [smem:$0x3FA5];
	_ =	sdelay $0x3  }
0x34: {  	[smem:$0x3FA5] =	sst s10  }
0x35: {  	s10 =	sld [smem:$0x3FA4];
	_ =	sdelay $0x3  }
0x36: {  	p1 =	seq.s32 s10, $0x1;
	s10 =	sld [smem:$0x3FA5];
	_ =	sdelay $0x3  }
0x37: {  	[smem:$0x3FA5] =	sst s10  }
0x38: {  	s10 =	sld [smem:$0x3FA6]  }
0x39: {  	_ = 	snop;
	(pc) =	sbr.ind lr, $3  }
0x3a: {  	_ = 	snop  }
0x3b: {  	_ = 	snop  }
0x3c: {  	p2 =	seq.s32 s10, $0x1;
	s10 =	sld [smem:$0x3FA5]  }
0x3d: {  	_ =	shalt  }
0x3e: {  	_ =	shalt  }
0x3f: {  	_ =	shalt  }
0x40: {  	_ =	shalt  }
0x41: {  	_ =	shalt  }
0x42: {  	_ =	shalt  }
0x43: {  	_ =	shalt  }
0x44: {  	_ =	shalt  }
0x45: {  	_ =	shalt  }
0x46: {  	_ =	shalt  }
0x47: {  	_ =	shalt  }
0x48: {  	_ =	shalt  }
0x49: {  	_ =	shalt  }
0x4a: {  	_ =	shalt  }
0x4b: {  	_ =	shalt  }
0x4c: {  	_ =	shalt  }
0x4d: {  	_ =	shalt  }
0x4e: {  	_ =	shalt  }
0x4f: {  	_ =	shalt  }
0x50: {  	_ =	shalt  }
0x51: {  	_ =	shalt  }
0x52: {  	_ =	shalt  }
0x53: {  	_ =	shalt  }
0x54: {  	_ =	shalt  }
0x55: {  	_ =	shalt  }
0x56: {  	_ =	shalt  }
0x57: {  	_ =	shalt  }
0x58: {  	_ =	shalt  }
0x59: {  	_ =	shalt  }
0x5a: {  	_ =	shalt  }
0x5b: {  	_ =	shalt  }
0x5c: {  	_ =	shalt  }
0x5d: {  	_ =	shalt  }
0x5e: {  	_ =	shalt  }
0x5f: {  	_ =	shalt  }
0x60: {  	_ =	shalt  }
0x61: {  	_ =	shalt  }
0x62: {  	_ =	shalt  }
0x63: {  	_ =	shalt  }
0x64: {  	_ =	shalt  }
0x65: {  	_ =	shalt  }
0x66: {  	_ =	shalt  }
0x67: {  	_ =	shalt  }
0x68: {  	_ =	shalt  }
0x69: {  	_ =	shalt  }
0x6a: {  	_ =	shalt  }
0x6b: {  	_ =	shalt  }
0x6c: {  	_ =	shalt  }
0x6d: {  	_ =	shalt  }
0x6e: {  	_ =	shalt  }
0x6f: {  	_ =	shalt  }
0x70: {  	_ =	shalt  }
0x71: {  	_ =	shalt  }
0x72: {  	_ =	shalt  }
0x73: {  	_ =	shalt  }
0x74: {  	_ =	shalt  }
0x75: {  	_ =	shalt  }
0x76: {  	_ =	shalt  }
0x77: {  	_ =	shalt  }
0x78: {  	_ =	shalt  }
0x79: {  	_ =	shalt  }
0x7a: {  	_ =	shalt  }
0x7b: {  	_ =	shalt  }
0x7c: {  	_ =	shalt  }
0x7d: {  	_ =	shalt  }
0x7e: {  	_ =	shalt  }
0x7f: {  	_ =	shalt  }
0x80: {  	_ =	shalt  }
0x81: {  	_ =	shalt  }
0x82: {  	_ =	shalt  }
0x83: {  	_ =	shalt  }
0x84: {  	_ =	shalt  }
0x85: {  	_ =	shalt  }
0x86: {  	_ =	shalt  }
0x87: {  	_ =	shalt  }
.Lfunc_end0:
.L_simem_size_0:
called_computation.4_lowered:
.L_overlay_start_0:
0x88: {  	s2 =	sld [smem:$0x3FD9]  }
0x89: {  	s3 =	sld [smem:$0x3FFE];
	_ =	sdelay $0x1  }
0x8a: {  	s1 =	srdreg.scid  }
0x8b: {  	s0 =	sand.u32 $0x1, s1  }
0x8c: {  	s14 =	sshll.u32 s0, $0xA;
	s2 =	sadd.s32 s3, s2  }
0x8d: {  	s2 =	sadd.s32 s2, s14  }
0x8e: {  	[smem:$0x3FB1] =	sst s2  }
0x8f: {  	_ = 	snop  }
0x90: {  	s2 =	sld [smem:$0x3FD0];
	_ =	sdelay $0x2  }
0x91: {  	s15 =	simm.s32 $0xA;
	s4 =	simm.s32 $0x10  }
0x92: {  	[smem:s4], [sflag:s15] =	dma.local [hbm:s2], $0x1  }
0x93: {  	_ =	swait.eq [sflag:s15], $0x1  }
0x94: {  	[sflag:s15] =	ssyncset.done $0x0  }
0x95: {  	[sflag:s15] =	ssyncadd.s32 $0xFFFFFFFF  }
0x96: {  	s16 =	sld [smem:$0x11];
	(tm) =	ssettm $0x1  }
0x97: {  	s17 =	sld [smem:$0x3FFB];
	_ =	sdelay $0x3  }
0x98: {  	_ =	strace s17  }
0x99: {  	s3 =	sld [smem:$0x3FFC];
	_ =	sdelay $0x3  }
0x9a: {  	_ =	strace s3  }
0x9b: {  	s3 =	sld [smem:$0x3FFD];
	_ =	sdelay $0x3  }
0x9c: {  	_ =	strace s3  }
0x9d: {  	_ =	strace $0x8FFFFFFF  }
0x9e: {  	s18 =	sld [smem:$0x3FDB];
	_ =	sdelay $0x1  }
0x9f: {  	s19 =	simm.s32 $_scs_section_size  }
0xa0: {  	s5 =	simm.s32 $_size__tile_overlayer_lowered;
	s6 =	simm.s32 $_tile_overlayer_lowered  }
0xa1: {  	s22 =	simm.s32 $0x1BFF;
	s21 =	sshll.u32 s6, $0x1;
	s3 =	sadd.s32 s19, s18  }
0xa2: {  	s7 =	simm.s32 $0x0;
	s20 =	sshll.u32 s5, $0x1;
	s5 =	sadd.s32 s21, s3  }
0xa3: {  	[timem:s7], [sflag:s22] =	dma.local [hbm:s5], s20  }
0xa4: {  	_ =	swait.ge [sflag:s22], s20  }
0xa5: {  	s4 =	ssub.s32 $0x0, s20;
	[sflag:s22] =	ssyncset.done $0x0  }
0xa6: {  	[sflag:s22] =	ssyncadd.s32 s4;
	_ =	sdelay $0x1  }
0xa7: {  	s23 =	simm.s32 $0x1B8B  }
0xa8: {  	_ =	swait.ge [sflag:s23], $0x1  }
0xa9: {  	[sflag:s23] =	ssyncset.done $0x0  }
0xaa: {  	s25 =	simm.s32 $0x1B8E;
	s24 =	sld [smem:$0x3FFE];
	[sflag:s23] =	ssyncadd.s32 $0xFFFFFFFF  }
0xab: {  	s26 =	simm.s32 $execute0_lowered;
	[smem:$0x3FD2] =	sst s25  }
0xac: {  	s5 =	sshll.u32 s26, $0x1;
	_ =	strace $0x80000052;
	[dreg:$0x1] =	wrdreg $0xFFFFFFFF  }
0xad: {  	s28 =	simm.s32 $_size_execute0_lowered;
	s3 =	sadd.s32 s3, s5;
	[dreg:$0x0] =	wrdreg $0x0  }
0xae: {  	s5 =	sshll.u32 s28, $0x1;
	[dreg:$0x2] =	wrdreg s3  }
0xaf: {  	[dreg:$0x3] =	wrdreg s5  }
0xb0: {  	[dreg:$0x4] =	wrdreg $0xC0  }
0xb1: {  	_ =	task [dreg:s7], $0x5FFFF  }
0xb2: {  	[dreg:$0x1] =	wrdreg $0xFFFFFFFF  }
0xb3: {  	[dreg:$0x0] =	wrdreg $0x60  }
0xb4: {  	[dreg:$0x2] =	wrdreg s16  }
0xb5: {  	[dreg:$0x3] =	wrdreg s24  }
0xb6: {  	[dreg:$0x4] =	wrdreg $0x90000  }
0xb7: {  	[dreg:$0x5] =	wrdreg $0x9  }
0xb8: {  	_ =	task.clear_ibuf [dreg:s7], $0x6FFFF;
	_ =	strace $0x90000052  }
0xb9: {  	s29 =	simm.s32 $0x9;
	_ =	strace $0x80000054  }
0xba: {  	_ =	swait.ge [sflag:s29], $0x1  }
0xbb: {  	[sflag:s29] =	ssyncadd.s32 $0xFFFFFFFF  }
0xbc: {  	_ =	strace $0x90000054  }
0xbd: {  	_ =	sfence  }
0xbe: {  	s30 =	sld [smem:$0x0];
	_ =	sdelay $0x2  }
0xbf: {  	s31 =	sshll.u32 s1, $0xD;
	s1 =	sshrl.u32 s1, $0x2  }
0xc0: {  	s3 =	sand.u32 $0x4000, s31;
	s1 =	sadd.s32 s1, s30  }
0xc1: {  	s0 =	sor.u32 s3, s0;
	s1 =	sshll.u32 s1, $0x11  }
0xc2: {  	s0 =	sor.u32 s1, s0  }
0xc3: {  	s0 =	sadd.s32 $0x8F2B, s0  }
0xc4: {  	[sflag:s0] =	ssyncadd.remote.s32 $0x1  }
0xc5: {  	_ =	sfence.sel $0xFFFF  }
0xc6: {  	[dreg:$0x0] =	wrdreg $0xFFFFFFFF;
	(pc) =	sbr.abs _section_cstart, $3  }
0xc7: {  	[dreg:$0x1] =	wrdreg $0xFFFFFFFF  }
0xc8: {  	_ =	task.clear_ibuf [dreg:s7], $0x2FFFF;
	_ =	strace $0x9FFFFFFF  }
0xc9: {  	(tm) =	ssettm $0x7FFFFFFF  }
tec
execute0_lowered:
.L_overlay_start_1:
0x0: {  	(tag) =	ssettag $0x1  }
0x1: {  	s1 =	rddreg [dreg:$0x0]  }
0x2: {  	s6 =	rddreg [dreg:$0x1]  }
0x3: {  	s3 =	rddreg [dreg:$0x2]  }
0x4: {  	s0 =	rddreg [dreg:$0x3];
	s4 =	srdreg.scid  }
0x5: {  	s2 =	stileid.u32;
	s12 =	simm.s32 $0x80;
	s13 =	simm.s32 $0x5000  }
0x6: {  	s14 =	simm.s32 $0x7000;
	s17 =	simm.s32 $0x1;
	s18 =	simm.s32 $0x2  }
0x7: {  	s19 =	simm.s32 $0x4F00;
	s20 =	simm.s32 $0x4F80;
	s21 =	simm.s32 $0x0  }
0x8: {  	s5 =	sand.u32 $0x1, s4;
	s7 =	sshll.u32 s2, $0x1;
	s8 =	smul.u32 $0xA000, s2  }
0x9: {  	s4 =	simm.s32 $0x0;
	s15 =	sshll.u32 s2, $0x6;
	s7 =	sor.u32 s5, s7  }
0xa: {  	s9 =	smul.u32 $0xA0000, s5;
	[smem:$0x7FF] =	sst s4;
	s10 =	ssub.s32 $0x2, s5  }
0xb: {  	s5 =	sadd.s32 $0x1A000, s6;
	s15 =	sor.u32 $0x1C03, s15;
	s7 =	smul.u32 $0x500, s7  }
0xc: {  	_ =	strace $0x80000053;
	s11 =	sshrl.u32 s10, $0x1;
	s16 =	sadd.s32 s8, s3  }
0xd: {  	s9 =	sadd.s32 s8, s9;
	s10 =	ssub.s32 s10, s11;
	s11 =	simm.s32 $0x2800  }
0xe: {  	s16 =	sshrl.u32 s16, $0x3;
	s7 =	sadd.s32 s7, s6;
	s9 =	sshrl.u32 s9, $0x3  }
0xf: {  	s9 =	sadd.s32 s9, s6;
	s6 =	sadd.s32 $0x6000, s7;
	s7 =	sadd.s32 $0x10000, s7  }
0x10: {  	s8 =	sadd.s32 $0x1B400, s9;
	s9 =	smax.u32 s10, $0x1;
	s10 =	simm.s32 $0x3  }
.LBB2_1:
0x11: {  	[tilespmem:s4], [sflag:$0x3] =	stream.linear.gather [hbm4b:s6+s4], $0x2800, $0x38;
	[tilespmem:$0x13000] =	vst v63  }
0x12: {  	_ =	swait.ge [sflag:s10], $0x2800  }
0x13: {  	[sflag:s10] =	ssyncset.done $0x0  }
0x14: {  	[sflag:s10] =	ssyncadd.s32 $0xFFFFD800  }
0x15: {  	[tilespmem:s11], [sflag:$0x3] =	stream.linear.gather [hbm4b:s7+s4], $0x2800, $0x38;
	[tilespmem:$0x13000] =	vst v63  }
0x16: {  	_ =	swait.ge [sflag:s10], $0x2800  }
0x17: {  	[sflag:s10] =	ssyncset.done $0x0  }
0x18: {  	[sflag:s10] =	ssyncadd.s32 $0xFFFFD800  }
0x19: {  	[tilespmem:s13], [sflag:$0x1] =	stream.indirect.gather [hbm4b:s1+s12], $0x40, s4, s12, $0xb8;
	[tilespmem:$0x13000] =	vst v63  }
0x1a: {  	_ = 	snop  }
0x1b: {  	[tilespmem:s14], [sflag:$0x2] =	stream.indirect.gather [hbm4b:s1+s12], $0x40, s12, s12, $0xb8;
	[tilespmem:$0x13000] =	vst v63  }
0x1c: {  	[spmem:s16], [sflag:s15] =	dma.local [hbm:s5], $0x1400  }
0x1d: {  	_ =	swait.ge [sflag:s10], $0x1400  }
0x1e: {  	[sflag:s10] =	ssyncset.done $0x0  }
0x1f: {  	[sflag:s10] =	ssyncadd.s32 $0xFFFFEC00  }
0x20: {  	[bflag:$0x0] =	sbarrier.arrive $0xFFFF  }
0x21: {  	_ =	swait.ge [sflag:s17], $0x2000  }
0x22: {  	[sflag:s17] =	ssyncset.done $0x0  }
0x23: {  	s22 =	simm.s32 $0x2800;
	[sflag:s17] =	ssyncadd.s32 $0xFFFFE000  }
0x24: {  	[spmem:s3] =	stream.indirect.scatter.add.f32 [tilespmem:s13], [sflag:$0x3], $0x40, s22, s12, $0xb8;
	[tilespmem:$0x13000] =	vst v63  }
0x25: {  	_ =	swait.ge [sflag:s10], $0x2000  }
0x26: {  	[sflag:s10] =	ssyncset.done $0x0  }
0x27: {  	s30 =	simm.s32 $0x100;
	[sflag:s10] =	ssyncadd.s32 $0xFFFFE000  }
0x28: {  	[tilespmem:s13], [sflag:$0x1] =	stream.indirect.gather [hbm4b:s1+s12], $0x40, s30, s12, $0xb8;
	[tilespmem:$0x13000] =	vst v63  }
0x29: {  	_ =	swait.ge [sflag:s18], $0x2000  }
0x2a: {  	[sflag:s18] =	ssyncset.done $0x0  }
0x2b: {  	s31 =	simm.s32 $0x2880;
	[sflag:s18] =	ssyncadd.s32 $0xFFFFE000  }
0x2c: {  	[spmem:s3] =	stream.indirect.scatter.add.f32 [tilespmem:s14], [sflag:$0x3], $0x40, s31, s12, $0xb8;
	[tilespmem:$0x13000] =	vst v63  }
0x2d: {  	_ =	swait.ge [sflag:s10], $0x2000  }
0x2e: {  	[sflag:s10] =	ssyncset.done $0x0  }
0x2f: {  	s23 =	simm.s32 $0x180;
	s22 =	simm.s32 $0x400;
	[sflag:s10] =	ssyncadd.s32 $0xFFFFE000  }
.LBB2_2:
0x30: {  	[tilespmem:s14], [sflag:$0x2] =	stream.indirect.gather [hbm4b:s1+s12], $0x40, s23, s12, $0xb8;
	[tilespmem:$0x13000] =	vst v63  }
0x31: {  	s23 =	smov.u32 s22  }
0x32: {  	p0 =	sne.s32 s22, $0x9800;
	s22 =	sadd.s32 $0x400, s22;
	_ =	swait.ge [sflag:s17], $0x2000  }
0x33: {  	s23 =	sshra.s32 s23, $0x2;
	[sflag:s17] =	ssyncset.done $0x0  }
0x34: {  	s24 =	sadd.s32 $0x2800, s23;
	[sflag:s17] =	ssyncadd.s32 $0xFFFFE000  }
0x35: {  	[spmem:s3] =	stream.indirect.scatter.add.f32 [tilespmem:s13], [sflag:$0x3], $0x40, s24, s12, $0xb8;
	[tilespmem:$0x13000] =	vst v63  }
0x36: {  	_ =	swait.ge [sflag:s10], $0x2000  }
0x37: {  	[sflag:s10] =	ssyncset.done $0x0  }
0x38: {  	s24 =	sadd.s32 $0x100, s23;
	[sflag:s10] =	ssyncadd.s32 $0xFFFFE000  }
0x39: {  	[tilespmem:s13], [sflag:$0x1] =	stream.indirect.gather [hbm4b:s1+s12], $0x40, s24, s12, $0xb8;
	[tilespmem:$0x13000] =	vst v63  }
0x3a: {  	_ =	swait.ge [sflag:s18], $0x2000  }
0x3b: {  	[sflag:s18] =	ssyncset.done $0x0  }
.Ltmp0:
0x3c: {  	s24 =	sadd.s32 $0x2880, s23;
	[sflag:s18] =	ssyncadd.s32 $0xFFFFE000;
	(pc) =	sbr.rel @p0 .LBB2_2-.Ltmp0, $4  }
0x3d: {  	[spmem:s3] =	stream.indirect.scatter.add.f32 [tilespmem:s14], [sflag:$0x3], $0x40, s24, s12, $0xb8;
	[tilespmem:$0x13000] =	vst v63  }
0x3e: {  	_ =	swait.ge [sflag:s10], $0x2000  }
0x3f: {  	[sflag:s10] =	ssyncset.done $0x0  }
0x40: {  	s23 =	sadd.s32 $0x180, s23;
	[sflag:s10] =	ssyncadd.s32 $0xFFFFE000  }
0x41: {  	[tilespmem:s14], [sflag:$0x2] =	stream.indirect.gather [hbm4b:s1+s12], $0x40, s23, s12, $0xb8;
	[tilespmem:$0x13000] =	vst v63  }
0x42: {  	_ =	swait.ge [sflag:s17], $0x2000  }
0x43: {  	[sflag:s17] =	ssyncset.done $0x0  }
0x44: {  	[sflag:s17] =	ssyncadd.s32 $0xFFFFE000  }
0x45: {  	[spmem:s3] =	stream.indirect.scatter.add.f32 [tilespmem:s13], [sflag:$0x3], $0x40, s19, s12, $0xb8;
	[tilespmem:$0x13000] =	vst v63  }
0x46: {  	_ =	swait.ge [sflag:s10], $0x2000  }
0x47: {  	[sflag:s10] =	ssyncset.done $0x0  }
0x48: {  	[sflag:s10] =	ssyncadd.s32 $0xFFFFE000  }
0x49: {  	[tilespmem:s13], [sflag:$0x1] =	stream.indirect.gather [hbm4b:s1+s12], $0x40, s4, s12, $0xb8;
	[tilespmem:$0x13000] =	vst v63  }
0x4a: {  	_ =	swait.ge [sflag:s18], $0x2000  }
0x4b: {  	[sflag:s18] =	ssyncset.done $0x0  }
0x4c: {  	[sflag:s18] =	ssyncadd.s32 $0xFFFFE000  }
0x4d: {  	[spmem:s3] =	stream.indirect.scatter.add.f32 [tilespmem:s14], [sflag:$0x3], $0x40, s20, s12, $0xb8;
	[tilespmem:$0x13000] =	vst v63  }
0x4e: {  	_ =	swait.ge [sflag:s10], $0x2000  }
0x4f: {  	[sflag:s10] =	ssyncset.done $0x0  }
0x50: {  	[sflag:s10] =	ssyncadd.s32 $0xFFFFE000  }
0x51: {  	[tilespmem:s14], [sflag:$0x2] =	stream.indirect.gather [hbm4b:s1+s12], $0x40, s12, s12, $0xb8;
	[tilespmem:$0x13000] =	vst v63  }
0x52: {  	_ =	swait.ge [sflag:s17], $0x2000  }
0x53: {  	[sflag:s17] =	ssyncset.done $0x0  }
0x54: {  	[sflag:s17] =	ssyncadd.s32 $0xFFFFE000  }
0x55: {  	_ =	swait.ge [sflag:s18], $0x2000  }
0x56: {  	s21 =	sadd.s32 $0x1, s21;
	[sflag:s18] =	ssyncset.done $0x0  }
0x57: {  	p0 =	sne.s32 s21, s9;
	[sflag:s18] =	ssyncadd.s32 $0xFFFFE000  }
.Ltmp1:
0x58: {  	[bflag:$0x0] =	sbarrier.arrive $0xFFFF;
	(pc) =	sbr.rel @p0 .LBB2_1-.Ltmp1, $4  }
0x59: {  	[hbm:s8], [sflag:s15] =	dma.local [spmem:s16], $0x1400  }
0x5a: {  	_ =	swait.ge [sflag:s10], $0x1400  }
0x5b: {  	[sflag:s10] =	ssyncset.done $0x0  }
0x5c: {  	[sflag:s10] =	ssyncadd.s32 $0xFFFFEC00  }
0x5d: {  	_ =	sfence.sel $0x180000  }
0x5e: {  	[bflag:$0x0] =	sbarrier.arrive $0xFFFF  }
0x5f: {  	p0 =	sne.s32 s2, $0x0;
	_ =	strace $0x90000053  }
0x60: {  	s0 =	sadd.s32 @!p0 $0x100000, s0;
	[bflag:$0x2] =	sbarrier.arrive $0xFFFF  }
0x61: {  	[sflag:s0] =	ssyncadd.tile.s32 @!p0 $0x1;
	_ =	shalt  }
.Lfunc_end2:
_tile_overlayer_lowered:
.L_overlay_start_2:
0x62: {  	(tag) =	ssettag $0x2  }
0x63: {  	s0 =	rddreg [dreg:$0x0];
	s2 =	stileid.u32  }
0x64: {  	s1 =	rddreg [dreg:$0x1];
	p0 =	sne.s32 s2, $0x0  }
0x65: {  	s3 =	rddreg [dreg:$0x2];
	[bflag:$0x3] =	sbarrier.arrive $0xFFFF;
	s2 =	simm.s32 @!p0 $0x1C03  }
0x66: {  	[timem:s3], [sflag:s2] =	dma.local @!p0 [hbm:s0], s1  }
0x67: {  	s0 =	simm.s32 @!p0 $0x3  }
0x68: {  	_ =	swait.ge @!p0 [sflag:s0], s1  }
0x69: {  	s1 =	ssub.s32 @!p0 $0x0, s1;
	[sflag:s0] =	ssyncset.done @!p0 $0x0  }
0x6a: {  	[sflag:s0] =	ssyncadd.s32 @!p0 s1  }
0x6b: {  	[bflag:$0x3] =	sbarrier.arrive $0xFFFF  }
0x6c: {  	_ =	shalt  }

</sc_bundles>
